<compile_context>
chip_gen: v7x
topology: tpu7x:2x2x1
jax: 0.10.2.dev20260603
libtpu: 0.0.44.dev20260713+nightly
codegen_flags: <defaults>
</compile_context>

<pallas_src>
import functools

import jax
import jax.numpy as jnp
from jax import lax
from jax.experimental import pallas as pl
from jax.experimental.pallas import tpu as pltpu
from jax.experimental.pallas import tpu_sc as plsc

E = 128
V = 128
F = 7
T = 15
SCALE = 1.0 / (E ** 0.5)
NW = 16
PW = V // NW
IW = 64


def _sc_compose(w_hbm, ft_hbm, out_hbm, idx_v, rows_v, stage_v, sem):
    wid = lax.axis_index("s") * 2 + lax.axis_index("c")

    @pl.when(wid < NW)
    def _work():
        pltpu.sync_copy(ft_hbm, idx_v)
        pltpu.async_copy(w_hbm.at[idx_v.at[wid]], rows_v, sem).wait()
        for p in range(PW):
            for l in range(E // 16):
                acc = rows_v[p * F, pl.ds(16 * l, 16)]
                for k in range(1, F):
                    acc = acc + rows_v[p * F + k, pl.ds(16 * l, 16)]
                stage_v[p, pl.ds(16 * l, 16)] = acc * SCALE
        pltpu.sync_copy(stage_v, out_hbm.at[pl.ds(wid * PW, PW)])


@functools.partial(
    pl.kernel,
    mesh=plsc.VectorSubcoreMesh(core_axis_name="c", subcore_axis_name="s"),
    out_type=jax.ShapeDtypeStruct((V, E), jnp.float32),
    scratch_types=[
        pltpu.VMEM((NW, IW), jnp.int32),
        pltpu.VMEM((IW, E), jnp.float32),
        pltpu.VMEM((PW, E), jnp.float32),
        pltpu.SemaphoreType.DMA,
    ],
)
def _compose_call(w_hbm, ft_hbm, out_hbm, idx_v, rows_v, stage_v, sem):
    _sc_compose(w_hbm, ft_hbm, out_hbm, idx_v, rows_v, stage_v, sem)


def _tc_body(cr_ref, w_ref, x_ref, o_ref, mw_ref):
    @pl.when(pl.program_id(0) == 0)
    def _assemble():
        mw_ref[0:1, :] = w_ref[0:1, :] * SCALE
        mw_ref[1:V + 1, :] = cr_ref[...]

    o_ref[...] = lax.dot_general(mw_ref[...], x_ref[...],
                                 (((1,), (1,)), ((), ())),
                                 preferred_element_type=jnp.float32)


@jax.jit
def kernel(inputs, weight, feature_table):
    B = inputs.shape[0]
    idx_mat = jnp.pad(feature_table.reshape(NW, PW * F), ((0, 0), (0, IW - PW * F)))
    cr = _compose_call(weight, idx_mat)
    blk = 8192
    grid = (B // blk,)
    ot = pl.pallas_call(
        _tc_body,
        grid=grid,
        in_specs=[
            pl.BlockSpec((V, E), lambda i: (0, 0)),
            pl.BlockSpec((T, E), lambda i: (0, 0)),
            pl.BlockSpec((blk, E), lambda i: (i, 0)),
        ],
        out_specs=pl.BlockSpec((V + 1, blk), lambda i: (0, i)),
        out_shape=jax.ShapeDtypeStruct((V + 1, B), jnp.float32),
        scratch_shapes=[pltpu.VMEM((V + 1, E), jnp.float32)],
    )(cr, weight, inputs)
    return ot.T

# --- scband reference (transcript-rebuilt; emitter-appended) ---
"""Pipeline reference for scband-embedding-composition-layer-12953621364748 (READ-ONLY COPY).

The authoritative reference and input builder live on the scoring server;
editing this copy changes nothing except your own understanding.
"""

import jax, jax.numpy as jnp
import numpy as np

EMBEDDING_SIZE = 128
NUM_PHONES = 128
NUM_FEATURES = 7
BATCH = 16384


def _build_feature_table():
    # feature_table[i, j] = j-th bit (LSB-first) of i; matches the init_kwargs literal
    i = np.arange(NUM_PHONES)[:, None]
    j = np.arange(NUM_FEATURES)[None, :]
    return ((i >> j) & 1).astype(np.int32)


def setup_inputs(seed: int = 0) -> dict:
    key = jax.random.key(seed)
    k1, k2 = jax.random.split(key)
    inputs = jax.random.normal(k1, (BATCH, EMBEDDING_SIZE), dtype=jnp.float32)
    ft = _build_feature_table()
    num_categories = np.concatenate([np.array([0]), ft.max(axis=0)]) + 1
    offsets = np.cumsum(num_categories)[:-1][None, :]
    ft_off = ft + offsets
    total = int(num_categories.sum())
    # EmbeddingBag weight, N(0,1) init as in torch
    weight = jax.random.normal(k2, (total, EMBEDDING_SIZE), dtype=jnp.float32)
    # zero out unused feature embeddings (faithful to torch __init__; none here)
    unused = np.concatenate([
        np.array([False]),
        np.concatenate([np.bincount(ft[:, c], minlength=int(num_categories[c + 1])) for c in range(NUM_FEATURES)]) == 0,
    ])
    weight = jnp.where(jnp.asarray(unused)[:, None], 0.0, weight)
    return {
        "inputs": inputs,
        "weight": weight,
        "feature_table": jnp.asarray(ft_off, dtype=jnp.int32),
    }


def reference(inputs, weight, feature_table):
    # EmbeddingBag(mode='sum') on a single bag [[0]] -> weight[0]
    bag_zero = weight[0:1]
    # EmbeddingBag(mode='sum') over each phone's feature indices
    bag_rows = weight[feature_table].sum(axis=1)  # [V, E]
    composed = jnp.concatenate([bag_zero, bag_rows], axis=0)  # [V+1, E]
    scale = np.float32(np.sqrt(float(EMBEDDING_SIZE)))
    return (inputs @ composed.T) / scale  # [B, V+1]

if __name__ == "__main__":
    import jax
    _d = setup_inputs()
    print(jax.jit(kernel)(*tuple(_d.values())))

</pallas_src>

<mosaic_0001>
#map = affine_map<(d0, d1) -> (0, 0)>
module attributes {stable_mosaic.version = 14 : i64} {
  func.func @_compose_call(%arg0: i32, %arg1: i32, %arg2: memref<15x128xf32, #tpu.memory_space<hbm>>, %arg3: memref<16x64xi32, #tpu.memory_space<hbm>>, %arg4: memref<128x128xf32, #tpu.memory_space<hbm>>, %arg5: memref<16x64xi32, #tpu.memory_space<vmem>>, %arg6: memref<64x128xf32, #tpu.memory_space<vmem>>, %arg7: memref<8x128xf32, #tpu.memory_space<vmem>>, %arg8: memref<!tpu.dma_semaphore, #tpu.memory_space<semaphore_mem>>) attributes {dimension_semantics = [#tpu.dimension_semantics<core_parallel>, #tpu.dimension_semantics<subcore_parallel>], iteration_bounds = array<i64: 2, 16>, scalar_prefetch = 0 : i64, scratch_operands = 4 : i64, tpu.core_type = #tpu.core_type<sc_vector_subcore>, window_params = [{transform_indices = #map}, {transform_indices = #map}, {transform_indices = #map}]} {
    %mul3A = arith.constant 2 : i32
    %mul3A_0 = arith.muli %arg1, %mul3A : i32
    %add3A = arith.addi %mul3A_0, %arg0 : i32
    %lt3A = arith.constant 16 : i32
    %lt3A_1 = arith.cmpi slt, %add3A, %lt3A : i32
    %convert_element_type3A = arith.extui %lt3A_1 : i1 to i32
    %cond3A = arith.constant 0 : i32
    %cond3A_2 = arith.cmpi ne, %convert_element_type3A, %cond3A : i32
    scf.if %cond3A_2 {
      "tpu.region"() ({
        %run_scoped3A = tpu.sem_alloc : memref<!tpu.dma_semaphore, #tpu.memory_space<semaphore_mem>>
        tpu.enqueue_dma source(%arg3 : memref<16x64xi32, #tpu.memory_space<hbm>>) target(%arg5 : memref<16x64xi32, #tpu.memory_space<vmem>>) target_semaphore(%run_scoped3A : memref<!tpu.dma_semaphore, #tpu.memory_space<semaphore_mem>>)
        tpu.wait_dma2 semaphore(%run_scoped3A : memref<!tpu.dma_semaphore, #tpu.memory_space<semaphore_mem>>) src(%arg3 : memref<16x64xi32, #tpu.memory_space<hbm>>) dst(%arg5 : memref<16x64xi32, #tpu.memory_space<vmem>>)
        tpu.yield
      }) : () -> ()
      %dma_start3A = arith.constant 0 : i32
      %dma_start3A_3 = tpu.memref_slice %arg5[%add3A, %dma_start3A] : memref<16x64xi32, #tpu.memory_space<vmem>> -> memref<1x64xi32, #tpu.memory_space<vmem>>
      %dma_start3A_4 = tpu.memref_squeeze %dma_start3A_3 : memref<1x64xi32, #tpu.memory_space<vmem>> -> memref<64xi32, #tpu.memory_space<vmem>>
      %dma_start3A_5 = arith.constant 0 : i32
      %dma_start3A_6 = arith.constant 0 : i32
      %dma_start3A_7 = tpu.memref_slice %arg2[%dma_start3A_5, %dma_start3A_6] : memref<15x128xf32, #tpu.memory_space<hbm>> -> memref<15x128xf32, #tpu.memory_space<hbm>>
      tpu.enqueue_indirect_dma source(%dma_start3A_7 : memref<15x128xf32, #tpu.memory_space<hbm>>) target(%arg6 : memref<64x128xf32, #tpu.memory_space<vmem>>) offsets(%dma_start3A_4 : memref<64xi32, #tpu.memory_space<vmem>>) semaphore(%arg8 : memref<!tpu.dma_semaphore, #tpu.memory_space<semaphore_mem>>)
      %dma_wait3A = arith.constant 0 : i32
      %dma_wait3A_8 = tpu.memref_slice %arg5[%add3A, %dma_wait3A] : memref<16x64xi32, #tpu.memory_space<vmem>> -> memref<1x64xi32, #tpu.memory_space<vmem>>
      %dma_wait3A_9 = tpu.memref_squeeze %dma_wait3A_8 : memref<1x64xi32, #tpu.memory_space<vmem>> -> memref<64xi32, #tpu.memory_space<vmem>>
      %dma_wait3A_10 = arith.constant 0 : i32
      %dma_wait3A_11 = arith.constant 0 : i32
      %dma_wait3A_12 = tpu.memref_slice %arg2[%dma_wait3A_10, %dma_wait3A_11] : memref<15x128xf32, #tpu.memory_space<hbm>> -> memref<15x128xf32, #tpu.memory_space<hbm>>
      tpu.wait_indirect_dma semaphore(%arg8 : memref<!tpu.dma_semaphore, #tpu.memory_space<semaphore_mem>>) src(%dma_wait3A_12 : memref<15x128xf32, #tpu.memory_space<hbm>>) dst(%arg6 : memref<64x128xf32, #tpu.memory_space<vmem>>)
      %get3A = arith.constant 0 : i32
      %get3A_13 = arith.index_cast %get3A : i32 to index
      %get3A_14 = arith.constant 0 : index
      %get3A_15 = tpu.vector_load %arg6[%get3A_13, %get3A_14] {strides = array<i32>} : memref<64x128xf32, #tpu.memory_space<vmem>>, vector<1x16xf32>,
      %get3A_16 = vector.shape_cast %get3A_15 : vector<1x16xf32> to vector<16xf32>
      %get3A_17 = arith.constant 1 : i32
      %get3A_18 = arith.index_cast %get3A_17 : i32 to index
      %get3A_19 = arith.constant 0 : index
      %get3A_20 = tpu.vector_load %arg6[%get3A_18, %get3A_19] {strides = array<i32>} : memref<64x128xf32, #tpu.memory_space<vmem>>, vector<1x16xf32>,
      %get3A_21 = vector.shape_cast %get3A_20 : vector<1x16xf32> to vector<16xf32>
      %add3A_22 = arith.addf %get3A_16, %get3A_21 : vector<16xf32>
      %get3A_23 = arith.constant 2 : i32
      %get3A_24 = arith.index_cast %get3A_23 : i32 to index
      %get3A_25 = arith.constant 0 : index
      %get3A_26 = tpu.vector_load %arg6[%get3A_24, %get3A_25] {strides = array<i32>} : memref<64x128xf32, #tpu.memory_space<vmem>>, vector<1x16xf32>,
      %get3A_27 = vector.shape_cast %get3A_26 : vector<1x16xf32> to vector<16xf32>
      %add3A_28 = arith.addf %add3A_22, %get3A_27 : vector<16xf32>
      %get3A_29 = arith.constant 3 : i32
      %get3A_30 = arith.index_cast %get3A_29 : i32 to index
      %get3A_31 = arith.constant 0 : index
      %get3A_32 = tpu.vector_load %arg6[%get3A_30, %get3A_31] {strides = array<i32>} : memref<64x128xf32, #tpu.memory_space<vmem>>, vector<1x16xf32>,
      %get3A_33 = vector.shape_cast %get3A_32 : vector<1x16xf32> to vector<16xf32>
      %add3A_34 = arith.addf %add3A_28, %get3A_33 : vector<16xf32>
      %get3A_35 = arith.constant 4 : i32
      %get3A_36 = arith.index_cast %get3A_35 : i32 to index
      %get3A_37 = arith.constant 0 : index
      %get3A_38 = tpu.vector_load %arg6[%get3A_36, %get3A_37] {strides = array<i32>} : memref<64x128xf32, #tpu.memory_space<vmem>>, vector<1x16xf32>,
      %get3A_39 = vector.shape_cast %get3A_38 : vector<1x16xf32> to vector<16xf32>
      %add3A_40 = arith.addf %add3A_34, %get3A_39 : vector<16xf32>
      %get3A_41 = arith.constant 5 : i32
      %get3A_42 = arith.index_cast %get3A_41 : i32 to index
      %get3A_43 = arith.constant 0 : index
      %get3A_44 = tpu.vector_load %arg6[%get3A_42, %get3A_43] {strides = array<i32>} : memref<64x128xf32, #tpu.memory_space<vmem>>, vector<1x16xf32>,
      %get3A_45 = vector.shape_cast %get3A_44 : vector<1x16xf32> to vector<16xf32>
      %add3A_46 = arith.addf %add3A_40, %get3A_45 : vector<16xf32>
      %get3A_47 = arith.constant 6 : i32
      %get3A_48 = arith.index_cast %get3A_47 : i32 to index
      %get3A_49 = arith.constant 0 : index
      %get3A_50 = tpu.vector_load %arg6[%get3A_48, %get3A_49] {strides = array<i32>} : memref<64x128xf32, #tpu.memory_space<vmem>>, vector<1x16xf32>,
      %get3A_51 = vector.shape_cast %get3A_50 : vector<1x16xf32> to vector<16xf32>
      %add3A_52 = arith.addf %add3A_46, %get3A_51 : vector<16xf32>
      %mul3A_53 = arith.constant 0.0883883461 : f32
      %mul3A_54 = vector.broadcast %mul3A_53 : f32 to vector<16xf32>
      %mul3A_55 = arith.mulf %add3A_52, %mul3A_54 : vector<16xf32>
      %swap3A = arith.constant 0 : i32
      %swap3A_56 = arith.index_cast %swap3A : i32 to index
      %swap3A_57 = arith.constant 0 : index
      %swap3A_58 = tpu.vector_load %arg7[%swap3A_56, %swap3A_57] {strides = array<i32>} : memref<8x128xf32, #tpu.memory_space<vmem>>, vector<1x16xf32>,
      %swap3A_59 = vector.shape_cast %swap3A_58 : vector<1x16xf32> to vector<16xf32>
      %swap3A_60 = vector.shape_cast %mul3A_55 : vector<16xf32> to vector<1x16xf32>
      tpu.vector_store %arg7[%swap3A_56, %swap3A_57], %swap3A_60 {strides = array<i32>} : memref<8x128xf32, #tpu.memory_space<vmem>>, vector<1x16xf32>,
      %get3A_61 = arith.constant 0 : i32
      %get3A_62 = arith.index_cast %get3A_61 : i32 to index
      %get3A_63 = arith.constant 16 : index
      %get3A_64 = tpu.vector_load %arg6[%get3A_62, %get3A_63] {strides = array<i32>} : memref<64x128xf32, #tpu.memory_space<vmem>>, vector<1x16xf32>,
      %get3A_65 = vector.shape_cast %get3A_64 : vector<1x16xf32> to vector<16xf32>
      %get3A_66 = arith.constant 1 : i32
      %get3A_67 = arith.index_cast %get3A_66 : i32 to index
      %get3A_68 = arith.constant 16 : index
      %get3A_69 = tpu.vector_load %arg6[%get3A_67, %get3A_68] {strides = array<i32>} : memref<64x128xf32, #tpu.memory_space<vmem>>, vector<1x16xf32>,
      %get3A_70 = vector.shape_cast %get3A_69 : vector<1x16xf32> to vector<16xf32>
      %add3A_71 = arith.addf %get3A_65, %get3A_70 : vector<16xf32>
      %get3A_72 = arith.constant 2 : i32
      %get3A_73 = arith.index_cast %get3A_72 : i32 to index
      %get3A_74 = arith.constant 16 : index
      %get3A_75 = tpu.vector_load %arg6[%get3A_73, %get3A_74] {strides = array<i32>} : memref<64x128xf32, #tpu.memory_space<vmem>>, vector<1x16xf32>,
      %get3A_76 = vector.shape_cast %get3A_75 : vector<1x16xf32> to vector<16xf32>
      %add3A_77 = arith.addf %add3A_71, %get3A_76 : vector<16xf32>
      %get3A_78 = arith.constant 3 : i32
      %get3A_79 = arith.index_cast %get3A_78 : i32 to index
      %get3A_80 = arith.constant 16 : index
      %get3A_81 = tpu.vector_load %arg6[%get3A_79, %get3A_80] {strides = array<i32>} : memref<64x128xf32, #tpu.memory_space<vmem>>, vector<1x16xf32>,
      %get3A_82 = vector.shape_cast %get3A_81 : vector<1x16xf32> to vector<16xf32>
      %add3A_83 = arith.addf %add3A_77, %get3A_82 : vector<16xf32>
      %get3A_84 = arith.constant 4 : i32
      %get3A_85 = arith.index_cast %get3A_84 : i32 to index
      %get3A_86 = arith.constant 16 : index
      %get3A_87 = tpu.vector_load %arg6[%get3A_85, %get3A_86] {strides = array<i32>} : memref<64x128xf32, #tpu.memory_space<vmem>>, vector<1x16xf32>,
      %get3A_88 = vector.shape_cast %get3A_87 : vector<1x16xf32> to vector<16xf32>
      %add3A_89 = arith.addf %add3A_83, %get3A_88 : vector<16xf32>
      %get3A_90 = arith.constant 5 : i32
      %get3A_91 = arith.index_cast %get3A_90 : i32 to index
      %get3A_92 = arith.constant 16 : index
      %get3A_93 = tpu.vector_load %arg6[%get3A_91, %get3A_92] {strides = array<i32>} : memref<64x128xf32, #tpu.memory_space<vmem>>, vector<1x16xf32>,
      %get3A_94 = vector.shape_cast %get3A_93 : vector<1x16xf32> to vector<16xf32>
      %add3A_95 = arith.addf %add3A_89, %get3A_94 : vector<16xf32>
      %get3A_96 = arith.constant 6 : i32
      %get3A_97 = arith.index_cast %get3A_96 : i32 to index
      %get3A_98 = arith.constant 16 : index
      %get3A_99 = tpu.vector_load %arg6[%get3A_97, %get3A_98] {strides = array<i32>} : memref<64x128xf32, #tpu.memory_space<vmem>>, vector<1x16xf32>,
      %get3A_100 = vector.shape_cast %get3A_99 : vector<1x16xf32> to vector<16xf32>
      %add3A_101 = arith.addf %add3A_95, %get3A_100 : vector<16xf32>
      %mul3A_102 = arith.constant 0.0883883461 : f32
      %mul3A_103 = vector.broadcast %mul3A_102 : f32 to vector<16xf32>
      %mul3A_104 = arith.mulf %add3A_101, %mul3A_103 : vector<16xf32>
      %swap3A_105 = arith.constant 0 : i32
      %swap3A_106 = arith.index_cast %swap3A_105 : i32 to index
      %swap3A_107 = arith.constant 16 : index
      %swap3A_108 = tpu.vector_load %arg7[%swap3A_106, %swap3A_107] {strides = array<i32>} : memref<8x128xf32, #tpu.memory_space<vmem>>, vector<1x16xf32>,
      %swap3A_109 = vector.shape_cast %swap3A_108 : vector<1x16xf32> to vector<16xf32>
      %swap3A_110 = vector.shape_cast %mul3A_104 : vector<16xf32> to vector<1x16xf32>
      tpu.vector_store %arg7[%swap3A_106, %swap3A_107], %swap3A_110 {strides = array<i32>} : memref<8x128xf32, #tpu.memory_space<vmem>>, vector<1x16xf32>,
      %get3A_111 = arith.constant 0 : i32
      %get3A_112 = arith.index_cast %get3A_111 : i32 to index
      %get3A_113 = arith.constant 32 : index
      %get3A_114 = tpu.vector_load %arg6[%get3A_112, %get3A_113] {strides = array<i32>} : memref<64x128xf32, #tpu.memory_space<vmem>>, vector<1x16xf32>,
      %get3A_115 = vector.shape_cast %get3A_114 : vector<1x16xf32> to vector<16xf32>
      %get3A_116 = arith.constant 1 : i32
      %get3A_117 = arith.index_cast %get3A_116 : i32 to index
      %get3A_118 = arith.constant 32 : index
      %get3A_119 = tpu.vector_load %arg6[%get3A_117, %get3A_118] {strides = array<i32>} : memref<64x128xf32, #tpu.memory_space<vmem>>, vector<1x16xf32>,
      %get3A_120 = vector.shape_cast %get3A_119 : vector<1x16xf32> to vector<16xf32>
      %add3A_121 = arith.addf %get3A_115, %get3A_120 : vector<16xf32>
      %get3A_122 = arith.constant 2 : i32
      %get3A_123 = arith.index_cast %get3A_122 : i32 to index
      %get3A_124 = arith.constant 32 : index
      %get3A_125 = tpu.vector_load %arg6[%get3A_123, %get3A_124] {strides = array<i32>} : memref<64x128xf32, #tpu.memory_space<vmem>>, vector<1x16xf32>,
      %get3A_126 = vector.shape_cast %get3A_125 : vector<1x16xf32> to vector<16xf32>
      %add3A_127 = arith.addf %add3A_121, %get3A_126 : vector<16xf32>
      %get3A_128 = arith.constant 3 : i32
      %get3A_129 = arith.index_cast %get3A_128 : i32 to index
      %get3A_130 = arith.constant 32 : index
      %get3A_131 = tpu.vector_load %arg6[%get3A_129, %get3A_130] {strides = array<i32>} : memref<64x128xf32, #tpu.memory_space<vmem>>, vector<1x16xf32>,
      %get3A_132 = vector.shape_cast %get3A_131 : vector<1x16xf32> to vector<16xf32>
      %add3A_133 = arith.addf %add3A_127, %get3A_132 : vector<16xf32>
      %get3A_134 = arith.constant 4 : i32
      %get3A_135 = arith.index_cast %get3A_134 : i32 to index
      %get3A_136 = arith.constant 32 : index
      %get3A_137 = tpu.vector_load %arg6[%get3A_135, %get3A_136] {strides = array<i32>} : memref<64x128xf32, #tpu.memory_space<vmem>>, vector<1x16xf32>,
      %get3A_138 = vector.shape_cast %get3A_137 : vector<1x16xf32> to vector<16xf32>
      %add3A_139 = arith.addf %add3A_133, %get3A_138 : vector<16xf32>
      %get3A_140 = arith.constant 5 : i32
      %get3A_141 = arith.index_cast %get3A_140 : i32 to index
      %get3A_142 = arith.constant 32 : index
      %get3A_143 = tpu.vector_load %arg6[%get3A_141, %get3A_142] {strides = array<i32>} : memref<64x128xf32, #tpu.memory_space<vmem>>, vector<1x16xf32>,
      %get3A_144 = vector.shape_cast %get3A_143 : vector<1x16xf32> to vector<16xf32>
      %add3A_145 = arith.addf %add3A_139, %get3A_144 : vector<16xf32>
      %get3A_146 = arith.constant 6 : i32
      %get3A_147 = arith.index_cast %get3A_146 : i32 to index
      %get3A_148 = arith.constant 32 : index
      %get3A_149 = tpu.vector_load %arg6[%get3A_147, %get3A_148] {strides = array<i32>} : memref<64x128xf32, #tpu.memory_space<vmem>>, vector<1x16xf32>,
      %get3A_150 = vector.shape_cast %get3A_149 : vector<1x16xf32> to vector<16xf32>
      %add3A_151 = arith.addf %add3A_145, %get3A_150 : vector<16xf32>
      %mul3A_152 = arith.constant 0.0883883461 : f32
      %mul3A_153 = vector.broadcast %mul3A_152 : f32 to vector<16xf32>
      %mul3A_154 = arith.mulf %add3A_151, %mul3A_153 : vector<16xf32>
      %swap3A_155 = arith.constant 0 : i32
      %swap3A_156 = arith.index_cast %swap3A_155 : i32 to index
      %swap3A_157 = arith.constant 32 : index
      %swap3A_158 = tpu.vector_load %arg7[%swap3A_156, %swap3A_157] {strides = array<i32>} : memref<8x128xf32, #tpu.memory_space<vmem>>, vector<1x16xf32>,
      %swap3A_159 = vector.shape_cast %swap3A_158 : vector<1x16xf32> to vector<16xf32>
      %swap3A_160 = vector.shape_cast %mul3A_154 : vector<16xf32> to vector<1x16xf32>
      tpu.vector_store %arg7[%swap3A_156, %swap3A_157], %swap3A_160 {strides = array<i32>} : memref<8x128xf32, #tpu.memory_space<vmem>>, vector<1x16xf32>,
      %get3A_161 = arith.constant 0 : i32
      %get3A_162 = arith.index_cast %get3A_161 : i32 to index
      %get3A_163 = arith.constant 48 : index
      %get3A_164 = tpu.vector_load %arg6[%get3A_162, %get3A_163] {strides = array<i32>} : memref<64x128xf32, #tpu.memory_space<vmem>>, vector<1x16xf32>,
      %get3A_165 = vector.shape_cast %get3A_164 : vector<1x16xf32> to vector<16xf32>
      %get3A_166 = arith.constant 1 : i32
      %get3A_167 = arith.index_cast %get3A_166 : i32 to index
      %get3A_168 = arith.constant 48 : index
      %get3A_169 = tpu.vector_load %arg6[%get3A_167, %get3A_168] {strides = array<i32>} : memref<64x128xf32, #tpu.memory_space<vmem>>, vector<1x16xf32>,
      %get3A_170 = vector.shape_cast %get3A_169 : vector<1x16xf32> to vector<16xf32>
      %add3A_171 = arith.addf %get3A_165, %get3A_170 : vector<16xf32>
      %get3A_172 = arith.constant 2 : i32
      %get3A_173 = arith.index_cast %get3A_172 : i32 to index
      %get3A_174 = arith.constant 48 : index
      %get3A_175 = tpu.vector_load %arg6[%get3A_173, %get3A_174] {strides = array<i32>} : memref<64x128xf32, #tpu.memory_space<vmem>>, vector<1x16xf32>,
      %get3A_176 = vector.shape_cast %get3A_175 : vector<1x16xf32> to vector<16xf32>
      %add3A_177 = arith.addf %add3A_171, %get3A_176 : vector<16xf32>
      %get3A_178 = arith.constant 3 : i32
      %get3A_179 = arith.index_cast %get3A_178 : i32 to index
      %get3A_180 = arith.constant 48 : index
      %get3A_181 = tpu.vector_load %arg6[%get3A_179, %get3A_180] {strides = array<i32>} : memref<64x128xf32, #tpu.memory_space<vmem>>, vector<1x16xf32>,
      %get3A_182 = vector.shape_cast %get3A_181 : vector<1x16xf32> to vector<16xf32>
      %add3A_183 = arith.addf %add3A_177, %get3A_182 : vector<16xf32>
      %get3A_184 = arith.constant 4 : i32
      %get3A_185 = arith.index_cast %get3A_184 : i32 to index
      %get3A_186 = arith.constant 48 : index
      %get3A_187 = tpu.vector_load %arg6[%get3A_185, %get3A_186] {strides = array<i32>} : memref<64x128xf32, #tpu.memory_space<vmem>>, vector<1x16xf32>,
      %get3A_188 = vector.shape_cast %get3A_187 : vector<1x16xf32> to vector<16xf32>
      %add3A_189 = arith.addf %add3A_183, %get3A_188 : vector<16xf32>
      %get3A_190 = arith.constant 5 : i32
      %get3A_191 = arith.index_cast %get3A_190 : i32 to index
      %get3A_192 = arith.constant 48 : index
      %get3A_193 = tpu.vector_load %arg6[%get3A_191, %get3A_192] {strides = array<i32>} : memref<64x128xf32, #tpu.memory_space<vmem>>, vector<1x16xf32>,
      %get3A_194 = vector.shape_cast %get3A_193 : vector<1x16xf32> to vector<16xf32>
      %add3A_195 = arith.addf %add3A_189, %get3A_194 : vector<16xf32>
      %get3A_196 = arith.constant 6 : i32
      %get3A_197 = arith.index_cast %get3A_196 : i32 to index
      %get3A_198 = arith.constant 48 : index
      %get3A_199 = tpu.vector_load %arg6[%get3A_197, %get3A_198] {strides = array<i32>} : memref<64x128xf32, #tpu.memory_space<vmem>>, vector<1x16xf32>,
      %get3A_200 = vector.shape_cast %get3A_199 : vector<1x16xf32> to vector<16xf32>
      %add3A_201 = arith.addf %add3A_195, %get3A_200 : vector<16xf32>
      %mul3A_202 = arith.constant 0.0883883461 : f32
      %mul3A_203 = vector.broadcast %mul3A_202 : f32 to vector<16xf32>
      %mul3A_204 = arith.mulf %add3A_201, %mul3A_203 : vector<16xf32>
      %swap3A_205 = arith.constant 0 : i32
      %swap3A_206 = arith.index_cast %swap3A_205 : i32 to index
      %swap3A_207 = arith.constant 48 : index
      %swap3A_208 = tpu.vector_load %arg7[%swap3A_206, %swap3A_207] {strides = array<i32>} : memref<8x128xf32, #tpu.memory_space<vmem>>, vector<1x16xf32>,
      %swap3A_209 = vector.shape_cast %swap3A_208 : vector<1x16xf32> to vector<16xf32>
      %swap3A_210 = vector.shape_cast %mul3A_204 : vector<16xf32> to vector<1x16xf32>
      tpu.vector_store %arg7[%swap3A_206, %swap3A_207], %swap3A_210 {strides = array<i32>} : memref<8x128xf32, #tpu.memory_space<vmem>>, vector<1x16xf32>,
      %get3A_211 = arith.constant 0 : i32
      %get3A_212 = arith.index_cast %get3A_211 : i32 to index
      %get3A_213 = arith.constant 64 : index
      %get3A_214 = tpu.vector_load %arg6[%get3A_212, %get3A_213] {strides = array<i32>} : memref<64x128xf32, #tpu.memory_space<vmem>>, vector<1x16xf32>,
      %get3A_215 = vector.shape_cast %get3A_214 : vector<1x16xf32> to vector<16xf32>
      %get3A_216 = arith.constant 1 : i32
      %get3A_217 = arith.index_cast %get3A_216 : i32 to index
      %get3A_218 = arith.constant 64 : index
      %get3A_219 = tpu.vector_load %arg6[%get3A_217, %get3A_218] {strides = array<i32>} : memref<64x128xf32, #tpu.memory_space<vmem>>, vector<1x16xf32>,
      %get3A_220 = vector.shape_cast %get3A_219 : vector<1x16xf32> to vector<16xf32>
      %add3A_221 = arith.addf %get3A_215, %get3A_220 : vector<16xf32>
      %get3A_222 = arith.constant 2 : i32
      %get3A_223 = arith.index_cast %get3A_222 : i32 to index
      %get3A_224 = arith.constant 64 : index
      %get3A_225 = tpu.vector_load %arg6[%get3A_223, %get3A_224] {strides = array<i32>} : memref<64x128xf32, #tpu.memory_space<vmem>>, vector<1x16xf32>,
      %get3A_226 = vector.shape_cast %get3A_225 : vector<1x16xf32> to vector<16xf32>
      %add3A_227 = arith.addf %add3A_221, %get3A_226 : vector<16xf32>
      %get3A_228 = arith.constant 3 : i32
      %get3A_229 = arith.index_cast %get3A_228 : i32 to index
      %get3A_230 = arith.constant 64 : index
      %get3A_231 = tpu.vector_load %arg6[%get3A_229, %get3A_230] {strides = array<i32>} : memref<64x128xf32, #tpu.memory_space<vmem>>, vector<1x16xf32>,
      %get3A_232 = vector.shape_cast %get3A_231 : vector<1x16xf32> to vector<16xf32>
      %add3A_233 = arith.addf %add3A_227, %get3A_232 : vector<16xf32>
      %get3A_234 = arith.constant 4 : i32
      %get3A_235 = arith.index_cast %get3A_234 : i32 to index
      %get3A_236 = arith.constant 64 : index
      %get3A_237 = tpu.vector_load %arg6[%get3A_235, %get3A_236] {strides = array<i32>} : memref<64x128xf32, #tpu.memory_space<vmem>>, vector<1x16xf32>,
      %get3A_238 = vector.shape_cast %get3A_237 : vector<1x16xf32> to vector<16xf32>
      %add3A_239 = arith.addf %add3A_233, %get3A_238 : vector<16xf32>
      %get3A_240 = arith.constant 5 : i32
      %get3A_241 = arith.index_cast %get3A_240 : i32 to index
      %get3A_242 = arith.constant 64 : index
      %get3A_243 = tpu.vector_load %arg6[%get3A_241, %get3A_242] {strides = array<i32>} : memref<64x128xf32, #tpu.memory_space<vmem>>, vector<1x16xf32>,
      %get3A_244 = vector.shape_cast %get3A_243 : vector<1x16xf32> to vector<16xf32>
      %add3A_245 = arith.addf %add3A_239, %get3A_244 : vector<16xf32>
      %get3A_246 = arith.constant 6 : i32
      %get3A_247 = arith.index_cast %get3A_246 : i32 to index
      %get3A_248 = arith.constant 64 : index
      %get3A_249 = tpu.vector_load %arg6[%get3A_247, %get3A_248] {strides = array<i32>} : memref<64x128xf32, #tpu.memory_space<vmem>>, vector<1x16xf32>,
      %get3A_250 = vector.shape_cast %get3A_249 : vector<1x16xf32> to vector<16xf32>
      %add3A_251 = arith.addf %add3A_245, %get3A_250 : vector<16xf32>
      %mul3A_252 = arith.constant 0.0883883461 : f32
      %mul3A_253 = vector.broadcast %mul3A_252 : f32 to vector<16xf32>
      %mul3A_254 = arith.mulf %add3A_251, %mul3A_253 : vector<16xf32>
      %swap3A_255 = arith.constant 0 : i32
      %swap3A_256 = arith.index_cast %swap3A_255 : i32 to index
      %swap3A_257 = arith.constant 64 : index
      %swap3A_258 = tpu.vector_load %arg7[%swap3A_256, %swap3A_257] {strides = array<i32>} : memref<8x128xf32, #tpu.memory_space<vmem>>, vector<1x16xf32>,
      %swap3A_259 = vector.shape_cast %swap3A_258 : vector<1x16xf32> to vector<16xf32>
      %swap3A_260 = vector.shape_cast %mul3A_254 : vector<16xf32> to vector<1x16xf32>
      tpu.vector_store %arg7[%swap3A_256, %swap3A_257], %swap3A_260 {strides = array<i32>} : memref<8x128xf32, #tpu.memory_space<vmem>>, vector<1x16xf32>,
      %get3A_261 = arith.constant 0 : i32
      %get3A_262 = arith.index_cast %get3A_261 : i32 to index
      %get3A_263 = arith.constant 80 : index
      %get3A_264 = tpu.vector_load %arg6[%get3A_262, %get3A_263] {strides = array<i32>} : memref<64x128xf32, #tpu.memory_space<vmem>>, vector<1x16xf32>,
      %get3A_265 = vector.shape_cast %get3A_264 : vector<1x16xf32> to vector<16xf32>
      %get3A_266 = arith.constant 1 : i32
      %get3A_267 = arith.index_cast %get3A_266 : i32 to index
      %get3A_268 = arith.constant 80 : index
      %get3A_269 = tpu.vector_load %arg6[%get3A_267, %get3A_268] {strides = array<i32>} : memref<64x128xf32, #tpu.memory_space<vmem>>, vector<1x16xf32>,
      %get3A_270 = vector.shape_cast %get3A_269 : vector<1x16xf32> to vector<16xf32>
      %add3A_271 = arith.addf %get3A_265, %get3A_270 : vector<16xf32>
      %get3A_272 = arith.constant 2 : i32
      %get3A_273 = arith.index_cast %get3A_272 : i32 to index
      %get3A_274 = arith.constant 80 : index
      %get3A_275 = tpu.vector_load %arg6[%get3A_273, %get3A_274] {strides = array<i32>} : memref<64x128xf32, #tpu.memory_space<vmem>>, vector<1x16xf32>,
      %get3A_276 = vector.shape_cast %get3A_275 : vector<1x16xf32> to vector<16xf32>
      %add3A_277 = arith.addf %add3A_271, %get3A_276 : vector<16xf32>
      %get3A_278 = arith.constant 3 : i32
      %get3A_279 = arith.index_cast %get3A_278 : i32 to index
      %get3A_280 = arith.constant 80 : index
      %get3A_281 = tpu.vector_load %arg6[%get3A_279, %get3A_280] {strides = array<i32>} : memref<64x128xf32, #tpu.memory_space<vmem>>, vector<1x16xf32>,
      %get3A_282 = vector.shape_cast %get3A_281 : vector<1x16xf32> to vector<16xf32>
      %add3A_283 = arith.addf %add3A_277, %get3A_282 : vector<16xf32>
      %get3A_284 = arith.constant 4 : i32
      %get3A_285 = arith.index_cast %get3A_284 : i32 to index
      %get3A_286 = arith.constant 80 : index
      %get3A_287 = tpu.vector_load %arg6[%get3A_285, %get3A_286] {strides = array<i32>} : memref<64x128xf32, #tpu.memory_space<vmem>>, vector<1x16xf32>,
      %get3A_288 = vector.shape_cast %get3A_287 : vector<1x16xf32> to vector<16xf32>
      %add3A_289 = arith.addf %add3A_283, %get3A_288 : vector<16xf32>
      %get3A_290 = arith.constant 5 : i32
      %get3A_291 = arith.index_cast %get3A_290 : i32 to index
      %get3A_292 = arith.constant 80 : index
      %get3A_293 = tpu.vector_load %arg6[%get3A_291, %get3A_292] {strides = array<i32>} : memref<64x128xf32, #tpu.memory_space<vmem>>, vector<1x16xf32>,
      %get3A_294 = vector.shape_cast %get3A_293 : vector<1x16xf32> to vector<16xf32>
      %add3A_295 = arith.addf %add3A_289, %get3A_294 : vector<16xf32>
      %get3A_296 = arith.constant 6 : i32
      %get3A_297 = arith.index_cast %get3A_296 : i32 to index
      %get3A_298 = arith.constant 80 : index
      %get3A_299 = tpu.vector_load %arg6[%get3A_297, %get3A_298] {strides = array<i32>} : memref<64x128xf32, #tpu.memory_space<vmem>>, vector<1x16xf32>,
      %get3A_300 = vector.shape_cast %get3A_299 : vector<1x16xf32> to vector<16xf32>
      %add3A_301 = arith.addf %add3A_295, %get3A_300 : vector<16xf32>
      %mul3A_302 = arith.constant 0.0883883461 : f32
      %mul3A_303 = vector.broadcast %mul3A_302 : f32 to vector<16xf32>
      %mul3A_304 = arith.mulf %add3A_301, %mul3A_303 : vector<16xf32>
      %swap3A_305 = arith.constant 0 : i32
      %swap3A_306 = arith.index_cast %swap3A_305 : i32 to index
      %swap3A_307 = arith.constant 80 : index
      %swap3A_308 = tpu.vector_load %arg7[%swap3A_306, %swap3A_307] {strides = array<i32>} : memref<8x128xf32, #tpu.memory_space<vmem>>, vector<1x16xf32>,
      %swap3A_309 = vector.shape_cast %swap3A_308 : vector<1x16xf32> to vector<16xf32>
      %swap3A_310 = vector.shape_cast %mul3A_304 : vector<16xf32> to vector<1x16xf32>
      tpu.vector_store %arg7[%swap3A_306, %swap3A_307], %swap3A_310 {strides = array<i32>} : memref<8x128xf32, #tpu.memory_space<vmem>>, vector<1x16xf32>,
      %get3A_311 = arith.constant 0 : i32
      %get3A_312 = arith.index_cast %get3A_311 : i32 to index
      %get3A_313 = arith.constant 96 : index
      %get3A_314 = tpu.vector_load %arg6[%get3A_312, %get3A_313] {strides = array<i32>} : memref<64x128xf32, #tpu.memory_space<vmem>>, vector<1x16xf32>,
      %get3A_315 = vector.shape_cast %get3A_314 : vector<1x16xf32> to vector<16xf32>
      %get3A_316 = arith.constant 1 : i32
      %get3A_317 = arith.index_cast %get3A_316 : i32 to index
      %get3A_318 = arith.constant 96 : index
      %get3A_319 = tpu.vector_load %arg6[%get3A_317, %get3A_318] {strides = array<i32>} : memref<64x128xf32, #tpu.memory_space<vmem>>, vector<1x16xf32>,
      %get3A_320 = vector.shape_cast %get3A_319 : vector<1x16xf32> to vector<16xf32>
      %add3A_321 = arith.addf %get3A_315, %get3A_320 : vector<16xf32>
      %get3A_322 = arith.constant 2 : i32
      %get3A_323 = arith.index_cast %get3A_322 : i32 to index
      %get3A_324 = arith.constant 96 : index
      %get3A_325 = tpu.vector_load %arg6[%get3A_323, %get3A_324] {strides = array<i32>} : memref<64x128xf32, #tpu.memory_space<vmem>>, vector<1x16xf32>,
      %get3A_326 = vector.shape_cast %get3A_325 : vector<1x16xf32> to vector<16xf32>
      %add3A_327 = arith.addf %add3A_321, %get3A_326 : vector<16xf32>
      %get3A_328 = arith.constant 3 : i32
      %get3A_329 = arith.index_cast %get3A_328 : i32 to index
      %get3A_330 = arith.constant 96 : index
      %get3A_331 = tpu.vector_load %arg6[%get3A_329, %get3A_330] {strides = array<i32>} : memref<64x128xf32, #tpu.memory_space<vmem>>, vector<1x16xf32>,
      %get3A_332 = vector.shape_cast %get3A_331 : vector<1x16xf32> to vector<16xf32>
      %add3A_333 = arith.addf %add3A_327, %get3A_332 : vector<16xf32>
      %get3A_334 = arith.constant 4 : i32
      %get3A_335 = arith.index_cast %get3A_334 : i32 to index
      %get3A_336 = arith.constant 96 : index
      %get3A_337 = tpu.vector_load %arg6[%get3A_335, %get3A_336] {strides = array<i32>} : memref<64x128xf32, #tpu.memory_space<vmem>>, vector<1x16xf32>,
      %get3A_338 = vector.shape_cast %get3A_337 : vector<1x16xf32> to vector<16xf32>
      %add3A_339 = arith.addf %add3A_333, %get3A_338 : vector<16xf32>
      %get3A_340 = arith.constant 5 : i32
      %get3A_341 = arith.index_cast %get3A_340 : i32 to index
      %get3A_342 = arith.constant 96 : index
      %get3A_343 = tpu.vector_load %arg6[%get3A_341, %get3A_342] {strides = array<i32>} : memref<64x128xf32, #tpu.memory_space<vmem>>, vector<1x16xf32>,
      %get3A_344 = vector.shape_cast %get3A_343 : vector<1x16xf32> to vector<16xf32>
      %add3A_345 = arith.addf %add3A_339, %get3A_344 : vector<16xf32>
      %get3A_346 = arith.constant 6 : i32
      %get3A_347 = arith.index_cast %get3A_346 : i32 to index
      %get3A_348 = arith.constant 96 : index
      %get3A_349 = tpu.vector_load %arg6[%get3A_347, %get3A_348] {strides = array<i32>} : memref<64x128xf32, #tpu.memory_space<vmem>>, vector<1x16xf32>,
      %get3A_350 = vector.shape_cast %get3A_349 : vector<1x16xf32> to vector<16xf32>
      %add3A_351 = arith.addf %add3A_345, %get3A_350 : vector<16xf32>
      %mul3A_352 = arith.constant 0.0883883461 : f32
      %mul3A_353 = vector.broadcast %mul3A_352 : f32 to vector<16xf32>
      %mul3A_354 = arith.mulf %add3A_351, %mul3A_353 : vector<16xf32>
      %swap3A_355 = arith.constant 0 : i32
      %swap3A_356 = arith.index_cast %swap3A_355 : i32 to index
      %swap3A_357 = arith.constant 96 : index
      %swap3A_358 = tpu.vector_load %arg7[%swap3A_356, %swap3A_357] {strides = array<i32>} : memref<8x128xf32, #tpu.memory_space<vmem>>, vector<1x16xf32>,
      %swap3A_359 = vector.shape_cast %swap3A_358 : vector<1x16xf32> to vector<16xf32>
      %swap3A_360 = vector.shape_cast %mul3A_354 : vector<16xf32> to vector<1x16xf32>
      tpu.vector_store %arg7[%swap3A_356, %swap3A_357], %swap3A_360 {strides = array<i32>} : memref<8x128xf32, #tpu.memory_space<vmem>>, vector<1x16xf32>,
      %get3A_361 = arith.constant 0 : i32
      %get3A_362 = arith.index_cast %get3A_361 : i32 to index
      %get3A_363 = arith.constant 112 : index
      %get3A_364 = tpu.vector_load %arg6[%get3A_362, %get3A_363] {strides = array<i32>} : memref<64x128xf32, #tpu.memory_space<vmem>>, vector<1x16xf32>,
      %get3A_365 = vector.shape_cast %get3A_364 : vector<1x16xf32> to vector<16xf32>
      %get3A_366 = arith.constant 1 : i32
      %get3A_367 = arith.index_cast %get3A_366 : i32 to index
      %get3A_368 = arith.constant 112 : index
      %get3A_369 = tpu.vector_load %arg6[%get3A_367, %get3A_368] {strides = array<i32>} : memref<64x128xf32, #tpu.memory_space<vmem>>, vector<1x16xf32>,
      %get3A_370 = vector.shape_cast %get3A_369 : vector<1x16xf32> to vector<16xf32>
      %add3A_371 = arith.addf %get3A_365, %get3A_370 : vector<16xf32>
      %get3A_372 = arith.constant 2 : i32
      %get3A_373 = arith.index_cast %get3A_372 : i32 to index
      %get3A_374 = arith.constant 112 : index
      %get3A_375 = tpu.vector_load %arg6[%get3A_373, %get3A_374] {strides = array<i32>} : memref<64x128xf32, #tpu.memory_space<vmem>>, vector<1x16xf32>,
      %get3A_376 = vector.shape_cast %get3A_375 : vector<1x16xf32> to vector<16xf32>
      %add3A_377 = arith.addf %add3A_371, %get3A_376 : vector<16xf32>
      %get3A_378 = arith.constant 3 : i32
      %get3A_379 = arith.index_cast %get3A_378 : i32 to index
      %get3A_380 = arith.constant 112 : index
      %get3A_381 = tpu.vector_load %arg6[%get3A_379, %get3A_380] {strides = array<i32>} : memref<64x128xf32, #tpu.memory_space<vmem>>, vector<1x16xf32>,
      %get3A_382 = vector.shape_cast %get3A_381 : vector<1x16xf32> to vector<16xf32>
      %add3A_383 = arith.addf %add3A_377, %get3A_382 : vector<16xf32>
      %get3A_384 = arith.constant 4 : i32
      %get3A_385 = arith.index_cast %get3A_384 : i32 to index
      %get3A_386 = arith.constant 112 : index
      %get3A_387 = tpu.vector_load %arg6[%get3A_385, %get3A_386] {strides = array<i32>} : memref<64x128xf32, #tpu.memory_space<vmem>>, vector<1x16xf32>,
      %get3A_388 = vector.shape_cast %get3A_387 : vector<1x16xf32> to vector<16xf32>
      %add3A_389 = arith.addf %add3A_383, %get3A_388 : vector<16xf32>
      %get3A_390 = arith.constant 5 : i32
      %get3A_391 = arith.index_cast %get3A_390 : i32 to index
      %get3A_392 = arith.constant 112 : index
      %get3A_393 = tpu.vector_load %arg6[%get3A_391, %get3A_392] {strides = array<i32>} : memref<64x128xf32, #tpu.memory_space<vmem>>, vector<1x16xf32>,
      %get3A_394 = vector.shape_cast %get3A_393 : vector<1x16xf32> to vector<16xf32>
      %add3A_395 = arith.addf %add3A_389, %get3A_394 : vector<16xf32>
      %get3A_396 = arith.constant 6 : i32
      %get3A_397 = arith.index_cast %get3A_396 : i32 to index
      %get3A_398 = arith.constant 112 : index
      %get3A_399 = tpu.vector_load %arg6[%get3A_397, %get3A_398] {strides = array<i32>} : memref<64x128xf32, #tpu.memory_space<vmem>>, vector<1x16xf32>,
      %get3A_400 = vector.shape_cast %get3A_399 : vector<1x16xf32> to vector<16xf32>
      %add3A_401 = arith.addf %add3A_395, %get3A_400 : vector<16xf32>
      %mul3A_402 = arith.constant 0.0883883461 : f32
      %mul3A_403 = vector.broadcast %mul3A_402 : f32 to vector<16xf32>
      %mul3A_404 = arith.mulf %add3A_401, %mul3A_403 : vector<16xf32>
      %swap3A_405 = arith.constant 0 : i32
      %swap3A_406 = arith.index_cast %swap3A_405 : i32 to index
      %swap3A_407 = arith.constant 112 : index
      %swap3A_408 = tpu.vector_load %arg7[%swap3A_406, %swap3A_407] {strides = array<i32>} : memref<8x128xf32, #tpu.memory_space<vmem>>, vector<1x16xf32>,
      %swap3A_409 = vector.shape_cast %swap3A_408 : vector<1x16xf32> to vector<16xf32>
      %swap3A_410 = vector.shape_cast %mul3A_404 : vector<16xf32> to vector<1x16xf32>
      tpu.vector_store %arg7[%swap3A_406, %swap3A_407], %swap3A_410 {strides = array<i32>} : memref<8x128xf32, #tpu.memory_space<vmem>>, vector<1x16xf32>,
      %get3A_411 = arith.constant 7 : i32
      %get3A_412 = arith.index_cast %get3A_411 : i32 to index
      %get3A_413 = arith.constant 0 : index
      %get3A_414 = tpu.vector_load %arg6[%get3A_412, %get3A_413] {strides = array<i32>} : memref<64x128xf32, #tpu.memory_space<vmem>>, vector<1x16xf32>,
      %get3A_415 = vector.shape_cast %get3A_414 : vector<1x16xf32> to vector<16xf32>
      %get3A_416 = arith.constant 8 : i32
      %get3A_417 = arith.index_cast %get3A_416 : i32 to index
      %get3A_418 = arith.constant 0 : index
      %get3A_419 = tpu.vector_load %arg6[%get3A_417, %get3A_418] {strides = array<i32>} : memref<64x128xf32, #tpu.memory_space<vmem>>, vector<1x16xf32>,
      %get3A_420 = vector.shape_cast %get3A_419 : vector<1x16xf32> to vector<16xf32>
      %add3A_421 = arith.addf %get3A_415, %get3A_420 : vector<16xf32>
      %get3A_422 = arith.constant 9 : i32
      %get3A_423 = arith.index_cast %get3A_422 : i32 to index
      %get3A_424 = arith.constant 0 : index
      %get3A_425 = tpu.vector_load %arg6[%get3A_423, %get3A_424] {strides = array<i32>} : memref<64x128xf32, #tpu.memory_space<vmem>>, vector<1x16xf32>,
      %get3A_426 = vector.shape_cast %get3A_425 : vector<1x16xf32> to vector<16xf32>
      %add3A_427 = arith.addf %add3A_421, %get3A_426 : vector<16xf32>
      %get3A_428 = arith.constant 10 : i32
      %get3A_429 = arith.index_cast %get3A_428 : i32 to index
      %get3A_430 = arith.constant 0 : index
      %get3A_431 = tpu.vector_load %arg6[%get3A_429, %get3A_430] {strides = array<i32>} : memref<64x128xf32, #tpu.memory_space<vmem>>, vector<1x16xf32>,
      %get3A_432 = vector.shape_cast %get3A_431 : vector<1x16xf32> to vector<16xf32>
      %add3A_433 = arith.addf %add3A_427, %get3A_432 : vector<16xf32>
      %get3A_434 = arith.constant 11 : i32
      %get3A_435 = arith.index_cast %get3A_434 : i32 to index
      %get3A_436 = arith.constant 0 : index
      %get3A_437 = tpu.vector_load %arg6[%get3A_435, %get3A_436] {strides = array<i32>} : memref<64x128xf32, #tpu.memory_space<vmem>>, vector<1x16xf32>,
      %get3A_438 = vector.shape_cast %get3A_437 : vector<1x16xf32> to vector<16xf32>
      %add3A_439 = arith.addf %add3A_433, %get3A_438 : vector<16xf32>
      %get3A_440 = arith.constant 12 : i32
      %get3A_441 = arith.index_cast %get3A_440 : i32 to index
      %get3A_442 = arith.constant 0 : index
      %get3A_443 = tpu.vector_load %arg6[%get3A_441, %get3A_442] {strides = array<i32>} : memref<64x128xf32, #tpu.memory_space<vmem>>, vector<1x16xf32>,
      %get3A_444 = vector.shape_cast %get3A_443 : vector<1x16xf32> to vector<16xf32>
      %add3A_445 = arith.addf %add3A_439, %get3A_444 : vector<16xf32>
      %get3A_446 = arith.constant 13 : i32
      %get3A_447 = arith.index_cast %get3A_446 : i32 to index
      %get3A_448 = arith.constant 0 : index
      %get3A_449 = tpu.vector_load %arg6[%get3A_447, %get3A_448] {strides = array<i32>} : memref<64x128xf32, #tpu.memory_space<vmem>>, vector<1x16xf32>,
      %get3A_450 = vector.shape_cast %get3A_449 : vector<1x16xf32> to vector<16xf32>
      %add3A_451 = arith.addf %add3A_445, %get3A_450 : vector<16xf32>
      %mul3A_452 = arith.constant 0.0883883461 : f32
      %mul3A_453 = vector.broadcast %mul3A_452 : f32 to vector<16xf32>
      %mul3A_454 = arith.mulf %add3A_451, %mul3A_453 : vector<16xf32>
      %swap3A_455 = arith.constant 1 : i32
      %swap3A_456 = arith.index_cast %swap3A_455 : i32 to index
      %swap3A_457 = arith.constant 0 : index
      %swap3A_458 = tpu.vector_load %arg7[%swap3A_456, %swap3A_457] {strides = array<i32>} : memref<8x128xf32, #tpu.memory_space<vmem>>, vector<1x16xf32>,
      %swap3A_459 = vector.shape_cast %swap3A_458 : vector<1x16xf32> to vector<16xf32>
      %swap3A_460 = vector.shape_cast %mul3A_454 : vector<16xf32> to vector<1x16xf32>
      tpu.vector_store %arg7[%swap3A_456, %swap3A_457], %swap3A_460 {strides = array<i32>} : memref<8x128xf32, #tpu.memory_space<vmem>>, vector<1x16xf32>,
      %get3A_461 = arith.constant 7 : i32
      %get3A_462 = arith.index_cast %get3A_461 : i32 to index
      %get3A_463 = arith.constant 16 : index
      %get3A_464 = tpu.vector_load %arg6[%get3A_462, %get3A_463] {strides = array<i32>} : memref<64x128xf32, #tpu.memory_space<vmem>>, vector<1x16xf32>,
      %get3A_465 = vector.shape_cast %get3A_464 : vector<1x16xf32> to vector<16xf32>
      %get3A_466 = arith.constant 8 : i32
      %get3A_467 = arith.index_cast %get3A_466 : i32 to index
      %get3A_468 = arith.constant 16 : index
      %get3A_469 = tpu.vector_load %arg6[%get3A_467, %get3A_468] {strides = array<i32>} : memref<64x128xf32, #tpu.memory_space<vmem>>, vector<1x16xf32>,
      %get3A_470 = vector.shape_cast %get3A_469 : vector<1x16xf32> to vector<16xf32>
      %add3A_471 = arith.addf %get3A_465, %get3A_470 : vector<16xf32>
      %get3A_472 = arith.constant 9 : i32
      %get3A_473 = arith.index_cast %get3A_472 : i32 to index
      %get3A_474 = arith.constant 16 : index
      %get3A_475 = tpu.vector_load %arg6[%get3A_473, %get3A_474] {strides = array<i32>} : memref<64x128xf32, #tpu.memory_space<vmem>>, vector<1x16xf32>,
      %get3A_476 = vector.shape_cast %get3A_475 : vector<1x16xf32> to vector<16xf32>
      %add3A_477 = arith.addf %add3A_471, %get3A_476 : vector<16xf32>
      %get3A_478 = arith.constant 10 : i32
      %get3A_479 = arith.index_cast %get3A_478 : i32 to index
      %get3A_480 = arith.constant 16 : index
      %get3A_481 = tpu.vector_load %arg6[%get3A_479, %get3A_480] {strides = array<i32>} : memref<64x128xf32, #tpu.memory_space<vmem>>, vector<1x16xf32>,
      %get3A_482 = vector.shape_cast %get3A_481 : vector<1x16xf32> to vector<16xf32>
      %add3A_483 = arith.addf %add3A_477, %get3A_482 : vector<16xf32>
      %get3A_484 = arith.constant 11 : i32
      %get3A_485 = arith.index_cast %get3A_484 : i32 to index
      %get3A_486 = arith.constant 16 : index
      %get3A_487 = tpu.vector_load %arg6[%get3A_485, %get3A_486] {strides = array<i32>} : memref<64x128xf32, #tpu.memory_space<vmem>>, vector<1x16xf32>,
      %get3A_488 = vector.shape_cast %get3A_487 : vector<1x16xf32> to vector<16xf32>
      %add3A_489 = arith.addf %add3A_483, %get3A_488 : vector<16xf32>
      %get3A_490 = arith.constant 12 : i32
      %get3A_491 = arith.index_cast %get3A_490 : i32 to index
      %get3A_492 = arith.constant 16 : index
      %get3A_493 = tpu.vector_load %arg6[%get3A_491, %get3A_492] {strides = array<i32>} : memref<64x128xf32, #tpu.memory_space<vmem>>, vector<1x16xf32>,
      %get3A_494 = vector.shape_cast %get3A_493 : vector<1x16xf32> to vector<16xf32>
      %add3A_495 = arith.addf %add3A_489, %get3A_494 : vector<16xf32>
      %get3A_496 = arith.constant 13 : i32
      %get3A_497 = arith.index_cast %get3A_496 : i32 to index
      %get3A_498 = arith.constant 16 : index
      %get3A_499 = tpu.vector_load %arg6[%get3A_497, %get3A_498] {strides = array<i32>} : memref<64x128xf32, #tpu.memory_space<vmem>>, vector<1x16xf32>,
      %get3A_500 = vector.shape_cast %get3A_499 : vector<1x16xf32> to vector<16xf32>
      %add3A_501 = arith.addf %add3A_495, %get3A_500 : vector<16xf32>
      %mul3A_502 = arith.constant 0.0883883461 : f32
      %mul3A_503 = vector.broadcast %mul3A_502 : f32 to vector<16xf32>
      %mul3A_504 = arith.mulf %add3A_501, %mul3A_503 : vector<16xf32>
      %swap3A_505 = arith.constant 1 : i32
      %swap3A_506 = arith.index_cast %swap3A_505 : i32 to index
      %swap3A_507 = arith.constant 16 : index
      %swap3A_508 = tpu.vector_load %arg7[%swap3A_506, %swap3A_507] {strides = array<i32>} : memref<8x128xf32, #tpu.memory_space<vmem>>, vector<1x16xf32>,
      %swap3A_509 = vector.shape_cast %swap3A_508 : vector<1x16xf32> to vector<16xf32>
      %swap3A_510 = vector.shape_cast %mul3A_504 : vector<16xf32> to vector<1x16xf32>
      tpu.vector_store %arg7[%swap3A_506, %swap3A_507], %swap3A_510 {strides = array<i32>} : memref<8x128xf32, #tpu.memory_space<vmem>>, vector<1x16xf32>,
      %get3A_511 = arith.constant 7 : i32
      %get3A_512 = arith.index_cast %get3A_511 : i32 to index
      %get3A_513 = arith.constant 32 : index
      %get3A_514 = tpu.vector_load %arg6[%get3A_512, %get3A_513] {strides = array<i32>} : memref<64x128xf32, #tpu.memory_space<vmem>>, vector<1x16xf32>,
      %get3A_515 = vector.shape_cast %get3A_514 : vector<1x16xf32> to vector<16xf32>
      %get3A_516 = arith.constant 8 : i32
      %get3A_517 = arith.index_cast %get3A_516 : i32 to index
      %get3A_518 = arith.constant 32 : index
      %get3A_519 = tpu.vector_load %arg6[%get3A_517, %get3A_518] {strides = array<i32>} : memref<64x128xf32, #tpu.memory_space<vmem>>, vector<1x16xf32>,
      %get3A_520 = vector.shape_cast %get3A_519 : vector<1x16xf32> to vector<16xf32>
      %add3A_521 = arith.addf %get3A_515, %get3A_520 : vector<16xf32>
      %get3A_522 = arith.constant 9 : i32
      %get3A_523 = arith.index_cast %get3A_522 : i32 to index
      %get3A_524 = arith.constant 32 : index
      %get3A_525 = tpu.vector_load %arg6[%get3A_523, %get3A_524] {strides = array<i32>} : memref<64x128xf32, #tpu.memory_space<vmem>>, vector<1x16xf32>,
      %get3A_526 = vector.shape_cast %get3A_525 : vector<1x16xf32> to vector<16xf32>
      %add3A_527 = arith.addf %add3A_521, %get3A_526 : vector<16xf32>
      %get3A_528 = arith.constant 10 : i32
      %get3A_529 = arith.index_cast %get3A_528 : i32 to index
      %get3A_530 = arith.constant 32 : index
      %get3A_531 = tpu.vector_load %arg6[%get3A_529, %get3A_530] {strides = array<i32>} : memref<64x128xf32, #tpu.memory_space<vmem>>, vector<1x16xf32>,
      %get3A_532 = vector.shape_cast %get3A_531 : vector<1x16xf32> to vector<16xf32>
      %add3A_533 = arith.addf %add3A_527, %get3A_532 : vector<16xf32>
      %get3A_534 = arith.constant 11 : i32
      %get3A_535 = arith.index_cast %get3A_534 : i32 to index
      %get3A_536 = arith.constant 32 : index
      %get3A_537 = tpu.vector_load %arg6[%get3A_535, %get3A_536] {strides = array<i32>} : memref<64x128xf32, #tpu.memory_space<vmem>>, vector<1x16xf32>,
      %get3A_538 = vector.shape_cast %get3A_537 : vector<1x16xf32> to vector<16xf32>
      %add3A_539 = arith.addf %add3A_533, %get3A_538 : vector<16xf32>
      %get3A_540 = arith.constant 12 : i32
      %get3A_541 = arith.index_cast %get3A_540 : i32 to index
      %get3A_542 = arith.constant 32 : index
      %get3A_543 = tpu.vector_load %arg6[%get3A_541, %get3A_542] {strides = array<i32>} : memref<64x128xf32, #tpu.memory_space<vmem>>, vector<1x16xf32>,
      %get3A_544 = vector.shape_cast %get3A_543 : vector<1x16xf32> to vector<16xf32>
      %add3A_545 = arith.addf %add3A_539, %get3A_544 : vector<16xf32>
      %get3A_546 = arith.constant 13 : i32
      %get3A_547 = arith.index_cast %get3A_546 : i32 to index
      %get3A_548 = arith.constant 32 : index
      %get3A_549 = tpu.vector_load %arg6[%get3A_547, %get3A_548] {strides = array<i32>} : memref<64x128xf32, #tpu.memory_space<vmem>>, vector<1x16xf32>,
      %get3A_550 = vector.shape_cast %get3A_549 : vector<1x16xf32> to vector<16xf32>
      %add3A_551 = arith.addf %add3A_545, %get3A_550 : vector<16xf32>
      %mul3A_552 = arith.constant 0.0883883461 : f32
      %mul3A_553 = vector.broadcast %mul3A_552 : f32 to vector<16xf32>
      %mul3A_554 = arith.mulf %add3A_551, %mul3A_553 : vector<16xf32>
      %swap3A_555 = arith.constant 1 : i32
      %swap3A_556 = arith.index_cast %swap3A_555 : i32 to index
      %swap3A_557 = arith.constant 32 : index
      %swap3A_558 = tpu.vector_load %arg7[%swap3A_556, %swap3A_557] {strides = array<i32>} : memref<8x128xf32, #tpu.memory_space<vmem>>, vector<1x16xf32>,
      %swap3A_559 = vector.shape_cast %swap3A_558 : vector<1x16xf32> to vector<16xf32>
      %swap3A_560 = vector.shape_cast %mul3A_554 : vector<16xf32> to vector<1x16xf32>
      tpu.vector_store %arg7[%swap3A_556, %swap3A_557], %swap3A_560 {strides = array<i32>} : memref<8x128xf32, #tpu.memory_space<vmem>>, vector<1x16xf32>,
      %get3A_561 = arith.constant 7 : i32
      %get3A_562 = arith.index_cast %get3A_561 : i32 to index
      %get3A_563 = arith.constant 48 : index
      %get3A_564 = tpu.vector_load %arg6[%get3A_562, %get3A_563] {strides = array<i32>} : memref<64x128xf32, #tpu.memory_space<vmem>>, vector<1x16xf32>,
      %get3A_565 = vector.shape_cast %get3A_564 : vector<1x16xf32> to vector<16xf32>
      %get3A_566 = arith.constant 8 : i32
      %get3A_567 = arith.index_cast %get3A_566 : i32 to index
      %get3A_568 = arith.constant 48 : index
      %get3A_569 = tpu.vector_load %arg6[%get3A_567, %get3A_568] {strides = array<i32>} : memref<64x128xf32, #tpu.memory_space<vmem>>, vector<1x16xf32>,
      %get3A_570 = vector.shape_cast %get3A_569 : vector<1x16xf32> to vector<16xf32>
      %add3A_571 = arith.addf %get3A_565, %get3A_570 : vector<16xf32>
      %get3A_572 = arith.constant 9 : i32
      %get3A_573 = arith.index_cast %get3A_572 : i32 to index
      %get3A_574 = arith.constant 48 : index
      %get3A_575 = tpu.vector_load %arg6[%get3A_573, %get3A_574] {strides = array<i32>} : memref<64x128xf32, #tpu.memory_space<vmem>>, vector<1x16xf32>,
      %get3A_576 = vector.shape_cast %get3A_575 : vector<1x16xf32> to vector<16xf32>
      %add3A_577 = arith.addf %add3A_571, %get3A_576 : vector<16xf32>
      %get3A_578 = arith.constant 10 : i32
      %get3A_579 = arith.index_cast %get3A_578 : i32 to index
      %get3A_580 = arith.constant 48 : index
      %get3A_581 = tpu.vector_load %arg6[%get3A_579, %get3A_580] {strides = array<i32>} : memref<64x128xf32, #tpu.memory_space<vmem>>, vector<1x16xf32>,
      %get3A_582 = vector.shape_cast %get3A_581 : vector<1x16xf32> to vector<16xf32>
      %add3A_583 = arith.addf %add3A_577, %get3A_582 : vector<16xf32>
      %get3A_584 = arith.constant 11 : i32
      %get3A_585 = arith.index_cast %get3A_584 : i32 to index
      %get3A_586 = arith.constant 48 : index
      %get3A_587 = tpu.vector_load %arg6[%get3A_585, %get3A_586] {strides = array<i32>} : memref<64x128xf32, #tpu.memory_space<vmem>>, vector<1x16xf32>,
      %get3A_588 = vector.shape_cast %get3A_587 : vector<1x16xf32> to vector<16xf32>
      %add3A_589 = arith.addf %add3A_583, %get3A_588 : vector<16xf32>
      %get3A_590 = arith.constant 12 : i32
      %get3A_591 = arith.index_cast %get3A_590 : i32 to index
      %get3A_592 = arith.constant 48 : index
      %get3A_593 = tpu.vector_load %arg6[%get3A_591, %get3A_592] {strides = array<i32>} : memref<64x128xf32, #tpu.memory_space<vmem>>, vector<1x16xf32>,
      %get3A_594 = vector.shape_cast %get3A_593 : vector<1x16xf32> to vector<16xf32>
      %add3A_595 = arith.addf %add3A_589, %get3A_594 : vector<16xf32>
      %get3A_596 = arith.constant 13 : i32
      %get3A_597 = arith.index_cast %get3A_596 : i32 to index
      %get3A_598 = arith.constant 48 : index
      %get3A_599 = tpu.vector_load %arg6[%get3A_597, %get3A_598] {strides = array<i32>} : memref<64x128xf32, #tpu.memory_space<vmem>>, vector<1x16xf32>,
      %get3A_600 = vector.shape_cast %get3A_599 : vector<1x16xf32> to vector<16xf32>
      %add3A_601 = arith.addf %add3A_595, %get3A_600 : vector<16xf32>
      %mul3A_602 = arith.constant 0.0883883461 : f32
      %mul3A_603 = vector.broadcast %mul3A_602 : f32 to vector<16xf32>
      %mul3A_604 = arith.mulf %add3A_601, %mul3A_603 : vector<16xf32>
      %swap3A_605 = arith.constant 1 : i32
      %swap3A_606 = arith.index_cast %swap3A_605 : i32 to index
      %swap3A_607 = arith.constant 48 : index
      %swap3A_608 = tpu.vector_load %arg7[%swap3A_606, %swap3A_607] {strides = array<i32>} : memref<8x128xf32, #tpu.memory_space<vmem>>, vector<1x16xf32>,
      %swap3A_609 = vector.shape_cast %swap3A_608 : vector<1x16xf32> to vector<16xf32>
      %swap3A_610 = vector.shape_cast %mul3A_604 : vector<16xf32> to vector<1x16xf32>
      tpu.vector_store %arg7[%swap3A_606, %swap3A_607], %swap3A_610 {strides = array<i32>} : memref<8x128xf32, #tpu.memory_space<vmem>>, vector<1x16xf32>,
      %get3A_611 = arith.constant 7 : i32
      %get3A_612 = arith.index_cast %get3A_611 : i32 to index
      %get3A_613 = arith.constant 64 : index
      %get3A_614 = tpu.vector_load %arg6[%get3A_612, %get3A_613] {strides = array<i32>} : memref<64x128xf32, #tpu.memory_space<vmem>>, vector<1x16xf32>,
      %get3A_615 = vector.shape_cast %get3A_614 : vector<1x16xf32> to vector<16xf32>
      %get3A_616 = arith.constant 8 : i32
      %get3A_617 = arith.index_cast %get3A_616 : i32 to index
      %get3A_618 = arith.constant 64 : index
      %get3A_619 = tpu.vector_load %arg6[%get3A_617, %get3A_618] {strides = array<i32>} : memref<64x128xf32, #tpu.memory_space<vmem>>, vector<1x16xf32>,
      %get3A_620 = vector.shape_cast %get3A_619 : vector<1x16xf32> to vector<16xf32>
      %add3A_621 = arith.addf %get3A_615, %get3A_620 : vector<16xf32>
      %get3A_622 = arith.constant 9 : i32
      %get3A_623 = arith.index_cast %get3A_622 : i32 to index
      %get3A_624 = arith.constant 64 : index
      %get3A_625 = tpu.vector_load %arg6[%get3A_623, %get3A_624] {strides = array<i32>} : memref<64x128xf32, #tpu.memory_space<vmem>>, vector<1x16xf32>,
      %get3A_626 = vector.shape_cast %get3A_625 : vector<1x16xf32> to vector<16xf32>
      %add3A_627 = arith.addf %add3A_621, %get3A_626 : vector<16xf32>
      %get3A_628 = arith.constant 10 : i32
      %get3A_629 = arith.index_cast %get3A_628 : i32 to index
      %get3A_630 = arith.constant 64 : index
      %get3A_631 = tpu.vector_load %arg6[%get3A_629, %get3A_630] {strides = array<i32>} : memref<64x128xf32, #tpu.memory_space<vmem>>, vector<1x16xf32>,
      %get3A_632 = vector.shape_cast %get3A_631 : vector<1x16xf32> to vector<16xf32>
      %add3A_633 = arith.addf %add3A_627, %get3A_632 : vector<16xf32>
      %get3A_634 = arith.constant 11 : i32
      %get3A_635 = arith.index_cast %get3A_634 : i32 to index
      %get3A_636 = arith.constant 64 : index
      %get3A_637 = tpu.vector_load %arg6[%get3A_635, %get3A_636] {strides = array<i32>} : memref<64x128xf32, #tpu.memory_space<vmem>>, vector<1x16xf32>,
      %get3A_638 = vector.shape_cast %get3A_637 : vector<1x16xf32> to vector<16xf32>
      %add3A_639 = arith.addf %add3A_633, %get3A_638 : vector<16xf32>
      %get3A_640 = arith.constant 12 : i32
      %get3A_641 = arith.index_cast %get3A_640 : i32 to index
      %get3A_642 = arith.constant 64 : index
      %get3A_643 = tpu.vector_load %arg6[%get3A_641, %get3A_642] {strides = array<i32>} : memref<64x128xf32, #tpu.memory_space<vmem>>, vector<1x16xf32>,
      %get3A_644 = vector.shape_cast %get3A_643 : vector<1x16xf32> to vector<16xf32>
      %add3A_645 = arith.addf %add3A_639, %get3A_644 : vector<16xf32>
      %get3A_646 = arith.constant 13 : i32
      %get3A_647 = arith.index_cast %get3A_646 : i32 to index
      %get3A_648 = arith.constant 64 : index
      %get3A_649 = tpu.vector_load %arg6[%get3A_647, %get3A_648] {strides = array<i32>} : memref<64x128xf32, #tpu.memory_space<vmem>>, vector<1x16xf32>,
      %get3A_650 = vector.shape_cast %get3A_649 : vector<1x16xf32> to vector<16xf32>
      %add3A_651 = arith.addf %add3A_645, %get3A_650 : vector<16xf32>
      %mul3A_652 = arith.constant 0.0883883461 : f32
      %mul3A_653 = vector.broadcast %mul3A_652 : f32 to vector<16xf32>
      %mul3A_654 = arith.mulf %add3A_651, %mul3A_653 : vector<16xf32>
      %swap3A_655 = arith.constant 1 : i32
      %swap3A_656 = arith.index_cast %swap3A_655 : i32 to index
      %swap3A_657 = arith.constant 64 : index
      %swap3A_658 = tpu.vector_load %arg7[%swap3A_656, %swap3A_657] {strides = array<i32>} : memref<8x128xf32, #tpu.memory_space<vmem>>, vector<1x16xf32>,
      %swap3A_659 = vector.shape_cast %swap3A_658 : vector<1x16xf32> to vector<16xf32>
      %swap3A_660 = vector.shape_cast %mul3A_654 : vector<16xf32> to vector<1x16xf32>
      tpu.vector_store %arg7[%swap3A_656, %swap3A_657], %swap3A_660 {strides = array<i32>} : memref<8x128xf32, #tpu.memory_space<vmem>>, vector<1x16xf32>,
      %get3A_661 = arith.constant 7 : i32
      %get3A_662 = arith.index_cast %get3A_661 : i32 to index
      %get3A_663 = arith.constant 80 : index
      %get3A_664 = tpu.vector_load %arg6[%get3A_662, %get3A_663] {strides = array<i32>} : memref<64x128xf32, #tpu.memory_space<vmem>>, vector<1x16xf32>,
      %get3A_665 = vector.shape_cast %get3A_664 : vector<1x16xf32> to vector<16xf32>
      %get3A_666 = arith.constant 8 : i32
      %get3A_667 = arith.index_cast %get3A_666 : i32 to index
      %get3A_668 = arith.constant 80 : index
      %get3A_669 = tpu.vector_load %arg6[%get3A_667, %get3A_668] {strides = array<i32>} : memref<64x128xf32, #tpu.memory_space<vmem>>, vector<1x16xf32>,
      %get3A_670 = vector.shape_cast %get3A_669 : vector<1x16xf32> to vector<16xf32>
      %add3A_671 = arith.addf %get3A_665, %get3A_670 : vector<16xf32>
      %get3A_672 = arith.constant 9 : i32
      %get3A_673 = arith.index_cast %get3A_672 : i32 to index
      %get3A_674 = arith.constant 80 : index
      %get3A_675 = tpu.vector_load %arg6[%get3A_673, %get3A_674] {strides = array<i32>} : memref<64x128xf32, #tpu.memory_space<vmem>>, vector<1x16xf32>,
      %get3A_676 = vector.shape_cast %get3A_675 : vector<1x16xf32> to vector<16xf32>
      %add3A_677 = arith.addf %add3A_671, %get3A_676 : vector<16xf32>
      %get3A_678 = arith.constant 10 : i32
      %get3A_679 = arith.index_cast %get3A_678 : i32 to index
      %get3A_680 = arith.constant 80 : index
      %get3A_681 = tpu.vector_load %arg6[%get3A_679, %get3A_680] {strides = array<i32>} : memref<64x128xf32, #tpu.memory_space<vmem>>, vector<1x16xf32>,
      %get3A_682 = vector.shape_cast %get3A_681 : vector<1x16xf32> to vector<16xf32>
      %add3A_683 = arith.addf %add3A_677, %get3A_682 : vector<16xf32>
      %get3A_684 = arith.constant 11 : i32
      %get3A_685 = arith.index_cast %get3A_684 : i32 to index
      %get3A_686 = arith.constant 80 : index
      %get3A_687 = tpu.vector_load %arg6[%get3A_685, %get3A_686] {strides = array<i32>} : memref<64x128xf32, #tpu.memory_space<vmem>>, vector<1x16xf32>,
      %get3A_688 = vector.shape_cast %get3A_687 : vector<1x16xf32> to vector<16xf32>
      %add3A_689 = arith.addf %add3A_683, %get3A_688 : vector<16xf32>
      %get3A_690 = arith.constant 12 : i32
      %get3A_691 = arith.index_cast %get3A_690 : i32 to index
      %get3A_692 = arith.constant 80 : index
      %get3A_693 = tpu.vector_load %arg6[%get3A_691, %get3A_692] {strides = array<i32>} : memref<64x128xf32, #tpu.memory_space<vmem>>, vector<1x16xf32>,
      %get3A_694 = vector.shape_cast %get3A_693 : vector<1x16xf32> to vector<16xf32>
      %add3A_695 = arith.addf %add3A_689, %get3A_694 : vector<16xf32>
      %get3A_696 = arith.constant 13 : i32
      %get3A_697 = arith.index_cast %get3A_696 : i32 to index
      %get3A_698 = arith.constant 80 : index
      %get3A_699 = tpu.vector_load %arg6[%get3A_697, %get3A_698] {strides = array<i32>} : memref<64x128xf32, #tpu.memory_space<vmem>>, vector<1x16xf32>,
      %get3A_700 = vector.shape_cast %get3A_699 : vector<1x16xf32> to vector<16xf32>
      %add3A_701 = arith.addf %add3A_695, %get3A_700 : vector<16xf32>
      %mul3A_702 = arith.constant 0.0883883461 : f32
      %mul3A_703 = vector.broadcast %mul3A_702 : f32 to vector<16xf32>
      %mul3A_704 = arith.mulf %add3A_701, %mul3A_703 : vector<16xf32>
      %swap3A_705 = arith.constant 1 : i32
      %swap3A_706 = arith.index_cast %swap3A_705 : i32 to index
      %swap3A_707 = arith.constant 80 : index
      %swap3A_708 = tpu.vector_load %arg7[%swap3A_706, %swap3A_707] {strides = array<i32>} : memref<8x128xf32, #tpu.memory_space<vmem>>, vector<1x16xf32>,
      %swap3A_709 = vector.shape_cast %swap3A_708 : vector<1x16xf32> to vector<16xf32>
      %swap3A_710 = vector.shape_cast %mul3A_704 : vector<16xf32> to vector<1x16xf32>
      tpu.vector_store %arg7[%swap3A_706, %swap3A_707], %swap3A_710 {strides = array<i32>} : memref<8x128xf32, #tpu.memory_space<vmem>>, vector<1x16xf32>,
      %get3A_711 = arith.constant 7 : i32
      %get3A_712 = arith.index_cast %get3A_711 : i32 to index
      %get3A_713 = arith.constant 96 : index
      %get3A_714 = tpu.vector_load %arg6[%get3A_712, %get3A_713] {strides = array<i32>} : memref<64x128xf32, #tpu.memory_space<vmem>>, vector<1x16xf32>,
      %get3A_715 = vector.shape_cast %get3A_714 : vector<1x16xf32> to vector<16xf32>
      %get3A_716 = arith.constant 8 : i32
      %get3A_717 = arith.index_cast %get3A_716 : i32 to index
      %get3A_718 = arith.constant 96 : index
      %get3A_719 = tpu.vector_load %arg6[%get3A_717, %get3A_718] {strides = array<i32>} : memref<64x128xf32, #tpu.memory_space<vmem>>, vector<1x16xf32>,
      %get3A_720 = vector.shape_cast %get3A_719 : vector<1x16xf32> to vector<16xf32>
      %add3A_721 = arith.addf %get3A_715, %get3A_720 : vector<16xf32>
      %get3A_722 = arith.constant 9 : i32
      %get3A_723 = arith.index_cast %get3A_722 : i32 to index
      %get3A_724 = arith.constant 96 : index
      %get3A_725 = tpu.vector_load %arg6[%get3A_723, %get3A_724] {strides = array<i32>} : memref<64x128xf32, #tpu.memory_space<vmem>>, vector<1x16xf32>,
      %get3A_726 = vector.shape_cast %get3A_725 : vector<1x16xf32> to vector<16xf32>
      %add3A_727 = arith.addf %add3A_721, %get3A_726 : vector<16xf32>
      %get3A_728 = arith.constant 10 : i32
      %get3A_729 = arith.index_cast %get3A_728 : i32 to index
      %get3A_730 = arith.constant 96 : index
      %get3A_731 = tpu.vector_load %arg6[%get3A_729, %get3A_730] {strides = array<i32>} : memref<64x128xf32, #tpu.memory_space<vmem>>, vector<1x16xf32>,
      %get3A_732 = vector.shape_cast %get3A_731 : vector<1x16xf32> to vector<16xf32>
      %add3A_733 = arith.addf %add3A_727, %get3A_732 : vector<16xf32>
      %get3A_734 = arith.constant 11 : i32
      %get3A_735 = arith.index_cast %get3A_734 : i32 to index
      %get3A_736 = arith.constant 96 : index
      %get3A_737 = tpu.vector_load %arg6[%get3A_735, %get3A_736] {strides = array<i32>} : memref<64x128xf32, #tpu.memory_space<vmem>>, vector<1x16xf32>,
      %get3A_738 = vector.shape_cast %get3A_737 : vector<1x16xf32> to vector<16xf32>
      %add3A_739 = arith.addf %add3A_733, %get3A_738 : vector<16xf32>
      %get3A_740 = arith.constant 12 : i32
      %get3A_741 = arith.index_cast %get3A_740 : i32 to index
      %get3A_742 = arith.constant 96 : index
      %get3A_743 = tpu.vector_load %arg6[%get3A_741, %get3A_742] {strides = array<i32>} : memref<64x128xf32, #tpu.memory_space<vmem>>, vector<1x16xf32>,
      %get3A_744 = vector.shape_cast %get3A_743 : vector<1x16xf32> to vector<16xf32>
      %add3A_745 = arith.addf %add3A_739, %get3A_744 : vector<16xf32>
      %get3A_746 = arith.constant 13 : i32
      %get3A_747 = arith.index_cast %get3A_746 : i32 to index
      %get3A_748 = arith.constant 96 : index
      %get3A_749 = tpu.vector_load %arg6[%get3A_747, %get3A_748] {strides = array<i32>} : memref<64x128xf32, #tpu.memory_space<vmem>>, vector<1x16xf32>,
      %get3A_750 = vector.shape_cast %get3A_749 : vector<1x16xf32> to vector<16xf32>
      %add3A_751 = arith.addf %add3A_745, %get3A_750 : vector<16xf32>
      %mul3A_752 = arith.constant 0.0883883461 : f32
      %mul3A_753 = vector.broadcast %mul3A_752 : f32 to vector<16xf32>
      %mul3A_754 = arith.mulf %add3A_751, %mul3A_753 : vector<16xf32>
      %swap3A_755 = arith.constant 1 : i32
      %swap3A_756 = arith.index_cast %swap3A_755 : i32 to index
      %swap3A_757 = arith.constant 96 : index
      %swap3A_758 = tpu.vector_load %arg7[%swap3A_756, %swap3A_757] {strides = array<i32>} : memref<8x128xf32, #tpu.memory_space<vmem>>, vector<1x16xf32>,
      %swap3A_759 = vector.shape_cast %swap3A_758 : vector<1x16xf32> to vector<16xf32>
      %swap3A_760 = vector.shape_cast %mul3A_754 : vector<16xf32> to vector<1x16xf32>
      tpu.vector_store %arg7[%swap3A_756, %swap3A_757], %swap3A_760 {strides = array<i32>} : memref<8x128xf32, #tpu.memory_space<vmem>>, vector<1x16xf32>,
      %get3A_761 = arith.constant 7 : i32
      %get3A_762 = arith.index_cast %get3A_761 : i32 to index
      %get3A_763 = arith.constant 112 : index
      %get3A_764 = tpu.vector_load %arg6[%get3A_762, %get3A_763] {strides = array<i32>} : memref<64x128xf32, #tpu.memory_space<vmem>>, vector<1x16xf32>,
      %get3A_765 = vector.shape_cast %get3A_764 : vector<1x16xf32> to vector<16xf32>
      %get3A_766 = arith.constant 8 : i32
      %get3A_767 = arith.index_cast %get3A_766 : i32 to index
      %get3A_768 = arith.constant 112 : index
      %get3A_769 = tpu.vector_load %arg6[%get3A_767, %get3A_768] {strides = array<i32>} : memref<64x128xf32, #tpu.memory_space<vmem>>, vector<1x16xf32>,
      %get3A_770 = vector.shape_cast %get3A_769 : vector<1x16xf32> to vector<16xf32>
      %add3A_771 = arith.addf %get3A_765, %get3A_770 : vector<16xf32>
      %get3A_772 = arith.constant 9 : i32
      %get3A_773 = arith.index_cast %get3A_772 : i32 to index
      %get3A_774 = arith.constant 112 : index
      %get3A_775 = tpu.vector_load %arg6[%get3A_773, %get3A_774] {strides = array<i32>} : memref<64x128xf32, #tpu.memory_space<vmem>>, vector<1x16xf32>,
      %get3A_776 = vector.shape_cast %get3A_775 : vector<1x16xf32> to vector<16xf32>
      %add3A_777 = arith.addf %add3A_771, %get3A_776 : vector<16xf32>
      %get3A_778 = arith.constant 10 : i32
      %get3A_779 = arith.index_cast %get3A_778 : i32 to index
      %get3A_780 = arith.constant 112 : index
      %get3A_781 = tpu.vector_load %arg6[%get3A_779, %get3A_780] {strides = array<i32>} : memref<64x128xf32, #tpu.memory_space<vmem>>, vector<1x16xf32>,
      %get3A_782 = vector.shape_cast %get3A_781 : vector<1x16xf32> to vector<16xf32>
      %add3A_783 = arith.addf %add3A_777, %get3A_782 : vector<16xf32>
      %get3A_784 = arith.constant 11 : i32
      %get3A_785 = arith.index_cast %get3A_784 : i32 to index
      %get3A_786 = arith.constant 112 : index
      %get3A_787 = tpu.vector_load %arg6[%get3A_785, %get3A_786] {strides = array<i32>} : memref<64x128xf32, #tpu.memory_space<vmem>>, vector<1x16xf32>,
      %get3A_788 = vector.shape_cast %get3A_787 : vector<1x16xf32> to vector<16xf32>
      %add3A_789 = arith.addf %add3A_783, %get3A_788 : vector<16xf32>
      %get3A_790 = arith.constant 12 : i32
      %get3A_791 = arith.index_cast %get3A_790 : i32 to index
      %get3A_792 = arith.constant 112 : index
      %get3A_793 = tpu.vector_load %arg6[%get3A_791, %get3A_792] {strides = array<i32>} : memref<64x128xf32, #tpu.memory_space<vmem>>, vector<1x16xf32>,
      %get3A_794 = vector.shape_cast %get3A_793 : vector<1x16xf32> to vector<16xf32>
      %add3A_795 = arith.addf %add3A_789, %get3A_794 : vector<16xf32>
      %get3A_796 = arith.constant 13 : i32
      %get3A_797 = arith.index_cast %get3A_796 : i32 to index
      %get3A_798 = arith.constant 112 : index
      %get3A_799 = tpu.vector_load %arg6[%get3A_797, %get3A_798] {strides = array<i32>} : memref<64x128xf32, #tpu.memory_space<vmem>>, vector<1x16xf32>,
      %get3A_800 = vector.shape_cast %get3A_799 : vector<1x16xf32> to vector<16xf32>
      %add3A_801 = arith.addf %add3A_795, %get3A_800 : vector<16xf32>
      %mul3A_802 = arith.constant 0.0883883461 : f32
      %mul3A_803 = vector.broadcast %mul3A_802 : f32 to vector<16xf32>
      %mul3A_804 = arith.mulf %add3A_801, %mul3A_803 : vector<16xf32>
      %swap3A_805 = arith.constant 1 : i32
      %swap3A_806 = arith.index_cast %swap3A_805 : i32 to index
      %swap3A_807 = arith.constant 112 : index
      %swap3A_808 = tpu.vector_load %arg7[%swap3A_806, %swap3A_807] {strides = array<i32>} : memref<8x128xf32, #tpu.memory_space<vmem>>, vector<1x16xf32>,
      %swap3A_809 = vector.shape_cast %swap3A_808 : vector<1x16xf32> to vector<16xf32>
      %swap3A_810 = vector.shape_cast %mul3A_804 : vector<16xf32> to vector<1x16xf32>
      tpu.vector_store %arg7[%swap3A_806, %swap3A_807], %swap3A_810 {strides = array<i32>} : memref<8x128xf32, #tpu.memory_space<vmem>>, vector<1x16xf32>,
      %get3A_811 = arith.constant 14 : i32
      %get3A_812 = arith.index_cast %get3A_811 : i32 to index
      %get3A_813 = arith.constant 0 : index
      %get3A_814 = tpu.vector_load %arg6[%get3A_812, %get3A_813] {strides = array<i32>} : memref<64x128xf32, #tpu.memory_space<vmem>>, vector<1x16xf32>,
      %get3A_815 = vector.shape_cast %get3A_814 : vector<1x16xf32> to vector<16xf32>
      %get3A_816 = arith.constant 15 : i32
      %get3A_817 = arith.index_cast %get3A_816 : i32 to index
      %get3A_818 = arith.constant 0 : index
      %get3A_819 = tpu.vector_load %arg6[%get3A_817, %get3A_818] {strides = array<i32>} : memref<64x128xf32, #tpu.memory_space<vmem>>, vector<1x16xf32>,
      %get3A_820 = vector.shape_cast %get3A_819 : vector<1x16xf32> to vector<16xf32>
      %add3A_821 = arith.addf %get3A_815, %get3A_820 : vector<16xf32>
      %get3A_822 = arith.constant 16 : i32
      %get3A_823 = arith.index_cast %get3A_822 : i32 to index
      %get3A_824 = arith.constant 0 : index
      %get3A_825 = tpu.vector_load %arg6[%get3A_823, %get3A_824] {strides = array<i32>} : memref<64x128xf32, #tpu.memory_space<vmem>>, vector<1x16xf32>,
      %get3A_826 = vector.shape_cast %get3A_825 : vector<1x16xf32> to vector<16xf32>
      %add3A_827 = arith.addf %add3A_821, %get3A_826 : vector<16xf32>
      %get3A_828 = arith.constant 17 : i32
      %get3A_829 = arith.index_cast %get3A_828 : i32 to index
      %get3A_830 = arith.constant 0 : index
      %get3A_831 = tpu.vector_load %arg6[%get3A_829, %get3A_830] {strides = array<i32>} : memref<64x128xf32, #tpu.memory_space<vmem>>, vector<1x16xf32>,
      %get3A_832 = vector.shape_cast %get3A_831 : vector<1x16xf32> to vector<16xf32>
      %add3A_833 = arith.addf %add3A_827, %get3A_832 : vector<16xf32>
      %get3A_834 = arith.constant 18 : i32
      %get3A_835 = arith.index_cast %get3A_834 : i32 to index
      %get3A_836 = arith.constant 0 : index
      %get3A_837 = tpu.vector_load %arg6[%get3A_835, %get3A_836] {strides = array<i32>} : memref<64x128xf32, #tpu.memory_space<vmem>>, vector<1x16xf32>,
      %get3A_838 = vector.shape_cast %get3A_837 : vector<1x16xf32> to vector<16xf32>
      %add3A_839 = arith.addf %add3A_833, %get3A_838 : vector<16xf32>
      %get3A_840 = arith.constant 19 : i32
      %get3A_841 = arith.index_cast %get3A_840 : i32 to index
      %get3A_842 = arith.constant 0 : index
      %get3A_843 = tpu.vector_load %arg6[%get3A_841, %get3A_842] {strides = array<i32>} : memref<64x128xf32, #tpu.memory_space<vmem>>, vector<1x16xf32>,
      %get3A_844 = vector.shape_cast %get3A_843 : vector<1x16xf32> to vector<16xf32>
      %add3A_845 = arith.addf %add3A_839, %get3A_844 : vector<16xf32>
      %get3A_846 = arith.constant 20 : i32
      %get3A_847 = arith.index_cast %get3A_846 : i32 to index
      %get3A_848 = arith.constant 0 : index
      %get3A_849 = tpu.vector_load %arg6[%get3A_847, %get3A_848] {strides = array<i32>} : memref<64x128xf32, #tpu.memory_space<vmem>>, vector<1x16xf32>,
      %get3A_850 = vector.shape_cast %get3A_849 : vector<1x16xf32> to vector<16xf32>
      %add3A_851 = arith.addf %add3A_845, %get3A_850 : vector<16xf32>
      %mul3A_852 = arith.constant 0.0883883461 : f32
      %mul3A_853 = vector.broadcast %mul3A_852 : f32 to vector<16xf32>
      %mul3A_854 = arith.mulf %add3A_851, %mul3A_853 : vector<16xf32>
      %swap3A_855 = arith.constant 2 : i32
      %swap3A_856 = arith.index_cast %swap3A_855 : i32 to index
      %swap3A_857 = arith.constant 0 : index
      %swap3A_858 = tpu.vector_load %arg7[%swap3A_856, %swap3A_857] {strides = array<i32>} : memref<8x128xf32, #tpu.memory_space<vmem>>, vector<1x16xf32>,
      %swap3A_859 = vector.shape_cast %swap3A_858 : vector<1x16xf32> to vector<16xf32>
      %swap3A_860 = vector.shape_cast %mul3A_854 : vector<16xf32> to vector<1x16xf32>
      tpu.vector_store %arg7[%swap3A_856, %swap3A_857], %swap3A_860 {strides = array<i32>} : memref<8x128xf32, #tpu.memory_space<vmem>>, vector<1x16xf32>,
      %get3A_861 = arith.constant 14 : i32
      %get3A_862 = arith.index_cast %get3A_861 : i32 to index
      %get3A_863 = arith.constant 16 : index
      %get3A_864 = tpu.vector_load %arg6[%get3A_862, %get3A_863] {strides = array<i32>} : memref<64x128xf32, #tpu.memory_space<vmem>>, vector<1x16xf32>,
      %get3A_865 = vector.shape_cast %get3A_864 : vector<1x16xf32> to vector<16xf32>
      %get3A_866 = arith.constant 15 : i32
      %get3A_867 = arith.index_cast %get3A_866 : i32 to index
      %get3A_868 = arith.constant 16 : index
      %get3A_869 = tpu.vector_load %arg6[%get3A_867, %get3A_868] {strides = array<i32>} : memref<64x128xf32, #tpu.memory_space<vmem>>, vector<1x16xf32>,
      %get3A_870 = vector.shape_cast %get3A_869 : vector<1x16xf32> to vector<16xf32>
      %add3A_871 = arith.addf %get3A_865, %get3A_870 : vector<16xf32>
      %get3A_872 = arith.constant 16 : i32
      %get3A_873 = arith.index_cast %get3A_872 : i32 to index
      %get3A_874 = arith.constant 16 : index
      %get3A_875 = tpu.vector_load %arg6[%get3A_873, %get3A_874] {strides = array<i32>} : memref<64x128xf32, #tpu.memory_space<vmem>>, vector<1x16xf32>,
      %get3A_876 = vector.shape_cast %get3A_875 : vector<1x16xf32> to vector<16xf32>
      %add3A_877 = arith.addf %add3A_871, %get3A_876 : vector<16xf32>
      %get3A_878 = arith.constant 17 : i32
      %get3A_879 = arith.index_cast %get3A_878 : i32 to index
      %get3A_880 = arith.constant 16 : index
      %get3A_881 = tpu.vector_load %arg6[%get3A_879, %get3A_880] {strides = array<i32>} : memref<64x128xf32, #tpu.memory_space<vmem>>, vector<1x16xf32>,
      %get3A_882 = vector.shape_cast %get3A_881 : vector<1x16xf32> to vector<16xf32>
      %add3A_883 = arith.addf %add3A_877, %get3A_882 : vector<16xf32>
      %get3A_884 = arith.constant 18 : i32
      %get3A_885 = arith.index_cast %get3A_884 : i32 to index
      %get3A_886 = arith.constant 16 : index
      %get3A_887 = tpu.vector_load %arg6[%get3A_885, %get3A_886] {strides = array<i32>} : memref<64x128xf32, #tpu.memory_space<vmem>>, vector<1x16xf32>,
      %get3A_888 = vector.shape_cast %get3A_887 : vector<1x16xf32> to vector<16xf32>
      %add3A_889 = arith.addf %add3A_883, %get3A_888 : vector<16xf32>
      %get3A_890 = arith.constant 19 : i32
      %get3A_891 = arith.index_cast %get3A_890 : i32 to index
      %get3A_892 = arith.constant 16 : index
      %get3A_893 = tpu.vector_load %arg6[%get3A_891, %get3A_892] {strides = array<i32>} : memref<64x128xf32, #tpu.memory_space<vmem>>, vector<1x16xf32>,
      %get3A_894 = vector.shape_cast %get3A_893 : vector<1x16xf32> to vector<16xf32>
      %add3A_895 = arith.addf %add3A_889, %get3A_894 : vector<16xf32>
      %get3A_896 = arith.constant 20 : i32
      %get3A_897 = arith.index_cast %get3A_896 : i32 to index
      %get3A_898 = arith.constant 16 : index
      %get3A_899 = tpu.vector_load %arg6[%get3A_897, %get3A_898] {strides = array<i32>} : memref<64x128xf32, #tpu.memory_space<vmem>>, vector<1x16xf32>,
      %get3A_900 = vector.shape_cast %get3A_899 : vector<1x16xf32> to vector<16xf32>
      %add3A_901 = arith.addf %add3A_895, %get3A_900 : vector<16xf32>
      %mul3A_902 = arith.constant 0.0883883461 : f32
      %mul3A_903 = vector.broadcast %mul3A_902 : f32 to vector<16xf32>
      %mul3A_904 = arith.mulf %add3A_901, %mul3A_903 : vector<16xf32>
      %swap3A_905 = arith.constant 2 : i32
      %swap3A_906 = arith.index_cast %swap3A_905 : i32 to index
      %swap3A_907 = arith.constant 16 : index
      %swap3A_908 = tpu.vector_load %arg7[%swap3A_906, %swap3A_907] {strides = array<i32>} : memref<8x128xf32, #tpu.memory_space<vmem>>, vector<1x16xf32>,
      %swap3A_909 = vector.shape_cast %swap3A_908 : vector<1x16xf32> to vector<16xf32>
      %swap3A_910 = vector.shape_cast %mul3A_904 : vector<16xf32> to vector<1x16xf32>
      tpu.vector_store %arg7[%swap3A_906, %swap3A_907], %swap3A_910 {strides = array<i32>} : memref<8x128xf32, #tpu.memory_space<vmem>>, vector<1x16xf32>,
      %get3A_911 = arith.constant 14 : i32
      %get3A_912 = arith.index_cast %get3A_911 : i32 to index
      %get3A_913 = arith.constant 32 : index
      %get3A_914 = tpu.vector_load %arg6[%get3A_912, %get3A_913] {strides = array<i32>} : memref<64x128xf32, #tpu.memory_space<vmem>>, vector<1x16xf32>,
      %get3A_915 = vector.shape_cast %get3A_914 : vector<1x16xf32> to vector<16xf32>
      %get3A_916 = arith.constant 15 : i32
      %get3A_917 = arith.index_cast %get3A_916 : i32 to index
      %get3A_918 = arith.constant 32 : index
      %get3A_919 = tpu.vector_load %arg6[%get3A_917, %get3A_918] {strides = array<i32>} : memref<64x128xf32, #tpu.memory_space<vmem>>, vector<1x16xf32>,
      %get3A_920 = vector.shape_cast %get3A_919 : vector<1x16xf32> to vector<16xf32>
      %add3A_921 = arith.addf %get3A_915, %get3A_920 : vector<16xf32>
      %get3A_922 = arith.constant 16 : i32
      %get3A_923 = arith.index_cast %get3A_922 : i32 to index
      %get3A_924 = arith.constant 32 : index
      %get3A_925 = tpu.vector_load %arg6[%get3A_923, %get3A_924] {strides = array<i32>} : memref<64x128xf32, #tpu.memory_space<vmem>>, vector<1x16xf32>,
      %get3A_926 = vector.shape_cast %get3A_925 : vector<1x16xf32> to vector<16xf32>
      %add3A_927 = arith.addf %add3A_921, %get3A_926 : vector<16xf32>
      %get3A_928 = arith.constant 17 : i32
      %get3A_929 = arith.index_cast %get3A_928 : i32 to index
      %get3A_930 = arith.constant 32 : index
      %get3A_931 = tpu.vector_load %arg6[%get3A_929, %get3A_930] {strides = array<i32>} : memref<64x128xf32, #tpu.memory_space<vmem>>, vector<1x16xf32>,
      %get3A_932 = vector.shape_cast %get3A_931 : vector<1x16xf32> to vector<16xf32>
      %add3A_933 = arith.addf %add3A_927, %get3A_932 : vector<16xf32>
      %get3A_934 = arith.constant 18 : i32
      %get3A_935 = arith.index_cast %get3A_934 : i32 to index
      %get3A_936 = arith.constant 32 : index
      %get3A_937 = tpu.vector_load %arg6[%get3A_935, %get3A_936] {strides = array<i32>} : memref<64x128xf32, #tpu.memory_space<vmem>>, vector<1x16xf32>,
      %get3A_938 = vector.shape_cast %get3A_937 : vector<1x16xf32> to vector<16xf32>
      %add3A_939 = arith.addf %add3A_933, %get3A_938 : vector<16xf32>
      %get3A_940 = arith.constant 19 : i32
      %get3A_941 = arith.index_cast %get3A_940 : i32 to index
      %get3A_942 = arith.constant 32 : index
      %get3A_943 = tpu.vector_load %arg6[%get3A_941, %get3A_942] {strides = array<i32>} : memref<64x128xf32, #tpu.memory_space<vmem>>, vector<1x16xf32>,
      %get3A_944 = vector.shape_cast %get3A_943 : vector<1x16xf32> to vector<16xf32>
      %add3A_945 = arith.addf %add3A_939, %get3A_944 : vector<16xf32>
      %get3A_946 = arith.constant 20 : i32
      %get3A_947 = arith.index_cast %get3A_946 : i32 to index
      %get3A_948 = arith.constant 32 : index
      %get3A_949 = tpu.vector_load %arg6[%get3A_947, %get3A_948] {strides = array<i32>} : memref<64x128xf32, #tpu.memory_space<vmem>>, vector<1x16xf32>,
      %get3A_950 = vector.shape_cast %get3A_949 : vector<1x16xf32> to vector<16xf32>
      %add3A_951 = arith.addf %add3A_945, %get3A_950 : vector<16xf32>
      %mul3A_952 = arith.constant 0.0883883461 : f32
      %mul3A_953 = vector.broadcast %mul3A_952 : f32 to vector<16xf32>
      %mul3A_954 = arith.mulf %add3A_951, %mul3A_953 : vector<16xf32>
      %swap3A_955 = arith.constant 2 : i32
      %swap3A_956 = arith.index_cast %swap3A_955 : i32 to index
      %swap3A_957 = arith.constant 32 : index
      %swap3A_958 = tpu.vector_load %arg7[%swap3A_956, %swap3A_957] {strides = array<i32>} : memref<8x128xf32, #tpu.memory_space<vmem>>, vector<1x16xf32>,
      %swap3A_959 = vector.shape_cast %swap3A_958 : vector<1x16xf32> to vector<16xf32>
      %swap3A_960 = vector.shape_cast %mul3A_954 : vector<16xf32> to vector<1x16xf32>
      tpu.vector_store %arg7[%swap3A_956, %swap3A_957], %swap3A_960 {strides = array<i32>} : memref<8x128xf32, #tpu.memory_space<vmem>>, vector<1x16xf32>,
      %get3A_961 = arith.constant 14 : i32
      %get3A_962 = arith.index_cast %get3A_961 : i32 to index
      %get3A_963 = arith.constant 48 : index
      %get3A_964 = tpu.vector_load %arg6[%get3A_962, %get3A_963] {strides = array<i32>} : memref<64x128xf32, #tpu.memory_space<vmem>>, vector<1x16xf32>,
      %get3A_965 = vector.shape_cast %get3A_964 : vector<1x16xf32> to vector<16xf32>
      %get3A_966 = arith.constant 15 : i32
      %get3A_967 = arith.index_cast %get3A_966 : i32 to index
      %get3A_968 = arith.constant 48 : index
      %get3A_969 = tpu.vector_load %arg6[%get3A_967, %get3A_968] {strides = array<i32>} : memref<64x128xf32, #tpu.memory_space<vmem>>, vector<1x16xf32>,
      %get3A_970 = vector.shape_cast %get3A_969 : vector<1x16xf32> to vector<16xf32>
      %add3A_971 = arith.addf %get3A_965, %get3A_970 : vector<16xf32>
      %get3A_972 = arith.constant 16 : i32
      %get3A_973 = arith.index_cast %get3A_972 : i32 to index
      %get3A_974 = arith.constant 48 : index
      %get3A_975 = tpu.vector_load %arg6[%get3A_973, %get3A_974] {strides = array<i32>} : memref<64x128xf32, #tpu.memory_space<vmem>>, vector<1x16xf32>,
      %get3A_976 = vector.shape_cast %get3A_975 : vector<1x16xf32> to vector<16xf32>
      %add3A_977 = arith.addf %add3A_971, %get3A_976 : vector<16xf32>
      %get3A_978 = arith.constant 17 : i32
      %get3A_979 = arith.index_cast %get3A_978 : i32 to index
      %get3A_980 = arith.constant 48 : index
      %get3A_981 = tpu.vector_load %arg6[%get3A_979, %get3A_980] {strides = array<i32>} : memref<64x128xf32, #tpu.memory_space<vmem>>, vector<1x16xf32>,
      %get3A_982 = vector.shape_cast %get3A_981 : vector<1x16xf32> to vector<16xf32>
      %add3A_983 = arith.addf %add3A_977, %get3A_982 : vector<16xf32>
      %get3A_984 = arith.constant 18 : i32
      %get3A_985 = arith.index_cast %get3A_984 : i32 to index
      %get3A_986 = arith.constant 48 : index
      %get3A_987 = tpu.vector_load %arg6[%get3A_985, %get3A_986] {strides = array<i32>} : memref<64x128xf32, #tpu.memory_space<vmem>>, vector<1x16xf32>,
      %get3A_988 = vector.shape_cast %get3A_987 : vector<1x16xf32> to vector<16xf32>
      %add3A_989 = arith.addf %add3A_983, %get3A_988 : vector<16xf32>
      %get3A_990 = arith.constant 19 : i32
      %get3A_991 = arith.index_cast %get3A_990 : i32 to index
      %get3A_992 = arith.constant 48 : index
      %get3A_993 = tpu.vector_load %arg6[%get3A_991, %get3A_992] {strides = array<i32>} : memref<64x128xf32, #tpu.memory_space<vmem>>, vector<1x16xf32>,
      %get3A_994 = vector.shape_cast %get3A_993 : vector<1x16xf32> to vector<16xf32>
      %add3A_995 = arith.addf %add3A_989, %get3A_994 : vector<16xf32>
      %get3A_996 = arith.constant 20 : i32
      %get3A_997 = arith.index_cast %get3A_996 : i32 to index
      %get3A_998 = arith.constant 48 : index
      %get3A_999 = tpu.vector_load %arg6[%get3A_997, %get3A_998] {strides = array<i32>} : memref<64x128xf32, #tpu.memory_space<vmem>>, vector<1x16xf32>,
      %get3A_1000 = vector.shape_cast %get3A_999 : vector<1x16xf32> to vector<16xf32>
      %add3A_1001 = arith.addf %add3A_995, %get3A_1000 : vector<16xf32>
      %mul3A_1002 = arith.constant 0.0883883461 : f32
      %mul3A_1003 = vector.broadcast %mul3A_1002 : f32 to vector<16xf32>
      %mul3A_1004 = arith.mulf %add3A_1001, %mul3A_1003 : vector<16xf32>
      %swap3A_1005 = arith.constant 2 : i32
      %swap3A_1006 = arith.index_cast %swap3A_1005 : i32 to index
      %swap3A_1007 = arith.constant 48 : index
      %swap3A_1008 = tpu.vector_load %arg7[%swap3A_1006, %swap3A_1007] {strides = array<i32>} : memref<8x128xf32, #tpu.memory_space<vmem>>, vector<1x16xf32>,
      %swap3A_1009 = vector.shape_cast %swap3A_1008 : vector<1x16xf32> to vector<16xf32>
      %swap3A_1010 = vector.shape_cast %mul3A_1004 : vector<16xf32> to vector<1x16xf32>
      tpu.vector_store %arg7[%swap3A_1006, %swap3A_1007], %swap3A_1010 {strides = array<i32>} : memref<8x128xf32, #tpu.memory_space<vmem>>, vector<1x16xf32>,
      %get3A_1011 = arith.constant 14 : i32
      %get3A_1012 = arith.index_cast %get3A_1011 : i32 to index
      %get3A_1013 = arith.constant 64 : index
      %get3A_1014 = tpu.vector_load %arg6[%get3A_1012, %get3A_1013] {strides = array<i32>} : memref<64x128xf32, #tpu.memory_space<vmem>>, vector<1x16xf32>,
      %get3A_1015 = vector.shape_cast %get3A_1014 : vector<1x16xf32> to vector<16xf32>
      %get3A_1016 = arith.constant 15 : i32
      %get3A_1017 = arith.index_cast %get3A_1016 : i32 to index
      %get3A_1018 = arith.constant 64 : index
      %get3A_1019 = tpu.vector_load %arg6[%get3A_1017, %get3A_1018] {strides = array<i32>} : memref<64x128xf32, #tpu.memory_space<vmem>>, vector<1x16xf32>,
      %get3A_1020 = vector.shape_cast %get3A_1019 : vector<1x16xf32> to vector<16xf32>
      %add3A_1021 = arith.addf %get3A_1015, %get3A_1020 : vector<16xf32>
      %get3A_1022 = arith.constant 16 : i32
      %get3A_1023 = arith.index_cast %get3A_1022 : i32 to index
      %get3A_1024 = arith.constant 64 : index
      %get3A_1025 = tpu.vector_load %arg6[%get3A_1023, %get3A_1024] {strides = array<i32>} : memref<64x128xf32, #tpu.memory_space<vmem>>, vector<1x16xf32>,
      %get3A_1026 = vector.shape_cast %get3A_1025 : vector<1x16xf32> to vector<16xf32>
      %add3A_1027 = arith.addf %add3A_1021, %get3A_1026 : vector<16xf32>
      %get3A_1028 = arith.constant 17 : i32
      %get3A_1029 = arith.index_cast %get3A_1028 : i32 to index
      %get3A_1030 = arith.constant 64 : index
      %get3A_1031 = tpu.vector_load %arg6[%get3A_1029, %get3A_1030] {strides = array<i32>} : memref<64x128xf32, #tpu.memory_space<vmem>>, vector<1x16xf32>,
      %get3A_1032 = vector.shape_cast %get3A_1031 : vector<1x16xf32> to vector<16xf32>
      %add3A_1033 = arith.addf %add3A_1027, %get3A_1032 : vector<16xf32>
      %get3A_1034 = arith.constant 18 : i32
      %get3A_1035 = arith.index_cast %get3A_1034 : i32 to index
      %get3A_1036 = arith.constant 64 : index
      %get3A_1037 = tpu.vector_load %arg6[%get3A_1035, %get3A_1036] {strides = array<i32>} : memref<64x128xf32, #tpu.memory_space<vmem>>, vector<1x16xf32>,
      %get3A_1038 = vector.shape_cast %get3A_1037 : vector<1x16xf32> to vector<16xf32>
      %add3A_1039 = arith.addf %add3A_1033, %get3A_1038 : vector<16xf32>
      %get3A_1040 = arith.constant 19 : i32
      %get3A_1041 = arith.index_cast %get3A_1040 : i32 to index
      %get3A_1042 = arith.constant 64 : index
      %get3A_1043 = tpu.vector_load %arg6[%get3A_1041, %get3A_1042] {strides = array<i32>} : memref<64x128xf32, #tpu.memory_space<vmem>>, vector<1x16xf32>,
      %get3A_1044 = vector.shape_cast %get3A_1043 : vector<1x16xf32> to vector<16xf32>
      %add3A_1045 = arith.addf %add3A_1039, %get3A_1044 : vector<16xf32>
      %get3A_1046 = arith.constant 20 : i32
      %get3A_1047 = arith.index_cast %get3A_1046 : i32 to index
      %get3A_1048 = arith.constant 64 : index
      %get3A_1049 = tpu.vector_load %arg6[%get3A_1047, %get3A_1048] {strides = array<i32>} : memref<64x128xf32, #tpu.memory_space<vmem>>, vector<1x16xf32>,
      %get3A_1050 = vector.shape_cast %get3A_1049 : vector<1x16xf32> to vector<16xf32>
      %add3A_1051 = arith.addf %add3A_1045, %get3A_1050 : vector<16xf32>
      %mul3A_1052 = arith.constant 0.0883883461 : f32
      %mul3A_1053 = vector.broadcast %mul3A_1052 : f32 to vector<16xf32>
      %mul3A_1054 = arith.mulf %add3A_1051, %mul3A_1053 : vector<16xf32>
      %swap3A_1055 = arith.constant 2 : i32
      %swap3A_1056 = arith.index_cast %swap3A_1055 : i32 to index
      %swap3A_1057 = arith.constant 64 : index
      %swap3A_1058 = tpu.vector_load %arg7[%swap3A_1056, %swap3A_1057] {strides = array<i32>} : memref<8x128xf32, #tpu.memory_space<vmem>>, vector<1x16xf32>,
      %swap3A_1059 = vector.shape_cast %swap3A_1058 : vector<1x16xf32> to vector<16xf32>
      %swap3A_1060 = vector.shape_cast %mul3A_1054 : vector<16xf32> to vector<1x16xf32>
      tpu.vector_store %arg7[%swap3A_1056, %swap3A_1057], %swap3A_1060 {strides = array<i32>} : memref<8x128xf32, #tpu.memory_space<vmem>>, vector<1x16xf32>,
      %get3A_1061 = arith.constant 14 : i32
      %get3A_1062 = arith.index_cast %get3A_1061 : i32 to index
      %get3A_1063 = arith.constant 80 : index
      %get3A_1064 = tpu.vector_load %arg6[%get3A_1062, %get3A_1063] {strides = array<i32>} : memref<64x128xf32, #tpu.memory_space<vmem>>, vector<1x16xf32>,
      %get3A_1065 = vector.shape_cast %get3A_1064 : vector<1x16xf32> to vector<16xf32>
      %get3A_1066 = arith.constant 15 : i32
      %get3A_1067 = arith.index_cast %get3A_1066 : i32 to index
      %get3A_1068 = arith.constant 80 : index
      %get3A_1069 = tpu.vector_load %arg6[%get3A_1067, %get3A_1068] {strides = array<i32>} : memref<64x128xf32, #tpu.memory_space<vmem>>, vector<1x16xf32>,
      %get3A_1070 = vector.shape_cast %get3A_1069 : vector<1x16xf32> to vector<16xf32>
      %add3A_1071 = arith.addf %get3A_1065, %get3A_1070 : vector<16xf32>
      %get3A_1072 = arith.constant 16 : i32
      %get3A_1073 = arith.index_cast %get3A_1072 : i32 to index
      %get3A_1074 = arith.constant 80 : index
      %get3A_1075 = tpu.vector_load %arg6[%get3A_1073, %get3A_1074] {strides = array<i32>} : memref<64x128xf32, #tpu.memory_space<vmem>>, vector<1x16xf32>,
      %get3A_1076 = vector.shape_cast %get3A_1075 : vector<1x16xf32> to vector<16xf32>
      %add3A_1077 = arith.addf %add3A_1071, %get3A_1076 : vector<16xf32>
      %get3A_1078 = arith.constant 17 : i32
      %get3A_1079 = arith.index_cast %get3A_1078 : i32 to index
      %get3A_1080 = arith.constant 80 : index
      %get3A_1081 = tpu.vector_load %arg6[%get3A_1079, %get3A_1080] {strides = array<i32>} : memref<64x128xf32, #tpu.memory_space<vmem>>, vector<1x16xf32>,
      %get3A_1082 = vector.shape_cast %get3A_1081 : vector<1x16xf32> to vector<16xf32>
      %add3A_1083 = arith.addf %add3A_1077, %get3A_1082 : vector<16xf32>
      %get3A_1084 = arith.constant 18 : i32
      %get3A_1085 = arith.index_cast %get3A_1084 : i32 to index
      %get3A_1086 = arith.constant 80 : index
      %get3A_1087 = tpu.vector_load %arg6[%get3A_1085, %get3A_1086] {strides = array<i32>} : memref<64x128xf32, #tpu.memory_space<vmem>>, vector<1x16xf32>,
      %get3A_1088 = vector.shape_cast %get3A_1087 : vector<1x16xf32> to vector<16xf32>
      %add3A_1089 = arith.addf %add3A_1083, %get3A_1088 : vector<16xf32>
      %get3A_1090 = arith.constant 19 : i32
      %get3A_1091 = arith.index_cast %get3A_1090 : i32 to index
      %get3A_1092 = arith.constant 80 : index
      %get3A_1093 = tpu.vector_load %arg6[%get3A_1091, %get3A_1092] {strides = array<i32>} : memref<64x128xf32, #tpu.memory_space<vmem>>, vector<1x16xf32>,
      %get3A_1094 = vector.shape_cast %get3A_1093 : vector<1x16xf32> to vector<16xf32>
      %add3A_1095 = arith.addf %add3A_1089, %get3A_1094 : vector<16xf32>
      %get3A_1096 = arith.constant 20 : i32
      %get3A_1097 = arith.index_cast %get3A_1096 : i32 to index
      %get3A_1098 = arith.constant 80 : index
      %get3A_1099 = tpu.vector_load %arg6[%get3A_1097, %get3A_1098] {strides = array<i32>} : memref<64x128xf32, #tpu.memory_space<vmem>>, vector<1x16xf32>,
      %get3A_1100 = vector.shape_cast %get3A_1099 : vector<1x16xf32> to vector<16xf32>
      %add3A_1101 = arith.addf %add3A_1095, %get3A_1100 : vector<16xf32>
      %mul3A_1102 = arith.constant 0.0883883461 : f32
      %mul3A_1103 = vector.broadcast %mul3A_1102 : f32 to vector<16xf32>
      %mul3A_1104 = arith.mulf %add3A_1101, %mul3A_1103 : vector<16xf32>
      %swap3A_1105 = arith.constant 2 : i32
      %swap3A_1106 = arith.index_cast %swap3A_1105 : i32 to index
      %swap3A_1107 = arith.constant 80 : index
      %swap3A_1108 = tpu.vector_load %arg7[%swap3A_1106, %swap3A_1107] {strides = array<i32>} : memref<8x128xf32, #tpu.memory_space<vmem>>, vector<1x16xf32>,
      %swap3A_1109 = vector.shape_cast %swap3A_1108 : vector<1x16xf32> to vector<16xf32>
      %swap3A_1110 = vector.shape_cast %mul3A_1104 : vector<16xf32> to vector<1x16xf32>
      tpu.vector_store %arg7[%swap3A_1106, %swap3A_1107], %swap3A_1110 {strides = array<i32>} : memref<8x128xf32, #tpu.memory_space<vmem>>, vector<1x16xf32>,
      %get3A_1111 = arith.constant 14 : i32
      %get3A_1112 = arith.index_cast %get3A_1111 : i32 to index
      %get3A_1113 = arith.constant 96 : index
      %get3A_1114 = tpu.vector_load %arg6[%get3A_1112, %get3A_1113] {strides = array<i32>} : memref<64x128xf32, #tpu.memory_space<vmem>>, vector<1x16xf32>,
      %get3A_1115 = vector.shape_cast %get3A_1114 : vector<1x16xf32> to vector<16xf32>
      %get3A_1116 = arith.constant 15 : i32
      %get3A_1117 = arith.index_cast %get3A_1116 : i32 to index
      %get3A_1118 = arith.constant 96 : index
      %get3A_1119 = tpu.vector_load %arg6[%get3A_1117, %get3A_1118] {strides = array<i32>} : memref<64x128xf32, #tpu.memory_space<vmem>>, vector<1x16xf32>,
      %get3A_1120 = vector.shape_cast %get3A_1119 : vector<1x16xf32> to vector<16xf32>
      %add3A_1121 = arith.addf %get3A_1115, %get3A_1120 : vector<16xf32>
      %get3A_1122 = arith.constant 16 : i32
      %get3A_1123 = arith.index_cast %get3A_1122 : i32 to index
      %get3A_1124 = arith.constant 96 : index
      %get3A_1125 = tpu.vector_load %arg6[%get3A_1123, %get3A_1124] {strides = array<i32>} : memref<64x128xf32, #tpu.memory_space<vmem>>, vector<1x16xf32>,
      %get3A_1126 = vector.shape_cast %get3A_1125 : vector<1x16xf32> to vector<16xf32>
      %add3A_1127 = arith.addf %add3A_1121, %get3A_1126 : vector<16xf32>
      %get3A_1128 = arith.constant 17 : i32
      %get3A_1129 = arith.index_cast %get3A_1128 : i32 to index
      %get3A_1130 = arith.constant 96 : index
      %get3A_1131 = tpu.vector_load %arg6[%get3A_1129, %get3A_1130] {strides = array<i32>} : memref<64x128xf32, #tpu.memory_space<vmem>>, vector<1x16xf32>,
      %get3A_1132 = vector.shape_cast %get3A_1131 : vector<1x16xf32> to vector<16xf32>
      %add3A_1133 = arith.addf %add3A_1127, %get3A_1132 : vector<16xf32>
      %get3A_1134 = arith.constant 18 : i32
      %get3A_1135 = arith.index_cast %get3A_1134 : i32 to index
      %get3A_1136 = arith.constant 96 : index
      %get3A_1137 = tpu.vector_load %arg6[%get3A_1135, %get3A_1136] {strides = array<i32>} : memref<64x128xf32, #tpu.memory_space<vmem>>, vector<1x16xf32>,
      %get3A_1138 = vector.shape_cast %get3A_1137 : vector<1x16xf32> to vector<16xf32>
      %add3A_1139 = arith.addf %add3A_1133, %get3A_1138 : vector<16xf32>
      %get3A_1140 = arith.constant 19 : i32
      %get3A_1141 = arith.index_cast %get3A_1140 : i32 to index
      %get3A_1142 = arith.constant 96 : index
      %get3A_1143 = tpu.vector_load %arg6[%get3A_1141, %get3A_1142] {strides = array<i32>} : memref<64x128xf32, #tpu.memory_space<vmem>>, vector<1x16xf32>,
      %get3A_1144 = vector.shape_cast %get3A_1143 : vector<1x16xf32> to vector<16xf32>
      %add3A_1145 = arith.addf %add3A_1139, %get3A_1144 : vector<16xf32>
      %get3A_1146 = arith.constant 20 : i32
      %get3A_1147 = arith.index_cast %get3A_1146 : i32 to index
      %get3A_1148 = arith.constant 96 : index
      %get3A_1149 = tpu.vector_load %arg6[%get3A_1147, %get3A_1148] {strides = array<i32>} : memref<64x128xf32, #tpu.memory_space<vmem>>, vector<1x16xf32>,
      %get3A_1150 = vector.shape_cast %get3A_1149 : vector<1x16xf32> to vector<16xf32>
      %add3A_1151 = arith.addf %add3A_1145, %get3A_1150 : vector<16xf32>
      %mul3A_1152 = arith.constant 0.0883883461 : f32
      %mul3A_1153 = vector.broadcast %mul3A_1152 : f32 to vector<16xf32>
      %mul3A_1154 = arith.mulf %add3A_1151, %mul3A_1153 : vector<16xf32>
      %swap3A_1155 = arith.constant 2 : i32
      %swap3A_1156 = arith.index_cast %swap3A_1155 : i32 to index
      %swap3A_1157 = arith.constant 96 : index
      %swap3A_1158 = tpu.vector_load %arg7[%swap3A_1156, %swap3A_1157] {strides = array<i32>} : memref<8x128xf32, #tpu.memory_space<vmem>>, vector<1x16xf32>,
      %swap3A_1159 = vector.shape_cast %swap3A_1158 : vector<1x16xf32> to vector<16xf32>
      %swap3A_1160 = vector.shape_cast %mul3A_1154 : vector<16xf32> to vector<1x16xf32>
      tpu.vector_store %arg7[%swap3A_1156, %swap3A_1157], %swap3A_1160 {strides = array<i32>} : memref<8x128xf32, #tpu.memory_space<vmem>>, vector<1x16xf32>,
      %get3A_1161 = arith.constant 14 : i32
      %get3A_1162 = arith.index_cast %get3A_1161 : i32 to index
      %get3A_1163 = arith.constant 112 : index
      %get3A_1164 = tpu.vector_load %arg6[%get3A_1162, %get3A_1163] {strides = array<i32>} : memref<64x128xf32, #tpu.memory_space<vmem>>, vector<1x16xf32>,
      %get3A_1165 = vector.shape_cast %get3A_1164 : vector<1x16xf32> to vector<16xf32>
      %get3A_1166 = arith.constant 15 : i32
      %get3A_1167 = arith.index_cast %get3A_1166 : i32 to index
      %get3A_1168 = arith.constant 112 : index
      %get3A_1169 = tpu.vector_load %arg6[%get3A_1167, %get3A_1168] {strides = array<i32>} : memref<64x128xf32, #tpu.memory_space<vmem>>, vector<1x16xf32>,
      %get3A_1170 = vector.shape_cast %get3A_1169 : vector<1x16xf32> to vector<16xf32>
      %add3A_1171 = arith.addf %get3A_1165, %get3A_1170 : vector<16xf32>
      %get3A_1172 = arith.constant 16 : i32
      %get3A_1173 = arith.index_cast %get3A_1172 : i32 to index
      %get3A_1174 = arith.constant 112 : index
      %get3A_1175 = tpu.vector_load %arg6[%get3A_1173, %get3A_1174] {strides = array<i32>} : memref<64x128xf32, #tpu.memory_space<vmem>>, vector<1x16xf32>,
      %get3A_1176 = vector.shape_cast %get3A_1175 : vector<1x16xf32> to vector<16xf32>
      %add3A_1177 = arith.addf %add3A_1171, %get3A_1176 : vector<16xf32>
      %get3A_1178 = arith.constant 17 : i32
      %get3A_1179 = arith.index_cast %get3A_1178 : i32 to index
      %get3A_1180 = arith.constant 112 : index
      %get3A_1181 = tpu.vector_load %arg6[%get3A_1179, %get3A_1180] {strides = array<i32>} : memref<64x128xf32, #tpu.memory_space<vmem>>, vector<1x16xf32>,
      %get3A_1182 = vector.shape_cast %get3A_1181 : vector<1x16xf32> to vector<16xf32>
      %add3A_1183 = arith.addf %add3A_1177, %get3A_1182 : vector<16xf32>
      %get3A_1184 = arith.constant 18 : i32
      %get3A_1185 = arith.index_cast %get3A_1184 : i32 to index
      %get3A_1186 = arith.constant 112 : index
      %get3A_1187 = tpu.vector_load %arg6[%get3A_1185, %get3A_1186] {strides = array<i32>} : memref<64x128xf32, #tpu.memory_space<vmem>>, vector<1x16xf32>,
      %get3A_1188 = vector.shape_cast %get3A_1187 : vector<1x16xf32> to vector<16xf32>
      %add3A_1189 = arith.addf %add3A_1183, %get3A_1188 : vector<16xf32>
      %get3A_1190 = arith.constant 19 : i32
      %get3A_1191 = arith.index_cast %get3A_1190 : i32 to index
      %get3A_1192 = arith.constant 112 : index
      %get3A_1193 = tpu.vector_load %arg6[%get3A_1191, %get3A_1192] {strides = array<i32>} : memref<64x128xf32, #tpu.memory_space<vmem>>, vector<1x16xf32>,
      %get3A_1194 = vector.shape_cast %get3A_1193 : vector<1x16xf32> to vector<16xf32>
      %add3A_1195 = arith.addf %add3A_1189, %get3A_1194 : vector<16xf32>
      %get3A_1196 = arith.constant 20 : i32
      %get3A_1197 = arith.index_cast %get3A_1196 : i32 to index
      %get3A_1198 = arith.constant 112 : index
      %get3A_1199 = tpu.vector_load %arg6[%get3A_1197, %get3A_1198] {strides = array<i32>} : memref<64x128xf32, #tpu.memory_space<vmem>>, vector<1x16xf32>,
      %get3A_1200 = vector.shape_cast %get3A_1199 : vector<1x16xf32> to vector<16xf32>
      %add3A_1201 = arith.addf %add3A_1195, %get3A_1200 : vector<16xf32>
      %mul3A_1202 = arith.constant 0.0883883461 : f32
      %mul3A_1203 = vector.broadcast %mul3A_1202 : f32 to vector<16xf32>
      %mul3A_1204 = arith.mulf %add3A_1201, %mul3A_1203 : vector<16xf32>
      %swap3A_1205 = arith.constant 2 : i32
      %swap3A_1206 = arith.index_cast %swap3A_1205 : i32 to index
      %swap3A_1207 = arith.constant 112 : index
      %swap3A_1208 = tpu.vector_load %arg7[%swap3A_1206, %swap3A_1207] {strides = array<i32>} : memref<8x128xf32, #tpu.memory_space<vmem>>, vector<1x16xf32>,
      %swap3A_1209 = vector.shape_cast %swap3A_1208 : vector<1x16xf32> to vector<16xf32>
      %swap3A_1210 = vector.shape_cast %mul3A_1204 : vector<16xf32> to vector<1x16xf32>
      tpu.vector_store %arg7[%swap3A_1206, %swap3A_1207], %swap3A_1210 {strides = array<i32>} : memref<8x128xf32, #tpu.memory_space<vmem>>, vector<1x16xf32>,
      %get3A_1211 = arith.constant 21 : i32
      %get3A_1212 = arith.index_cast %get3A_1211 : i32 to index
      %get3A_1213 = arith.constant 0 : index
      %get3A_1214 = tpu.vector_load %arg6[%get3A_1212, %get3A_1213] {strides = array<i32>} : memref<64x128xf32, #tpu.memory_space<vmem>>, vector<1x16xf32>,
      %get3A_1215 = vector.shape_cast %get3A_1214 : vector<1x16xf32> to vector<16xf32>
      %get3A_1216 = arith.constant 22 : i32
      %get3A_1217 = arith.index_cast %get3A_1216 : i32 to index
      %get3A_1218 = arith.constant 0 : index
      %get3A_1219 = tpu.vector_load %arg6[%get3A_1217, %get3A_1218] {strides = array<i32>} : memref<64x128xf32, #tpu.memory_space<vmem>>, vector<1x16xf32>,
      %get3A_1220 = vector.shape_cast %get3A_1219 : vector<1x16xf32> to vector<16xf32>
      %add3A_1221 = arith.addf %get3A_1215, %get3A_1220 : vector<16xf32>
      %get3A_1222 = arith.constant 23 : i32
      %get3A_1223 = arith.index_cast %get3A_1222 : i32 to index
      %get3A_1224 = arith.constant 0 : index
      %get3A_1225 = tpu.vector_load %arg6[%get3A_1223, %get3A_1224] {strides = array<i32>} : memref<64x128xf32, #tpu.memory_space<vmem>>, vector<1x16xf32>,
      %get3A_1226 = vector.shape_cast %get3A_1225 : vector<1x16xf32> to vector<16xf32>
      %add3A_1227 = arith.addf %add3A_1221, %get3A_1226 : vector<16xf32>
      %get3A_1228 = arith.constant 24 : i32
      %get3A_1229 = arith.index_cast %get3A_1228 : i32 to index
      %get3A_1230 = arith.constant 0 : index
      %get3A_1231 = tpu.vector_load %arg6[%get3A_1229, %get3A_1230] {strides = array<i32>} : memref<64x128xf32, #tpu.memory_space<vmem>>, vector<1x16xf32>,
      %get3A_1232 = vector.shape_cast %get3A_1231 : vector<1x16xf32> to vector<16xf32>
      %add3A_1233 = arith.addf %add3A_1227, %get3A_1232 : vector<16xf32>
      %get3A_1234 = arith.constant 25 : i32
      %get3A_1235 = arith.index_cast %get3A_1234 : i32 to index
      %get3A_1236 = arith.constant 0 : index
      %get3A_1237 = tpu.vector_load %arg6[%get3A_1235, %get3A_1236] {strides = array<i32>} : memref<64x128xf32, #tpu.memory_space<vmem>>, vector<1x16xf32>,
      %get3A_1238 = vector.shape_cast %get3A_1237 : vector<1x16xf32> to vector<16xf32>
      %add3A_1239 = arith.addf %add3A_1233, %get3A_1238 : vector<16xf32>
      %get3A_1240 = arith.constant 26 : i32
      %get3A_1241 = arith.index_cast %get3A_1240 : i32 to index
      %get3A_1242 = arith.constant 0 : index
      %get3A_1243 = tpu.vector_load %arg6[%get3A_1241, %get3A_1242] {strides = array<i32>} : memref<64x128xf32, #tpu.memory_space<vmem>>, vector<1x16xf32>,
      %get3A_1244 = vector.shape_cast %get3A_1243 : vector<1x16xf32> to vector<16xf32>
      %add3A_1245 = arith.addf %add3A_1239, %get3A_1244 : vector<16xf32>
      %get3A_1246 = arith.constant 27 : i32
      %get3A_1247 = arith.index_cast %get3A_1246 : i32 to index
      %get3A_1248 = arith.constant 0 : index
      %get3A_1249 = tpu.vector_load %arg6[%get3A_1247, %get3A_1248] {strides = array<i32>} : memref<64x128xf32, #tpu.memory_space<vmem>>, vector<1x16xf32>,
      %get3A_1250 = vector.shape_cast %get3A_1249 : vector<1x16xf32> to vector<16xf32>
      %add3A_1251 = arith.addf %add3A_1245, %get3A_1250 : vector<16xf32>
      %mul3A_1252 = arith.constant 0.0883883461 : f32
      %mul3A_1253 = vector.broadcast %mul3A_1252 : f32 to vector<16xf32>
      %mul3A_1254 = arith.mulf %add3A_1251, %mul3A_1253 : vector<16xf32>
      %swap3A_1255 = arith.constant 3 : i32
      %swap3A_1256 = arith.index_cast %swap3A_1255 : i32 to index
      %swap3A_1257 = arith.constant 0 : index
      %swap3A_1258 = tpu.vector_load %arg7[%swap3A_1256, %swap3A_1257] {strides = array<i32>} : memref<8x128xf32, #tpu.memory_space<vmem>>, vector<1x16xf32>,
      %swap3A_1259 = vector.shape_cast %swap3A_1258 : vector<1x16xf32> to vector<16xf32>
      %swap3A_1260 = vector.shape_cast %mul3A_1254 : vector<16xf32> to vector<1x16xf32>
      tpu.vector_store %arg7[%swap3A_1256, %swap3A_1257], %swap3A_1260 {strides = array<i32>} : memref<8x128xf32, #tpu.memory_space<vmem>>, vector<1x16xf32>,
      %get3A_1261 = arith.constant 21 : i32
      %get3A_1262 = arith.index_cast %get3A_1261 : i32 to index
      %get3A_1263 = arith.constant 16 : index
      %get3A_1264 = tpu.vector_load %arg6[%get3A_1262, %get3A_1263] {strides = array<i32>} : memref<64x128xf32, #tpu.memory_space<vmem>>, vector<1x16xf32>,
      %get3A_1265 = vector.shape_cast %get3A_1264 : vector<1x16xf32> to vector<16xf32>
      %get3A_1266 = arith.constant 22 : i32
      %get3A_1267 = arith.index_cast %get3A_1266 : i32 to index
      %get3A_1268 = arith.constant 16 : index
      %get3A_1269 = tpu.vector_load %arg6[%get3A_1267, %get3A_1268] {strides = array<i32>} : memref<64x128xf32, #tpu.memory_space<vmem>>, vector<1x16xf32>,
      %get3A_1270 = vector.shape_cast %get3A_1269 : vector<1x16xf32> to vector<16xf32>
      %add3A_1271 = arith.addf %get3A_1265, %get3A_1270 : vector<16xf32>
      %get3A_1272 = arith.constant 23 : i32
      %get3A_1273 = arith.index_cast %get3A_1272 : i32 to index
      %get3A_1274 = arith.constant 16 : index
      %get3A_1275 = tpu.vector_load %arg6[%get3A_1273, %get3A_1274] {strides = array<i32>} : memref<64x128xf32, #tpu.memory_space<vmem>>, vector<1x16xf32>,
      %get3A_1276 = vector.shape_cast %get3A_1275 : vector<1x16xf32> to vector<16xf32>
      %add3A_1277 = arith.addf %add3A_1271, %get3A_1276 : vector<16xf32>
      %get3A_1278 = arith.constant 24 : i32
      %get3A_1279 = arith.index_cast %get3A_1278 : i32 to index
      %get3A_1280 = arith.constant 16 : index
      %get3A_1281 = tpu.vector_load %arg6[%get3A_1279, %get3A_1280] {strides = array<i32>} : memref<64x128xf32, #tpu.memory_space<vmem>>, vector<1x16xf32>,
      %get3A_1282 = vector.shape_cast %get3A_1281 : vector<1x16xf32> to vector<16xf32>
      %add3A_1283 = arith.addf %add3A_1277, %get3A_1282 : vector<16xf32>
      %get3A_1284 = arith.constant 25 : i32
      %get3A_1285 = arith.index_cast %get3A_1284 : i32 to index
      %get3A_1286 = arith.constant 16 : index
      %get3A_1287 = tpu.vector_load %arg6[%get3A_1285, %get3A_1286] {strides = array<i32>} : memref<64x128xf32, #tpu.memory_space<vmem>>, vector<1x16xf32>,
      %get3A_1288 = vector.shape_cast %get3A_1287 : vector<1x16xf32> to vector<16xf32>
      %add3A_1289 = arith.addf %add3A_1283, %get3A_1288 : vector<16xf32>
      %get3A_1290 = arith.constant 26 : i32
      %get3A_1291 = arith.index_cast %get3A_1290 : i32 to index
      %get3A_1292 = arith.constant 16 : index
      %get3A_1293 = tpu.vector_load %arg6[%get3A_1291, %get3A_1292] {strides = array<i32>} : memref<64x128xf32, #tpu.memory_space<vmem>>, vector<1x16xf32>,
      %get3A_1294 = vector.shape_cast %get3A_1293 : vector<1x16xf32> to vector<16xf32>
      %add3A_1295 = arith.addf %add3A_1289, %get3A_1294 : vector<16xf32>
      %get3A_1296 = arith.constant 27 : i32
      %get3A_1297 = arith.index_cast %get3A_1296 : i32 to index
      %get3A_1298 = arith.constant 16 : index
      %get3A_1299 = tpu.vector_load %arg6[%get3A_1297, %get3A_1298] {strides = array<i32>} : memref<64x128xf32, #tpu.memory_space<vmem>>, vector<1x16xf32>,
      %get3A_1300 = vector.shape_cast %get3A_1299 : vector<1x16xf32> to vector<16xf32>
      %add3A_1301 = arith.addf %add3A_1295, %get3A_1300 : vector<16xf32>
      %mul3A_1302 = arith.constant 0.0883883461 : f32
      %mul3A_1303 = vector.broadcast %mul3A_1302 : f32 to vector<16xf32>
      %mul3A_1304 = arith.mulf %add3A_1301, %mul3A_1303 : vector<16xf32>
      %swap3A_1305 = arith.constant 3 : i32
      %swap3A_1306 = arith.index_cast %swap3A_1305 : i32 to index
      %swap3A_1307 = arith.constant 16 : index
      %swap3A_1308 = tpu.vector_load %arg7[%swap3A_1306, %swap3A_1307] {strides = array<i32>} : memref<8x128xf32, #tpu.memory_space<vmem>>, vector<1x16xf32>,
      %swap3A_1309 = vector.shape_cast %swap3A_1308 : vector<1x16xf32> to vector<16xf32>
      %swap3A_1310 = vector.shape_cast %mul3A_1304 : vector<16xf32> to vector<1x16xf32>
      tpu.vector_store %arg7[%swap3A_1306, %swap3A_1307], %swap3A_1310 {strides = array<i32>} : memref<8x128xf32, #tpu.memory_space<vmem>>, vector<1x16xf32>,
      %get3A_1311 = arith.constant 21 : i32
      %get3A_1312 = arith.index_cast %get3A_1311 : i32 to index
      %get3A_1313 = arith.constant 32 : index
      %get3A_1314 = tpu.vector_load %arg6[%get3A_1312, %get3A_1313] {strides = array<i32>} : memref<64x128xf32, #tpu.memory_space<vmem>>, vector<1x16xf32>,
      %get3A_1315 = vector.shape_cast %get3A_1314 : vector<1x16xf32> to vector<16xf32>
      %get3A_1316 = arith.constant 22 : i32
      %get3A_1317 = arith.index_cast %get3A_1316 : i32 to index
      %get3A_1318 = arith.constant 32 : index
      %get3A_1319 = tpu.vector_load %arg6[%get3A_1317, %get3A_1318] {strides = array<i32>} : memref<64x128xf32, #tpu.memory_space<vmem>>, vector<1x16xf32>,
      %get3A_1320 = vector.shape_cast %get3A_1319 : vector<1x16xf32> to vector<16xf32>
      %add3A_1321 = arith.addf %get3A_1315, %get3A_1320 : vector<16xf32>
      %get3A_1322 = arith.constant 23 : i32
      %get3A_1323 = arith.index_cast %get3A_1322 : i32 to index
      %get3A_1324 = arith.constant 32 : index
      %get3A_1325 = tpu.vector_load %arg6[%get3A_1323, %get3A_1324] {strides = array<i32>} : memref<64x128xf32, #tpu.memory_space<vmem>>, vector<1x16xf32>,
      %get3A_1326 = vector.shape_cast %get3A_1325 : vector<1x16xf32> to vector<16xf32>
      %add3A_1327 = arith.addf %add3A_1321, %get3A_1326 : vector<16xf32>
      %get3A_1328 = arith.constant 24 : i32
      %get3A_1329 = arith.index_cast %get3A_1328 : i32 to index
      %get3A_1330 = arith.constant 32 : index
      %get3A_1331 = tpu.vector_load %arg6[%get3A_1329, %get3A_1330] {strides = array<i32>} : memref<64x128xf32, #tpu.memory_space<vmem>>, vector<1x16xf32>,
      %get3A_1332 = vector.shape_cast %get3A_1331 : vector<1x16xf32> to vector<16xf32>
      %add3A_1333 = arith.addf %add3A_1327, %get3A_1332 : vector<16xf32>
      %get3A_1334 = arith.constant 25 : i32
      %get3A_1335 = arith.index_cast %get3A_1334 : i32 to index
      %get3A_1336 = arith.constant 32 : index
      %get3A_1337 = tpu.vector_load %arg6[%get3A_1335, %get3A_1336] {strides = array<i32>} : memref<64x128xf32, #tpu.memory_space<vmem>>, vector<1x16xf32>,
      %get3A_1338 = vector.shape_cast %get3A_1337 : vector<1x16xf32> to vector<16xf32>
      %add3A_1339 = arith.addf %add3A_1333, %get3A_1338 : vector<16xf32>
      %get3A_1340 = arith.constant 26 : i32
      %get3A_1341 = arith.index_cast %get3A_1340 : i32 to index
      %get3A_1342 = arith.constant 32 : index
      %get3A_1343 = tpu.vector_load %arg6[%get3A_1341, %get3A_1342] {strides = array<i32>} : memref<64x128xf32, #tpu.memory_space<vmem>>, vector<1x16xf32>,
      %get3A_1344 = vector.shape_cast %get3A_1343 : vector<1x16xf32> to vector<16xf32>
      %add3A_1345 = arith.addf %add3A_1339, %get3A_1344 : vector<16xf32>
      %get3A_1346 = arith.constant 27 : i32
      %get3A_1347 = arith.index_cast %get3A_1346 : i32 to index
      %get3A_1348 = arith.constant 32 : index
      %get3A_1349 = tpu.vector_load %arg6[%get3A_1347, %get3A_1348] {strides = array<i32>} : memref<64x128xf32, #tpu.memory_space<vmem>>, vector<1x16xf32>,
      %get3A_1350 = vector.shape_cast %get3A_1349 : vector<1x16xf32> to vector<16xf32>
      %add3A_1351 = arith.addf %add3A_1345, %get3A_1350 : vector<16xf32>
      %mul3A_1352 = arith.constant 0.0883883461 : f32
      %mul3A_1353 = vector.broadcast %mul3A_1352 : f32 to vector<16xf32>
      %mul3A_1354 = arith.mulf %add3A_1351, %mul3A_1353 : vector<16xf32>
      %swap3A_1355 = arith.constant 3 : i32
      %swap3A_1356 = arith.index_cast %swap3A_1355 : i32 to index
      %swap3A_1357 = arith.constant 32 : index
      %swap3A_1358 = tpu.vector_load %arg7[%swap3A_1356, %swap3A_1357] {strides = array<i32>} : memref<8x128xf32, #tpu.memory_space<vmem>>, vector<1x16xf32>,
      %swap3A_1359 = vector.shape_cast %swap3A_1358 : vector<1x16xf32> to vector<16xf32>
      %swap3A_1360 = vector.shape_cast %mul3A_1354 : vector<16xf32> to vector<1x16xf32>
      tpu.vector_store %arg7[%swap3A_1356, %swap3A_1357], %swap3A_1360 {strides = array<i32>} : memref<8x128xf32, #tpu.memory_space<vmem>>, vector<1x16xf32>,
      %get3A_1361 = arith.constant 21 : i32
      %get3A_1362 = arith.index_cast %get3A_1361 : i32 to index
      %get3A_1363 = arith.constant 48 : index
      %get3A_1364 = tpu.vector_load %arg6[%get3A_1362, %get3A_1363] {strides = array<i32>} : memref<64x128xf32, #tpu.memory_space<vmem>>, vector<1x16xf32>,
      %get3A_1365 = vector.shape_cast %get3A_1364 : vector<1x16xf32> to vector<16xf32>
      %get3A_1366 = arith.constant 22 : i32
      %get3A_1367 = arith.index_cast %get3A_1366 : i32 to index
      %get3A_1368 = arith.constant 48 : index
      %get3A_1369 = tpu.vector_load %arg6[%get3A_1367, %get3A_1368] {strides = array<i32>} : memref<64x128xf32, #tpu.memory_space<vmem>>, vector<1x16xf32>,
      %get3A_1370 = vector.shape_cast %get3A_1369 : vector<1x16xf32> to vector<16xf32>
      %add3A_1371 = arith.addf %get3A_1365, %get3A_1370 : vector<16xf32>
      %get3A_1372 = arith.constant 23 : i32
      %get3A_1373 = arith.index_cast %get3A_1372 : i32 to index
      %get3A_1374 = arith.constant 48 : index
      %get3A_1375 = tpu.vector_load %arg6[%get3A_1373, %get3A_1374] {strides = array<i32>} : memref<64x128xf32, #tpu.memory_space<vmem>>, vector<1x16xf32>,
      %get3A_1376 = vector.shape_cast %get3A_1375 : vector<1x16xf32> to vector<16xf32>
      %add3A_1377 = arith.addf %add3A_1371, %get3A_1376 : vector<16xf32>
      %get3A_1378 = arith.constant 24 : i32
      %get3A_1379 = arith.index_cast %get3A_1378 : i32 to index
      %get3A_1380 = arith.constant 48 : index
      %get3A_1381 = tpu.vector_load %arg6[%get3A_1379, %get3A_1380] {strides = array<i32>} : memref<64x128xf32, #tpu.memory_space<vmem>>, vector<1x16xf32>,
      %get3A_1382 = vector.shape_cast %get3A_1381 : vector<1x16xf32> to vector<16xf32>
      %add3A_1383 = arith.addf %add3A_1377, %get3A_1382 : vector<16xf32>
      %get3A_1384 = arith.constant 25 : i32
      %get3A_1385 = arith.index_cast %get3A_1384 : i32 to index
      %get3A_1386 = arith.constant 48 : index
      %get3A_1387 = tpu.vector_load %arg6[%get3A_1385, %get3A_1386] {strides = array<i32>} : memref<64x128xf32, #tpu.memory_space<vmem>>, vector<1x16xf32>,
      %get3A_1388 = vector.shape_cast %get3A_1387 : vector<1x16xf32> to vector<16xf32>
      %add3A_1389 = arith.addf %add3A_1383, %get3A_1388 : vector<16xf32>
      %get3A_1390 = arith.constant 26 : i32
      %get3A_1391 = arith.index_cast %get3A_1390 : i32 to index
      %get3A_1392 = arith.constant 48 : index
      %get3A_1393 = tpu.vector_load %arg6[%get3A_1391, %get3A_1392] {strides = array<i32>} : memref<64x128xf32, #tpu.memory_space<vmem>>, vector<1x16xf32>,
      %get3A_1394 = vector.shape_cast %get3A_1393 : vector<1x16xf32> to vector<16xf32>
      %add3A_1395 = arith.addf %add3A_1389, %get3A_1394 : vector<16xf32>
      %get3A_1396 = arith.constant 27 : i32
      %get3A_1397 = arith.index_cast %get3A_1396 : i32 to index
      %get3A_1398 = arith.constant 48 : index
      %get3A_1399 = tpu.vector_load %arg6[%get3A_1397, %get3A_1398] {strides = array<i32>} : memref<64x128xf32, #tpu.memory_space<vmem>>, vector<1x16xf32>,
      %get3A_1400 = vector.shape_cast %get3A_1399 : vector<1x16xf32> to vector<16xf32>
      %add3A_1401 = arith.addf %add3A_1395, %get3A_1400 : vector<16xf32>
      %mul3A_1402 = arith.constant 0.0883883461 : f32
      %mul3A_1403 = vector.broadcast %mul3A_1402 : f32 to vector<16xf32>
      %mul3A_1404 = arith.mulf %add3A_1401, %mul3A_1403 : vector<16xf32>
      %swap3A_1405 = arith.constant 3 : i32
      %swap3A_1406 = arith.index_cast %swap3A_1405 : i32 to index
      %swap3A_1407 = arith.constant 48 : index
      %swap3A_1408 = tpu.vector_load %arg7[%swap3A_1406, %swap3A_1407] {strides = array<i32>} : memref<8x128xf32, #tpu.memory_space<vmem>>, vector<1x16xf32>,
      %swap3A_1409 = vector.shape_cast %swap3A_1408 : vector<1x16xf32> to vector<16xf32>
      %swap3A_1410 = vector.shape_cast %mul3A_1404 : vector<16xf32> to vector<1x16xf32>
      tpu.vector_store %arg7[%swap3A_1406, %swap3A_1407], %swap3A_1410 {strides = array<i32>} : memref<8x128xf32, #tpu.memory_space<vmem>>, vector<1x16xf32>,
      %get3A_1411 = arith.constant 21 : i32
      %get3A_1412 = arith.index_cast %get3A_1411 : i32 to index
      %get3A_1413 = arith.constant 64 : index
      %get3A_1414 = tpu.vector_load %arg6[%get3A_1412, %get3A_1413] {strides = array<i32>} : memref<64x128xf32, #tpu.memory_space<vmem>>, vector<1x16xf32>,
      %get3A_1415 = vector.shape_cast %get3A_1414 : vector<1x16xf32> to vector<16xf32>
      %get3A_1416 = arith.constant 22 : i32
      %get3A_1417 = arith.index_cast %get3A_1416 : i32 to index
      %get3A_1418 = arith.constant 64 : index
      %get3A_1419 = tpu.vector_load %arg6[%get3A_1417, %get3A_1418] {strides = array<i32>} : memref<64x128xf32, #tpu.memory_space<vmem>>, vector<1x16xf32>,
      %get3A_1420 = vector.shape_cast %get3A_1419 : vector<1x16xf32> to vector<16xf32>
      %add3A_1421 = arith.addf %get3A_1415, %get3A_1420 : vector<16xf32>
      %get3A_1422 = arith.constant 23 : i32
      %get3A_1423 = arith.index_cast %get3A_1422 : i32 to index
      %get3A_1424 = arith.constant 64 : index
      %get3A_1425 = tpu.vector_load %arg6[%get3A_1423, %get3A_1424] {strides = array<i32>} : memref<64x128xf32, #tpu.memory_space<vmem>>, vector<1x16xf32>,
      %get3A_1426 = vector.shape_cast %get3A_1425 : vector<1x16xf32> to vector<16xf32>
      %add3A_1427 = arith.addf %add3A_1421, %get3A_1426 : vector<16xf32>
      %get3A_1428 = arith.constant 24 : i32
      %get3A_1429 = arith.index_cast %get3A_1428 : i32 to index
      %get3A_1430 = arith.constant 64 : index
      %get3A_1431 = tpu.vector_load %arg6[%get3A_1429, %get3A_1430] {strides = array<i32>} : memref<64x128xf32, #tpu.memory_space<vmem>>, vector<1x16xf32>,
      %get3A_1432 = vector.shape_cast %get3A_1431 : vector<1x16xf32> to vector<16xf32>
      %add3A_1433 = arith.addf %add3A_1427, %get3A_1432 : vector<16xf32>
      %get3A_1434 = arith.constant 25 : i32
      %get3A_1435 = arith.index_cast %get3A_1434 : i32 to index
      %get3A_1436 = arith.constant 64 : index
      %get3A_1437 = tpu.vector_load %arg6[%get3A_1435, %get3A_1436] {strides = array<i32>} : memref<64x128xf32, #tpu.memory_space<vmem>>, vector<1x16xf32>,
      %get3A_1438 = vector.shape_cast %get3A_1437 : vector<1x16xf32> to vector<16xf32>
      %add3A_1439 = arith.addf %add3A_1433, %get3A_1438 : vector<16xf32>
      %get3A_1440 = arith.constant 26 : i32
      %get3A_1441 = arith.index_cast %get3A_1440 : i32 to index
      %get3A_1442 = arith.constant 64 : index
      %get3A_1443 = tpu.vector_load %arg6[%get3A_1441, %get3A_1442] {strides = array<i32>} : memref<64x128xf32, #tpu.memory_space<vmem>>, vector<1x16xf32>,
      %get3A_1444 = vector.shape_cast %get3A_1443 : vector<1x16xf32> to vector<16xf32>
      %add3A_1445 = arith.addf %add3A_1439, %get3A_1444 : vector<16xf32>
      %get3A_1446 = arith.constant 27 : i32
      %get3A_1447 = arith.index_cast %get3A_1446 : i32 to index
      %get3A_1448 = arith.constant 64 : index
      %get3A_1449 = tpu.vector_load %arg6[%get3A_1447, %get3A_1448] {strides = array<i32>} : memref<64x128xf32, #tpu.memory_space<vmem>>, vector<1x16xf32>,
      %get3A_1450 = vector.shape_cast %get3A_1449 : vector<1x16xf32> to vector<16xf32>
      %add3A_1451 = arith.addf %add3A_1445, %get3A_1450 : vector<16xf32>
      %mul3A_1452 = arith.constant 0.0883883461 : f32
      %mul3A_1453 = vector.broadcast %mul3A_1452 : f32 to vector<16xf32>
      %mul3A_1454 = arith.mulf %add3A_1451, %mul3A_1453 : vector<16xf32>
      %swap3A_1455 = arith.constant 3 : i32
      %swap3A_1456 = arith.index_cast %swap3A_1455 : i32 to index
      %swap3A_1457 = arith.constant 64 : index
      %swap3A_1458 = tpu.vector_load %arg7[%swap3A_1456, %swap3A_1457] {strides = array<i32>} : memref<8x128xf32, #tpu.memory_space<vmem>>, vector<1x16xf32>,
      %swap3A_1459 = vector.shape_cast %swap3A_1458 : vector<1x16xf32> to vector<16xf32>
      %swap3A_1460 = vector.shape_cast %mul3A_1454 : vector<16xf32> to vector<1x16xf32>
      tpu.vector_store %arg7[%swap3A_1456, %swap3A_1457], %swap3A_1460 {strides = array<i32>} : memref<8x128xf32, #tpu.memory_space<vmem>>, vector<1x16xf32>,
      %get3A_1461 = arith.constant 21 : i32
      %get3A_1462 = arith.index_cast %get3A_1461 : i32 to index
      %get3A_1463 = arith.constant 80 : index
      %get3A_1464 = tpu.vector_load %arg6[%get3A_1462, %get3A_1463] {strides = array<i32>} : memref<64x128xf32, #tpu.memory_space<vmem>>, vector<1x16xf32>,
      %get3A_1465 = vector.shape_cast %get3A_1464 : vector<1x16xf32> to vector<16xf32>
      %get3A_1466 = arith.constant 22 : i32
      %get3A_1467 = arith.index_cast %get3A_1466 : i32 to index
      %get3A_1468 = arith.constant 80 : index
      %get3A_1469 = tpu.vector_load %arg6[%get3A_1467, %get3A_1468] {strides = array<i32>} : memref<64x128xf32, #tpu.memory_space<vmem>>, vector<1x16xf32>,
      %get3A_1470 = vector.shape_cast %get3A_1469 : vector<1x16xf32> to vector<16xf32>
      %add3A_1471 = arith.addf %get3A_1465, %get3A_1470 : vector<16xf32>
      %get3A_1472 = arith.constant 23 : i32
      %get3A_1473 = arith.index_cast %get3A_1472 : i32 to index
      %get3A_1474 = arith.constant 80 : index
      %get3A_1475 = tpu.vector_load %arg6[%get3A_1473, %get3A_1474] {strides = array<i32>} : memref<64x128xf32, #tpu.memory_space<vmem>>, vector<1x16xf32>,
      %get3A_1476 = vector.shape_cast %get3A_1475 : vector<1x16xf32> to vector<16xf32>
      %add3A_1477 = arith.addf %add3A_1471, %get3A_1476 : vector<16xf32>
      %get3A_1478 = arith.constant 24 : i32
      %get3A_1479 = arith.index_cast %get3A_1478 : i32 to index
      %get3A_1480 = arith.constant 80 : index
      %get3A_1481 = tpu.vector_load %arg6[%get3A_1479, %get3A_1480] {strides = array<i32>} : memref<64x128xf32, #tpu.memory_space<vmem>>, vector<1x16xf32>,
      %get3A_1482 = vector.shape_cast %get3A_1481 : vector<1x16xf32> to vector<16xf32>
      %add3A_1483 = arith.addf %add3A_1477, %get3A_1482 : vector<16xf32>
      %get3A_1484 = arith.constant 25 : i32
      %get3A_1485 = arith.index_cast %get3A_1484 : i32 to index
      %get3A_1486 = arith.constant 80 : index
      %get3A_1487 = tpu.vector_load %arg6[%get3A_1485, %get3A_1486] {strides = array<i32>} : memref<64x128xf32, #tpu.memory_space<vmem>>, vector<1x16xf32>,
      %get3A_1488 = vector.shape_cast %get3A_1487 : vector<1x16xf32> to vector<16xf32>
      %add3A_1489 = arith.addf %add3A_1483, %get3A_1488 : vector<16xf32>
      %get3A_1490 = arith.constant 26 : i32
      %get3A_1491 = arith.index_cast %get3A_1490 : i32 to index
      %get3A_1492 = arith.constant 80 : index
      %get3A_1493 = tpu.vector_load %arg6[%get3A_1491, %get3A_1492] {strides = array<i32>} : memref<64x128xf32, #tpu.memory_space<vmem>>, vector<1x16xf32>,
      %get3A_1494 = vector.shape_cast %get3A_1493 : vector<1x16xf32> to vector<16xf32>
      %add3A_1495 = arith.addf %add3A_1489, %get3A_1494 : vector<16xf32>
      %get3A_1496 = arith.constant 27 : i32
      %get3A_1497 = arith.index_cast %get3A_1496 : i32 to index
      %get3A_1498 = arith.constant 80 : index
      %get3A_1499 = tpu.vector_load %arg6[%get3A_1497, %get3A_1498] {strides = array<i32>} : memref<64x128xf32, #tpu.memory_space<vmem>>, vector<1x16xf32>,
      %get3A_1500 = vector.shape_cast %get3A_1499 : vector<1x16xf32> to vector<16xf32>
      %add3A_1501 = arith.addf %add3A_1495, %get3A_1500 : vector<16xf32>
      %mul3A_1502 = arith.constant 0.0883883461 : f32
      %mul3A_1503 = vector.broadcast %mul3A_1502 : f32 to vector<16xf32>
      %mul3A_1504 = arith.mulf %add3A_1501, %mul3A_1503 : vector<16xf32>
      %swap3A_1505 = arith.constant 3 : i32
      %swap3A_1506 = arith.index_cast %swap3A_1505 : i32 to index
      %swap3A_1507 = arith.constant 80 : index
      %swap3A_1508 = tpu.vector_load %arg7[%swap3A_1506, %swap3A_1507] {strides = array<i32>} : memref<8x128xf32, #tpu.memory_space<vmem>>, vector<1x16xf32>,
      %swap3A_1509 = vector.shape_cast %swap3A_1508 : vector<1x16xf32> to vector<16xf32>
      %swap3A_1510 = vector.shape_cast %mul3A_1504 : vector<16xf32> to vector<1x16xf32>
      tpu.vector_store %arg7[%swap3A_1506, %swap3A_1507], %swap3A_1510 {strides = array<i32>} : memref<8x128xf32, #tpu.memory_space<vmem>>, vector<1x16xf32>,
      %get3A_1511 = arith.constant 21 : i32
      %get3A_1512 = arith.index_cast %get3A_1511 : i32 to index
      %get3A_1513 = arith.constant 96 : index
      %get3A_1514 = tpu.vector_load %arg6[%get3A_1512, %get3A_1513] {strides = array<i32>} : memref<64x128xf32, #tpu.memory_space<vmem>>, vector<1x16xf32>,
      %get3A_1515 = vector.shape_cast %get3A_1514 : vector<1x16xf32> to vector<16xf32>
      %get3A_1516 = arith.constant 22 : i32
      %get3A_1517 = arith.index_cast %get3A_1516 : i32 to index
      %get3A_1518 = arith.constant 96 : index
      %get3A_1519 = tpu.vector_load %arg6[%get3A_1517, %get3A_1518] {strides = array<i32>} : memref<64x128xf32, #tpu.memory_space<vmem>>, vector<1x16xf32>,
      %get3A_1520 = vector.shape_cast %get3A_1519 : vector<1x16xf32> to vector<16xf32>
      %add3A_1521 = arith.addf %get3A_1515, %get3A_1520 : vector<16xf32>
      %get3A_1522 = arith.constant 23 : i32
      %get3A_1523 = arith.index_cast %get3A_1522 : i32 to index
      %get3A_1524 = arith.constant 96 : index
      %get3A_1525 = tpu.vector_load %arg6[%get3A_1523, %get3A_1524] {strides = array<i32>} : memref<64x128xf32, #tpu.memory_space<vmem>>, vector<1x16xf32>,
      %get3A_1526 = vector.shape_cast %get3A_1525 : vector<1x16xf32> to vector<16xf32>
      %add3A_1527 = arith.addf %add3A_1521, %get3A_1526 : vector<16xf32>
      %get3A_1528 = arith.constant 24 : i32
      %get3A_1529 = arith.index_cast %get3A_1528 : i32 to index
      %get3A_1530 = arith.constant 96 : index
      %get3A_1531 = tpu.vector_load %arg6[%get3A_1529, %get3A_1530] {strides = array<i32>} : memref<64x128xf32, #tpu.memory_space<vmem>>, vector<1x16xf32>,
      %get3A_1532 = vector.shape_cast %get3A_1531 : vector<1x16xf32> to vector<16xf32>
      %add3A_1533 = arith.addf %add3A_1527, %get3A_1532 : vector<16xf32>
      %get3A_1534 = arith.constant 25 : i32
      %get3A_1535 = arith.index_cast %get3A_1534 : i32 to index
      %get3A_1536 = arith.constant 96 : index
      %get3A_1537 = tpu.vector_load %arg6[%get3A_1535, %get3A_1536] {strides = array<i32>} : memref<64x128xf32, #tpu.memory_space<vmem>>, vector<1x16xf32>,
      %get3A_1538 = vector.shape_cast %get3A_1537 : vector<1x16xf32> to vector<16xf32>
      %add3A_1539 = arith.addf %add3A_1533, %get3A_1538 : vector<16xf32>
      %get3A_1540 = arith.constant 26 : i32
      %get3A_1541 = arith.index_cast %get3A_1540 : i32 to index
      %get3A_1542 = arith.constant 96 : index
      %get3A_1543 = tpu.vector_load %arg6[%get3A_1541, %get3A_1542] {strides = array<i32>} : memref<64x128xf32, #tpu.memory_space<vmem>>, vector<1x16xf32>,
      %get3A_1544 = vector.shape_cast %get3A_1543 : vector<1x16xf32> to vector<16xf32>
      %add3A_1545 = arith.addf %add3A_1539, %get3A_1544 : vector<16xf32>
      %get3A_1546 = arith.constant 27 : i32
      %get3A_1547 = arith.index_cast %get3A_1546 : i32 to index
      %get3A_1548 = arith.constant 96 : index
      %get3A_1549 = tpu.vector_load %arg6[%get3A_1547, %get3A_1548] {strides = array<i32>} : memref<64x128xf32, #tpu.memory_space<vmem>>, vector<1x16xf32>,
      %get3A_1550 = vector.shape_cast %get3A_1549 : vector<1x16xf32> to vector<16xf32>
      %add3A_1551 = arith.addf %add3A_1545, %get3A_1550 : vector<16xf32>
      %mul3A_1552 = arith.constant 0.0883883461 : f32
      %mul3A_1553 = vector.broadcast %mul3A_1552 : f32 to vector<16xf32>
      %mul3A_1554 = arith.mulf %add3A_1551, %mul3A_1553 : vector<16xf32>
      %swap3A_1555 = arith.constant 3 : i32
      %swap3A_1556 = arith.index_cast %swap3A_1555 : i32 to index
      %swap3A_1557 = arith.constant 96 : index
      %swap3A_1558 = tpu.vector_load %arg7[%swap3A_1556, %swap3A_1557] {strides = array<i32>} : memref<8x128xf32, #tpu.memory_space<vmem>>, vector<1x16xf32>,
      %swap3A_1559 = vector.shape_cast %swap3A_1558 : vector<1x16xf32> to vector<16xf32>
      %swap3A_1560 = vector.shape_cast %mul3A_1554 : vector<16xf32> to vector<1x16xf32>
      tpu.vector_store %arg7[%swap3A_1556, %swap3A_1557], %swap3A_1560 {strides = array<i32>} : memref<8x128xf32, #tpu.memory_space<vmem>>, vector<1x16xf32>,
      %get3A_1561 = arith.constant 21 : i32
      %get3A_1562 = arith.index_cast %get3A_1561 : i32 to index
      %get3A_1563 = arith.constant 112 : index
      %get3A_1564 = tpu.vector_load %arg6[%get3A_1562, %get3A_1563] {strides = array<i32>} : memref<64x128xf32, #tpu.memory_space<vmem>>, vector<1x16xf32>,
      %get3A_1565 = vector.shape_cast %get3A_1564 : vector<1x16xf32> to vector<16xf32>
      %get3A_1566 = arith.constant 22 : i32
      %get3A_1567 = arith.index_cast %get3A_1566 : i32 to index
      %get3A_1568 = arith.constant 112 : index
      %get3A_1569 = tpu.vector_load %arg6[%get3A_1567, %get3A_1568] {strides = array<i32>} : memref<64x128xf32, #tpu.memory_space<vmem>>, vector<1x16xf32>,
      %get3A_1570 = vector.shape_cast %get3A_1569 : vector<1x16xf32> to vector<16xf32>
      %add3A_1571 = arith.addf %get3A_1565, %get3A_1570 : vector<16xf32>
      %get3A_1572 = arith.constant 23 : i32
      %get3A_1573 = arith.index_cast %get3A_1572 : i32 to index
      %get3A_1574 = arith.constant 112 : index
      %get3A_1575 = tpu.vector_load %arg6[%get3A_1573, %get3A_1574] {strides = array<i32>} : memref<64x128xf32, #tpu.memory_space<vmem>>, vector<1x16xf32>,
      %get3A_1576 = vector.shape_cast %get3A_1575 : vector<1x16xf32> to vector<16xf32>
      %add3A_1577 = arith.addf %add3A_1571, %get3A_1576 : vector<16xf32>
      %get3A_1578 = arith.constant 24 : i32
      %get3A_1579 = arith.index_cast %get3A_1578 : i32 to index
      %get3A_1580 = arith.constant 112 : index
      %get3A_1581 = tpu.vector_load %arg6[%get3A_1579, %get3A_1580] {strides = array<i32>} : memref<64x128xf32, #tpu.memory_space<vmem>>, vector<1x16xf32>,
      %get3A_1582 = vector.shape_cast %get3A_1581 : vector<1x16xf32> to vector<16xf32>
      %add3A_1583 = arith.addf %add3A_1577, %get3A_1582 : vector<16xf32>
      %get3A_1584 = arith.constant 25 : i32
      %get3A_1585 = arith.index_cast %get3A_1584 : i32 to index
      %get3A_1586 = arith.constant 112 : index
      %get3A_1587 = tpu.vector_load %arg6[%get3A_1585, %get3A_1586] {strides = array<i32>} : memref<64x128xf32, #tpu.memory_space<vmem>>, vector<1x16xf32>,
      %get3A_1588 = vector.shape_cast %get3A_1587 : vector<1x16xf32> to vector<16xf32>
      %add3A_1589 = arith.addf %add3A_1583, %get3A_1588 : vector<16xf32>
      %get3A_1590 = arith.constant 26 : i32
      %get3A_1591 = arith.index_cast %get3A_1590 : i32 to index
      %get3A_1592 = arith.constant 112 : index
      %get3A_1593 = tpu.vector_load %arg6[%get3A_1591, %get3A_1592] {strides = array<i32>} : memref<64x128xf32, #tpu.memory_space<vmem>>, vector<1x16xf32>,
      %get3A_1594 = vector.shape_cast %get3A_1593 : vector<1x16xf32> to vector<16xf32>
      %add3A_1595 = arith.addf %add3A_1589, %get3A_1594 : vector<16xf32>
      %get3A_1596 = arith.constant 27 : i32
      %get3A_1597 = arith.index_cast %get3A_1596 : i32 to index
      %get3A_1598 = arith.constant 112 : index
      %get3A_1599 = tpu.vector_load %arg6[%get3A_1597, %get3A_1598] {strides = array<i32>} : memref<64x128xf32, #tpu.memory_space<vmem>>, vector<1x16xf32>,
      %get3A_1600 = vector.shape_cast %get3A_1599 : vector<1x16xf32> to vector<16xf32>
      %add3A_1601 = arith.addf %add3A_1595, %get3A_1600 : vector<16xf32>
      %mul3A_1602 = arith.constant 0.0883883461 : f32
      %mul3A_1603 = vector.broadcast %mul3A_1602 : f32 to vector<16xf32>
      %mul3A_1604 = arith.mulf %add3A_1601, %mul3A_1603 : vector<16xf32>
      %swap3A_1605 = arith.constant 3 : i32
      %swap3A_1606 = arith.index_cast %swap3A_1605 : i32 to index
      %swap3A_1607 = arith.constant 112 : index
      %swap3A_1608 = tpu.vector_load %arg7[%swap3A_1606, %swap3A_1607] {strides = array<i32>} : memref<8x128xf32, #tpu.memory_space<vmem>>, vector<1x16xf32>,
      %swap3A_1609 = vector.shape_cast %swap3A_1608 : vector<1x16xf32> to vector<16xf32>
      %swap3A_1610 = vector.shape_cast %mul3A_1604 : vector<16xf32> to vector<1x16xf32>
      tpu.vector_store %arg7[%swap3A_1606, %swap3A_1607], %swap3A_1610 {strides = array<i32>} : memref<8x128xf32, #tpu.memory_space<vmem>>, vector<1x16xf32>,
      %get3A_1611 = arith.constant 28 : i32
      %get3A_1612 = arith.index_cast %get3A_1611 : i32 to index
      %get3A_1613 = arith.constant 0 : index
      %get3A_1614 = tpu.vector_load %arg6[%get3A_1612, %get3A_1613] {strides = array<i32>} : memref<64x128xf32, #tpu.memory_space<vmem>>, vector<1x16xf32>,
      %get3A_1615 = vector.shape_cast %get3A_1614 : vector<1x16xf32> to vector<16xf32>
      %get3A_1616 = arith.constant 29 : i32
      %get3A_1617 = arith.index_cast %get3A_1616 : i32 to index
      %get3A_1618 = arith.constant 0 : index
      %get3A_1619 = tpu.vector_load %arg6[%get3A_1617, %get3A_1618] {strides = array<i32>} : memref<64x128xf32, #tpu.memory_space<vmem>>, vector<1x16xf32>,
      %get3A_1620 = vector.shape_cast %get3A_1619 : vector<1x16xf32> to vector<16xf32>
      %add3A_1621 = arith.addf %get3A_1615, %get3A_1620 : vector<16xf32>
      %get3A_1622 = arith.constant 30 : i32
      %get3A_1623 = arith.index_cast %get3A_1622 : i32 to index
      %get3A_1624 = arith.constant 0 : index
      %get3A_1625 = tpu.vector_load %arg6[%get3A_1623, %get3A_1624] {strides = array<i32>} : memref<64x128xf32, #tpu.memory_space<vmem>>, vector<1x16xf32>,
      %get3A_1626 = vector.shape_cast %get3A_1625 : vector<1x16xf32> to vector<16xf32>
      %add3A_1627 = arith.addf %add3A_1621, %get3A_1626 : vector<16xf32>
      %get3A_1628 = arith.constant 31 : i32
      %get3A_1629 = arith.index_cast %get3A_1628 : i32 to index
      %get3A_1630 = arith.constant 0 : index
      %get3A_1631 = tpu.vector_load %arg6[%get3A_1629, %get3A_1630] {strides = array<i32>} : memref<64x128xf32, #tpu.memory_space<vmem>>, vector<1x16xf32>,
      %get3A_1632 = vector.shape_cast %get3A_1631 : vector<1x16xf32> to vector<16xf32>
      %add3A_1633 = arith.addf %add3A_1627, %get3A_1632 : vector<16xf32>
      %get3A_1634 = arith.constant 32 : i32
      %get3A_1635 = arith.index_cast %get3A_1634 : i32 to index
      %get3A_1636 = arith.constant 0 : index
      %get3A_1637 = tpu.vector_load %arg6[%get3A_1635, %get3A_1636] {strides = array<i32>} : memref<64x128xf32, #tpu.memory_space<vmem>>, vector<1x16xf32>,
      %get3A_1638 = vector.shape_cast %get3A_1637 : vector<1x16xf32> to vector<16xf32>
      %add3A_1639 = arith.addf %add3A_1633, %get3A_1638 : vector<16xf32>
      %get3A_1640 = arith.constant 33 : i32
      %get3A_1641 = arith.index_cast %get3A_1640 : i32 to index
      %get3A_1642 = arith.constant 0 : index
      %get3A_1643 = tpu.vector_load %arg6[%get3A_1641, %get3A_1642] {strides = array<i32>} : memref<64x128xf32, #tpu.memory_space<vmem>>, vector<1x16xf32>,
      %get3A_1644 = vector.shape_cast %get3A_1643 : vector<1x16xf32> to vector<16xf32>
      %add3A_1645 = arith.addf %add3A_1639, %get3A_1644 : vector<16xf32>
      %get3A_1646 = arith.constant 34 : i32
      %get3A_1647 = arith.index_cast %get3A_1646 : i32 to index
      %get3A_1648 = arith.constant 0 : index
      %get3A_1649 = tpu.vector_load %arg6[%get3A_1647, %get3A_1648] {strides = array<i32>} : memref<64x128xf32, #tpu.memory_space<vmem>>, vector<1x16xf32>,
      %get3A_1650 = vector.shape_cast %get3A_1649 : vector<1x16xf32> to vector<16xf32>
      %add3A_1651 = arith.addf %add3A_1645, %get3A_1650 : vector<16xf32>
      %mul3A_1652 = arith.constant 0.0883883461 : f32
      %mul3A_1653 = vector.broadcast %mul3A_1652 : f32 to vector<16xf32>
      %mul3A_1654 = arith.mulf %add3A_1651, %mul3A_1653 : vector<16xf32>
      %swap3A_1655 = arith.constant 4 : i32
      %swap3A_1656 = arith.index_cast %swap3A_1655 : i32 to index
      %swap3A_1657 = arith.constant 0 : index
      %swap3A_1658 = tpu.vector_load %arg7[%swap3A_1656, %swap3A_1657] {strides = array<i32>} : memref<8x128xf32, #tpu.memory_space<vmem>>, vector<1x16xf32>,
      %swap3A_1659 = vector.shape_cast %swap3A_1658 : vector<1x16xf32> to vector<16xf32>
      %swap3A_1660 = vector.shape_cast %mul3A_1654 : vector<16xf32> to vector<1x16xf32>
      tpu.vector_store %arg7[%swap3A_1656, %swap3A_1657], %swap3A_1660 {strides = array<i32>} : memref<8x128xf32, #tpu.memory_space<vmem>>, vector<1x16xf32>,
      %get3A_1661 = arith.constant 28 : i32
      %get3A_1662 = arith.index_cast %get3A_1661 : i32 to index
      %get3A_1663 = arith.constant 16 : index
      %get3A_1664 = tpu.vector_load %arg6[%get3A_1662, %get3A_1663] {strides = array<i32>} : memref<64x128xf32, #tpu.memory_space<vmem>>, vector<1x16xf32>,
      %get3A_1665 = vector.shape_cast %get3A_1664 : vector<1x16xf32> to vector<16xf32>
      %get3A_1666 = arith.constant 29 : i32
      %get3A_1667 = arith.index_cast %get3A_1666 : i32 to index
      %get3A_1668 = arith.constant 16 : index
      %get3A_1669 = tpu.vector_load %arg6[%get3A_1667, %get3A_1668] {strides = array<i32>} : memref<64x128xf32, #tpu.memory_space<vmem>>, vector<1x16xf32>,
      %get3A_1670 = vector.shape_cast %get3A_1669 : vector<1x16xf32> to vector<16xf32>
      %add3A_1671 = arith.addf %get3A_1665, %get3A_1670 : vector<16xf32>
      %get3A_1672 = arith.constant 30 : i32
      %get3A_1673 = arith.index_cast %get3A_1672 : i32 to index
      %get3A_1674 = arith.constant 16 : index
      %get3A_1675 = tpu.vector_load %arg6[%get3A_1673, %get3A_1674] {strides = array<i32>} : memref<64x128xf32, #tpu.memory_space<vmem>>, vector<1x16xf32>,
      %get3A_1676 = vector.shape_cast %get3A_1675 : vector<1x16xf32> to vector<16xf32>
      %add3A_1677 = arith.addf %add3A_1671, %get3A_1676 : vector<16xf32>
      %get3A_1678 = arith.constant 31 : i32
      %get3A_1679 = arith.index_cast %get3A_1678 : i32 to index
      %get3A_1680 = arith.constant 16 : index
      %get3A_1681 = tpu.vector_load %arg6[%get3A_1679, %get3A_1680] {strides = array<i32>} : memref<64x128xf32, #tpu.memory_space<vmem>>, vector<1x16xf32>,
      %get3A_1682 = vector.shape_cast %get3A_1681 : vector<1x16xf32> to vector<16xf32>
      %add3A_1683 = arith.addf %add3A_1677, %get3A_1682 : vector<16xf32>
      %get3A_1684 = arith.constant 32 : i32
      %get3A_1685 = arith.index_cast %get3A_1684 : i32 to index
      %get3A_1686 = arith.constant 16 : index
      %get3A_1687 = tpu.vector_load %arg6[%get3A_1685, %get3A_1686] {strides = array<i32>} : memref<64x128xf32, #tpu.memory_space<vmem>>, vector<1x16xf32>,
      %get3A_1688 = vector.shape_cast %get3A_1687 : vector<1x16xf32> to vector<16xf32>
      %add3A_1689 = arith.addf %add3A_1683, %get3A_1688 : vector<16xf32>
      %get3A_1690 = arith.constant 33 : i32
      %get3A_1691 = arith.index_cast %get3A_1690 : i32 to index
      %get3A_1692 = arith.constant 16 : index
      %get3A_1693 = tpu.vector_load %arg6[%get3A_1691, %get3A_1692] {strides = array<i32>} : memref<64x128xf32, #tpu.memory_space<vmem>>, vector<1x16xf32>,
      %get3A_1694 = vector.shape_cast %get3A_1693 : vector<1x16xf32> to vector<16xf32>
      %add3A_1695 = arith.addf %add3A_1689, %get3A_1694 : vector<16xf32>
      %get3A_1696 = arith.constant 34 : i32
      %get3A_1697 = arith.index_cast %get3A_1696 : i32 to index
      %get3A_1698 = arith.constant 16 : index
      %get3A_1699 = tpu.vector_load %arg6[%get3A_1697, %get3A_1698] {strides = array<i32>} : memref<64x128xf32, #tpu.memory_space<vmem>>, vector<1x16xf32>,
      %get3A_1700 = vector.shape_cast %get3A_1699 : vector<1x16xf32> to vector<16xf32>
      %add3A_1701 = arith.addf %add3A_1695, %get3A_1700 : vector<16xf32>
      %mul3A_1702 = arith.constant 0.0883883461 : f32
      %mul3A_1703 = vector.broadcast %mul3A_1702 : f32 to vector<16xf32>
      %mul3A_1704 = arith.mulf %add3A_1701, %mul3A_1703 : vector<16xf32>
      %swap3A_1705 = arith.constant 4 : i32
      %swap3A_1706 = arith.index_cast %swap3A_1705 : i32 to index
      %swap3A_1707 = arith.constant 16 : index
      %swap3A_1708 = tpu.vector_load %arg7[%swap3A_1706, %swap3A_1707] {strides = array<i32>} : memref<8x128xf32, #tpu.memory_space<vmem>>, vector<1x16xf32>,
      %swap3A_1709 = vector.shape_cast %swap3A_1708 : vector<1x16xf32> to vector<16xf32>
      %swap3A_1710 = vector.shape_cast %mul3A_1704 : vector<16xf32> to vector<1x16xf32>
      tpu.vector_store %arg7[%swap3A_1706, %swap3A_1707], %swap3A_1710 {strides = array<i32>} : memref<8x128xf32, #tpu.memory_space<vmem>>, vector<1x16xf32>,
      %get3A_1711 = arith.constant 28 : i32
      %get3A_1712 = arith.index_cast %get3A_1711 : i32 to index
      %get3A_1713 = arith.constant 32 : index
      %get3A_1714 = tpu.vector_load %arg6[%get3A_1712, %get3A_1713] {strides = array<i32>} : memref<64x128xf32, #tpu.memory_space<vmem>>, vector<1x16xf32>,
      %get3A_1715 = vector.shape_cast %get3A_1714 : vector<1x16xf32> to vector<16xf32>
      %get3A_1716 = arith.constant 29 : i32
      %get3A_1717 = arith.index_cast %get3A_1716 : i32 to index
      %get3A_1718 = arith.constant 32 : index
      %get3A_1719 = tpu.vector_load %arg6[%get3A_1717, %get3A_1718] {strides = array<i32>} : memref<64x128xf32, #tpu.memory_space<vmem>>, vector<1x16xf32>,
      %get3A_1720 = vector.shape_cast %get3A_1719 : vector<1x16xf32> to vector<16xf32>
      %add3A_1721 = arith.addf %get3A_1715, %get3A_1720 : vector<16xf32>
      %get3A_1722 = arith.constant 30 : i32
      %get3A_1723 = arith.index_cast %get3A_1722 : i32 to index
      %get3A_1724 = arith.constant 32 : index
      %get3A_1725 = tpu.vector_load %arg6[%get3A_1723, %get3A_1724] {strides = array<i32>} : memref<64x128xf32, #tpu.memory_space<vmem>>, vector<1x16xf32>,
      %get3A_1726 = vector.shape_cast %get3A_1725 : vector<1x16xf32> to vector<16xf32>
      %add3A_1727 = arith.addf %add3A_1721, %get3A_1726 : vector<16xf32>
      %get3A_1728 = arith.constant 31 : i32
      %get3A_1729 = arith.index_cast %get3A_1728 : i32 to index
      %get3A_1730 = arith.constant 32 : index
      %get3A_1731 = tpu.vector_load %arg6[%get3A_1729, %get3A_1730] {strides = array<i32>} : memref<64x128xf32, #tpu.memory_space<vmem>>, vector<1x16xf32>,
      %get3A_1732 = vector.shape_cast %get3A_1731 : vector<1x16xf32> to vector<16xf32>
      %add3A_1733 = arith.addf %add3A_1727, %get3A_1732 : vector<16xf32>
      %get3A_1734 = arith.constant 32 : i32
      %get3A_1735 = arith.index_cast %get3A_1734 : i32 to index
      %get3A_1736 = arith.constant 32 : index
      %get3A_1737 = tpu.vector_load %arg6[%get3A_1735, %get3A_1736] {strides = array<i32>} : memref<64x128xf32, #tpu.memory_space<vmem>>, vector<1x16xf32>,
      %get3A_1738 = vector.shape_cast %get3A_1737 : vector<1x16xf32> to vector<16xf32>
      %add3A_1739 = arith.addf %add3A_1733, %get3A_1738 : vector<16xf32>
      %get3A_1740 = arith.constant 33 : i32
      %get3A_1741 = arith.index_cast %get3A_1740 : i32 to index
      %get3A_1742 = arith.constant 32 : index
      %get3A_1743 = tpu.vector_load %arg6[%get3A_1741, %get3A_1742] {strides = array<i32>} : memref<64x128xf32, #tpu.memory_space<vmem>>, vector<1x16xf32>,
      %get3A_1744 = vector.shape_cast %get3A_1743 : vector<1x16xf32> to vector<16xf32>
      %add3A_1745 = arith.addf %add3A_1739, %get3A_1744 : vector<16xf32>
      %get3A_1746 = arith.constant 34 : i32
      %get3A_1747 = arith.index_cast %get3A_1746 : i32 to index
      %get3A_1748 = arith.constant 32 : index
      %get3A_1749 = tpu.vector_load %arg6[%get3A_1747, %get3A_1748] {strides = array<i32>} : memref<64x128xf32, #tpu.memory_space<vmem>>, vector<1x16xf32>,
      %get3A_1750 = vector.shape_cast %get3A_1749 : vector<1x16xf32> to vector<16xf32>
      %add3A_1751 = arith.addf %add3A_1745, %get3A_1750 : vector<16xf32>
      %mul3A_1752 = arith.constant 0.0883883461 : f32
      %mul3A_1753 = vector.broadcast %mul3A_1752 : f32 to vector<16xf32>
      %mul3A_1754 = arith.mulf %add3A_1751, %mul3A_1753 : vector<16xf32>
      %swap3A_1755 = arith.constant 4 : i32
      %swap3A_1756 = arith.index_cast %swap3A_1755 : i32 to index
      %swap3A_1757 = arith.constant 32 : index
      %swap3A_1758 = tpu.vector_load %arg7[%swap3A_1756, %swap3A_1757] {strides = array<i32>} : memref<8x128xf32, #tpu.memory_space<vmem>>, vector<1x16xf32>,
      %swap3A_1759 = vector.shape_cast %swap3A_1758 : vector<1x16xf32> to vector<16xf32>
      %swap3A_1760 = vector.shape_cast %mul3A_1754 : vector<16xf32> to vector<1x16xf32>
      tpu.vector_store %arg7[%swap3A_1756, %swap3A_1757], %swap3A_1760 {strides = array<i32>} : memref<8x128xf32, #tpu.memory_space<vmem>>, vector<1x16xf32>,
      %get3A_1761 = arith.constant 28 : i32
      %get3A_1762 = arith.index_cast %get3A_1761 : i32 to index
      %get3A_1763 = arith.constant 48 : index
      %get3A_1764 = tpu.vector_load %arg6[%get3A_1762, %get3A_1763] {strides = array<i32>} : memref<64x128xf32, #tpu.memory_space<vmem>>, vector<1x16xf32>,
      %get3A_1765 = vector.shape_cast %get3A_1764 : vector<1x16xf32> to vector<16xf32>
      %get3A_1766 = arith.constant 29 : i32
      %get3A_1767 = arith.index_cast %get3A_1766 : i32 to index
      %get3A_1768 = arith.constant 48 : index
      %get3A_1769 = tpu.vector_load %arg6[%get3A_1767, %get3A_1768] {strides = array<i32>} : memref<64x128xf32, #tpu.memory_space<vmem>>, vector<1x16xf32>,
      %get3A_1770 = vector.shape_cast %get3A_1769 : vector<1x16xf32> to vector<16xf32>
      %add3A_1771 = arith.addf %get3A_1765, %get3A_1770 : vector<16xf32>
      %get3A_1772 = arith.constant 30 : i32
      %get3A_1773 = arith.index_cast %get3A_1772 : i32 to index
      %get3A_1774 = arith.constant 48 : index
      %get3A_1775 = tpu.vector_load %arg6[%get3A_1773, %get3A_1774] {strides = array<i32>} : memref<64x128xf32, #tpu.memory_space<vmem>>, vector<1x16xf32>,
      %get3A_1776 = vector.shape_cast %get3A_1775 : vector<1x16xf32> to vector<16xf32>
      %add3A_1777 = arith.addf %add3A_1771, %get3A_1776 : vector<16xf32>
      %get3A_1778 = arith.constant 31 : i32
      %get3A_1779 = arith.index_cast %get3A_1778 : i32 to index
      %get3A_1780 = arith.constant 48 : index
      %get3A_1781 = tpu.vector_load %arg6[%get3A_1779, %get3A_1780] {strides = array<i32>} : memref<64x128xf32, #tpu.memory_space<vmem>>, vector<1x16xf32>,
      %get3A_1782 = vector.shape_cast %get3A_1781 : vector<1x16xf32> to vector<16xf32>
      %add3A_1783 = arith.addf %add3A_1777, %get3A_1782 : vector<16xf32>
      %get3A_1784 = arith.constant 32 : i32
      %get3A_1785 = arith.index_cast %get3A_1784 : i32 to index
      %get3A_1786 = arith.constant 48 : index
      %get3A_1787 = tpu.vector_load %arg6[%get3A_1785, %get3A_1786] {strides = array<i32>} : memref<64x128xf32, #tpu.memory_space<vmem>>, vector<1x16xf32>,
      %get3A_1788 = vector.shape_cast %get3A_1787 : vector<1x16xf32> to vector<16xf32>
      %add3A_1789 = arith.addf %add3A_1783, %get3A_1788 : vector<16xf32>
      %get3A_1790 = arith.constant 33 : i32
      %get3A_1791 = arith.index_cast %get3A_1790 : i32 to index
      %get3A_1792 = arith.constant 48 : index
      %get3A_1793 = tpu.vector_load %arg6[%get3A_1791, %get3A_1792] {strides = array<i32>} : memref<64x128xf32, #tpu.memory_space<vmem>>, vector<1x16xf32>,
      %get3A_1794 = vector.shape_cast %get3A_1793 : vector<1x16xf32> to vector<16xf32>
      %add3A_1795 = arith.addf %add3A_1789, %get3A_1794 : vector<16xf32>
      %get3A_1796 = arith.constant 34 : i32
      %get3A_1797 = arith.index_cast %get3A_1796 : i32 to index
      %get3A_1798 = arith.constant 48 : index
      %get3A_1799 = tpu.vector_load %arg6[%get3A_1797, %get3A_1798] {strides = array<i32>} : memref<64x128xf32, #tpu.memory_space<vmem>>, vector<1x16xf32>,
      %get3A_1800 = vector.shape_cast %get3A_1799 : vector<1x16xf32> to vector<16xf32>
      %add3A_1801 = arith.addf %add3A_1795, %get3A_1800 : vector<16xf32>
      %mul3A_1802 = arith.constant 0.0883883461 : f32
      %mul3A_1803 = vector.broadcast %mul3A_1802 : f32 to vector<16xf32>
      %mul3A_1804 = arith.mulf %add3A_1801, %mul3A_1803 : vector<16xf32>
      %swap3A_1805 = arith.constant 4 : i32
      %swap3A_1806 = arith.index_cast %swap3A_1805 : i32 to index
      %swap3A_1807 = arith.constant 48 : index
      %swap3A_1808 = tpu.vector_load %arg7[%swap3A_1806, %swap3A_1807] {strides = array<i32>} : memref<8x128xf32, #tpu.memory_space<vmem>>, vector<1x16xf32>,
      %swap3A_1809 = vector.shape_cast %swap3A_1808 : vector<1x16xf32> to vector<16xf32>
      %swap3A_1810 = vector.shape_cast %mul3A_1804 : vector<16xf32> to vector<1x16xf32>
      tpu.vector_store %arg7[%swap3A_1806, %swap3A_1807], %swap3A_1810 {strides = array<i32>} : memref<8x128xf32, #tpu.memory_space<vmem>>, vector<1x16xf32>,
      %get3A_1811 = arith.constant 28 : i32
      %get3A_1812 = arith.index_cast %get3A_1811 : i32 to index
      %get3A_1813 = arith.constant 64 : index
      %get3A_1814 = tpu.vector_load %arg6[%get3A_1812, %get3A_1813] {strides = array<i32>} : memref<64x128xf32, #tpu.memory_space<vmem>>, vector<1x16xf32>,
      %get3A_1815 = vector.shape_cast %get3A_1814 : vector<1x16xf32> to vector<16xf32>
      %get3A_1816 = arith.constant 29 : i32
      %get3A_1817 = arith.index_cast %get3A_1816 : i32 to index
      %get3A_1818 = arith.constant 64 : index
      %get3A_1819 = tpu.vector_load %arg6[%get3A_1817, %get3A_1818] {strides = array<i32>} : memref<64x128xf32, #tpu.memory_space<vmem>>, vector<1x16xf32>,
      %get3A_1820 = vector.shape_cast %get3A_1819 : vector<1x16xf32> to vector<16xf32>
      %add3A_1821 = arith.addf %get3A_1815, %get3A_1820 : vector<16xf32>
      %get3A_1822 = arith.constant 30 : i32
      %get3A_1823 = arith.index_cast %get3A_1822 : i32 to index
      %get3A_1824 = arith.constant 64 : index
      %get3A_1825 = tpu.vector_load %arg6[%get3A_1823, %get3A_1824] {strides = array<i32>} : memref<64x128xf32, #tpu.memory_space<vmem>>, vector<1x16xf32>,
      %get3A_1826 = vector.shape_cast %get3A_1825 : vector<1x16xf32> to vector<16xf32>
      %add3A_1827 = arith.addf %add3A_1821, %get3A_1826 : vector<16xf32>
      %get3A_1828 = arith.constant 31 : i32
      %get3A_1829 = arith.index_cast %get3A_1828 : i32 to index
      %get3A_1830 = arith.constant 64 : index
      %get3A_1831 = tpu.vector_load %arg6[%get3A_1829, %get3A_1830] {strides = array<i32>} : memref<64x128xf32, #tpu.memory_space<vmem>>, vector<1x16xf32>,
      %get3A_1832 = vector.shape_cast %get3A_1831 : vector<1x16xf32> to vector<16xf32>
      %add3A_1833 = arith.addf %add3A_1827, %get3A_1832 : vector<16xf32>
      %get3A_1834 = arith.constant 32 : i32
      %get3A_1835 = arith.index_cast %get3A_1834 : i32 to index
      %get3A_1836 = arith.constant 64 : index
      %get3A_1837 = tpu.vector_load %arg6[%get3A_1835, %get3A_1836] {strides = array<i32>} : memref<64x128xf32, #tpu.memory_space<vmem>>, vector<1x16xf32>,
      %get3A_1838 = vector.shape_cast %get3A_1837 : vector<1x16xf32> to vector<16xf32>
      %add3A_1839 = arith.addf %add3A_1833, %get3A_1838 : vector<16xf32>
      %get3A_1840 = arith.constant 33 : i32
      %get3A_1841 = arith.index_cast %get3A_1840 : i32 to index
      %get3A_1842 = arith.constant 64 : index
      %get3A_1843 = tpu.vector_load %arg6[%get3A_1841, %get3A_1842] {strides = array<i32>} : memref<64x128xf32, #tpu.memory_space<vmem>>, vector<1x16xf32>,
      %get3A_1844 = vector.shape_cast %get3A_1843 : vector<1x16xf32> to vector<16xf32>
      %add3A_1845 = arith.addf %add3A_1839, %get3A_1844 : vector<16xf32>
      %get3A_1846 = arith.constant 34 : i32
      %get3A_1847 = arith.index_cast %get3A_1846 : i32 to index
      %get3A_1848 = arith.constant 64 : index
      %get3A_1849 = tpu.vector_load %arg6[%get3A_1847, %get3A_1848] {strides = array<i32>} : memref<64x128xf32, #tpu.memory_space<vmem>>, vector<1x16xf32>,
      %get3A_1850 = vector.shape_cast %get3A_1849 : vector<1x16xf32> to vector<16xf32>
      %add3A_1851 = arith.addf %add3A_1845, %get3A_1850 : vector<16xf32>
      %mul3A_1852 = arith.constant 0.0883883461 : f32
      %mul3A_1853 = vector.broadcast %mul3A_1852 : f32 to vector<16xf32>
      %mul3A_1854 = arith.mulf %add3A_1851, %mul3A_1853 : vector<16xf32>
      %swap3A_1855 = arith.constant 4 : i32
      %swap3A_1856 = arith.index_cast %swap3A_1855 : i32 to index
      %swap3A_1857 = arith.constant 64 : index
      %swap3A_1858 = tpu.vector_load %arg7[%swap3A_1856, %swap3A_1857] {strides = array<i32>} : memref<8x128xf32, #tpu.memory_space<vmem>>, vector<1x16xf32>,
      %swap3A_1859 = vector.shape_cast %swap3A_1858 : vector<1x16xf32> to vector<16xf32>
      %swap3A_1860 = vector.shape_cast %mul3A_1854 : vector<16xf32> to vector<1x16xf32>
      tpu.vector_store %arg7[%swap3A_1856, %swap3A_1857], %swap3A_1860 {strides = array<i32>} : memref<8x128xf32, #tpu.memory_space<vmem>>, vector<1x16xf32>,
      %get3A_1861 = arith.constant 28 : i32
      %get3A_1862 = arith.index_cast %get3A_1861 : i32 to index
      %get3A_1863 = arith.constant 80 : index
      %get3A_1864 = tpu.vector_load %arg6[%get3A_1862, %get3A_1863] {strides = array<i32>} : memref<64x128xf32, #tpu.memory_space<vmem>>, vector<1x16xf32>,
      %get3A_1865 = vector.shape_cast %get3A_1864 : vector<1x16xf32> to vector<16xf32>
      %get3A_1866 = arith.constant 29 : i32
      %get3A_1867 = arith.index_cast %get3A_1866 : i32 to index
      %get3A_1868 = arith.constant 80 : index
      %get3A_1869 = tpu.vector_load %arg6[%get3A_1867, %get3A_1868] {strides = array<i32>} : memref<64x128xf32, #tpu.memory_space<vmem>>, vector<1x16xf32>,
      %get3A_1870 = vector.shape_cast %get3A_1869 : vector<1x16xf32> to vector<16xf32>
      %add3A_1871 = arith.addf %get3A_1865, %get3A_1870 : vector<16xf32>
      %get3A_1872 = arith.constant 30 : i32
      %get3A_1873 = arith.index_cast %get3A_1872 : i32 to index
      %get3A_1874 = arith.constant 80 : index
      %get3A_1875 = tpu.vector_load %arg6[%get3A_1873, %get3A_1874] {strides = array<i32>} : memref<64x128xf32, #tpu.memory_space<vmem>>, vector<1x16xf32>,
      %get3A_1876 = vector.shape_cast %get3A_1875 : vector<1x16xf32> to vector<16xf32>
      %add3A_1877 = arith.addf %add3A_1871, %get3A_1876 : vector<16xf32>
      %get3A_1878 = arith.constant 31 : i32
      %get3A_1879 = arith.index_cast %get3A_1878 : i32 to index
      %get3A_1880 = arith.constant 80 : index
      %get3A_1881 = tpu.vector_load %arg6[%get3A_1879, %get3A_1880] {strides = array<i32>} : memref<64x128xf32, #tpu.memory_space<vmem>>, vector<1x16xf32>,
      %get3A_1882 = vector.shape_cast %get3A_1881 : vector<1x16xf32> to vector<16xf32>
      %add3A_1883 = arith.addf %add3A_1877, %get3A_1882 : vector<16xf32>
      %get3A_1884 = arith.constant 32 : i32
      %get3A_1885 = arith.index_cast %get3A_1884 : i32 to index
      %get3A_1886 = arith.constant 80 : index
      %get3A_1887 = tpu.vector_load %arg6[%get3A_1885, %get3A_1886] {strides = array<i32>} : memref<64x128xf32, #tpu.memory_space<vmem>>, vector<1x16xf32>,
      %get3A_1888 = vector.shape_cast %get3A_1887 : vector<1x16xf32> to vector<16xf32>
      %add3A_1889 = arith.addf %add3A_1883, %get3A_1888 : vector<16xf32>
      %get3A_1890 = arith.constant 33 : i32
      %get3A_1891 = arith.index_cast %get3A_1890 : i32 to index
      %get3A_1892 = arith.constant 80 : index
      %get3A_1893 = tpu.vector_load %arg6[%get3A_1891, %get3A_1892] {strides = array<i32>} : memref<64x128xf32, #tpu.memory_space<vmem>>, vector<1x16xf32>,
      %get3A_1894 = vector.shape_cast %get3A_1893 : vector<1x16xf32> to vector<16xf32>
      %add3A_1895 = arith.addf %add3A_1889, %get3A_1894 : vector<16xf32>
      %get3A_1896 = arith.constant 34 : i32
      %get3A_1897 = arith.index_cast %get3A_1896 : i32 to index
      %get3A_1898 = arith.constant 80 : index
      %get3A_1899 = tpu.vector_load %arg6[%get3A_1897, %get3A_1898] {strides = array<i32>} : memref<64x128xf32, #tpu.memory_space<vmem>>, vector<1x16xf32>,
      %get3A_1900 = vector.shape_cast %get3A_1899 : vector<1x16xf32> to vector<16xf32>
      %add3A_1901 = arith.addf %add3A_1895, %get3A_1900 : vector<16xf32>
      %mul3A_1902 = arith.constant 0.0883883461 : f32
      %mul3A_1903 = vector.broadcast %mul3A_1902 : f32 to vector<16xf32>
      %mul3A_1904 = arith.mulf %add3A_1901, %mul3A_1903 : vector<16xf32>
      %swap3A_1905 = arith.constant 4 : i32
      %swap3A_1906 = arith.index_cast %swap3A_1905 : i32 to index
      %swap3A_1907 = arith.constant 80 : index
      %swap3A_1908 = tpu.vector_load %arg7[%swap3A_1906, %swap3A_1907] {strides = array<i32>} : memref<8x128xf32, #tpu.memory_space<vmem>>, vector<1x16xf32>,
      %swap3A_1909 = vector.shape_cast %swap3A_1908 : vector<1x16xf32> to vector<16xf32>
      %swap3A_1910 = vector.shape_cast %mul3A_1904 : vector<16xf32> to vector<1x16xf32>
      tpu.vector_store %arg7[%swap3A_1906, %swap3A_1907], %swap3A_1910 {strides = array<i32>} : memref<8x128xf32, #tpu.memory_space<vmem>>, vector<1x16xf32>,
      %get3A_1911 = arith.constant 28 : i32
      %get3A_1912 = arith.index_cast %get3A_1911 : i32 to index
      %get3A_1913 = arith.constant 96 : index
      %get3A_1914 = tpu.vector_load %arg6[%get3A_1912, %get3A_1913] {strides = array<i32>} : memref<64x128xf32, #tpu.memory_space<vmem>>, vector<1x16xf32>,
      %get3A_1915 = vector.shape_cast %get3A_1914 : vector<1x16xf32> to vector<16xf32>
      %get3A_1916 = arith.constant 29 : i32
      %get3A_1917 = arith.index_cast %get3A_1916 : i32 to index
      %get3A_1918 = arith.constant 96 : index
      %get3A_1919 = tpu.vector_load %arg6[%get3A_1917, %get3A_1918] {strides = array<i32>} : memref<64x128xf32, #tpu.memory_space<vmem>>, vector<1x16xf32>,
      %get3A_1920 = vector.shape_cast %get3A_1919 : vector<1x16xf32> to vector<16xf32>
      %add3A_1921 = arith.addf %get3A_1915, %get3A_1920 : vector<16xf32>
      %get3A_1922 = arith.constant 30 : i32
      %get3A_1923 = arith.index_cast %get3A_1922 : i32 to index
      %get3A_1924 = arith.constant 96 : index
      %get3A_1925 = tpu.vector_load %arg6[%get3A_1923, %get3A_1924] {strides = array<i32>} : memref<64x128xf32, #tpu.memory_space<vmem>>, vector<1x16xf32>,
      %get3A_1926 = vector.shape_cast %get3A_1925 : vector<1x16xf32> to vector<16xf32>
      %add3A_1927 = arith.addf %add3A_1921, %get3A_1926 : vector<16xf32>
      %get3A_1928 = arith.constant 31 : i32
      %get3A_1929 = arith.index_cast %get3A_1928 : i32 to index
      %get3A_1930 = arith.constant 96 : index
      %get3A_1931 = tpu.vector_load %arg6[%get3A_1929, %get3A_1930] {strides = array<i32>} : memref<64x128xf32, #tpu.memory_space<vmem>>, vector<1x16xf32>,
      %get3A_1932 = vector.shape_cast %get3A_1931 : vector<1x16xf32> to vector<16xf32>
      %add3A_1933 = arith.addf %add3A_1927, %get3A_1932 : vector<16xf32>
      %get3A_1934 = arith.constant 32 : i32
      %get3A_1935 = arith.index_cast %get3A_1934 : i32 to index
      %get3A_1936 = arith.constant 96 : index
      %get3A_1937 = tpu.vector_load %arg6[%get3A_1935, %get3A_1936] {strides = array<i32>} : memref<64x128xf32, #tpu.memory_space<vmem>>, vector<1x16xf32>,
      %get3A_1938 = vector.shape_cast %get3A_1937 : vector<1x16xf32> to vector<16xf32>
      %add3A_1939 = arith.addf %add3A_1933, %get3A_1938 : vector<16xf32>
      %get3A_1940 = arith.constant 33 : i32
      %get3A_1941 = arith.index_cast %get3A_1940 : i32 to index
      %get3A_1942 = arith.constant 96 : index
      %get3A_1943 = tpu.vector_load %arg6[%get3A_1941, %get3A_1942] {strides = array<i32>} : memref<64x128xf32, #tpu.memory_space<vmem>>, vector<1x16xf32>,
      %get3A_1944 = vector.shape_cast %get3A_1943 : vector<1x16xf32> to vector<16xf32>
      %add3A_1945 = arith.addf %add3A_1939, %get3A_1944 : vector<16xf32>
      %get3A_1946 = arith.constant 34 : i32
      %get3A_1947 = arith.index_cast %get3A_1946 : i32 to index
      %get3A_1948 = arith.constant 96 : index
      %get3A_1949 = tpu.vector_load %arg6[%get3A_1947, %get3A_1948] {strides = array<i32>} : memref<64x128xf32, #tpu.memory_space<vmem>>, vector<1x16xf32>,
      %get3A_1950 = vector.shape_cast %get3A_1949 : vector<1x16xf32> to vector<16xf32>
      %add3A_1951 = arith.addf %add3A_1945, %get3A_1950 : vector<16xf32>
      %mul3A_1952 = arith.constant 0.0883883461 : f32
      %mul3A_1953 = vector.broadcast %mul3A_1952 : f32 to vector<16xf32>
      %mul3A_1954 = arith.mulf %add3A_1951, %mul3A_1953 : vector<16xf32>
      %swap3A_1955 = arith.constant 4 : i32
      %swap3A_1956 = arith.index_cast %swap3A_1955 : i32 to index
      %swap3A_1957 = arith.constant 96 : index
      %swap3A_1958 = tpu.vector_load %arg7[%swap3A_1956, %swap3A_1957] {strides = array<i32>} : memref<8x128xf32, #tpu.memory_space<vmem>>, vector<1x16xf32>,
      %swap3A_1959 = vector.shape_cast %swap3A_1958 : vector<1x16xf32> to vector<16xf32>
      %swap3A_1960 = vector.shape_cast %mul3A_1954 : vector<16xf32> to vector<1x16xf32>
      tpu.vector_store %arg7[%swap3A_1956, %swap3A_1957], %swap3A_1960 {strides = array<i32>} : memref<8x128xf32, #tpu.memory_space<vmem>>, vector<1x16xf32>,
      %get3A_1961 = arith.constant 28 : i32
      %get3A_1962 = arith.index_cast %get3A_1961 : i32 to index
      %get3A_1963 = arith.constant 112 : index
      %get3A_1964 = tpu.vector_load %arg6[%get3A_1962, %get3A_1963] {strides = array<i32>} : memref<64x128xf32, #tpu.memory_space<vmem>>, vector<1x16xf32>,
      %get3A_1965 = vector.shape_cast %get3A_1964 : vector<1x16xf32> to vector<16xf32>
      %get3A_1966 = arith.constant 29 : i32
      %get3A_1967 = arith.index_cast %get3A_1966 : i32 to index
      %get3A_1968 = arith.constant 112 : index
      %get3A_1969 = tpu.vector_load %arg6[%get3A_1967, %get3A_1968] {strides = array<i32>} : memref<64x128xf32, #tpu.memory_space<vmem>>, vector<1x16xf32>,
      %get3A_1970 = vector.shape_cast %get3A_1969 : vector<1x16xf32> to vector<16xf32>
      %add3A_1971 = arith.addf %get3A_1965, %get3A_1970 : vector<16xf32>
      %get3A_1972 = arith.constant 30 : i32
      %get3A_1973 = arith.index_cast %get3A_1972 : i32 to index
      %get3A_1974 = arith.constant 112 : index
      %get3A_1975 = tpu.vector_load %arg6[%get3A_1973, %get3A_1974] {strides = array<i32>} : memref<64x128xf32, #tpu.memory_space<vmem>>, vector<1x16xf32>,
      %get3A_1976 = vector.shape_cast %get3A_1975 : vector<1x16xf32> to vector<16xf32>
      %add3A_1977 = arith.addf %add3A_1971, %get3A_1976 : vector<16xf32>
      %get3A_1978 = arith.constant 31 : i32
      %get3A_1979 = arith.index_cast %get3A_1978 : i32 to index
      %get3A_1980 = arith.constant 112 : index
      %get3A_1981 = tpu.vector_load %arg6[%get3A_1979, %get3A_1980] {strides = array<i32>} : memref<64x128xf32, #tpu.memory_space<vmem>>, vector<1x16xf32>,
      %get3A_1982 = vector.shape_cast %get3A_1981 : vector<1x16xf32> to vector<16xf32>
      %add3A_1983 = arith.addf %add3A_1977, %get3A_1982 : vector<16xf32>
      %get3A_1984 = arith.constant 32 : i32
      %get3A_1985 = arith.index_cast %get3A_1984 : i32 to index
      %get3A_1986 = arith.constant 112 : index
      %get3A_1987 = tpu.vector_load %arg6[%get3A_1985, %get3A_1986] {strides = array<i32>} : memref<64x128xf32, #tpu.memory_space<vmem>>, vector<1x16xf32>,
      %get3A_1988 = vector.shape_cast %get3A_1987 : vector<1x16xf32> to vector<16xf32>
      %add3A_1989 = arith.addf %add3A_1983, %get3A_1988 : vector<16xf32>
      %get3A_1990 = arith.constant 33 : i32
      %get3A_1991 = arith.index_cast %get3A_1990 : i32 to index
      %get3A_1992 = arith.constant 112 : index
      %get3A_1993 = tpu.vector_load %arg6[%get3A_1991, %get3A_1992] {strides = array<i32>} : memref<64x128xf32, #tpu.memory_space<vmem>>, vector<1x16xf32>,
      %get3A_1994 = vector.shape_cast %get3A_1993 : vector<1x16xf32> to vector<16xf32>
      %add3A_1995 = arith.addf %add3A_1989, %get3A_1994 : vector<16xf32>
      %get3A_1996 = arith.constant 34 : i32
      %get3A_1997 = arith.index_cast %get3A_1996 : i32 to index
      %get3A_1998 = arith.constant 112 : index
      %get3A_1999 = tpu.vector_load %arg6[%get3A_1997, %get3A_1998] {strides = array<i32>} : memref<64x128xf32, #tpu.memory_space<vmem>>, vector<1x16xf32>,
      %get3A_2000 = vector.shape_cast %get3A_1999 : vector<1x16xf32> to vector<16xf32>
      %add3A_2001 = arith.addf %add3A_1995, %get3A_2000 : vector<16xf32>
      %mul3A_2002 = arith.constant 0.0883883461 : f32
      %mul3A_2003 = vector.broadcast %mul3A_2002 : f32 to vector<16xf32>
      %mul3A_2004 = arith.mulf %add3A_2001, %mul3A_2003 : vector<16xf32>
      %swap3A_2005 = arith.constant 4 : i32
      %swap3A_2006 = arith.index_cast %swap3A_2005 : i32 to index
      %swap3A_2007 = arith.constant 112 : index
      %swap3A_2008 = tpu.vector_load %arg7[%swap3A_2006, %swap3A_2007] {strides = array<i32>} : memref<8x128xf32, #tpu.memory_space<vmem>>, vector<1x16xf32>,
      %swap3A_2009 = vector.shape_cast %swap3A_2008 : vector<1x16xf32> to vector<16xf32>
      %swap3A_2010 = vector.shape_cast %mul3A_2004 : vector<16xf32> to vector<1x16xf32>
      tpu.vector_store %arg7[%swap3A_2006, %swap3A_2007], %swap3A_2010 {strides = array<i32>} : memref<8x128xf32, #tpu.memory_space<vmem>>, vector<1x16xf32>,
      %get3A_2011 = arith.constant 35 : i32
      %get3A_2012 = arith.index_cast %get3A_2011 : i32 to index
      %get3A_2013 = arith.constant 0 : index
      %get3A_2014 = tpu.vector_load %arg6[%get3A_2012, %get3A_2013] {strides = array<i32>} : memref<64x128xf32, #tpu.memory_space<vmem>>, vector<1x16xf32>,
      %get3A_2015 = vector.shape_cast %get3A_2014 : vector<1x16xf32> to vector<16xf32>
      %get3A_2016 = arith.constant 36 : i32
      %get3A_2017 = arith.index_cast %get3A_2016 : i32 to index
      %get3A_2018 = arith.constant 0 : index
      %get3A_2019 = tpu.vector_load %arg6[%get3A_2017, %get3A_2018] {strides = array<i32>} : memref<64x128xf32, #tpu.memory_space<vmem>>, vector<1x16xf32>,
      %get3A_2020 = vector.shape_cast %get3A_2019 : vector<1x16xf32> to vector<16xf32>
      %add3A_2021 = arith.addf %get3A_2015, %get3A_2020 : vector<16xf32>
      %get3A_2022 = arith.constant 37 : i32
      %get3A_2023 = arith.index_cast %get3A_2022 : i32 to index
      %get3A_2024 = arith.constant 0 : index
      %get3A_2025 = tpu.vector_load %arg6[%get3A_2023, %get3A_2024] {strides = array<i32>} : memref<64x128xf32, #tpu.memory_space<vmem>>, vector<1x16xf32>,
      %get3A_2026 = vector.shape_cast %get3A_2025 : vector<1x16xf32> to vector<16xf32>
      %add3A_2027 = arith.addf %add3A_2021, %get3A_2026 : vector<16xf32>
      %get3A_2028 = arith.constant 38 : i32
      %get3A_2029 = arith.index_cast %get3A_2028 : i32 to index
      %get3A_2030 = arith.constant 0 : index
      %get3A_2031 = tpu.vector_load %arg6[%get3A_2029, %get3A_2030] {strides = array<i32>} : memref<64x128xf32, #tpu.memory_space<vmem>>, vector<1x16xf32>,
      %get3A_2032 = vector.shape_cast %get3A_2031 : vector<1x16xf32> to vector<16xf32>
      %add3A_2033 = arith.addf %add3A_2027, %get3A_2032 : vector<16xf32>
      %get3A_2034 = arith.constant 39 : i32
      %get3A_2035 = arith.index_cast %get3A_2034 : i32 to index
      %get3A_2036 = arith.constant 0 : index
      %get3A_2037 = tpu.vector_load %arg6[%get3A_2035, %get3A_2036] {strides = array<i32>} : memref<64x128xf32, #tpu.memory_space<vmem>>, vector<1x16xf32>,
      %get3A_2038 = vector.shape_cast %get3A_2037 : vector<1x16xf32> to vector<16xf32>
      %add3A_2039 = arith.addf %add3A_2033, %get3A_2038 : vector<16xf32>
      %get3A_2040 = arith.constant 40 : i32
      %get3A_2041 = arith.index_cast %get3A_2040 : i32 to index
      %get3A_2042 = arith.constant 0 : index
      %get3A_2043 = tpu.vector_load %arg6[%get3A_2041, %get3A_2042] {strides = array<i32>} : memref<64x128xf32, #tpu.memory_space<vmem>>, vector<1x16xf32>,
      %get3A_2044 = vector.shape_cast %get3A_2043 : vector<1x16xf32> to vector<16xf32>
      %add3A_2045 = arith.addf %add3A_2039, %get3A_2044 : vector<16xf32>
      %get3A_2046 = arith.constant 41 : i32
      %get3A_2047 = arith.index_cast %get3A_2046 : i32 to index
      %get3A_2048 = arith.constant 0 : index
      %get3A_2049 = tpu.vector_load %arg6[%get3A_2047, %get3A_2048] {strides = array<i32>} : memref<64x128xf32, #tpu.memory_space<vmem>>, vector<1x16xf32>,
      %get3A_2050 = vector.shape_cast %get3A_2049 : vector<1x16xf32> to vector<16xf32>
      %add3A_2051 = arith.addf %add3A_2045, %get3A_2050 : vector<16xf32>
      %mul3A_2052 = arith.constant 0.0883883461 : f32
      %mul3A_2053 = vector.broadcast %mul3A_2052 : f32 to vector<16xf32>
      %mul3A_2054 = arith.mulf %add3A_2051, %mul3A_2053 : vector<16xf32>
      %swap3A_2055 = arith.constant 5 : i32
      %swap3A_2056 = arith.index_cast %swap3A_2055 : i32 to index
      %swap3A_2057 = arith.constant 0 : index
      %swap3A_2058 = tpu.vector_load %arg7[%swap3A_2056, %swap3A_2057] {strides = array<i32>} : memref<8x128xf32, #tpu.memory_space<vmem>>, vector<1x16xf32>,
      %swap3A_2059 = vector.shape_cast %swap3A_2058 : vector<1x16xf32> to vector<16xf32>
      %swap3A_2060 = vector.shape_cast %mul3A_2054 : vector<16xf32> to vector<1x16xf32>
      tpu.vector_store %arg7[%swap3A_2056, %swap3A_2057], %swap3A_2060 {strides = array<i32>} : memref<8x128xf32, #tpu.memory_space<vmem>>, vector<1x16xf32>,
      %get3A_2061 = arith.constant 35 : i32
      %get3A_2062 = arith.index_cast %get3A_2061 : i32 to index
      %get3A_2063 = arith.constant 16 : index
      %get3A_2064 = tpu.vector_load %arg6[%get3A_2062, %get3A_2063] {strides = array<i32>} : memref<64x128xf32, #tpu.memory_space<vmem>>, vector<1x16xf32>,
      %get3A_2065 = vector.shape_cast %get3A_2064 : vector<1x16xf32> to vector<16xf32>
      %get3A_2066 = arith.constant 36 : i32
      %get3A_2067 = arith.index_cast %get3A_2066 : i32 to index
      %get3A_2068 = arith.constant 16 : index
      %get3A_2069 = tpu.vector_load %arg6[%get3A_2067, %get3A_2068] {strides = array<i32>} : memref<64x128xf32, #tpu.memory_space<vmem>>, vector<1x16xf32>,
      %get3A_2070 = vector.shape_cast %get3A_2069 : vector<1x16xf32> to vector<16xf32>
      %add3A_2071 = arith.addf %get3A_2065, %get3A_2070 : vector<16xf32>
      %get3A_2072 = arith.constant 37 : i32
      %get3A_2073 = arith.index_cast %get3A_2072 : i32 to index
      %get3A_2074 = arith.constant 16 : index
      %get3A_2075 = tpu.vector_load %arg6[%get3A_2073, %get3A_2074] {strides = array<i32>} : memref<64x128xf32, #tpu.memory_space<vmem>>, vector<1x16xf32>,
      %get3A_2076 = vector.shape_cast %get3A_2075 : vector<1x16xf32> to vector<16xf32>
      %add3A_2077 = arith.addf %add3A_2071, %get3A_2076 : vector<16xf32>
      %get3A_2078 = arith.constant 38 : i32
      %get3A_2079 = arith.index_cast %get3A_2078 : i32 to index
      %get3A_2080 = arith.constant 16 : index
      %get3A_2081 = tpu.vector_load %arg6[%get3A_2079, %get3A_2080] {strides = array<i32>} : memref<64x128xf32, #tpu.memory_space<vmem>>, vector<1x16xf32>,
      %get3A_2082 = vector.shape_cast %get3A_2081 : vector<1x16xf32> to vector<16xf32>
      %add3A_2083 = arith.addf %add3A_2077, %get3A_2082 : vector<16xf32>
      %get3A_2084 = arith.constant 39 : i32
      %get3A_2085 = arith.index_cast %get3A_2084 : i32 to index
      %get3A_2086 = arith.constant 16 : index
      %get3A_2087 = tpu.vector_load %arg6[%get3A_2085, %get3A_2086] {strides = array<i32>} : memref<64x128xf32, #tpu.memory_space<vmem>>, vector<1x16xf32>,
      %get3A_2088 = vector.shape_cast %get3A_2087 : vector<1x16xf32> to vector<16xf32>
      %add3A_2089 = arith.addf %add3A_2083, %get3A_2088 : vector<16xf32>
      %get3A_2090 = arith.constant 40 : i32
      %get3A_2091 = arith.index_cast %get3A_2090 : i32 to index
      %get3A_2092 = arith.constant 16 : index
      %get3A_2093 = tpu.vector_load %arg6[%get3A_2091, %get3A_2092] {strides = array<i32>} : memref<64x128xf32, #tpu.memory_space<vmem>>, vector<1x16xf32>,
      %get3A_2094 = vector.shape_cast %get3A_2093 : vector<1x16xf32> to vector<16xf32>
      %add3A_2095 = arith.addf %add3A_2089, %get3A_2094 : vector<16xf32>
      %get3A_2096 = arith.constant 41 : i32
      %get3A_2097 = arith.index_cast %get3A_2096 : i32 to index
      %get3A_2098 = arith.constant 16 : index
      %get3A_2099 = tpu.vector_load %arg6[%get3A_2097, %get3A_2098] {strides = array<i32>} : memref<64x128xf32, #tpu.memory_space<vmem>>, vector<1x16xf32>,
      %get3A_2100 = vector.shape_cast %get3A_2099 : vector<1x16xf32> to vector<16xf32>
      %add3A_2101 = arith.addf %add3A_2095, %get3A_2100 : vector<16xf32>
      %mul3A_2102 = arith.constant 0.0883883461 : f32
      %mul3A_2103 = vector.broadcast %mul3A_2102 : f32 to vector<16xf32>
      %mul3A_2104 = arith.mulf %add3A_2101, %mul3A_2103 : vector<16xf32>
      %swap3A_2105 = arith.constant 5 : i32
      %swap3A_2106 = arith.index_cast %swap3A_2105 : i32 to index
      %swap3A_2107 = arith.constant 16 : index
      %swap3A_2108 = tpu.vector_load %arg7[%swap3A_2106, %swap3A_2107] {strides = array<i32>} : memref<8x128xf32, #tpu.memory_space<vmem>>, vector<1x16xf32>,
      %swap3A_2109 = vector.shape_cast %swap3A_2108 : vector<1x16xf32> to vector<16xf32>
      %swap3A_2110 = vector.shape_cast %mul3A_2104 : vector<16xf32> to vector<1x16xf32>
      tpu.vector_store %arg7[%swap3A_2106, %swap3A_2107], %swap3A_2110 {strides = array<i32>} : memref<8x128xf32, #tpu.memory_space<vmem>>, vector<1x16xf32>,
      %get3A_2111 = arith.constant 35 : i32
      %get3A_2112 = arith.index_cast %get3A_2111 : i32 to index
      %get3A_2113 = arith.constant 32 : index
      %get3A_2114 = tpu.vector_load %arg6[%get3A_2112, %get3A_2113] {strides = array<i32>} : memref<64x128xf32, #tpu.memory_space<vmem>>, vector<1x16xf32>,
      %get3A_2115 = vector.shape_cast %get3A_2114 : vector<1x16xf32> to vector<16xf32>
      %get3A_2116 = arith.constant 36 : i32
      %get3A_2117 = arith.index_cast %get3A_2116 : i32 to index
      %get3A_2118 = arith.constant 32 : index
      %get3A_2119 = tpu.vector_load %arg6[%get3A_2117, %get3A_2118] {strides = array<i32>} : memref<64x128xf32, #tpu.memory_space<vmem>>, vector<1x16xf32>,
      %get3A_2120 = vector.shape_cast %get3A_2119 : vector<1x16xf32> to vector<16xf32>
      %add3A_2121 = arith.addf %get3A_2115, %get3A_2120 : vector<16xf32>
      %get3A_2122 = arith.constant 37 : i32
      %get3A_2123 = arith.index_cast %get3A_2122 : i32 to index
      %get3A_2124 = arith.constant 32 : index
      %get3A_2125 = tpu.vector_load %arg6[%get3A_2123, %get3A_2124] {strides = array<i32>} : memref<64x128xf32, #tpu.memory_space<vmem>>, vector<1x16xf32>,
      %get3A_2126 = vector.shape_cast %get3A_2125 : vector<1x16xf32> to vector<16xf32>
      %add3A_2127 = arith.addf %add3A_2121, %get3A_2126 : vector<16xf32>
      %get3A_2128 = arith.constant 38 : i32
      %get3A_2129 = arith.index_cast %get3A_2128 : i32 to index
      %get3A_2130 = arith.constant 32 : index
      %get3A_2131 = tpu.vector_load %arg6[%get3A_2129, %get3A_2130] {strides = array<i32>} : memref<64x128xf32, #tpu.memory_space<vmem>>, vector<1x16xf32>,
      %get3A_2132 = vector.shape_cast %get3A_2131 : vector<1x16xf32> to vector<16xf32>
      %add3A_2133 = arith.addf %add3A_2127, %get3A_2132 : vector<16xf32>
      %get3A_2134 = arith.constant 39 : i32
      %get3A_2135 = arith.index_cast %get3A_2134 : i32 to index
      %get3A_2136 = arith.constant 32 : index
      %get3A_2137 = tpu.vector_load %arg6[%get3A_2135, %get3A_2136] {strides = array<i32>} : memref<64x128xf32, #tpu.memory_space<vmem>>, vector<1x16xf32>,
      %get3A_2138 = vector.shape_cast %get3A_2137 : vector<1x16xf32> to vector<16xf32>
      %add3A_2139 = arith.addf %add3A_2133, %get3A_2138 : vector<16xf32>
      %get3A_2140 = arith.constant 40 : i32
      %get3A_2141 = arith.index_cast %get3A_2140 : i32 to index
      %get3A_2142 = arith.constant 32 : index
      %get3A_2143 = tpu.vector_load %arg6[%get3A_2141, %get3A_2142] {strides = array<i32>} : memref<64x128xf32, #tpu.memory_space<vmem>>, vector<1x16xf32>,
      %get3A_2144 = vector.shape_cast %get3A_2143 : vector<1x16xf32> to vector<16xf32>
      %add3A_2145 = arith.addf %add3A_2139, %get3A_2144 : vector<16xf32>
      %get3A_2146 = arith.constant 41 : i32
      %get3A_2147 = arith.index_cast %get3A_2146 : i32 to index
      %get3A_2148 = arith.constant 32 : index
      %get3A_2149 = tpu.vector_load %arg6[%get3A_2147, %get3A_2148] {strides = array<i32>} : memref<64x128xf32, #tpu.memory_space<vmem>>, vector<1x16xf32>,
      %get3A_2150 = vector.shape_cast %get3A_2149 : vector<1x16xf32> to vector<16xf32>
      %add3A_2151 = arith.addf %add3A_2145, %get3A_2150 : vector<16xf32>
      %mul3A_2152 = arith.constant 0.0883883461 : f32
      %mul3A_2153 = vector.broadcast %mul3A_2152 : f32 to vector<16xf32>
      %mul3A_2154 = arith.mulf %add3A_2151, %mul3A_2153 : vector<16xf32>
      %swap3A_2155 = arith.constant 5 : i32
      %swap3A_2156 = arith.index_cast %swap3A_2155 : i32 to index
      %swap3A_2157 = arith.constant 32 : index
      %swap3A_2158 = tpu.vector_load %arg7[%swap3A_2156, %swap3A_2157] {strides = array<i32>} : memref<8x128xf32, #tpu.memory_space<vmem>>, vector<1x16xf32>,
      %swap3A_2159 = vector.shape_cast %swap3A_2158 : vector<1x16xf32> to vector<16xf32>
      %swap3A_2160 = vector.shape_cast %mul3A_2154 : vector<16xf32> to vector<1x16xf32>
      tpu.vector_store %arg7[%swap3A_2156, %swap3A_2157], %swap3A_2160 {strides = array<i32>} : memref<8x128xf32, #tpu.memory_space<vmem>>, vector<1x16xf32>,
      %get3A_2161 = arith.constant 35 : i32
      %get3A_2162 = arith.index_cast %get3A_2161 : i32 to index
      %get3A_2163 = arith.constant 48 : index
      %get3A_2164 = tpu.vector_load %arg6[%get3A_2162, %get3A_2163] {strides = array<i32>} : memref<64x128xf32, #tpu.memory_space<vmem>>, vector<1x16xf32>,
      %get3A_2165 = vector.shape_cast %get3A_2164 : vector<1x16xf32> to vector<16xf32>
      %get3A_2166 = arith.constant 36 : i32
      %get3A_2167 = arith.index_cast %get3A_2166 : i32 to index
      %get3A_2168 = arith.constant 48 : index
      %get3A_2169 = tpu.vector_load %arg6[%get3A_2167, %get3A_2168] {strides = array<i32>} : memref<64x128xf32, #tpu.memory_space<vmem>>, vector<1x16xf32>,
      %get3A_2170 = vector.shape_cast %get3A_2169 : vector<1x16xf32> to vector<16xf32>
      %add3A_2171 = arith.addf %get3A_2165, %get3A_2170 : vector<16xf32>
      %get3A_2172 = arith.constant 37 : i32
      %get3A_2173 = arith.index_cast %get3A_2172 : i32 to index
      %get3A_2174 = arith.constant 48 : index
      %get3A_2175 = tpu.vector_load %arg6[%get3A_2173, %get3A_2174] {strides = array<i32>} : memref<64x128xf32, #tpu.memory_space<vmem>>, vector<1x16xf32>,
      %get3A_2176 = vector.shape_cast %get3A_2175 : vector<1x16xf32> to vector<16xf32>
      %add3A_2177 = arith.addf %add3A_2171, %get3A_2176 : vector<16xf32>
      %get3A_2178 = arith.constant 38 : i32
      %get3A_2179 = arith.index_cast %get3A_2178 : i32 to index
      %get3A_2180 = arith.constant 48 : index
      %get3A_2181 = tpu.vector_load %arg6[%get3A_2179, %get3A_2180] {strides = array<i32>} : memref<64x128xf32, #tpu.memory_space<vmem>>, vector<1x16xf32>,
      %get3A_2182 = vector.shape_cast %get3A_2181 : vector<1x16xf32> to vector<16xf32>
      %add3A_2183 = arith.addf %add3A_2177, %get3A_2182 : vector<16xf32>
      %get3A_2184 = arith.constant 39 : i32
      %get3A_2185 = arith.index_cast %get3A_2184 : i32 to index
      %get3A_2186 = arith.constant 48 : index
      %get3A_2187 = tpu.vector_load %arg6[%get3A_2185, %get3A_2186] {strides = array<i32>} : memref<64x128xf32, #tpu.memory_space<vmem>>, vector<1x16xf32>,
      %get3A_2188 = vector.shape_cast %get3A_2187 : vector<1x16xf32> to vector<16xf32>
      %add3A_2189 = arith.addf %add3A_2183, %get3A_2188 : vector<16xf32>
      %get3A_2190 = arith.constant 40 : i32
      %get3A_2191 = arith.index_cast %get3A_2190 : i32 to index
      %get3A_2192 = arith.constant 48 : index
      %get3A_2193 = tpu.vector_load %arg6[%get3A_2191, %get3A_2192] {strides = array<i32>} : memref<64x128xf32, #tpu.memory_space<vmem>>, vector<1x16xf32>,
      %get3A_2194 = vector.shape_cast %get3A_2193 : vector<1x16xf32> to vector<16xf32>
      %add3A_2195 = arith.addf %add3A_2189, %get3A_2194 : vector<16xf32>
      %get3A_2196 = arith.constant 41 : i32
      %get3A_2197 = arith.index_cast %get3A_2196 : i32 to index
      %get3A_2198 = arith.constant 48 : index
      %get3A_2199 = tpu.vector_load %arg6[%get3A_2197, %get3A_2198] {strides = array<i32>} : memref<64x128xf32, #tpu.memory_space<vmem>>, vector<1x16xf32>,
      %get3A_2200 = vector.shape_cast %get3A_2199 : vector<1x16xf32> to vector<16xf32>
      %add3A_2201 = arith.addf %add3A_2195, %get3A_2200 : vector<16xf32>
      %mul3A_2202 = arith.constant 0.0883883461 : f32
      %mul3A_2203 = vector.broadcast %mul3A_2202 : f32 to vector<16xf32>
      %mul3A_2204 = arith.mulf %add3A_2201, %mul3A_2203 : vector<16xf32>
      %swap3A_2205 = arith.constant 5 : i32
      %swap3A_2206 = arith.index_cast %swap3A_2205 : i32 to index
      %swap3A_2207 = arith.constant 48 : index
      %swap3A_2208 = tpu.vector_load %arg7[%swap3A_2206, %swap3A_2207] {strides = array<i32>} : memref<8x128xf32, #tpu.memory_space<vmem>>, vector<1x16xf32>,
      %swap3A_2209 = vector.shape_cast %swap3A_2208 : vector<1x16xf32> to vector<16xf32>
      %swap3A_2210 = vector.shape_cast %mul3A_2204 : vector<16xf32> to vector<1x16xf32>
      tpu.vector_store %arg7[%swap3A_2206, %swap3A_2207], %swap3A_2210 {strides = array<i32>} : memref<8x128xf32, #tpu.memory_space<vmem>>, vector<1x16xf32>,
      %get3A_2211 = arith.constant 35 : i32
      %get3A_2212 = arith.index_cast %get3A_2211 : i32 to index
      %get3A_2213 = arith.constant 64 : index
      %get3A_2214 = tpu.vector_load %arg6[%get3A_2212, %get3A_2213] {strides = array<i32>} : memref<64x128xf32, #tpu.memory_space<vmem>>, vector<1x16xf32>,
      %get3A_2215 = vector.shape_cast %get3A_2214 : vector<1x16xf32> to vector<16xf32>
      %get3A_2216 = arith.constant 36 : i32
      %get3A_2217 = arith.index_cast %get3A_2216 : i32 to index
      %get3A_2218 = arith.constant 64 : index
      %get3A_2219 = tpu.vector_load %arg6[%get3A_2217, %get3A_2218] {strides = array<i32>} : memref<64x128xf32, #tpu.memory_space<vmem>>, vector<1x16xf32>,
      %get3A_2220 = vector.shape_cast %get3A_2219 : vector<1x16xf32> to vector<16xf32>
      %add3A_2221 = arith.addf %get3A_2215, %get3A_2220 : vector<16xf32>
      %get3A_2222 = arith.constant 37 : i32
      %get3A_2223 = arith.index_cast %get3A_2222 : i32 to index
      %get3A_2224 = arith.constant 64 : index
      %get3A_2225 = tpu.vector_load %arg6[%get3A_2223, %get3A_2224] {strides = array<i32>} : memref<64x128xf32, #tpu.memory_space<vmem>>, vector<1x16xf32>,
      %get3A_2226 = vector.shape_cast %get3A_2225 : vector<1x16xf32> to vector<16xf32>
      %add3A_2227 = arith.addf %add3A_2221, %get3A_2226 : vector<16xf32>
      %get3A_2228 = arith.constant 38 : i32
      %get3A_2229 = arith.index_cast %get3A_2228 : i32 to index
      %get3A_2230 = arith.constant 64 : index
      %get3A_2231 = tpu.vector_load %arg6[%get3A_2229, %get3A_2230] {strides = array<i32>} : memref<64x128xf32, #tpu.memory_space<vmem>>, vector<1x16xf32>,
      %get3A_2232 = vector.shape_cast %get3A_2231 : vector<1x16xf32> to vector<16xf32>
      %add3A_2233 = arith.addf %add3A_2227, %get3A_2232 : vector<16xf32>
      %get3A_2234 = arith.constant 39 : i32
      %get3A_2235 = arith.index_cast %get3A_2234 : i32 to index
      %get3A_2236 = arith.constant 64 : index
      %get3A_2237 = tpu.vector_load %arg6[%get3A_2235, %get3A_2236] {strides = array<i32>} : memref<64x128xf32, #tpu.memory_space<vmem>>, vector<1x16xf32>,
      %get3A_2238 = vector.shape_cast %get3A_2237 : vector<1x16xf32> to vector<16xf32>
      %add3A_2239 = arith.addf %add3A_2233, %get3A_2238 : vector<16xf32>
      %get3A_2240 = arith.constant 40 : i32
      %get3A_2241 = arith.index_cast %get3A_2240 : i32 to index
      %get3A_2242 = arith.constant 64 : index
      %get3A_2243 = tpu.vector_load %arg6[%get3A_2241, %get3A_2242] {strides = array<i32>} : memref<64x128xf32, #tpu.memory_space<vmem>>, vector<1x16xf32>,
      %get3A_2244 = vector.shape_cast %get3A_2243 : vector<1x16xf32> to vector<16xf32>
      %add3A_2245 = arith.addf %add3A_2239, %get3A_2244 : vector<16xf32>
      %get3A_2246 = arith.constant 41 : i32
      %get3A_2247 = arith.index_cast %get3A_2246 : i32 to index
      %get3A_2248 = arith.constant 64 : index
      %get3A_2249 = tpu.vector_load %arg6[%get3A_2247, %get3A_2248] {strides = array<i32>} : memref<64x128xf32, #tpu.memory_space<vmem>>, vector<1x16xf32>,
      %get3A_2250 = vector.shape_cast %get3A_2249 : vector<1x16xf32> to vector<16xf32>
      %add3A_2251 = arith.addf %add3A_2245, %get3A_2250 : vector<16xf32>
      %mul3A_2252 = arith.constant 0.0883883461 : f32
      %mul3A_2253 = vector.broadcast %mul3A_2252 : f32 to vector<16xf32>
      %mul3A_2254 = arith.mulf %add3A_2251, %mul3A_2253 : vector<16xf32>
      %swap3A_2255 = arith.constant 5 : i32
      %swap3A_2256 = arith.index_cast %swap3A_2255 : i32 to index
      %swap3A_2257 = arith.constant 64 : index
      %swap3A_2258 = tpu.vector_load %arg7[%swap3A_2256, %swap3A_2257] {strides = array<i32>} : memref<8x128xf32, #tpu.memory_space<vmem>>, vector<1x16xf32>,
      %swap3A_2259 = vector.shape_cast %swap3A_2258 : vector<1x16xf32> to vector<16xf32>
      %swap3A_2260 = vector.shape_cast %mul3A_2254 : vector<16xf32> to vector<1x16xf32>
      tpu.vector_store %arg7[%swap3A_2256, %swap3A_2257], %swap3A_2260 {strides = array<i32>} : memref<8x128xf32, #tpu.memory_space<vmem>>, vector<1x16xf32>,
      %get3A_2261 = arith.constant 35 : i32
      %get3A_2262 = arith.index_cast %get3A_2261 : i32 to index
      %get3A_2263 = arith.constant 80 : index
      %get3A_2264 = tpu.vector_load %arg6[%get3A_2262, %get3A_2263] {strides = array<i32>} : memref<64x128xf32, #tpu.memory_space<vmem>>, vector<1x16xf32>,
      %get3A_2265 = vector.shape_cast %get3A_2264 : vector<1x16xf32> to vector<16xf32>
      %get3A_2266 = arith.constant 36 : i32
      %get3A_2267 = arith.index_cast %get3A_2266 : i32 to index
      %get3A_2268 = arith.constant 80 : index
      %get3A_2269 = tpu.vector_load %arg6[%get3A_2267, %get3A_2268] {strides = array<i32>} : memref<64x128xf32, #tpu.memory_space<vmem>>, vector<1x16xf32>,
      %get3A_2270 = vector.shape_cast %get3A_2269 : vector<1x16xf32> to vector<16xf32>
      %add3A_2271 = arith.addf %get3A_2265, %get3A_2270 : vector<16xf32>
      %get3A_2272 = arith.constant 37 : i32
      %get3A_2273 = arith.index_cast %get3A_2272 : i32 to index
      %get3A_2274 = arith.constant 80 : index
      %get3A_2275 = tpu.vector_load %arg6[%get3A_2273, %get3A_2274] {strides = array<i32>} : memref<64x128xf32, #tpu.memory_space<vmem>>, vector<1x16xf32>,
      %get3A_2276 = vector.shape_cast %get3A_2275 : vector<1x16xf32> to vector<16xf32>
      %add3A_2277 = arith.addf %add3A_2271, %get3A_2276 : vector<16xf32>
      %get3A_2278 = arith.constant 38 : i32
      %get3A_2279 = arith.index_cast %get3A_2278 : i32 to index
      %get3A_2280 = arith.constant 80 : index
      %get3A_2281 = tpu.vector_load %arg6[%get3A_2279, %get3A_2280] {strides = array<i32>} : memref<64x128xf32, #tpu.memory_space<vmem>>, vector<1x16xf32>,
      %get3A_2282 = vector.shape_cast %get3A_2281 : vector<1x16xf32> to vector<16xf32>
      %add3A_2283 = arith.addf %add3A_2277, %get3A_2282 : vector<16xf32>
      %get3A_2284 = arith.constant 39 : i32
      %get3A_2285 = arith.index_cast %get3A_2284 : i32 to index
      %get3A_2286 = arith.constant 80 : index
      %get3A_2287 = tpu.vector_load %arg6[%get3A_2285, %get3A_2286] {strides = array<i32>} : memref<64x128xf32, #tpu.memory_space<vmem>>, vector<1x16xf32>,
      %get3A_2288 = vector.shape_cast %get3A_2287 : vector<1x16xf32> to vector<16xf32>
      %add3A_2289 = arith.addf %add3A_2283, %get3A_2288 : vector<16xf32>
      %get3A_2290 = arith.constant 40 : i32
      %get3A_2291 = arith.index_cast %get3A_2290 : i32 to index
      %get3A_2292 = arith.constant 80 : index
      %get3A_2293 = tpu.vector_load %arg6[%get3A_2291, %get3A_2292] {strides = array<i32>} : memref<64x128xf32, #tpu.memory_space<vmem>>, vector<1x16xf32>,
      %get3A_2294 = vector.shape_cast %get3A_2293 : vector<1x16xf32> to vector<16xf32>
      %add3A_2295 = arith.addf %add3A_2289, %get3A_2294 : vector<16xf32>
      %get3A_2296 = arith.constant 41 : i32
      %get3A_2297 = arith.index_cast %get3A_2296 : i32 to index
      %get3A_2298 = arith.constant 80 : index
      %get3A_2299 = tpu.vector_load %arg6[%get3A_2297, %get3A_2298] {strides = array<i32>} : memref<64x128xf32, #tpu.memory_space<vmem>>, vector<1x16xf32>,
      %get3A_2300 = vector.shape_cast %get3A_2299 : vector<1x16xf32> to vector<16xf32>
      %add3A_2301 = arith.addf %add3A_2295, %get3A_2300 : vector<16xf32>
      %mul3A_2302 = arith.constant 0.0883883461 : f32
      %mul3A_2303 = vector.broadcast %mul3A_2302 : f32 to vector<16xf32>
      %mul3A_2304 = arith.mulf %add3A_2301, %mul3A_2303 : vector<16xf32>
      %swap3A_2305 = arith.constant 5 : i32
      %swap3A_2306 = arith.index_cast %swap3A_2305 : i32 to index
      %swap3A_2307 = arith.constant 80 : index
      %swap3A_2308 = tpu.vector_load %arg7[%swap3A_2306, %swap3A_2307] {strides = array<i32>} : memref<8x128xf32, #tpu.memory_space<vmem>>, vector<1x16xf32>,
      %swap3A_2309 = vector.shape_cast %swap3A_2308 : vector<1x16xf32> to vector<16xf32>
      %swap3A_2310 = vector.shape_cast %mul3A_2304 : vector<16xf32> to vector<1x16xf32>
      tpu.vector_store %arg7[%swap3A_2306, %swap3A_2307], %swap3A_2310 {strides = array<i32>} : memref<8x128xf32, #tpu.memory_space<vmem>>, vector<1x16xf32>,
      %get3A_2311 = arith.constant 35 : i32
      %get3A_2312 = arith.index_cast %get3A_2311 : i32 to index
      %get3A_2313 = arith.constant 96 : index
      %get3A_2314 = tpu.vector_load %arg6[%get3A_2312, %get3A_2313] {strides = array<i32>} : memref<64x128xf32, #tpu.memory_space<vmem>>, vector<1x16xf32>,
      %get3A_2315 = vector.shape_cast %get3A_2314 : vector<1x16xf32> to vector<16xf32>
      %get3A_2316 = arith.constant 36 : i32
      %get3A_2317 = arith.index_cast %get3A_2316 : i32 to index
      %get3A_2318 = arith.constant 96 : index
      %get3A_2319 = tpu.vector_load %arg6[%get3A_2317, %get3A_2318] {strides = array<i32>} : memref<64x128xf32, #tpu.memory_space<vmem>>, vector<1x16xf32>,
      %get3A_2320 = vector.shape_cast %get3A_2319 : vector<1x16xf32> to vector<16xf32>
      %add3A_2321 = arith.addf %get3A_2315, %get3A_2320 : vector<16xf32>
      %get3A_2322 = arith.constant 37 : i32
      %get3A_2323 = arith.index_cast %get3A_2322 : i32 to index
      %get3A_2324 = arith.constant 96 : index
      %get3A_2325 = tpu.vector_load %arg6[%get3A_2323, %get3A_2324] {strides = array<i32>} : memref<64x128xf32, #tpu.memory_space<vmem>>, vector<1x16xf32>,
      %get3A_2326 = vector.shape_cast %get3A_2325 : vector<1x16xf32> to vector<16xf32>
      %add3A_2327 = arith.addf %add3A_2321, %get3A_2326 : vector<16xf32>
      %get3A_2328 = arith.constant 38 : i32
      %get3A_2329 = arith.index_cast %get3A_2328 : i32 to index
      %get3A_2330 = arith.constant 96 : index
      %get3A_2331 = tpu.vector_load %arg6[%get3A_2329, %get3A_2330] {strides = array<i32>} : memref<64x128xf32, #tpu.memory_space<vmem>>, vector<1x16xf32>,
      %get3A_2332 = vector.shape_cast %get3A_2331 : vector<1x16xf32> to vector<16xf32>
      %add3A_2333 = arith.addf %add3A_2327, %get3A_2332 : vector<16xf32>
      %get3A_2334 = arith.constant 39 : i32
      %get3A_2335 = arith.index_cast %get3A_2334 : i32 to index
      %get3A_2336 = arith.constant 96 : index
      %get3A_2337 = tpu.vector_load %arg6[%get3A_2335, %get3A_2336] {strides = array<i32>} : memref<64x128xf32, #tpu.memory_space<vmem>>, vector<1x16xf32>,
      %get3A_2338 = vector.shape_cast %get3A_2337 : vector<1x16xf32> to vector<16xf32>
      %add3A_2339 = arith.addf %add3A_2333, %get3A_2338 : vector<16xf32>
      %get3A_2340 = arith.constant 40 : i32
      %get3A_2341 = arith.index_cast %get3A_2340 : i32 to index
      %get3A_2342 = arith.constant 96 : index
      %get3A_2343 = tpu.vector_load %arg6[%get3A_2341, %get3A_2342] {strides = array<i32>} : memref<64x128xf32, #tpu.memory_space<vmem>>, vector<1x16xf32>,
      %get3A_2344 = vector.shape_cast %get3A_2343 : vector<1x16xf32> to vector<16xf32>
      %add3A_2345 = arith.addf %add3A_2339, %get3A_2344 : vector<16xf32>
      %get3A_2346 = arith.constant 41 : i32
      %get3A_2347 = arith.index_cast %get3A_2346 : i32 to index
      %get3A_2348 = arith.constant 96 : index
      %get3A_2349 = tpu.vector_load %arg6[%get3A_2347, %get3A_2348] {strides = array<i32>} : memref<64x128xf32, #tpu.memory_space<vmem>>, vector<1x16xf32>,
      %get3A_2350 = vector.shape_cast %get3A_2349 : vector<1x16xf32> to vector<16xf32>
      %add3A_2351 = arith.addf %add3A_2345, %get3A_2350 : vector<16xf32>
      %mul3A_2352 = arith.constant 0.0883883461 : f32
      %mul3A_2353 = vector.broadcast %mul3A_2352 : f32 to vector<16xf32>
      %mul3A_2354 = arith.mulf %add3A_2351, %mul3A_2353 : vector<16xf32>
      %swap3A_2355 = arith.constant 5 : i32
      %swap3A_2356 = arith.index_cast %swap3A_2355 : i32 to index
      %swap3A_2357 = arith.constant 96 : index
      %swap3A_2358 = tpu.vector_load %arg7[%swap3A_2356, %swap3A_2357] {strides = array<i32>} : memref<8x128xf32, #tpu.memory_space<vmem>>, vector<1x16xf32>,
      %swap3A_2359 = vector.shape_cast %swap3A_2358 : vector<1x16xf32> to vector<16xf32>
      %swap3A_2360 = vector.shape_cast %mul3A_2354 : vector<16xf32> to vector<1x16xf32>
      tpu.vector_store %arg7[%swap3A_2356, %swap3A_2357], %swap3A_2360 {strides = array<i32>} : memref<8x128xf32, #tpu.memory_space<vmem>>, vector<1x16xf32>,
      %get3A_2361 = arith.constant 35 : i32
      %get3A_2362 = arith.index_cast %get3A_2361 : i32 to index
      %get3A_2363 = arith.constant 112 : index
      %get3A_2364 = tpu.vector_load %arg6[%get3A_2362, %get3A_2363] {strides = array<i32>} : memref<64x128xf32, #tpu.memory_space<vmem>>, vector<1x16xf32>,
      %get3A_2365 = vector.shape_cast %get3A_2364 : vector<1x16xf32> to vector<16xf32>
      %get3A_2366 = arith.constant 36 : i32
      %get3A_2367 = arith.index_cast %get3A_2366 : i32 to index
      %get3A_2368 = arith.constant 112 : index
      %get3A_2369 = tpu.vector_load %arg6[%get3A_2367, %get3A_2368] {strides = array<i32>} : memref<64x128xf32, #tpu.memory_space<vmem>>, vector<1x16xf32>,
      %get3A_2370 = vector.shape_cast %get3A_2369 : vector<1x16xf32> to vector<16xf32>
      %add3A_2371 = arith.addf %get3A_2365, %get3A_2370 : vector<16xf32>
      %get3A_2372 = arith.constant 37 : i32
      %get3A_2373 = arith.index_cast %get3A_2372 : i32 to index
      %get3A_2374 = arith.constant 112 : index
      %get3A_2375 = tpu.vector_load %arg6[%get3A_2373, %get3A_2374] {strides = array<i32>} : memref<64x128xf32, #tpu.memory_space<vmem>>, vector<1x16xf32>,
      %get3A_2376 = vector.shape_cast %get3A_2375 : vector<1x16xf32> to vector<16xf32>
      %add3A_2377 = arith.addf %add3A_2371, %get3A_2376 : vector<16xf32>
      %get3A_2378 = arith.constant 38 : i32
      %get3A_2379 = arith.index_cast %get3A_2378 : i32 to index
      %get3A_2380 = arith.constant 112 : index
      %get3A_2381 = tpu.vector_load %arg6[%get3A_2379, %get3A_2380] {strides = array<i32>} : memref<64x128xf32, #tpu.memory_space<vmem>>, vector<1x16xf32>,
      %get3A_2382 = vector.shape_cast %get3A_2381 : vector<1x16xf32> to vector<16xf32>
      %add3A_2383 = arith.addf %add3A_2377, %get3A_2382 : vector<16xf32>
      %get3A_2384 = arith.constant 39 : i32
      %get3A_2385 = arith.index_cast %get3A_2384 : i32 to index
      %get3A_2386 = arith.constant 112 : index
      %get3A_2387 = tpu.vector_load %arg6[%get3A_2385, %get3A_2386] {strides = array<i32>} : memref<64x128xf32, #tpu.memory_space<vmem>>, vector<1x16xf32>,
      %get3A_2388 = vector.shape_cast %get3A_2387 : vector<1x16xf32> to vector<16xf32>
      %add3A_2389 = arith.addf %add3A_2383, %get3A_2388 : vector<16xf32>
      %get3A_2390 = arith.constant 40 : i32
      %get3A_2391 = arith.index_cast %get3A_2390 : i32 to index
      %get3A_2392 = arith.constant 112 : index
      %get3A_2393 = tpu.vector_load %arg6[%get3A_2391, %get3A_2392] {strides = array<i32>} : memref<64x128xf32, #tpu.memory_space<vmem>>, vector<1x16xf32>,
      %get3A_2394 = vector.shape_cast %get3A_2393 : vector<1x16xf32> to vector<16xf32>
      %add3A_2395 = arith.addf %add3A_2389, %get3A_2394 : vector<16xf32>
      %get3A_2396 = arith.constant 41 : i32
      %get3A_2397 = arith.index_cast %get3A_2396 : i32 to index
      %get3A_2398 = arith.constant 112 : index
      %get3A_2399 = tpu.vector_load %arg6[%get3A_2397, %get3A_2398] {strides = array<i32>} : memref<64x128xf32, #tpu.memory_space<vmem>>, vector<1x16xf32>,
      %get3A_2400 = vector.shape_cast %get3A_2399 : vector<1x16xf32> to vector<16xf32>
      %add3A_2401 = arith.addf %add3A_2395, %get3A_2400 : vector<16xf32>
      %mul3A_2402 = arith.constant 0.0883883461 : f32
      %mul3A_2403 = vector.broadcast %mul3A_2402 : f32 to vector<16xf32>
      %mul3A_2404 = arith.mulf %add3A_2401, %mul3A_2403 : vector<16xf32>
      %swap3A_2405 = arith.constant 5 : i32
      %swap3A_2406 = arith.index_cast %swap3A_2405 : i32 to index
      %swap3A_2407 = arith.constant 112 : index
      %swap3A_2408 = tpu.vector_load %arg7[%swap3A_2406, %swap3A_2407] {strides = array<i32>} : memref<8x128xf32, #tpu.memory_space<vmem>>, vector<1x16xf32>,
      %swap3A_2409 = vector.shape_cast %swap3A_2408 : vector<1x16xf32> to vector<16xf32>
      %swap3A_2410 = vector.shape_cast %mul3A_2404 : vector<16xf32> to vector<1x16xf32>
      tpu.vector_store %arg7[%swap3A_2406, %swap3A_2407], %swap3A_2410 {strides = array<i32>} : memref<8x128xf32, #tpu.memory_space<vmem>>, vector<1x16xf32>,
      %get3A_2411 = arith.constant 42 : i32
      %get3A_2412 = arith.index_cast %get3A_2411 : i32 to index
      %get3A_2413 = arith.constant 0 : index
      %get3A_2414 = tpu.vector_load %arg6[%get3A_2412, %get3A_2413] {strides = array<i32>} : memref<64x128xf32, #tpu.memory_space<vmem>>, vector<1x16xf32>,
      %get3A_2415 = vector.shape_cast %get3A_2414 : vector<1x16xf32> to vector<16xf32>
      %get3A_2416 = arith.constant 43 : i32
      %get3A_2417 = arith.index_cast %get3A_2416 : i32 to index
      %get3A_2418 = arith.constant 0 : index
      %get3A_2419 = tpu.vector_load %arg6[%get3A_2417, %get3A_2418] {strides = array<i32>} : memref<64x128xf32, #tpu.memory_space<vmem>>, vector<1x16xf32>,
      %get3A_2420 = vector.shape_cast %get3A_2419 : vector<1x16xf32> to vector<16xf32>
      %add3A_2421 = arith.addf %get3A_2415, %get3A_2420 : vector<16xf32>
      %get3A_2422 = arith.constant 44 : i32
      %get3A_2423 = arith.index_cast %get3A_2422 : i32 to index
      %get3A_2424 = arith.constant 0 : index
      %get3A_2425 = tpu.vector_load %arg6[%get3A_2423, %get3A_2424] {strides = array<i32>} : memref<64x128xf32, #tpu.memory_space<vmem>>, vector<1x16xf32>,
      %get3A_2426 = vector.shape_cast %get3A_2425 : vector<1x16xf32> to vector<16xf32>
      %add3A_2427 = arith.addf %add3A_2421, %get3A_2426 : vector<16xf32>
      %get3A_2428 = arith.constant 45 : i32
      %get3A_2429 = arith.index_cast %get3A_2428 : i32 to index
      %get3A_2430 = arith.constant 0 : index
      %get3A_2431 = tpu.vector_load %arg6[%get3A_2429, %get3A_2430] {strides = array<i32>} : memref<64x128xf32, #tpu.memory_space<vmem>>, vector<1x16xf32>,
      %get3A_2432 = vector.shape_cast %get3A_2431 : vector<1x16xf32> to vector<16xf32>
      %add3A_2433 = arith.addf %add3A_2427, %get3A_2432 : vector<16xf32>
      %get3A_2434 = arith.constant 46 : i32
      %get3A_2435 = arith.index_cast %get3A_2434 : i32 to index
      %get3A_2436 = arith.constant 0 : index
      %get3A_2437 = tpu.vector_load %arg6[%get3A_2435, %get3A_2436] {strides = array<i32>} : memref<64x128xf32, #tpu.memory_space<vmem>>, vector<1x16xf32>,
      %get3A_2438 = vector.shape_cast %get3A_2437 : vector<1x16xf32> to vector<16xf32>
      %add3A_2439 = arith.addf %add3A_2433, %get3A_2438 : vector<16xf32>
      %get3A_2440 = arith.constant 47 : i32
      %get3A_2441 = arith.index_cast %get3A_2440 : i32 to index
      %get3A_2442 = arith.constant 0 : index
      %get3A_2443 = tpu.vector_load %arg6[%get3A_2441, %get3A_2442] {strides = array<i32>} : memref<64x128xf32, #tpu.memory_space<vmem>>, vector<1x16xf32>,
      %get3A_2444 = vector.shape_cast %get3A_2443 : vector<1x16xf32> to vector<16xf32>
      %add3A_2445 = arith.addf %add3A_2439, %get3A_2444 : vector<16xf32>
      %get3A_2446 = arith.constant 48 : i32
      %get3A_2447 = arith.index_cast %get3A_2446 : i32 to index
      %get3A_2448 = arith.constant 0 : index
      %get3A_2449 = tpu.vector_load %arg6[%get3A_2447, %get3A_2448] {strides = array<i32>} : memref<64x128xf32, #tpu.memory_space<vmem>>, vector<1x16xf32>,
      %get3A_2450 = vector.shape_cast %get3A_2449 : vector<1x16xf32> to vector<16xf32>
      %add3A_2451 = arith.addf %add3A_2445, %get3A_2450 : vector<16xf32>
      %mul3A_2452 = arith.constant 0.0883883461 : f32
      %mul3A_2453 = vector.broadcast %mul3A_2452 : f32 to vector<16xf32>
      %mul3A_2454 = arith.mulf %add3A_2451, %mul3A_2453 : vector<16xf32>
      %swap3A_2455 = arith.constant 6 : i32
      %swap3A_2456 = arith.index_cast %swap3A_2455 : i32 to index
      %swap3A_2457 = arith.constant 0 : index
      %swap3A_2458 = tpu.vector_load %arg7[%swap3A_2456, %swap3A_2457] {strides = array<i32>} : memref<8x128xf32, #tpu.memory_space<vmem>>, vector<1x16xf32>,
      %swap3A_2459 = vector.shape_cast %swap3A_2458 : vector<1x16xf32> to vector<16xf32>
      %swap3A_2460 = vector.shape_cast %mul3A_2454 : vector<16xf32> to vector<1x16xf32>
      tpu.vector_store %arg7[%swap3A_2456, %swap3A_2457], %swap3A_2460 {strides = array<i32>} : memref<8x128xf32, #tpu.memory_space<vmem>>, vector<1x16xf32>,
      %get3A_2461 = arith.constant 42 : i32
      %get3A_2462 = arith.index_cast %get3A_2461 : i32 to index
      %get3A_2463 = arith.constant 16 : index
      %get3A_2464 = tpu.vector_load %arg6[%get3A_2462, %get3A_2463] {strides = array<i32>} : memref<64x128xf32, #tpu.memory_space<vmem>>, vector<1x16xf32>,
      %get3A_2465 = vector.shape_cast %get3A_2464 : vector<1x16xf32> to vector<16xf32>
      %get3A_2466 = arith.constant 43 : i32
      %get3A_2467 = arith.index_cast %get3A_2466 : i32 to index
      %get3A_2468 = arith.constant 16 : index
      %get3A_2469 = tpu.vector_load %arg6[%get3A_2467, %get3A_2468] {strides = array<i32>} : memref<64x128xf32, #tpu.memory_space<vmem>>, vector<1x16xf32>,
      %get3A_2470 = vector.shape_cast %get3A_2469 : vector<1x16xf32> to vector<16xf32>
      %add3A_2471 = arith.addf %get3A_2465, %get3A_2470 : vector<16xf32>
      %get3A_2472 = arith.constant 44 : i32
      %get3A_2473 = arith.index_cast %get3A_2472 : i32 to index
      %get3A_2474 = arith.constant 16 : index
      %get3A_2475 = tpu.vector_load %arg6[%get3A_2473, %get3A_2474] {strides = array<i32>} : memref<64x128xf32, #tpu.memory_space<vmem>>, vector<1x16xf32>,
      %get3A_2476 = vector.shape_cast %get3A_2475 : vector<1x16xf32> to vector<16xf32>
      %add3A_2477 = arith.addf %add3A_2471, %get3A_2476 : vector<16xf32>
      %get3A_2478 = arith.constant 45 : i32
      %get3A_2479 = arith.index_cast %get3A_2478 : i32 to index
      %get3A_2480 = arith.constant 16 : index
      %get3A_2481 = tpu.vector_load %arg6[%get3A_2479, %get3A_2480] {strides = array<i32>} : memref<64x128xf32, #tpu.memory_space<vmem>>, vector<1x16xf32>,
      %get3A_2482 = vector.shape_cast %get3A_2481 : vector<1x16xf32> to vector<16xf32>
      %add3A_2483 = arith.addf %add3A_2477, %get3A_2482 : vector<16xf32>
      %get3A_2484 = arith.constant 46 : i32
      %get3A_2485 = arith.index_cast %get3A_2484 : i32 to index
      %get3A_2486 = arith.constant 16 : index
      %get3A_2487 = tpu.vector_load %arg6[%get3A_2485, %get3A_2486] {strides = array<i32>} : memref<64x128xf32, #tpu.memory_space<vmem>>, vector<1x16xf32>,
      %get3A_2488 = vector.shape_cast %get3A_2487 : vector<1x16xf32> to vector<16xf32>
      %add3A_2489 = arith.addf %add3A_2483, %get3A_2488 : vector<16xf32>
      %get3A_2490 = arith.constant 47 : i32
      %get3A_2491 = arith.index_cast %get3A_2490 : i32 to index
      %get3A_2492 = arith.constant 16 : index
      %get3A_2493 = tpu.vector_load %arg6[%get3A_2491, %get3A_2492] {strides = array<i32>} : memref<64x128xf32, #tpu.memory_space<vmem>>, vector<1x16xf32>,
      %get3A_2494 = vector.shape_cast %get3A_2493 : vector<1x16xf32> to vector<16xf32>
      %add3A_2495 = arith.addf %add3A_2489, %get3A_2494 : vector<16xf32>
      %get3A_2496 = arith.constant 48 : i32
      %get3A_2497 = arith.index_cast %get3A_2496 : i32 to index
      %get3A_2498 = arith.constant 16 : index
      %get3A_2499 = tpu.vector_load %arg6[%get3A_2497, %get3A_2498] {strides = array<i32>} : memref<64x128xf32, #tpu.memory_space<vmem>>, vector<1x16xf32>,
      %get3A_2500 = vector.shape_cast %get3A_2499 : vector<1x16xf32> to vector<16xf32>
      %add3A_2501 = arith.addf %add3A_2495, %get3A_2500 : vector<16xf32>
      %mul3A_2502 = arith.constant 0.0883883461 : f32
      %mul3A_2503 = vector.broadcast %mul3A_2502 : f32 to vector<16xf32>
      %mul3A_2504 = arith.mulf %add3A_2501, %mul3A_2503 : vector<16xf32>
      %swap3A_2505 = arith.constant 6 : i32
      %swap3A_2506 = arith.index_cast %swap3A_2505 : i32 to index
      %swap3A_2507 = arith.constant 16 : index
      %swap3A_2508 = tpu.vector_load %arg7[%swap3A_2506, %swap3A_2507] {strides = array<i32>} : memref<8x128xf32, #tpu.memory_space<vmem>>, vector<1x16xf32>,
      %swap3A_2509 = vector.shape_cast %swap3A_2508 : vector<1x16xf32> to vector<16xf32>
      %swap3A_2510 = vector.shape_cast %mul3A_2504 : vector<16xf32> to vector<1x16xf32>
      tpu.vector_store %arg7[%swap3A_2506, %swap3A_2507], %swap3A_2510 {strides = array<i32>} : memref<8x128xf32, #tpu.memory_space<vmem>>, vector<1x16xf32>,
      %get3A_2511 = arith.constant 42 : i32
      %get3A_2512 = arith.index_cast %get3A_2511 : i32 to index
      %get3A_2513 = arith.constant 32 : index
      %get3A_2514 = tpu.vector_load %arg6[%get3A_2512, %get3A_2513] {strides = array<i32>} : memref<64x128xf32, #tpu.memory_space<vmem>>, vector<1x16xf32>,
      %get3A_2515 = vector.shape_cast %get3A_2514 : vector<1x16xf32> to vector<16xf32>
      %get3A_2516 = arith.constant 43 : i32
      %get3A_2517 = arith.index_cast %get3A_2516 : i32 to index
      %get3A_2518 = arith.constant 32 : index
      %get3A_2519 = tpu.vector_load %arg6[%get3A_2517, %get3A_2518] {strides = array<i32>} : memref<64x128xf32, #tpu.memory_space<vmem>>, vector<1x16xf32>,
      %get3A_2520 = vector.shape_cast %get3A_2519 : vector<1x16xf32> to vector<16xf32>
      %add3A_2521 = arith.addf %get3A_2515, %get3A_2520 : vector<16xf32>
      %get3A_2522 = arith.constant 44 : i32
      %get3A_2523 = arith.index_cast %get3A_2522 : i32 to index
      %get3A_2524 = arith.constant 32 : index
      %get3A_2525 = tpu.vector_load %arg6[%get3A_2523, %get3A_2524] {strides = array<i32>} : memref<64x128xf32, #tpu.memory_space<vmem>>, vector<1x16xf32>,
      %get3A_2526 = vector.shape_cast %get3A_2525 : vector<1x16xf32> to vector<16xf32>
      %add3A_2527 = arith.addf %add3A_2521, %get3A_2526 : vector<16xf32>
      %get3A_2528 = arith.constant 45 : i32
      %get3A_2529 = arith.index_cast %get3A_2528 : i32 to index
      %get3A_2530 = arith.constant 32 : index
      %get3A_2531 = tpu.vector_load %arg6[%get3A_2529, %get3A_2530] {strides = array<i32>} : memref<64x128xf32, #tpu.memory_space<vmem>>, vector<1x16xf32>,
      %get3A_2532 = vector.shape_cast %get3A_2531 : vector<1x16xf32> to vector<16xf32>
      %add3A_2533 = arith.addf %add3A_2527, %get3A_2532 : vector<16xf32>
      %get3A_2534 = arith.constant 46 : i32
      %get3A_2535 = arith.index_cast %get3A_2534 : i32 to index
      %get3A_2536 = arith.constant 32 : index
      %get3A_2537 = tpu.vector_load %arg6[%get3A_2535, %get3A_2536] {strides = array<i32>} : memref<64x128xf32, #tpu.memory_space<vmem>>, vector<1x16xf32>,
      %get3A_2538 = vector.shape_cast %get3A_2537 : vector<1x16xf32> to vector<16xf32>
      %add3A_2539 = arith.addf %add3A_2533, %get3A_2538 : vector<16xf32>
      %get3A_2540 = arith.constant 47 : i32
      %get3A_2541 = arith.index_cast %get3A_2540 : i32 to index
      %get3A_2542 = arith.constant 32 : index
      %get3A_2543 = tpu.vector_load %arg6[%get3A_2541, %get3A_2542] {strides = array<i32>} : memref<64x128xf32, #tpu.memory_space<vmem>>, vector<1x16xf32>,
      %get3A_2544 = vector.shape_cast %get3A_2543 : vector<1x16xf32> to vector<16xf32>
      %add3A_2545 = arith.addf %add3A_2539, %get3A_2544 : vector<16xf32>
      %get3A_2546 = arith.constant 48 : i32
      %get3A_2547 = arith.index_cast %get3A_2546 : i32 to index
      %get3A_2548 = arith.constant 32 : index
      %get3A_2549 = tpu.vector_load %arg6[%get3A_2547, %get3A_2548] {strides = array<i32>} : memref<64x128xf32, #tpu.memory_space<vmem>>, vector<1x16xf32>,
      %get3A_2550 = vector.shape_cast %get3A_2549 : vector<1x16xf32> to vector<16xf32>
      %add3A_2551 = arith.addf %add3A_2545, %get3A_2550 : vector<16xf32>
      %mul3A_2552 = arith.constant 0.0883883461 : f32
      %mul3A_2553 = vector.broadcast %mul3A_2552 : f32 to vector<16xf32>
      %mul3A_2554 = arith.mulf %add3A_2551, %mul3A_2553 : vector<16xf32>
      %swap3A_2555 = arith.constant 6 : i32
      %swap3A_2556 = arith.index_cast %swap3A_2555 : i32 to index
      %swap3A_2557 = arith.constant 32 : index
      %swap3A_2558 = tpu.vector_load %arg7[%swap3A_2556, %swap3A_2557] {strides = array<i32>} : memref<8x128xf32, #tpu.memory_space<vmem>>, vector<1x16xf32>,
      %swap3A_2559 = vector.shape_cast %swap3A_2558 : vector<1x16xf32> to vector<16xf32>
      %swap3A_2560 = vector.shape_cast %mul3A_2554 : vector<16xf32> to vector<1x16xf32>
      tpu.vector_store %arg7[%swap3A_2556, %swap3A_2557], %swap3A_2560 {strides = array<i32>} : memref<8x128xf32, #tpu.memory_space<vmem>>, vector<1x16xf32>,
      %get3A_2561 = arith.constant 42 : i32
      %get3A_2562 = arith.index_cast %get3A_2561 : i32 to index
      %get3A_2563 = arith.constant 48 : index
      %get3A_2564 = tpu.vector_load %arg6[%get3A_2562, %get3A_2563] {strides = array<i32>} : memref<64x128xf32, #tpu.memory_space<vmem>>, vector<1x16xf32>,
      %get3A_2565 = vector.shape_cast %get3A_2564 : vector<1x16xf32> to vector<16xf32>
      %get3A_2566 = arith.constant 43 : i32
      %get3A_2567 = arith.index_cast %get3A_2566 : i32 to index
      %get3A_2568 = arith.constant 48 : index
      %get3A_2569 = tpu.vector_load %arg6[%get3A_2567, %get3A_2568] {strides = array<i32>} : memref<64x128xf32, #tpu.memory_space<vmem>>, vector<1x16xf32>,
      %get3A_2570 = vector.shape_cast %get3A_2569 : vector<1x16xf32> to vector<16xf32>
      %add3A_2571 = arith.addf %get3A_2565, %get3A_2570 : vector<16xf32>
      %get3A_2572 = arith.constant 44 : i32
      %get3A_2573 = arith.index_cast %get3A_2572 : i32 to index
      %get3A_2574 = arith.constant 48 : index
      %get3A_2575 = tpu.vector_load %arg6[%get3A_2573, %get3A_2574] {strides = array<i32>} : memref<64x128xf32, #tpu.memory_space<vmem>>, vector<1x16xf32>,
      %get3A_2576 = vector.shape_cast %get3A_2575 : vector<1x16xf32> to vector<16xf32>
      %add3A_2577 = arith.addf %add3A_2571, %get3A_2576 : vector<16xf32>
      %get3A_2578 = arith.constant 45 : i32
      %get3A_2579 = arith.index_cast %get3A_2578 : i32 to index
      %get3A_2580 = arith.constant 48 : index
      %get3A_2581 = tpu.vector_load %arg6[%get3A_2579, %get3A_2580] {strides = array<i32>} : memref<64x128xf32, #tpu.memory_space<vmem>>, vector<1x16xf32>,
      %get3A_2582 = vector.shape_cast %get3A_2581 : vector<1x16xf32> to vector<16xf32>
      %add3A_2583 = arith.addf %add3A_2577, %get3A_2582 : vector<16xf32>
      %get3A_2584 = arith.constant 46 : i32
      %get3A_2585 = arith.index_cast %get3A_2584 : i32 to index
      %get3A_2586 = arith.constant 48 : index
      %get3A_2587 = tpu.vector_load %arg6[%get3A_2585, %get3A_2586] {strides = array<i32>} : memref<64x128xf32, #tpu.memory_space<vmem>>, vector<1x16xf32>,
      %get3A_2588 = vector.shape_cast %get3A_2587 : vector<1x16xf32> to vector<16xf32>
      %add3A_2589 = arith.addf %add3A_2583, %get3A_2588 : vector<16xf32>
      %get3A_2590 = arith.constant 47 : i32
      %get3A_2591 = arith.index_cast %get3A_2590 : i32 to index
      %get3A_2592 = arith.constant 48 : index
      %get3A_2593 = tpu.vector_load %arg6[%get3A_2591, %get3A_2592] {strides = array<i32>} : memref<64x128xf32, #tpu.memory_space<vmem>>, vector<1x16xf32>,
      %get3A_2594 = vector.shape_cast %get3A_2593 : vector<1x16xf32> to vector<16xf32>
      %add3A_2595 = arith.addf %add3A_2589, %get3A_2594 : vector<16xf32>
      %get3A_2596 = arith.constant 48 : i32
      %get3A_2597 = arith.index_cast %get3A_2596 : i32 to index
      %get3A_2598 = arith.constant 48 : index
      %get3A_2599 = tpu.vector_load %arg6[%get3A_2597, %get3A_2598] {strides = array<i32>} : memref<64x128xf32, #tpu.memory_space<vmem>>, vector<1x16xf32>,
      %get3A_2600 = vector.shape_cast %get3A_2599 : vector<1x16xf32> to vector<16xf32>
      %add3A_2601 = arith.addf %add3A_2595, %get3A_2600 : vector<16xf32>
      %mul3A_2602 = arith.constant 0.0883883461 : f32
      %mul3A_2603 = vector.broadcast %mul3A_2602 : f32 to vector<16xf32>
      %mul3A_2604 = arith.mulf %add3A_2601, %mul3A_2603 : vector<16xf32>
      %swap3A_2605 = arith.constant 6 : i32
      %swap3A_2606 = arith.index_cast %swap3A_2605 : i32 to index
      %swap3A_2607 = arith.constant 48 : index
      %swap3A_2608 = tpu.vector_load %arg7[%swap3A_2606, %swap3A_2607] {strides = array<i32>} : memref<8x128xf32, #tpu.memory_space<vmem>>, vector<1x16xf32>,
      %swap3A_2609 = vector.shape_cast %swap3A_2608 : vector<1x16xf32> to vector<16xf32>
      %swap3A_2610 = vector.shape_cast %mul3A_2604 : vector<16xf32> to vector<1x16xf32>
      tpu.vector_store %arg7[%swap3A_2606, %swap3A_2607], %swap3A_2610 {strides = array<i32>} : memref<8x128xf32, #tpu.memory_space<vmem>>, vector<1x16xf32>,
      %get3A_2611 = arith.constant 42 : i32
      %get3A_2612 = arith.index_cast %get3A_2611 : i32 to index
      %get3A_2613 = arith.constant 64 : index
      %get3A_2614 = tpu.vector_load %arg6[%get3A_2612, %get3A_2613] {strides = array<i32>} : memref<64x128xf32, #tpu.memory_space<vmem>>, vector<1x16xf32>,
      %get3A_2615 = vector.shape_cast %get3A_2614 : vector<1x16xf32> to vector<16xf32>
      %get3A_2616 = arith.constant 43 : i32
      %get3A_2617 = arith.index_cast %get3A_2616 : i32 to index
      %get3A_2618 = arith.constant 64 : index
      %get3A_2619 = tpu.vector_load %arg6[%get3A_2617, %get3A_2618] {strides = array<i32>} : memref<64x128xf32, #tpu.memory_space<vmem>>, vector<1x16xf32>,
      %get3A_2620 = vector.shape_cast %get3A_2619 : vector<1x16xf32> to vector<16xf32>
      %add3A_2621 = arith.addf %get3A_2615, %get3A_2620 : vector<16xf32>
      %get3A_2622 = arith.constant 44 : i32
      %get3A_2623 = arith.index_cast %get3A_2622 : i32 to index
      %get3A_2624 = arith.constant 64 : index
      %get3A_2625 = tpu.vector_load %arg6[%get3A_2623, %get3A_2624] {strides = array<i32>} : memref<64x128xf32, #tpu.memory_space<vmem>>, vector<1x16xf32>,
      %get3A_2626 = vector.shape_cast %get3A_2625 : vector<1x16xf32> to vector<16xf32>
      %add3A_2627 = arith.addf %add3A_2621, %get3A_2626 : vector<16xf32>
      %get3A_2628 = arith.constant 45 : i32
      %get3A_2629 = arith.index_cast %get3A_2628 : i32 to index
      %get3A_2630 = arith.constant 64 : index
      %get3A_2631 = tpu.vector_load %arg6[%get3A_2629, %get3A_2630] {strides = array<i32>} : memref<64x128xf32, #tpu.memory_space<vmem>>, vector<1x16xf32>,
      %get3A_2632 = vector.shape_cast %get3A_2631 : vector<1x16xf32> to vector<16xf32>
      %add3A_2633 = arith.addf %add3A_2627, %get3A_2632 : vector<16xf32>
      %get3A_2634 = arith.constant 46 : i32
      %get3A_2635 = arith.index_cast %get3A_2634 : i32 to index
      %get3A_2636 = arith.constant 64 : index
      %get3A_2637 = tpu.vector_load %arg6[%get3A_2635, %get3A_2636] {strides = array<i32>} : memref<64x128xf32, #tpu.memory_space<vmem>>, vector<1x16xf32>,
      %get3A_2638 = vector.shape_cast %get3A_2637 : vector<1x16xf32> to vector<16xf32>
      %add3A_2639 = arith.addf %add3A_2633, %get3A_2638 : vector<16xf32>
      %get3A_2640 = arith.constant 47 : i32
      %get3A_2641 = arith.index_cast %get3A_2640 : i32 to index
      %get3A_2642 = arith.constant 64 : index
      %get3A_2643 = tpu.vector_load %arg6[%get3A_2641, %get3A_2642] {strides = array<i32>} : memref<64x128xf32, #tpu.memory_space<vmem>>, vector<1x16xf32>,
      %get3A_2644 = vector.shape_cast %get3A_2643 : vector<1x16xf32> to vector<16xf32>
      %add3A_2645 = arith.addf %add3A_2639, %get3A_2644 : vector<16xf32>
      %get3A_2646 = arith.constant 48 : i32
      %get3A_2647 = arith.index_cast %get3A_2646 : i32 to index
      %get3A_2648 = arith.constant 64 : index
      %get3A_2649 = tpu.vector_load %arg6[%get3A_2647, %get3A_2648] {strides = array<i32>} : memref<64x128xf32, #tpu.memory_space<vmem>>, vector<1x16xf32>,
      %get3A_2650 = vector.shape_cast %get3A_2649 : vector<1x16xf32> to vector<16xf32>
      %add3A_2651 = arith.addf %add3A_2645, %get3A_2650 : vector<16xf32>
      %mul3A_2652 = arith.constant 0.0883883461 : f32
      %mul3A_2653 = vector.broadcast %mul3A_2652 : f32 to vector<16xf32>
      %mul3A_2654 = arith.mulf %add3A_2651, %mul3A_2653 : vector<16xf32>
      %swap3A_2655 = arith.constant 6 : i32
      %swap3A_2656 = arith.index_cast %swap3A_2655 : i32 to index
      %swap3A_2657 = arith.constant 64 : index
      %swap3A_2658 = tpu.vector_load %arg7[%swap3A_2656, %swap3A_2657] {strides = array<i32>} : memref<8x128xf32, #tpu.memory_space<vmem>>, vector<1x16xf32>,
      %swap3A_2659 = vector.shape_cast %swap3A_2658 : vector<1x16xf32> to vector<16xf32>
      %swap3A_2660 = vector.shape_cast %mul3A_2654 : vector<16xf32> to vector<1x16xf32>
      tpu.vector_store %arg7[%swap3A_2656, %swap3A_2657], %swap3A_2660 {strides = array<i32>} : memref<8x128xf32, #tpu.memory_space<vmem>>, vector<1x16xf32>,
      %get3A_2661 = arith.constant 42 : i32
      %get3A_2662 = arith.index_cast %get3A_2661 : i32 to index
      %get3A_2663 = arith.constant 80 : index
      %get3A_2664 = tpu.vector_load %arg6[%get3A_2662, %get3A_2663] {strides = array<i32>} : memref<64x128xf32, #tpu.memory_space<vmem>>, vector<1x16xf32>,
      %get3A_2665 = vector.shape_cast %get3A_2664 : vector<1x16xf32> to vector<16xf32>
      %get3A_2666 = arith.constant 43 : i32
      %get3A_2667 = arith.index_cast %get3A_2666 : i32 to index
      %get3A_2668 = arith.constant 80 : index
      %get3A_2669 = tpu.vector_load %arg6[%get3A_2667, %get3A_2668] {strides = array<i32>} : memref<64x128xf32, #tpu.memory_space<vmem>>, vector<1x16xf32>,
      %get3A_2670 = vector.shape_cast %get3A_2669 : vector<1x16xf32> to vector<16xf32>
      %add3A_2671 = arith.addf %get3A_2665, %get3A_2670 : vector<16xf32>
      %get3A_2672 = arith.constant 44 : i32
      %get3A_2673 = arith.index_cast %get3A_2672 : i32 to index
      %get3A_2674 = arith.constant 80 : index
      %get3A_2675 = tpu.vector_load %arg6[%get3A_2673, %get3A_2674] {strides = array<i32>} : memref<64x128xf32, #tpu.memory_space<vmem>>, vector<1x16xf32>,
      %get3A_2676 = vector.shape_cast %get3A_2675 : vector<1x16xf32> to vector<16xf32>
      %add3A_2677 = arith.addf %add3A_2671, %get3A_2676 : vector<16xf32>
      %get3A_2678 = arith.constant 45 : i32
      %get3A_2679 = arith.index_cast %get3A_2678 : i32 to index
      %get3A_2680 = arith.constant 80 : index
      %get3A_2681 = tpu.vector_load %arg6[%get3A_2679, %get3A_2680] {strides = array<i32>} : memref<64x128xf32, #tpu.memory_space<vmem>>, vector<1x16xf32>,
      %get3A_2682 = vector.shape_cast %get3A_2681 : vector<1x16xf32> to vector<16xf32>
      %add3A_2683 = arith.addf %add3A_2677, %get3A_2682 : vector<16xf32>
      %get3A_2684 = arith.constant 46 : i32
      %get3A_2685 = arith.index_cast %get3A_2684 : i32 to index
      %get3A_2686 = arith.constant 80 : index
      %get3A_2687 = tpu.vector_load %arg6[%get3A_2685, %get3A_2686] {strides = array<i32>} : memref<64x128xf32, #tpu.memory_space<vmem>>, vector<1x16xf32>,
      %get3A_2688 = vector.shape_cast %get3A_2687 : vector<1x16xf32> to vector<16xf32>
      %add3A_2689 = arith.addf %add3A_2683, %get3A_2688 : vector<16xf32>
      %get3A_2690 = arith.constant 47 : i32
      %get3A_2691 = arith.index_cast %get3A_2690 : i32 to index
      %get3A_2692 = arith.constant 80 : index
      %get3A_2693 = tpu.vector_load %arg6[%get3A_2691, %get3A_2692] {strides = array<i32>} : memref<64x128xf32, #tpu.memory_space<vmem>>, vector<1x16xf32>,
      %get3A_2694 = vector.shape_cast %get3A_2693 : vector<1x16xf32> to vector<16xf32>
      %add3A_2695 = arith.addf %add3A_2689, %get3A_2694 : vector<16xf32>
      %get3A_2696 = arith.constant 48 : i32
      %get3A_2697 = arith.index_cast %get3A_2696 : i32 to index
      %get3A_2698 = arith.constant 80 : index
      %get3A_2699 = tpu.vector_load %arg6[%get3A_2697, %get3A_2698] {strides = array<i32>} : memref<64x128xf32, #tpu.memory_space<vmem>>, vector<1x16xf32>,
      %get3A_2700 = vector.shape_cast %get3A_2699 : vector<1x16xf32> to vector<16xf32>
      %add3A_2701 = arith.addf %add3A_2695, %get3A_2700 : vector<16xf32>
      %mul3A_2702 = arith.constant 0.0883883461 : f32
      %mul3A_2703 = vector.broadcast %mul3A_2702 : f32 to vector<16xf32>
      %mul3A_2704 = arith.mulf %add3A_2701, %mul3A_2703 : vector<16xf32>
      %swap3A_2705 = arith.constant 6 : i32
      %swap3A_2706 = arith.index_cast %swap3A_2705 : i32 to index
      %swap3A_2707 = arith.constant 80 : index
      %swap3A_2708 = tpu.vector_load %arg7[%swap3A_2706, %swap3A_2707] {strides = array<i32>} : memref<8x128xf32, #tpu.memory_space<vmem>>, vector<1x16xf32>,
      %swap3A_2709 = vector.shape_cast %swap3A_2708 : vector<1x16xf32> to vector<16xf32>
      %swap3A_2710 = vector.shape_cast %mul3A_2704 : vector<16xf32> to vector<1x16xf32>
      tpu.vector_store %arg7[%swap3A_2706, %swap3A_2707], %swap3A_2710 {strides = array<i32>} : memref<8x128xf32, #tpu.memory_space<vmem>>, vector<1x16xf32>,
      %get3A_2711 = arith.constant 42 : i32
      %get3A_2712 = arith.index_cast %get3A_2711 : i32 to index
      %get3A_2713 = arith.constant 96 : index
      %get3A_2714 = tpu.vector_load %arg6[%get3A_2712, %get3A_2713] {strides = array<i32>} : memref<64x128xf32, #tpu.memory_space<vmem>>, vector<1x16xf32>,
      %get3A_2715 = vector.shape_cast %get3A_2714 : vector<1x16xf32> to vector<16xf32>
      %get3A_2716 = arith.constant 43 : i32
      %get3A_2717 = arith.index_cast %get3A_2716 : i32 to index
      %get3A_2718 = arith.constant 96 : index
      %get3A_2719 = tpu.vector_load %arg6[%get3A_2717, %get3A_2718] {strides = array<i32>} : memref<64x128xf32, #tpu.memory_space<vmem>>, vector<1x16xf32>,
      %get3A_2720 = vector.shape_cast %get3A_2719 : vector<1x16xf32> to vector<16xf32>
      %add3A_2721 = arith.addf %get3A_2715, %get3A_2720 : vector<16xf32>
      %get3A_2722 = arith.constant 44 : i32
      %get3A_2723 = arith.index_cast %get3A_2722 : i32 to index
      %get3A_2724 = arith.constant 96 : index
      %get3A_2725 = tpu.vector_load %arg6[%get3A_2723, %get3A_2724] {strides = array<i32>} : memref<64x128xf32, #tpu.memory_space<vmem>>, vector<1x16xf32>,
      %get3A_2726 = vector.shape_cast %get3A_2725 : vector<1x16xf32> to vector<16xf32>
      %add3A_2727 = arith.addf %add3A_2721, %get3A_2726 : vector<16xf32>
      %get3A_2728 = arith.constant 45 : i32
      %get3A_2729 = arith.index_cast %get3A_2728 : i32 to index
      %get3A_2730 = arith.constant 96 : index
      %get3A_2731 = tpu.vector_load %arg6[%get3A_2729, %get3A_2730] {strides = array<i32>} : memref<64x128xf32, #tpu.memory_space<vmem>>, vector<1x16xf32>,
      %get3A_2732 = vector.shape_cast %get3A_2731 : vector<1x16xf32> to vector<16xf32>
      %add3A_2733 = arith.addf %add3A_2727, %get3A_2732 : vector<16xf32>
      %get3A_2734 = arith.constant 46 : i32
      %get3A_2735 = arith.index_cast %get3A_2734 : i32 to index
      %get3A_2736 = arith.constant 96 : index
      %get3A_2737 = tpu.vector_load %arg6[%get3A_2735, %get3A_2736] {strides = array<i32>} : memref<64x128xf32, #tpu.memory_space<vmem>>, vector<1x16xf32>,
      %get3A_2738 = vector.shape_cast %get3A_2737 : vector<1x16xf32> to vector<16xf32>
      %add3A_2739 = arith.addf %add3A_2733, %get3A_2738 : vector<16xf32>
      %get3A_2740 = arith.constant 47 : i32
      %get3A_2741 = arith.index_cast %get3A_2740 : i32 to index
      %get3A_2742 = arith.constant 96 : index
      %get3A_2743 = tpu.vector_load %arg6[%get3A_2741, %get3A_2742] {strides = array<i32>} : memref<64x128xf32, #tpu.memory_space<vmem>>, vector<1x16xf32>,
      %get3A_2744 = vector.shape_cast %get3A_2743 : vector<1x16xf32> to vector<16xf32>
      %add3A_2745 = arith.addf %add3A_2739, %get3A_2744 : vector<16xf32>
      %get3A_2746 = arith.constant 48 : i32
      %get3A_2747 = arith.index_cast %get3A_2746 : i32 to index
      %get3A_2748 = arith.constant 96 : index
      %get3A_2749 = tpu.vector_load %arg6[%get3A_2747, %get3A_2748] {strides = array<i32>} : memref<64x128xf32, #tpu.memory_space<vmem>>, vector<1x16xf32>,
      %get3A_2750 = vector.shape_cast %get3A_2749 : vector<1x16xf32> to vector<16xf32>
      %add3A_2751 = arith.addf %add3A_2745, %get3A_2750 : vector<16xf32>
      %mul3A_2752 = arith.constant 0.0883883461 : f32
      %mul3A_2753 = vector.broadcast %mul3A_2752 : f32 to vector<16xf32>
      %mul3A_2754 = arith.mulf %add3A_2751, %mul3A_2753 : vector<16xf32>
      %swap3A_2755 = arith.constant 6 : i32
      %swap3A_2756 = arith.index_cast %swap3A_2755 : i32 to index
      %swap3A_2757 = arith.constant 96 : index
      %swap3A_2758 = tpu.vector_load %arg7[%swap3A_2756, %swap3A_2757] {strides = array<i32>} : memref<8x128xf32, #tpu.memory_space<vmem>>, vector<1x16xf32>,
      %swap3A_2759 = vector.shape_cast %swap3A_2758 : vector<1x16xf32> to vector<16xf32>
      %swap3A_2760 = vector.shape_cast %mul3A_2754 : vector<16xf32> to vector<1x16xf32>
      tpu.vector_store %arg7[%swap3A_2756, %swap3A_2757], %swap3A_2760 {strides = array<i32>} : memref<8x128xf32, #tpu.memory_space<vmem>>, vector<1x16xf32>,
      %get3A_2761 = arith.constant 42 : i32
      %get3A_2762 = arith.index_cast %get3A_2761 : i32 to index
      %get3A_2763 = arith.constant 112 : index
      %get3A_2764 = tpu.vector_load %arg6[%get3A_2762, %get3A_2763] {strides = array<i32>} : memref<64x128xf32, #tpu.memory_space<vmem>>, vector<1x16xf32>,
      %get3A_2765 = vector.shape_cast %get3A_2764 : vector<1x16xf32> to vector<16xf32>
      %get3A_2766 = arith.constant 43 : i32
      %get3A_2767 = arith.index_cast %get3A_2766 : i32 to index
      %get3A_2768 = arith.constant 112 : index
      %get3A_2769 = tpu.vector_load %arg6[%get3A_2767, %get3A_2768] {strides = array<i32>} : memref<64x128xf32, #tpu.memory_space<vmem>>, vector<1x16xf32>,
      %get3A_2770 = vector.shape_cast %get3A_2769 : vector<1x16xf32> to vector<16xf32>
      %add3A_2771 = arith.addf %get3A_2765, %get3A_2770 : vector<16xf32>
      %get3A_2772 = arith.constant 44 : i32
      %get3A_2773 = arith.index_cast %get3A_2772 : i32 to index
      %get3A_2774 = arith.constant 112 : index
      %get3A_2775 = tpu.vector_load %arg6[%get3A_2773, %get3A_2774] {strides = array<i32>} : memref<64x128xf32, #tpu.memory_space<vmem>>, vector<1x16xf32>,
      %get3A_2776 = vector.shape_cast %get3A_2775 : vector<1x16xf32> to vector<16xf32>
      %add3A_2777 = arith.addf %add3A_2771, %get3A_2776 : vector<16xf32>
      %get3A_2778 = arith.constant 45 : i32
      %get3A_2779 = arith.index_cast %get3A_2778 : i32 to index
      %get3A_2780 = arith.constant 112 : index
      %get3A_2781 = tpu.vector_load %arg6[%get3A_2779, %get3A_2780] {strides = array<i32>} : memref<64x128xf32, #tpu.memory_space<vmem>>, vector<1x16xf32>,
      %get3A_2782 = vector.shape_cast %get3A_2781 : vector<1x16xf32> to vector<16xf32>
      %add3A_2783 = arith.addf %add3A_2777, %get3A_2782 : vector<16xf32>
      %get3A_2784 = arith.constant 46 : i32
      %get3A_2785 = arith.index_cast %get3A_2784 : i32 to index
      %get3A_2786 = arith.constant 112 : index
      %get3A_2787 = tpu.vector_load %arg6[%get3A_2785, %get3A_2786] {strides = array<i32>} : memref<64x128xf32, #tpu.memory_space<vmem>>, vector<1x16xf32>,
      %get3A_2788 = vector.shape_cast %get3A_2787 : vector<1x16xf32> to vector<16xf32>
      %add3A_2789 = arith.addf %add3A_2783, %get3A_2788 : vector<16xf32>
      %get3A_2790 = arith.constant 47 : i32
      %get3A_2791 = arith.index_cast %get3A_2790 : i32 to index
      %get3A_2792 = arith.constant 112 : index
      %get3A_2793 = tpu.vector_load %arg6[%get3A_2791, %get3A_2792] {strides = array<i32>} : memref<64x128xf32, #tpu.memory_space<vmem>>, vector<1x16xf32>,
      %get3A_2794 = vector.shape_cast %get3A_2793 : vector<1x16xf32> to vector<16xf32>
      %add3A_2795 = arith.addf %add3A_2789, %get3A_2794 : vector<16xf32>
      %get3A_2796 = arith.constant 48 : i32
      %get3A_2797 = arith.index_cast %get3A_2796 : i32 to index
      %get3A_2798 = arith.constant 112 : index
      %get3A_2799 = tpu.vector_load %arg6[%get3A_2797, %get3A_2798] {strides = array<i32>} : memref<64x128xf32, #tpu.memory_space<vmem>>, vector<1x16xf32>,
      %get3A_2800 = vector.shape_cast %get3A_2799 : vector<1x16xf32> to vector<16xf32>
      %add3A_2801 = arith.addf %add3A_2795, %get3A_2800 : vector<16xf32>
      %mul3A_2802 = arith.constant 0.0883883461 : f32
      %mul3A_2803 = vector.broadcast %mul3A_2802 : f32 to vector<16xf32>
      %mul3A_2804 = arith.mulf %add3A_2801, %mul3A_2803 : vector<16xf32>
      %swap3A_2805 = arith.constant 6 : i32
      %swap3A_2806 = arith.index_cast %swap3A_2805 : i32 to index
      %swap3A_2807 = arith.constant 112 : index
      %swap3A_2808 = tpu.vector_load %arg7[%swap3A_2806, %swap3A_2807] {strides = array<i32>} : memref<8x128xf32, #tpu.memory_space<vmem>>, vector<1x16xf32>,
      %swap3A_2809 = vector.shape_cast %swap3A_2808 : vector<1x16xf32> to vector<16xf32>
      %swap3A_2810 = vector.shape_cast %mul3A_2804 : vector<16xf32> to vector<1x16xf32>
      tpu.vector_store %arg7[%swap3A_2806, %swap3A_2807], %swap3A_2810 {strides = array<i32>} : memref<8x128xf32, #tpu.memory_space<vmem>>, vector<1x16xf32>,
      %get3A_2811 = arith.constant 49 : i32
      %get3A_2812 = arith.index_cast %get3A_2811 : i32 to index
      %get3A_2813 = arith.constant 0 : index
      %get3A_2814 = tpu.vector_load %arg6[%get3A_2812, %get3A_2813] {strides = array<i32>} : memref<64x128xf32, #tpu.memory_space<vmem>>, vector<1x16xf32>,
      %get3A_2815 = vector.shape_cast %get3A_2814 : vector<1x16xf32> to vector<16xf32>
      %get3A_2816 = arith.constant 50 : i32
      %get3A_2817 = arith.index_cast %get3A_2816 : i32 to index
      %get3A_2818 = arith.constant 0 : index
      %get3A_2819 = tpu.vector_load %arg6[%get3A_2817, %get3A_2818] {strides = array<i32>} : memref<64x128xf32, #tpu.memory_space<vmem>>, vector<1x16xf32>,
      %get3A_2820 = vector.shape_cast %get3A_2819 : vector<1x16xf32> to vector<16xf32>
      %add3A_2821 = arith.addf %get3A_2815, %get3A_2820 : vector<16xf32>
      %get3A_2822 = arith.constant 51 : i32
      %get3A_2823 = arith.index_cast %get3A_2822 : i32 to index
      %get3A_2824 = arith.constant 0 : index
      %get3A_2825 = tpu.vector_load %arg6[%get3A_2823, %get3A_2824] {strides = array<i32>} : memref<64x128xf32, #tpu.memory_space<vmem>>, vector<1x16xf32>,
      %get3A_2826 = vector.shape_cast %get3A_2825 : vector<1x16xf32> to vector<16xf32>
      %add3A_2827 = arith.addf %add3A_2821, %get3A_2826 : vector<16xf32>
      %get3A_2828 = arith.constant 52 : i32
      %get3A_2829 = arith.index_cast %get3A_2828 : i32 to index
      %get3A_2830 = arith.constant 0 : index
      %get3A_2831 = tpu.vector_load %arg6[%get3A_2829, %get3A_2830] {strides = array<i32>} : memref<64x128xf32, #tpu.memory_space<vmem>>, vector<1x16xf32>,
      %get3A_2832 = vector.shape_cast %get3A_2831 : vector<1x16xf32> to vector<16xf32>
      %add3A_2833 = arith.addf %add3A_2827, %get3A_2832 : vector<16xf32>
      %get3A_2834 = arith.constant 53 : i32
      %get3A_2835 = arith.index_cast %get3A_2834 : i32 to index
      %get3A_2836 = arith.constant 0 : index
      %get3A_2837 = tpu.vector_load %arg6[%get3A_2835, %get3A_2836] {strides = array<i32>} : memref<64x128xf32, #tpu.memory_space<vmem>>, vector<1x16xf32>,
      %get3A_2838 = vector.shape_cast %get3A_2837 : vector<1x16xf32> to vector<16xf32>
      %add3A_2839 = arith.addf %add3A_2833, %get3A_2838 : vector<16xf32>
      %get3A_2840 = arith.constant 54 : i32
      %get3A_2841 = arith.index_cast %get3A_2840 : i32 to index
      %get3A_2842 = arith.constant 0 : index
      %get3A_2843 = tpu.vector_load %arg6[%get3A_2841, %get3A_2842] {strides = array<i32>} : memref<64x128xf32, #tpu.memory_space<vmem>>, vector<1x16xf32>,
      %get3A_2844 = vector.shape_cast %get3A_2843 : vector<1x16xf32> to vector<16xf32>
      %add3A_2845 = arith.addf %add3A_2839, %get3A_2844 : vector<16xf32>
      %get3A_2846 = arith.constant 55 : i32
      %get3A_2847 = arith.index_cast %get3A_2846 : i32 to index
      %get3A_2848 = arith.constant 0 : index
      %get3A_2849 = tpu.vector_load %arg6[%get3A_2847, %get3A_2848] {strides = array<i32>} : memref<64x128xf32, #tpu.memory_space<vmem>>, vector<1x16xf32>,
      %get3A_2850 = vector.shape_cast %get3A_2849 : vector<1x16xf32> to vector<16xf32>
      %add3A_2851 = arith.addf %add3A_2845, %get3A_2850 : vector<16xf32>
      %mul3A_2852 = arith.constant 0.0883883461 : f32
      %mul3A_2853 = vector.broadcast %mul3A_2852 : f32 to vector<16xf32>
      %mul3A_2854 = arith.mulf %add3A_2851, %mul3A_2853 : vector<16xf32>
      %swap3A_2855 = arith.constant 7 : i32
      %swap3A_2856 = arith.index_cast %swap3A_2855 : i32 to index
      %swap3A_2857 = arith.constant 0 : index
      %swap3A_2858 = tpu.vector_load %arg7[%swap3A_2856, %swap3A_2857] {strides = array<i32>} : memref<8x128xf32, #tpu.memory_space<vmem>>, vector<1x16xf32>,
      %swap3A_2859 = vector.shape_cast %swap3A_2858 : vector<1x16xf32> to vector<16xf32>
      %swap3A_2860 = vector.shape_cast %mul3A_2854 : vector<16xf32> to vector<1x16xf32>
      tpu.vector_store %arg7[%swap3A_2856, %swap3A_2857], %swap3A_2860 {strides = array<i32>} : memref<8x128xf32, #tpu.memory_space<vmem>>, vector<1x16xf32>,
      %get3A_2861 = arith.constant 49 : i32
      %get3A_2862 = arith.index_cast %get3A_2861 : i32 to index
      %get3A_2863 = arith.constant 16 : index
      %get3A_2864 = tpu.vector_load %arg6[%get3A_2862, %get3A_2863] {strides = array<i32>} : memref<64x128xf32, #tpu.memory_space<vmem>>, vector<1x16xf32>,
      %get3A_2865 = vector.shape_cast %get3A_2864 : vector<1x16xf32> to vector<16xf32>
      %get3A_2866 = arith.constant 50 : i32
      %get3A_2867 = arith.index_cast %get3A_2866 : i32 to index
      %get3A_2868 = arith.constant 16 : index
      %get3A_2869 = tpu.vector_load %arg6[%get3A_2867, %get3A_2868] {strides = array<i32>} : memref<64x128xf32, #tpu.memory_space<vmem>>, vector<1x16xf32>,
      %get3A_2870 = vector.shape_cast %get3A_2869 : vector<1x16xf32> to vector<16xf32>
      %add3A_2871 = arith.addf %get3A_2865, %get3A_2870 : vector<16xf32>
      %get3A_2872 = arith.constant 51 : i32
      %get3A_2873 = arith.index_cast %get3A_2872 : i32 to index
      %get3A_2874 = arith.constant 16 : index
      %get3A_2875 = tpu.vector_load %arg6[%get3A_2873, %get3A_2874] {strides = array<i32>} : memref<64x128xf32, #tpu.memory_space<vmem>>, vector<1x16xf32>,
      %get3A_2876 = vector.shape_cast %get3A_2875 : vector<1x16xf32> to vector<16xf32>
      %add3A_2877 = arith.addf %add3A_2871, %get3A_2876 : vector<16xf32>
      %get3A_2878 = arith.constant 52 : i32
      %get3A_2879 = arith.index_cast %get3A_2878 : i32 to index
      %get3A_2880 = arith.constant 16 : index
      %get3A_2881 = tpu.vector_load %arg6[%get3A_2879, %get3A_2880] {strides = array<i32>} : memref<64x128xf32, #tpu.memory_space<vmem>>, vector<1x16xf32>,
      %get3A_2882 = vector.shape_cast %get3A_2881 : vector<1x16xf32> to vector<16xf32>
      %add3A_2883 = arith.addf %add3A_2877, %get3A_2882 : vector<16xf32>
      %get3A_2884 = arith.constant 53 : i32
      %get3A_2885 = arith.index_cast %get3A_2884 : i32 to index
      %get3A_2886 = arith.constant 16 : index
      %get3A_2887 = tpu.vector_load %arg6[%get3A_2885, %get3A_2886] {strides = array<i32>} : memref<64x128xf32, #tpu.memory_space<vmem>>, vector<1x16xf32>,
      %get3A_2888 = vector.shape_cast %get3A_2887 : vector<1x16xf32> to vector<16xf32>
      %add3A_2889 = arith.addf %add3A_2883, %get3A_2888 : vector<16xf32>
      %get3A_2890 = arith.constant 54 : i32
      %get3A_2891 = arith.index_cast %get3A_2890 : i32 to index
      %get3A_2892 = arith.constant 16 : index
      %get3A_2893 = tpu.vector_load %arg6[%get3A_2891, %get3A_2892] {strides = array<i32>} : memref<64x128xf32, #tpu.memory_space<vmem>>, vector<1x16xf32>,
      %get3A_2894 = vector.shape_cast %get3A_2893 : vector<1x16xf32> to vector<16xf32>
      %add3A_2895 = arith.addf %add3A_2889, %get3A_2894 : vector<16xf32>
      %get3A_2896 = arith.constant 55 : i32
      %get3A_2897 = arith.index_cast %get3A_2896 : i32 to index
      %get3A_2898 = arith.constant 16 : index
      %get3A_2899 = tpu.vector_load %arg6[%get3A_2897, %get3A_2898] {strides = array<i32>} : memref<64x128xf32, #tpu.memory_space<vmem>>, vector<1x16xf32>,
      %get3A_2900 = vector.shape_cast %get3A_2899 : vector<1x16xf32> to vector<16xf32>
      %add3A_2901 = arith.addf %add3A_2895, %get3A_2900 : vector<16xf32>
      %mul3A_2902 = arith.constant 0.0883883461 : f32
      %mul3A_2903 = vector.broadcast %mul3A_2902 : f32 to vector<16xf32>
      %mul3A_2904 = arith.mulf %add3A_2901, %mul3A_2903 : vector<16xf32>
      %swap3A_2905 = arith.constant 7 : i32
      %swap3A_2906 = arith.index_cast %swap3A_2905 : i32 to index
      %swap3A_2907 = arith.constant 16 : index
      %swap3A_2908 = tpu.vector_load %arg7[%swap3A_2906, %swap3A_2907] {strides = array<i32>} : memref<8x128xf32, #tpu.memory_space<vmem>>, vector<1x16xf32>,
      %swap3A_2909 = vector.shape_cast %swap3A_2908 : vector<1x16xf32> to vector<16xf32>
      %swap3A_2910 = vector.shape_cast %mul3A_2904 : vector<16xf32> to vector<1x16xf32>
      tpu.vector_store %arg7[%swap3A_2906, %swap3A_2907], %swap3A_2910 {strides = array<i32>} : memref<8x128xf32, #tpu.memory_space<vmem>>, vector<1x16xf32>,
      %get3A_2911 = arith.constant 49 : i32
      %get3A_2912 = arith.index_cast %get3A_2911 : i32 to index
      %get3A_2913 = arith.constant 32 : index
      %get3A_2914 = tpu.vector_load %arg6[%get3A_2912, %get3A_2913] {strides = array<i32>} : memref<64x128xf32, #tpu.memory_space<vmem>>, vector<1x16xf32>,
      %get3A_2915 = vector.shape_cast %get3A_2914 : vector<1x16xf32> to vector<16xf32>
      %get3A_2916 = arith.constant 50 : i32
      %get3A_2917 = arith.index_cast %get3A_2916 : i32 to index
      %get3A_2918 = arith.constant 32 : index
      %get3A_2919 = tpu.vector_load %arg6[%get3A_2917, %get3A_2918] {strides = array<i32>} : memref<64x128xf32, #tpu.memory_space<vmem>>, vector<1x16xf32>,
      %get3A_2920 = vector.shape_cast %get3A_2919 : vector<1x16xf32> to vector<16xf32>
      %add3A_2921 = arith.addf %get3A_2915, %get3A_2920 : vector<16xf32>
      %get3A_2922 = arith.constant 51 : i32
      %get3A_2923 = arith.index_cast %get3A_2922 : i32 to index
      %get3A_2924 = arith.constant 32 : index
      %get3A_2925 = tpu.vector_load %arg6[%get3A_2923, %get3A_2924] {strides = array<i32>} : memref<64x128xf32, #tpu.memory_space<vmem>>, vector<1x16xf32>,
      %get3A_2926 = vector.shape_cast %get3A_2925 : vector<1x16xf32> to vector<16xf32>
      %add3A_2927 = arith.addf %add3A_2921, %get3A_2926 : vector<16xf32>
      %get3A_2928 = arith.constant 52 : i32
      %get3A_2929 = arith.index_cast %get3A_2928 : i32 to index
      %get3A_2930 = arith.constant 32 : index
      %get3A_2931 = tpu.vector_load %arg6[%get3A_2929, %get3A_2930] {strides = array<i32>} : memref<64x128xf32, #tpu.memory_space<vmem>>, vector<1x16xf32>,
      %get3A_2932 = vector.shape_cast %get3A_2931 : vector<1x16xf32> to vector<16xf32>
      %add3A_2933 = arith.addf %add3A_2927, %get3A_2932 : vector<16xf32>
      %get3A_2934 = arith.constant 53 : i32
      %get3A_2935 = arith.index_cast %get3A_2934 : i32 to index
      %get3A_2936 = arith.constant 32 : index
      %get3A_2937 = tpu.vector_load %arg6[%get3A_2935, %get3A_2936] {strides = array<i32>} : memref<64x128xf32, #tpu.memory_space<vmem>>, vector<1x16xf32>,
      %get3A_2938 = vector.shape_cast %get3A_2937 : vector<1x16xf32> to vector<16xf32>
      %add3A_2939 = arith.addf %add3A_2933, %get3A_2938 : vector<16xf32>
      %get3A_2940 = arith.constant 54 : i32
      %get3A_2941 = arith.index_cast %get3A_2940 : i32 to index
      %get3A_2942 = arith.constant 32 : index
      %get3A_2943 = tpu.vector_load %arg6[%get3A_2941, %get3A_2942] {strides = array<i32>} : memref<64x128xf32, #tpu.memory_space<vmem>>, vector<1x16xf32>,
      %get3A_2944 = vector.shape_cast %get3A_2943 : vector<1x16xf32> to vector<16xf32>
      %add3A_2945 = arith.addf %add3A_2939, %get3A_2944 : vector<16xf32>
      %get3A_2946 = arith.constant 55 : i32
      %get3A_2947 = arith.index_cast %get3A_2946 : i32 to index
      %get3A_2948 = arith.constant 32 : index
      %get3A_2949 = tpu.vector_load %arg6[%get3A_2947, %get3A_2948] {strides = array<i32>} : memref<64x128xf32, #tpu.memory_space<vmem>>, vector<1x16xf32>,
      %get3A_2950 = vector.shape_cast %get3A_2949 : vector<1x16xf32> to vector<16xf32>
      %add3A_2951 = arith.addf %add3A_2945, %get3A_2950 : vector<16xf32>
      %mul3A_2952 = arith.constant 0.0883883461 : f32
      %mul3A_2953 = vector.broadcast %mul3A_2952 : f32 to vector<16xf32>
      %mul3A_2954 = arith.mulf %add3A_2951, %mul3A_2953 : vector<16xf32>
      %swap3A_2955 = arith.constant 7 : i32
      %swap3A_2956 = arith.index_cast %swap3A_2955 : i32 to index
      %swap3A_2957 = arith.constant 32 : index
      %swap3A_2958 = tpu.vector_load %arg7[%swap3A_2956, %swap3A_2957] {strides = array<i32>} : memref<8x128xf32, #tpu.memory_space<vmem>>, vector<1x16xf32>,
      %swap3A_2959 = vector.shape_cast %swap3A_2958 : vector<1x16xf32> to vector<16xf32>
      %swap3A_2960 = vector.shape_cast %mul3A_2954 : vector<16xf32> to vector<1x16xf32>
      tpu.vector_store %arg7[%swap3A_2956, %swap3A_2957], %swap3A_2960 {strides = array<i32>} : memref<8x128xf32, #tpu.memory_space<vmem>>, vector<1x16xf32>,
      %get3A_2961 = arith.constant 49 : i32
      %get3A_2962 = arith.index_cast %get3A_2961 : i32 to index
      %get3A_2963 = arith.constant 48 : index
      %get3A_2964 = tpu.vector_load %arg6[%get3A_2962, %get3A_2963] {strides = array<i32>} : memref<64x128xf32, #tpu.memory_space<vmem>>, vector<1x16xf32>,
      %get3A_2965 = vector.shape_cast %get3A_2964 : vector<1x16xf32> to vector<16xf32>
      %get3A_2966 = arith.constant 50 : i32
      %get3A_2967 = arith.index_cast %get3A_2966 : i32 to index
      %get3A_2968 = arith.constant 48 : index
      %get3A_2969 = tpu.vector_load %arg6[%get3A_2967, %get3A_2968] {strides = array<i32>} : memref<64x128xf32, #tpu.memory_space<vmem>>, vector<1x16xf32>,
      %get3A_2970 = vector.shape_cast %get3A_2969 : vector<1x16xf32> to vector<16xf32>
      %add3A_2971 = arith.addf %get3A_2965, %get3A_2970 : vector<16xf32>
      %get3A_2972 = arith.constant 51 : i32
      %get3A_2973 = arith.index_cast %get3A_2972 : i32 to index
      %get3A_2974 = arith.constant 48 : index
      %get3A_2975 = tpu.vector_load %arg6[%get3A_2973, %get3A_2974] {strides = array<i32>} : memref<64x128xf32, #tpu.memory_space<vmem>>, vector<1x16xf32>,
      %get3A_2976 = vector.shape_cast %get3A_2975 : vector<1x16xf32> to vector<16xf32>
      %add3A_2977 = arith.addf %add3A_2971, %get3A_2976 : vector<16xf32>
      %get3A_2978 = arith.constant 52 : i32
      %get3A_2979 = arith.index_cast %get3A_2978 : i32 to index
      %get3A_2980 = arith.constant 48 : index
      %get3A_2981 = tpu.vector_load %arg6[%get3A_2979, %get3A_2980] {strides = array<i32>} : memref<64x128xf32, #tpu.memory_space<vmem>>, vector<1x16xf32>,
      %get3A_2982 = vector.shape_cast %get3A_2981 : vector<1x16xf32> to vector<16xf32>
      %add3A_2983 = arith.addf %add3A_2977, %get3A_2982 : vector<16xf32>
      %get3A_2984 = arith.constant 53 : i32
      %get3A_2985 = arith.index_cast %get3A_2984 : i32 to index
      %get3A_2986 = arith.constant 48 : index
      %get3A_2987 = tpu.vector_load %arg6[%get3A_2985, %get3A_2986] {strides = array<i32>} : memref<64x128xf32, #tpu.memory_space<vmem>>, vector<1x16xf32>,
      %get3A_2988 = vector.shape_cast %get3A_2987 : vector<1x16xf32> to vector<16xf32>
      %add3A_2989 = arith.addf %add3A_2983, %get3A_2988 : vector<16xf32>
      %get3A_2990 = arith.constant 54 : i32
      %get3A_2991 = arith.index_cast %get3A_2990 : i32 to index
      %get3A_2992 = arith.constant 48 : index
      %get3A_2993 = tpu.vector_load %arg6[%get3A_2991, %get3A_2992] {strides = array<i32>} : memref<64x128xf32, #tpu.memory_space<vmem>>, vector<1x16xf32>,
      %get3A_2994 = vector.shape_cast %get3A_2993 : vector<1x16xf32> to vector<16xf32>
      %add3A_2995 = arith.addf %add3A_2989, %get3A_2994 : vector<16xf32>
      %get3A_2996 = arith.constant 55 : i32
      %get3A_2997 = arith.index_cast %get3A_2996 : i32 to index
      %get3A_2998 = arith.constant 48 : index
      %get3A_2999 = tpu.vector_load %arg6[%get3A_2997, %get3A_2998] {strides = array<i32>} : memref<64x128xf32, #tpu.memory_space<vmem>>, vector<1x16xf32>,
      %get3A_3000 = vector.shape_cast %get3A_2999 : vector<1x16xf32> to vector<16xf32>
      %add3A_3001 = arith.addf %add3A_2995, %get3A_3000 : vector<16xf32>
      %mul3A_3002 = arith.constant 0.0883883461 : f32
      %mul3A_3003 = vector.broadcast %mul3A_3002 : f32 to vector<16xf32>
      %mul3A_3004 = arith.mulf %add3A_3001, %mul3A_3003 : vector<16xf32>
      %swap3A_3005 = arith.constant 7 : i32
      %swap3A_3006 = arith.index_cast %swap3A_3005 : i32 to index
      %swap3A_3007 = arith.constant 48 : index
      %swap3A_3008 = tpu.vector_load %arg7[%swap3A_3006, %swap3A_3007] {strides = array<i32>} : memref<8x128xf32, #tpu.memory_space<vmem>>, vector<1x16xf32>,
      %swap3A_3009 = vector.shape_cast %swap3A_3008 : vector<1x16xf32> to vector<16xf32>
      %swap3A_3010 = vector.shape_cast %mul3A_3004 : vector<16xf32> to vector<1x16xf32>
      tpu.vector_store %arg7[%swap3A_3006, %swap3A_3007], %swap3A_3010 {strides = array<i32>} : memref<8x128xf32, #tpu.memory_space<vmem>>, vector<1x16xf32>,
      %get3A_3011 = arith.constant 49 : i32
      %get3A_3012 = arith.index_cast %get3A_3011 : i32 to index
      %get3A_3013 = arith.constant 64 : index
      %get3A_3014 = tpu.vector_load %arg6[%get3A_3012, %get3A_3013] {strides = array<i32>} : memref<64x128xf32, #tpu.memory_space<vmem>>, vector<1x16xf32>,
      %get3A_3015 = vector.shape_cast %get3A_3014 : vector<1x16xf32> to vector<16xf32>
      %get3A_3016 = arith.constant 50 : i32
      %get3A_3017 = arith.index_cast %get3A_3016 : i32 to index
      %get3A_3018 = arith.constant 64 : index
      %get3A_3019 = tpu.vector_load %arg6[%get3A_3017, %get3A_3018] {strides = array<i32>} : memref<64x128xf32, #tpu.memory_space<vmem>>, vector<1x16xf32>,
      %get3A_3020 = vector.shape_cast %get3A_3019 : vector<1x16xf32> to vector<16xf32>
      %add3A_3021 = arith.addf %get3A_3015, %get3A_3020 : vector<16xf32>
      %get3A_3022 = arith.constant 51 : i32
      %get3A_3023 = arith.index_cast %get3A_3022 : i32 to index
      %get3A_3024 = arith.constant 64 : index
      %get3A_3025 = tpu.vector_load %arg6[%get3A_3023, %get3A_3024] {strides = array<i32>} : memref<64x128xf32, #tpu.memory_space<vmem>>, vector<1x16xf32>,
      %get3A_3026 = vector.shape_cast %get3A_3025 : vector<1x16xf32> to vector<16xf32>
      %add3A_3027 = arith.addf %add3A_3021, %get3A_3026 : vector<16xf32>
      %get3A_3028 = arith.constant 52 : i32
      %get3A_3029 = arith.index_cast %get3A_3028 : i32 to index
      %get3A_3030 = arith.constant 64 : index
      %get3A_3031 = tpu.vector_load %arg6[%get3A_3029, %get3A_3030] {strides = array<i32>} : memref<64x128xf32, #tpu.memory_space<vmem>>, vector<1x16xf32>,
      %get3A_3032 = vector.shape_cast %get3A_3031 : vector<1x16xf32> to vector<16xf32>
      %add3A_3033 = arith.addf %add3A_3027, %get3A_3032 : vector<16xf32>
      %get3A_3034 = arith.constant 53 : i32
      %get3A_3035 = arith.index_cast %get3A_3034 : i32 to index
      %get3A_3036 = arith.constant 64 : index
      %get3A_3037 = tpu.vector_load %arg6[%get3A_3035, %get3A_3036] {strides = array<i32>} : memref<64x128xf32, #tpu.memory_space<vmem>>, vector<1x16xf32>,
      %get3A_3038 = vector.shape_cast %get3A_3037 : vector<1x16xf32> to vector<16xf32>
      %add3A_3039 = arith.addf %add3A_3033, %get3A_3038 : vector<16xf32>
      %get3A_3040 = arith.constant 54 : i32
      %get3A_3041 = arith.index_cast %get3A_3040 : i32 to index
      %get3A_3042 = arith.constant 64 : index
      %get3A_3043 = tpu.vector_load %arg6[%get3A_3041, %get3A_3042] {strides = array<i32>} : memref<64x128xf32, #tpu.memory_space<vmem>>, vector<1x16xf32>,
      %get3A_3044 = vector.shape_cast %get3A_3043 : vector<1x16xf32> to vector<16xf32>
      %add3A_3045 = arith.addf %add3A_3039, %get3A_3044 : vector<16xf32>
      %get3A_3046 = arith.constant 55 : i32
      %get3A_3047 = arith.index_cast %get3A_3046 : i32 to index
      %get3A_3048 = arith.constant 64 : index
      %get3A_3049 = tpu.vector_load %arg6[%get3A_3047, %get3A_3048] {strides = array<i32>} : memref<64x128xf32, #tpu.memory_space<vmem>>, vector<1x16xf32>,
      %get3A_3050 = vector.shape_cast %get3A_3049 : vector<1x16xf32> to vector<16xf32>
      %add3A_3051 = arith.addf %add3A_3045, %get3A_3050 : vector<16xf32>
      %mul3A_3052 = arith.constant 0.0883883461 : f32
      %mul3A_3053 = vector.broadcast %mul3A_3052 : f32 to vector<16xf32>
      %mul3A_3054 = arith.mulf %add3A_3051, %mul3A_3053 : vector<16xf32>
      %swap3A_3055 = arith.constant 7 : i32
      %swap3A_3056 = arith.index_cast %swap3A_3055 : i32 to index
      %swap3A_3057 = arith.constant 64 : index
      %swap3A_3058 = tpu.vector_load %arg7[%swap3A_3056, %swap3A_3057] {strides = array<i32>} : memref<8x128xf32, #tpu.memory_space<vmem>>, vector<1x16xf32>,
      %swap3A_3059 = vector.shape_cast %swap3A_3058 : vector<1x16xf32> to vector<16xf32>
      %swap3A_3060 = vector.shape_cast %mul3A_3054 : vector<16xf32> to vector<1x16xf32>
      tpu.vector_store %arg7[%swap3A_3056, %swap3A_3057], %swap3A_3060 {strides = array<i32>} : memref<8x128xf32, #tpu.memory_space<vmem>>, vector<1x16xf32>,
      %get3A_3061 = arith.constant 49 : i32
      %get3A_3062 = arith.index_cast %get3A_3061 : i32 to index
      %get3A_3063 = arith.constant 80 : index
      %get3A_3064 = tpu.vector_load %arg6[%get3A_3062, %get3A_3063] {strides = array<i32>} : memref<64x128xf32, #tpu.memory_space<vmem>>, vector<1x16xf32>,
      %get3A_3065 = vector.shape_cast %get3A_3064 : vector<1x16xf32> to vector<16xf32>
      %get3A_3066 = arith.constant 50 : i32
      %get3A_3067 = arith.index_cast %get3A_3066 : i32 to index
      %get3A_3068 = arith.constant 80 : index
      %get3A_3069 = tpu.vector_load %arg6[%get3A_3067, %get3A_3068] {strides = array<i32>} : memref<64x128xf32, #tpu.memory_space<vmem>>, vector<1x16xf32>,
      %get3A_3070 = vector.shape_cast %get3A_3069 : vector<1x16xf32> to vector<16xf32>
      %add3A_3071 = arith.addf %get3A_3065, %get3A_3070 : vector<16xf32>
      %get3A_3072 = arith.constant 51 : i32
      %get3A_3073 = arith.index_cast %get3A_3072 : i32 to index
      %get3A_3074 = arith.constant 80 : index
      %get3A_3075 = tpu.vector_load %arg6[%get3A_3073, %get3A_3074] {strides = array<i32>} : memref<64x128xf32, #tpu.memory_space<vmem>>, vector<1x16xf32>,
      %get3A_3076 = vector.shape_cast %get3A_3075 : vector<1x16xf32> to vector<16xf32>
      %add3A_3077 = arith.addf %add3A_3071, %get3A_3076 : vector<16xf32>
      %get3A_3078 = arith.constant 52 : i32
      %get3A_3079 = arith.index_cast %get3A_3078 : i32 to index
      %get3A_3080 = arith.constant 80 : index
      %get3A_3081 = tpu.vector_load %arg6[%get3A_3079, %get3A_3080] {strides = array<i32>} : memref<64x128xf32, #tpu.memory_space<vmem>>, vector<1x16xf32>,
      %get3A_3082 = vector.shape_cast %get3A_3081 : vector<1x16xf32> to vector<16xf32>
      %add3A_3083 = arith.addf %add3A_3077, %get3A_3082 : vector<16xf32>
      %get3A_3084 = arith.constant 53 : i32
      %get3A_3085 = arith.index_cast %get3A_3084 : i32 to index
      %get3A_3086 = arith.constant 80 : index
      %get3A_3087 = tpu.vector_load %arg6[%get3A_3085, %get3A_3086] {strides = array<i32>} : memref<64x128xf32, #tpu.memory_space<vmem>>, vector<1x16xf32>,
      %get3A_3088 = vector.shape_cast %get3A_3087 : vector<1x16xf32> to vector<16xf32>
      %add3A_3089 = arith.addf %add3A_3083, %get3A_3088 : vector<16xf32>
      %get3A_3090 = arith.constant 54 : i32
      %get3A_3091 = arith.index_cast %get3A_3090 : i32 to index
      %get3A_3092 = arith.constant 80 : index
      %get3A_3093 = tpu.vector_load %arg6[%get3A_3091, %get3A_3092] {strides = array<i32>} : memref<64x128xf32, #tpu.memory_space<vmem>>, vector<1x16xf32>,
      %get3A_3094 = vector.shape_cast %get3A_3093 : vector<1x16xf32> to vector<16xf32>
      %add3A_3095 = arith.addf %add3A_3089, %get3A_3094 : vector<16xf32>
      %get3A_3096 = arith.constant 55 : i32
      %get3A_3097 = arith.index_cast %get3A_3096 : i32 to index
      %get3A_3098 = arith.constant 80 : index
      %get3A_3099 = tpu.vector_load %arg6[%get3A_3097, %get3A_3098] {strides = array<i32>} : memref<64x128xf32, #tpu.memory_space<vmem>>, vector<1x16xf32>,
      %get3A_3100 = vector.shape_cast %get3A_3099 : vector<1x16xf32> to vector<16xf32>
      %add3A_3101 = arith.addf %add3A_3095, %get3A_3100 : vector<16xf32>
      %mul3A_3102 = arith.constant 0.0883883461 : f32
      %mul3A_3103 = vector.broadcast %mul3A_3102 : f32 to vector<16xf32>
      %mul3A_3104 = arith.mulf %add3A_3101, %mul3A_3103 : vector<16xf32>
      %swap3A_3105 = arith.constant 7 : i32
      %swap3A_3106 = arith.index_cast %swap3A_3105 : i32 to index
      %swap3A_3107 = arith.constant 80 : index
      %swap3A_3108 = tpu.vector_load %arg7[%swap3A_3106, %swap3A_3107] {strides = array<i32>} : memref<8x128xf32, #tpu.memory_space<vmem>>, vector<1x16xf32>,
      %swap3A_3109 = vector.shape_cast %swap3A_3108 : vector<1x16xf32> to vector<16xf32>
      %swap3A_3110 = vector.shape_cast %mul3A_3104 : vector<16xf32> to vector<1x16xf32>
      tpu.vector_store %arg7[%swap3A_3106, %swap3A_3107], %swap3A_3110 {strides = array<i32>} : memref<8x128xf32, #tpu.memory_space<vmem>>, vector<1x16xf32>,
      %get3A_3111 = arith.constant 49 : i32
      %get3A_3112 = arith.index_cast %get3A_3111 : i32 to index
      %get3A_3113 = arith.constant 96 : index
      %get3A_3114 = tpu.vector_load %arg6[%get3A_3112, %get3A_3113] {strides = array<i32>} : memref<64x128xf32, #tpu.memory_space<vmem>>, vector<1x16xf32>,
      %get3A_3115 = vector.shape_cast %get3A_3114 : vector<1x16xf32> to vector<16xf32>
      %get3A_3116 = arith.constant 50 : i32
      %get3A_3117 = arith.index_cast %get3A_3116 : i32 to index
      %get3A_3118 = arith.constant 96 : index
      %get3A_3119 = tpu.vector_load %arg6[%get3A_3117, %get3A_3118] {strides = array<i32>} : memref<64x128xf32, #tpu.memory_space<vmem>>, vector<1x16xf32>,
      %get3A_3120 = vector.shape_cast %get3A_3119 : vector<1x16xf32> to vector<16xf32>
      %add3A_3121 = arith.addf %get3A_3115, %get3A_3120 : vector<16xf32>
      %get3A_3122 = arith.constant 51 : i32
      %get3A_3123 = arith.index_cast %get3A_3122 : i32 to index
      %get3A_3124 = arith.constant 96 : index
      %get3A_3125 = tpu.vector_load %arg6[%get3A_3123, %get3A_3124] {strides = array<i32>} : memref<64x128xf32, #tpu.memory_space<vmem>>, vector<1x16xf32>,
      %get3A_3126 = vector.shape_cast %get3A_3125 : vector<1x16xf32> to vector<16xf32>
      %add3A_3127 = arith.addf %add3A_3121, %get3A_3126 : vector<16xf32>
      %get3A_3128 = arith.constant 52 : i32
      %get3A_3129 = arith.index_cast %get3A_3128 : i32 to index
      %get3A_3130 = arith.constant 96 : index
      %get3A_3131 = tpu.vector_load %arg6[%get3A_3129, %get3A_3130] {strides = array<i32>} : memref<64x128xf32, #tpu.memory_space<vmem>>, vector<1x16xf32>,
      %get3A_3132 = vector.shape_cast %get3A_3131 : vector<1x16xf32> to vector<16xf32>
      %add3A_3133 = arith.addf %add3A_3127, %get3A_3132 : vector<16xf32>
      %get3A_3134 = arith.constant 53 : i32
      %get3A_3135 = arith.index_cast %get3A_3134 : i32 to index
      %get3A_3136 = arith.constant 96 : index
      %get3A_3137 = tpu.vector_load %arg6[%get3A_3135, %get3A_3136] {strides = array<i32>} : memref<64x128xf32, #tpu.memory_space<vmem>>, vector<1x16xf32>,
      %get3A_3138 = vector.shape_cast %get3A_3137 : vector<1x16xf32> to vector<16xf32>
      %add3A_3139 = arith.addf %add3A_3133, %get3A_3138 : vector<16xf32>
      %get3A_3140 = arith.constant 54 : i32
      %get3A_3141 = arith.index_cast %get3A_3140 : i32 to index
      %get3A_3142 = arith.constant 96 : index
      %get3A_3143 = tpu.vector_load %arg6[%get3A_3141, %get3A_3142] {strides = array<i32>} : memref<64x128xf32, #tpu.memory_space<vmem>>, vector<1x16xf32>,
      %get3A_3144 = vector.shape_cast %get3A_3143 : vector<1x16xf32> to vector<16xf32>
      %add3A_3145 = arith.addf %add3A_3139, %get3A_3144 : vector<16xf32>
      %get3A_3146 = arith.constant 55 : i32
      %get3A_3147 = arith.index_cast %get3A_3146 : i32 to index
      %get3A_3148 = arith.constant 96 : index
      %get3A_3149 = tpu.vector_load %arg6[%get3A_3147, %get3A_3148] {strides = array<i32>} : memref<64x128xf32, #tpu.memory_space<vmem>>, vector<1x16xf32>,
      %get3A_3150 = vector.shape_cast %get3A_3149 : vector<1x16xf32> to vector<16xf32>
      %add3A_3151 = arith.addf %add3A_3145, %get3A_3150 : vector<16xf32>
      %mul3A_3152 = arith.constant 0.0883883461 : f32
      %mul3A_3153 = vector.broadcast %mul3A_3152 : f32 to vector<16xf32>
      %mul3A_3154 = arith.mulf %add3A_3151, %mul3A_3153 : vector<16xf32>
      %swap3A_3155 = arith.constant 7 : i32
      %swap3A_3156 = arith.index_cast %swap3A_3155 : i32 to index
      %swap3A_3157 = arith.constant 96 : index
      %swap3A_3158 = tpu.vector_load %arg7[%swap3A_3156, %swap3A_3157] {strides = array<i32>} : memref<8x128xf32, #tpu.memory_space<vmem>>, vector<1x16xf32>,
      %swap3A_3159 = vector.shape_cast %swap3A_3158 : vector<1x16xf32> to vector<16xf32>
      %swap3A_3160 = vector.shape_cast %mul3A_3154 : vector<16xf32> to vector<1x16xf32>
      tpu.vector_store %arg7[%swap3A_3156, %swap3A_3157], %swap3A_3160 {strides = array<i32>} : memref<8x128xf32, #tpu.memory_space<vmem>>, vector<1x16xf32>,
      %get3A_3161 = arith.constant 49 : i32
      %get3A_3162 = arith.index_cast %get3A_3161 : i32 to index
      %get3A_3163 = arith.constant 112 : index
      %get3A_3164 = tpu.vector_load %arg6[%get3A_3162, %get3A_3163] {strides = array<i32>} : memref<64x128xf32, #tpu.memory_space<vmem>>, vector<1x16xf32>,
      %get3A_3165 = vector.shape_cast %get3A_3164 : vector<1x16xf32> to vector<16xf32>
      %get3A_3166 = arith.constant 50 : i32
      %get3A_3167 = arith.index_cast %get3A_3166 : i32 to index
      %get3A_3168 = arith.constant 112 : index
      %get3A_3169 = tpu.vector_load %arg6[%get3A_3167, %get3A_3168] {strides = array<i32>} : memref<64x128xf32, #tpu.memory_space<vmem>>, vector<1x16xf32>,
      %get3A_3170 = vector.shape_cast %get3A_3169 : vector<1x16xf32> to vector<16xf32>
      %add3A_3171 = arith.addf %get3A_3165, %get3A_3170 : vector<16xf32>
      %get3A_3172 = arith.constant 51 : i32
      %get3A_3173 = arith.index_cast %get3A_3172 : i32 to index
      %get3A_3174 = arith.constant 112 : index
      %get3A_3175 = tpu.vector_load %arg6[%get3A_3173, %get3A_3174] {strides = array<i32>} : memref<64x128xf32, #tpu.memory_space<vmem>>, vector<1x16xf32>,
      %get3A_3176 = vector.shape_cast %get3A_3175 : vector<1x16xf32> to vector<16xf32>
      %add3A_3177 = arith.addf %add3A_3171, %get3A_3176 : vector<16xf32>
      %get3A_3178 = arith.constant 52 : i32
      %get3A_3179 = arith.index_cast %get3A_3178 : i32 to index
      %get3A_3180 = arith.constant 112 : index
      %get3A_3181 = tpu.vector_load %arg6[%get3A_3179, %get3A_3180] {strides = array<i32>} : memref<64x128xf32, #tpu.memory_space<vmem>>, vector<1x16xf32>,
      %get3A_3182 = vector.shape_cast %get3A_3181 : vector<1x16xf32> to vector<16xf32>
      %add3A_3183 = arith.addf %add3A_3177, %get3A_3182 : vector<16xf32>
      %get3A_3184 = arith.constant 53 : i32
      %get3A_3185 = arith.index_cast %get3A_3184 : i32 to index
      %get3A_3186 = arith.constant 112 : index
      %get3A_3187 = tpu.vector_load %arg6[%get3A_3185, %get3A_3186] {strides = array<i32>} : memref<64x128xf32, #tpu.memory_space<vmem>>, vector<1x16xf32>,
      %get3A_3188 = vector.shape_cast %get3A_3187 : vector<1x16xf32> to vector<16xf32>
      %add3A_3189 = arith.addf %add3A_3183, %get3A_3188 : vector<16xf32>
      %get3A_3190 = arith.constant 54 : i32
      %get3A_3191 = arith.index_cast %get3A_3190 : i32 to index
      %get3A_3192 = arith.constant 112 : index
      %get3A_3193 = tpu.vector_load %arg6[%get3A_3191, %get3A_3192] {strides = array<i32>} : memref<64x128xf32, #tpu.memory_space<vmem>>, vector<1x16xf32>,
      %get3A_3194 = vector.shape_cast %get3A_3193 : vector<1x16xf32> to vector<16xf32>
      %add3A_3195 = arith.addf %add3A_3189, %get3A_3194 : vector<16xf32>
      %get3A_3196 = arith.constant 55 : i32
      %get3A_3197 = arith.index_cast %get3A_3196 : i32 to index
      %get3A_3198 = arith.constant 112 : index
      %get3A_3199 = tpu.vector_load %arg6[%get3A_3197, %get3A_3198] {strides = array<i32>} : memref<64x128xf32, #tpu.memory_space<vmem>>, vector<1x16xf32>,
      %get3A_3200 = vector.shape_cast %get3A_3199 : vector<1x16xf32> to vector<16xf32>
      %add3A_3201 = arith.addf %add3A_3195, %get3A_3200 : vector<16xf32>
      %mul3A_3202 = arith.constant 0.0883883461 : f32
      %mul3A_3203 = vector.broadcast %mul3A_3202 : f32 to vector<16xf32>
      %mul3A_3204 = arith.mulf %add3A_3201, %mul3A_3203 : vector<16xf32>
      %swap3A_3205 = arith.constant 7 : i32
      %swap3A_3206 = arith.index_cast %swap3A_3205 : i32 to index
      %swap3A_3207 = arith.constant 112 : index
      %swap3A_3208 = tpu.vector_load %arg7[%swap3A_3206, %swap3A_3207] {strides = array<i32>} : memref<8x128xf32, #tpu.memory_space<vmem>>, vector<1x16xf32>,
      %swap3A_3209 = vector.shape_cast %swap3A_3208 : vector<1x16xf32> to vector<16xf32>
      %swap3A_3210 = vector.shape_cast %mul3A_3204 : vector<16xf32> to vector<1x16xf32>
      tpu.vector_store %arg7[%swap3A_3206, %swap3A_3207], %swap3A_3210 {strides = array<i32>} : memref<8x128xf32, #tpu.memory_space<vmem>>, vector<1x16xf32>,
      %mul3A_3211 = arith.constant 8 : i32
      %mul3A_3212 = arith.muli %add3A, %mul3A_3211 : i32
      "tpu.region"() ({
        %run_scoped3A = tpu.sem_alloc : memref<!tpu.dma_semaphore, #tpu.memory_space<semaphore_mem>>
        %dma_start3A_3213 = arith.constant 0 : i32
        %dma_start3A_3214 = tpu.memref_slice %arg4[%mul3A_3212, %dma_start3A_3213] : memref<128x128xf32, #tpu.memory_space<hbm>> -> memref<8x128xf32, #tpu.memory_space<hbm>>
        %dma_start3A_3215 = arith.constant 0 : i32
        %dma_start3A_3216 = tpu.memref_slice %arg4[%mul3A_3212, %dma_start3A_3215] : memref<128x128xf32, #tpu.memory_space<hbm>> -> memref<8x128xf32, #tpu.memory_space<hbm>>
        tpu.enqueue_dma source(%arg7 : memref<8x128xf32, #tpu.memory_space<vmem>>) target(%dma_start3A_3216 : memref<8x128xf32, #tpu.memory_space<hbm>>) target_semaphore(%run_scoped3A : memref<!tpu.dma_semaphore, #tpu.memory_space<semaphore_mem>>)
        %dma_wait3A_3217 = arith.constant 0 : i32
        %dma_wait3A_3218 = tpu.memref_slice %arg4[%mul3A_3212, %dma_wait3A_3217] : memref<128x128xf32, #tpu.memory_space<hbm>> -> memref<8x128xf32, #tpu.memory_space<hbm>>
        %dma_wait3A_3219 = arith.constant 0 : i32
        %dma_wait3A_3220 = tpu.memref_slice %arg4[%mul3A_3212, %dma_wait3A_3219] : memref<128x128xf32, #tpu.memory_space<hbm>> -> memref<8x128xf32, #tpu.memory_space<hbm>>
        tpu.wait_dma2 semaphore(%run_scoped3A : memref<!tpu.dma_semaphore, #tpu.memory_space<semaphore_mem>>) src(%arg7 : memref<8x128xf32, #tpu.memory_space<vmem>>) dst(%dma_wait3A_3220 : memref<8x128xf32, #tpu.memory_space<hbm>>)
        tpu.yield
      }) : () -> ()
    } else {
    }
    return
  }
}

module attributes {stable_mosaic.version = 14 : i64} {
  func.func @_tc_body(%arg0: i32, %arg1: memref<128x128xf32, #tpu.memory_space<vmem>>, %arg2: memref<15x128xf32, #tpu.memory_space<vmem>>, %arg3: memref<8192x128xf32, #tpu.memory_space<vmem>>, %arg4: memref<129x8192xf32, #tpu.memory_space<vmem>>, %arg5: memref<129x128xf32, #tpu.memory_space<vmem>>) attributes {dimension_semantics = [#tpu.dimension_semantics<arbitrary>], iteration_bounds = array<i64: 2>, scalar_prefetch = 0 : i64, scratch_operands = 1 : i64, tpu.core_type = #tpu.core_type<tc>, window_params = [{pipeline_mode = #tpu.pipeline_mode<synchronous>, transform_indices = @transform_0, window_bounds = array<i64: 128, 128>}, {pipeline_mode = #tpu.pipeline_mode<synchronous>, transform_indices = @transform_1, window_bounds = array<i64: 15, 128>}, {transform_indices = @transform_2, window_bounds = array<i64: 8192, 128>}, {transform_indices = @transform_3, window_bounds = array<i64: 129, 8192>}]} {
    %eq3A = arith.constant 0 : i32
    %eq3A_0 = arith.cmpi eq, %arg0, %eq3A : i32
    %convert_element_type3A = arith.extui %eq3A_0 : i1 to i32
    %cond3A = arith.constant 0 : i32
    %cond3A_1 = arith.cmpi ne, %convert_element_type3A, %cond3A : i32
    scf.if %cond3A_1 {
      %get3A_10 = arith.constant 0 : index
      %get3A_11 = arith.constant 0 : index
      %get3A_12 = vector.load %arg2[%get3A_10, %get3A_11] : memref<15x128xf32, #tpu.memory_space<vmem>>, vector<1x128xf32>
      %mul3A = arith.constant 0.0883883461 : f32
      %mul3A_13 = vector.broadcast %mul3A : f32 to vector<1x128xf32>
      %mul3A_14 = arith.mulf %get3A_12, %mul3A_13 : vector<1x128xf32>
      %swap3A_15 = arith.constant 0 : index
      %swap3A_16 = arith.constant 0 : index
      %swap3A_17 = vector.load %arg5[%swap3A_15, %swap3A_16] : memref<129x128xf32, #tpu.memory_space<vmem>>, vector<1x128xf32>
      tpu.vector_store %arg5[%swap3A_15, %swap3A_16], %mul3A_14 {strides = array<i32>} : memref<129x128xf32, #tpu.memory_space<vmem>>, vector<1x128xf32>,
      %get3A_18 = arith.constant 0 : index
      %get3A_19 = arith.constant 0 : index
      %get3A_20 = vector.load %arg1[%get3A_18, %get3A_19] : memref<128x128xf32, #tpu.memory_space<vmem>>, vector<128x128xf32>
      %swap3A_21 = arith.constant 1 : index
      %swap3A_22 = arith.constant 0 : index
      %swap3A_23 = vector.load %arg5[%swap3A_21, %swap3A_22] : memref<129x128xf32, #tpu.memory_space<vmem>>, vector<128x128xf32>
      tpu.vector_store %arg5[%swap3A_21, %swap3A_22], %get3A_20 {strides = array<i32>} : memref<129x128xf32, #tpu.memory_space<vmem>>, vector<128x128xf32>,
    } else {
    }
    %get3A = arith.constant 0 : index
    %get3A_2 = arith.constant 0 : index
    %get3A_3 = vector.load %arg5[%get3A, %get3A_2] : memref<129x128xf32, #tpu.memory_space<vmem>>, vector<129x128xf32>
    %get3A_4 = arith.constant 0 : index
    %get3A_5 = arith.constant 0 : index
    %get3A_6 = vector.load %arg3[%get3A_4, %get3A_5] : memref<8192x128xf32, #tpu.memory_space<vmem>>, vector<8192x128xf32>
    %dot_general3A = arith.constant dense<0.000000e+00> : vector<129x8192xf32>
    %dot_general3A_7 = tpu.matmul %get3A_3, %get3A_6, %dot_general3A {dimension_numbers = #tpu.dot_dimension_numbers<[1], [1], [0], [0], [0, 0, 1, 0], [], []>, transpose_lhs_hint = false} : vector<129x128xf32>, vector<8192x128xf32>, vector<129x8192xf32> -> vector<129x8192xf32>
    %swap3A = arith.constant 0 : index
    %swap3A_8 = arith.constant 0 : index
    %swap3A_9 = vector.load %arg4[%swap3A, %swap3A_8] : memref<129x8192xf32, #tpu.memory_space<vmem>>, vector<129x8192xf32>
    tpu.vector_store %arg4[%swap3A, %swap3A_8], %dot_general3A_7 {strides = array<i32>} : memref<129x8192xf32, #tpu.memory_space<vmem>>, vector<129x8192xf32>,
    return
  }
  func.func @transform_0(%arg0: i32) -> (i32, i32) {
    %c0_i32 = arith.constant 0 : i32
    %c0_i32_0 = arith.constant 0 : i32
    %c0_i32_1 = arith.constant 0 : i32
    return %c0_i32, %c0_i32_0 : i32, i32
  }
  func.func @transform_1(%arg0: i32) -> (i32, i32) {
    %c0_i32 = arith.constant 0 : i32
    %c0_i32_0 = arith.constant 0 : i32
    %c0_i32_1 = arith.constant 0 : i32
    return %c0_i32, %c0_i32_0 : i32, i32
  }
  func.func @transform_2(%arg0: i32) -> (i32, i32) {
    %c0_i32 = arith.constant 0 : i32
    %c0_i32_0 = arith.constant 0 : i32
    return %arg0, %c0_i32 : i32, i32
  }
  func.func @transform_3(%arg0: i32) -> (i32, i32) {
    %c0_i32 = arith.constant 0 : i32
    %c0_i32_0 = arith.constant 0 : i32
    return %c0_i32, %arg0 : i32, i32
  }
}

</mosaic_0001>

<sc_bundles>
// kernel: kernel.4.cloned.1.call-start
scs
__scs_entry_jumppad:
0x0: {  	(pc) =	sbr.rel $0x88, $3  }
0x1: {  	(tag) =	ssettag $0x0;
	lr =	simm.s32 $0x1  }
0x2: {  	[smem:$0x3F9E] =	sst lr;
	_ =	strace $0xD0000000  }
0x3: {  	_ = 	snop  }
0x4: {  	_ = 	snop  }
0x5: {  	_ = 	snop  }
0x6: {  	_ = 	snop  }
0x7: {  	_ = 	snop  }
__scs_overlays_trampoline_lowered:
0x8: {  	[smem:$0x3FAD] =	sst s0  }
0x9: {  	[smem:$0x3FAE] =	sst s1  }
0xa: {  	[smem:$0x3FAF] =	sst s2  }
0xb: {  	[smem:$0x3FB0] =	sst s3  }
0xc: {  	[smem:$0x3FB1] =	sst s4  }
0xd: {  	[smem:$0x3FB2] =	sst s5  }
0xe: {  	[smem:$0x3FB3] =	sst s6  }
0xf: {  	[smem:$0x3FB4] =	sst s7  }
0x10: {  	[smem:$0x3FB5] =	sst s8  }
0x11: {  	[smem:$0x3FB6] =	sst s9;
	s0 =	simm.s32 @!p0 $0x0  }
0x12: {  	s1 =	sld [smem:$0x3F9C];
	s0 =	simm.s32 @p0 $0x1  }
0x13: {  	[smem:$0x3FB7] =	sst s0;
	s0 =	simm.s32 @!p1 $0x0  }
0x14: {  	s2 =	sld [smem:$0x3F9B];
	s0 =	simm.s32 @p1 $0x1  }
0x15: {  	[smem:$0x3FB8] =	sst s0;
	s0 =	simm.s32 @!p2 $0x0  }
0x16: {  	s3 =	sld [smem:$0x3FDB];
	s0 =	simm.s32 @p2 $0x1  }
0x17: {  	s4 =	simm.s32 $0x1BF5;
	[smem:$0x3FBA] =	sst s0  }
0x18: {  	s0 =	sld [smem:$0x3F9D];
	_ =	swait.ge [sflag:s4], $0x0  }
0x19: {  	s7 =	sld [smem:$0x3F9E]  }
0x1a: {  	s8 =	sadd.s32 $0xFFFFE003, lr  }
0x1b: {  	s9 =	sadd.s32 $0xFFFFFEF7, lr;
	s5 =	simm.s32 $0xFFFFFFFF;
	p2 =	slt.u32 s8, $0xFFFFF086  }
0x1c: {  	p1 =	slt.u32 s9, $0xF7A;
	s5 =	simm.s32 @!p2 $0x0  }
0x1d: {  	s5 =	simm.s32 @p1 $0x1;
	p0 =	seq.s32 s7, s2  }
0x1e: {  	s7 =	smul.u32 @!p0 $0xF7A, s2;
	p2 =	seq.s32 @!p0 s5, $0x0  }
0x1f: {  	s9 =	smul.u32 $0xF7A, s1;
	s8 =	simm.s32 @!p0 $0x1BF5;
	p2 =	por !p2, p0  }
0x20: {  	[sflag:s8] =	ssyncset.s32 @!p0 $0xFFFFF086;
	s6 =	sadd.s32 @!p0 s3, s7;
	s7 =	simm.s32 @!p0 $0x108  }
0x21: {  	s3 =	sadd.s32 s3, s9;
	s6 =	sadd.s32 @!p0 $0x88, s6;
	s7 =	simm.s32 @p2 $0x1082  }
0x22: {  	[simem:s7], [sflag:s8] =	dma.local @!p0 [hbm:s6], $0xF7A  }
0x23: {  	s9 =	sor.u32 $0xD0000000, s2;
	s6 =	simm.s32 $0x108;
	_ =	swait.ge @!p0 [sflag:s8], $0x0  }
0x24: {  	s3 =	sadd.s32 $0x88, s3;
	s6 =	simm.s32 @!p1 $0x1082;
	[sflag:s4] =	ssyncset.s32 $0xFFFFF086  }
0x25: {  	[simem:s6], [sflag:s4] =	dma.local [hbm:s3], $0xF7A  }
0x26: {  	[smem:$0x3F9E] =	sst s1;
	(tag) =	ssettag s2;
	_ =	strace s9  }
0x27: {  	s1 =	sld [smem:$0x3FAE]  }
0x28: {  	s2 =	sld [smem:$0x3FAF]  }
0x29: {  	s4 =	sld [smem:$0x3FB1]  }
0x2a: {  	p0 =	seq.s32 s5, $0x0;
	s5 =	sld [smem:$0x3FB2]  }
0x2b: {  	s6 =	sld [smem:$0x3FB3]  }
0x2c: {  	s7 =	sld [smem:$0x3FB4]  }
0x2d: {  	s3 =	simm.s32 $0x108;
	s8 =	sld [smem:$0x3FB5]  }
0x2e: {  	s3 =	simm.s32 @!p0 $0x1082;
	s9 =	sld [smem:$0x3FB6]  }
0x2f: {  	lr =	sadd.s32 s0, s3;
	s0 =	sld [smem:$0x3FAD]  }
0x30: {  	s3 =	sld [smem:$0x3FB0]  }
0x31: {  	[smem:$0x3FB9] =	sst s10  }
0x32: {  	s10 =	sld [smem:$0x3FB7];
	_ =	sdelay $0x3  }
0x33: {  	p0 =	seq.s32 s10, $0x1;
	s10 =	sld [smem:$0x3FB9];
	_ =	sdelay $0x3  }
0x34: {  	[smem:$0x3FB9] =	sst s10  }
0x35: {  	s10 =	sld [smem:$0x3FB8];
	_ =	sdelay $0x3  }
0x36: {  	p1 =	seq.s32 s10, $0x1;
	s10 =	sld [smem:$0x3FB9];
	_ =	sdelay $0x3  }
0x37: {  	[smem:$0x3FB9] =	sst s10  }
0x38: {  	s10 =	sld [smem:$0x3FBA]  }
0x39: {  	_ = 	snop;
	(pc) =	sbr.ind lr, $3  }
0x3a: {  	_ = 	snop  }
0x3b: {  	_ = 	snop  }
0x3c: {  	p2 =	seq.s32 s10, $0x1;
	s10 =	sld [smem:$0x3FB9]  }
0x3d: {  	_ =	shalt  }
0x3e: {  	_ =	shalt  }
0x3f: {  	_ =	shalt  }
0x40: {  	_ =	shalt  }
0x41: {  	_ =	shalt  }
0x42: {  	_ =	shalt  }
0x43: {  	_ =	shalt  }
0x44: {  	_ =	shalt  }
0x45: {  	_ =	shalt  }
0x46: {  	_ =	shalt  }
0x47: {  	_ =	shalt  }
0x48: {  	_ =	shalt  }
0x49: {  	_ =	shalt  }
0x4a: {  	_ =	shalt  }
0x4b: {  	_ =	shalt  }
0x4c: {  	_ =	shalt  }
0x4d: {  	_ =	shalt  }
0x4e: {  	_ =	shalt  }
0x4f: {  	_ =	shalt  }
0x50: {  	_ =	shalt  }
0x51: {  	_ =	shalt  }
0x52: {  	_ =	shalt  }
0x53: {  	_ =	shalt  }
0x54: {  	_ =	shalt  }
0x55: {  	_ =	shalt  }
0x56: {  	_ =	shalt  }
0x57: {  	_ =	shalt  }
0x58: {  	_ =	shalt  }
0x59: {  	_ =	shalt  }
0x5a: {  	_ =	shalt  }
0x5b: {  	_ =	shalt  }
0x5c: {  	_ =	shalt  }
0x5d: {  	_ =	shalt  }
0x5e: {  	_ =	shalt  }
0x5f: {  	_ =	shalt  }
0x60: {  	_ =	shalt  }
0x61: {  	_ =	shalt  }
0x62: {  	_ =	shalt  }
0x63: {  	_ =	shalt  }
0x64: {  	_ =	shalt  }
0x65: {  	_ =	shalt  }
0x66: {  	_ =	shalt  }
0x67: {  	_ =	shalt  }
0x68: {  	_ =	shalt  }
0x69: {  	_ =	shalt  }
0x6a: {  	_ =	shalt  }
0x6b: {  	_ =	shalt  }
0x6c: {  	_ =	shalt  }
0x6d: {  	_ =	shalt  }
0x6e: {  	_ =	shalt  }
0x6f: {  	_ =	shalt  }
0x70: {  	_ =	shalt  }
0x71: {  	_ =	shalt  }
0x72: {  	_ =	shalt  }
0x73: {  	_ =	shalt  }
0x74: {  	_ =	shalt  }
0x75: {  	_ =	shalt  }
0x76: {  	_ =	shalt  }
0x77: {  	_ =	shalt  }
0x78: {  	_ =	shalt  }
0x79: {  	_ =	shalt  }
0x7a: {  	_ =	shalt  }
0x7b: {  	_ =	shalt  }
0x7c: {  	_ =	shalt  }
0x7d: {  	_ =	shalt  }
0x7e: {  	_ =	shalt  }
0x7f: {  	_ =	shalt  }
0x80: {  	_ =	shalt  }
0x81: {  	_ =	shalt  }
0x82: {  	_ =	shalt  }
0x83: {  	_ =	shalt  }
0x84: {  	_ =	shalt  }
0x85: {  	_ =	shalt  }
0x86: {  	_ =	shalt  }
0x87: {  	_ =	shalt  }
.Lfunc_end0:
.L_simem_size_0:
called_computation_lowered:
.L_overlay_start_0:
0x88: {  	s2 =	sld [smem:$0x3FD9]  }
0x89: {  	s3 =	sld [smem:$0x3FFE];
	_ =	sdelay $0x1  }
0x8a: {  	s1 =	srdreg.scid  }
0x8b: {  	s0 =	sand.u32 $0x1, s1  }
0x8c: {  	s17 =	sshll.u32 s0, $0xA;
	s2 =	sadd.s32 s3, s2  }
0x8d: {  	s2 =	sadd.s32 s2, s17  }
0x8e: {  	[smem:$0x3FC5] =	sst s2  }
0x8f: {  	_ = 	snop  }
0x90: {  	s2 =	sld [smem:$0x3FC8]  }
0x91: {  	s18 =	sld [smem:$0x3FD0];
	(tm) =	ssettm $0x1  }
0x92: {  	s4 =	sld [smem:$0x3FFB];
	_ =	sdelay $0x3  }
0x93: {  	_ =	strace s4  }
0x94: {  	s4 =	sld [smem:$0x3FFC];
	_ =	sdelay $0x3  }
0x95: {  	_ =	strace s4  }
0x96: {  	s4 =	sld [smem:$0x3FFD];
	_ =	sdelay $0x3  }
0x97: {  	_ =	strace s4  }
0x98: {  	_ =	strace $0x8FFFFFFF  }
0x99: {  	s19 =	sld [smem:$0x3FDB];
	_ =	sdelay $0x1  }
0x9a: {  	s5 =	simm.s32 $_scs_section_size  }
0x9b: {  	s6 =	simm.s32 $_size__tile_overlayer_lowered;
	s7 =	simm.s32 $_tile_overlayer_lowered  }
0x9c: {  	s22 =	simm.s32 $0x1BFF;
	s21 =	sshll.u32 s7, $0x1;
	s4 =	sadd.s32 s5, s19  }
0x9d: {  	s8 =	simm.s32 $0x0;
	s20 =	sshll.u32 s6, $0x1;
	s6 =	sadd.s32 s21, s4  }
0x9e: {  	[timem:s8], [sflag:s22] =	dma.local [hbm:s6], s20  }
0x9f: {  	_ =	swait.ge [sflag:s22], s20  }
0xa0: {  	s5 =	ssub.s32 $0x0, s20;
	[sflag:s22] =	ssyncset.done $0x0  }
0xa1: {  	[sflag:s22] =	ssyncadd.s32 s5;
	_ =	sdelay $0x1  }
0xa2: {  	s23 =	simm.s32 $0x1B8B  }
0xa3: {  	_ =	swait.ge [sflag:s23], $0x1  }
0xa4: {  	[sflag:s23] =	ssyncset.done $0x0  }
0xa5: {  	s25 =	simm.s32 $0x1B8E;
	s24 =	sld [smem:$0x3FFE];
	[sflag:s23] =	ssyncadd.s32 $0xFFFFFFFF  }
0xa6: {  	s26 =	simm.s32 $execute0_lowered;
	[smem:$0x3FD2] =	sst s25  }
0xa7: {  	s6 =	sshll.u32 s26, $0x1;
	_ =	strace $0x80000046;
	[dreg:$0x1] =	wrdreg $0xFFFFFFFF  }
0xa8: {  	s28 =	simm.s32 $_size_execute0_lowered;
	s4 =	sadd.s32 s4, s6;
	[dreg:$0x0] =	wrdreg $0x0  }
0xa9: {  	s6 =	sshll.u32 s28, $0x1;
	[dreg:$0x2] =	wrdreg s4  }
0xaa: {  	[dreg:$0x3] =	wrdreg s6  }
0xab: {  	[dreg:$0x4] =	wrdreg $0xC0  }
0xac: {  	_ =	task [dreg:s8], $0x5FFFF  }
0xad: {  	[dreg:$0x1] =	wrdreg $0xFFFFFFFF  }
0xae: {  	[dreg:$0x0] =	wrdreg $0x60  }
0xaf: {  	[dreg:$0x2] =	wrdreg s2  }
0xb0: {  	[dreg:$0x3] =	wrdreg s24  }
0xb1: {  	[dreg:$0x4] =	wrdreg s18  }
0xb2: {  	[dreg:$0x5] =	wrdreg $0x9  }
0xb3: {  	_ =	task.clear_ibuf [dreg:s8], $0x6FFFF;
	_ =	strace $0x90000046  }
0xb4: {  	s29 =	simm.s32 $0x9;
	_ =	strace $0x80000048  }
0xb5: {  	_ =	swait.ge [sflag:s29], $0x1  }
0xb6: {  	[sflag:s29] =	ssyncadd.s32 $0xFFFFFFFF  }
0xb7: {  	_ =	strace $0x90000048  }
0xb8: {  	_ =	sfence  }
0xb9: {  	s30 =	sld [smem:$0x0];
	_ =	sdelay $0x2  }
0xba: {  	s31 =	sshll.u32 s1, $0xD;
	s1 =	sshrl.u32 s1, $0x2  }
0xbb: {  	s3 =	sand.u32 $0x4000, s31;
	s1 =	sadd.s32 s1, s30  }
0xbc: {  	s0 =	sor.u32 s3, s0;
	s1 =	sshll.u32 s1, $0x11  }
0xbd: {  	s0 =	sor.u32 s1, s0  }
0xbe: {  	s0 =	sadd.s32 $0x8F2B, s0  }
0xbf: {  	[sflag:s0] =	ssyncadd.remote.s32 $0x1  }
0xc0: {  	_ =	sfence.sel $0xFFFF  }
0xc1: {  	[dreg:$0x0] =	wrdreg $0xFFFFFFFF;
	(pc) =	sbr.abs _section_cstart, $3  }
0xc2: {  	[dreg:$0x1] =	wrdreg $0xFFFFFFFF  }
0xc3: {  	_ =	task.clear_ibuf [dreg:s8], $0x2FFFF;
	_ =	strace $0x9FFFFFFF  }
0xc4: {  	(tm) =	ssettm $0x7FFFFFFF  }
0xc5: {  	_ =	shalt  }
tec
execute0_lowered:
.L_overlay_start_1:
0x0: {  	(tag) =	ssettag $0x1  }
0x1: {  	s2 =	stileid.u32  }
0x2: {  	p0 =	sgt.u32 s2, $0x7  }
.Ltmp0:
0x3: {  	s1 =	rddreg [dreg:$0x0];
	(pc) =	sbr.rel @p0 .LBB2_3-.Ltmp0, $4  }
0x4: {  	s5 =	rddreg [dreg:$0x1]  }
0x5: {  	s6 =	rddreg [dreg:$0x2];
	s3 =	simm.s32 $0x0  }
0x6: {  	[smem:$0x7FF] =	sst s3  }
0x7: {  	s0 =	rddreg [dreg:$0x3];
	_ =	strace $0x80000047  }
0x8: {  	s4 =	srdreg.scid  }
0x9: {  	s7 =	sshll.u32 s2, $0x8;
	s5 =	sadd.s32 $0xA00, s5;
	s4 =	sand.u32 $0x1, s4  }
0xa: {  	s10 =	simm.s32 $0x800;
	s11 =	simm.s32 $0x1;
	s9 =	ssub.s32 $0x2, s4  }
0xb: {  	s12 =	simm.s32 $0x2800;
	s8 =	sshll.u32 s4, $0x7;
	s31 =	sshrl.u32 s9, $0x1  }
0xc: {  	s4 =	sor.u32 s8, s7;
	s8 =	simm.s32 $0x2;
	s7 =	ssub.s32 s9, s31  }
0xd: {  	s6 =	sadd.s32 s6, s4;
	s9 =	simm.s32 $0x40;
	s7 =	smax.u32 s7, $0x1  }
.LBB2_2:
0xe: {  	[tilespmem:s3], [sflag:$0x2] =	stream.linear.gather [hbm4b:s5+s3], $0x800, $0x38;
	[tilespmem:$0x2C00] =	vst v63  }
0xf: {  	_ =	swait.ge [sflag:s8], $0x800  }
0x10: {  	[sflag:s8] =	ssyncset.done $0x0  }
0x11: {  	[sflag:s8] =	ssyncadd.s32 $0xFFFFF800  }
0x12: {  	[tilespmem:s10], [sflag:$0x1] =	stream.indirect.gather [hbm4b:s1+s9], $0x80, s4, s9, $0xb8;
	[tilespmem:$0x2C00] =	vst v63  }
0x13: {  	_ =	swait.ge [sflag:s11], $0x2000  }
0x14: {  	[sflag:s11] =	ssyncset.done $0x0  }
0x15: {  	[sflag:s11] =	ssyncadd.s32 $0xFFFFE000  }
0x16: {  	v0 =	vld [tilespmem:$0x800]  }
0x17: {  	v1 =	vld [tilespmem:$0x880]  }
0x18: {  	v2 =	vld [tilespmem:$0x810]  }
0x19: {  	v3 =	vld [tilespmem:$0x890]  }
0x1a: {  	v4 =	vld [tilespmem:$0x900]  }
0x1b: {  	v5 =	vld [tilespmem:$0x910]  }
0x1c: {  	v6 =	vld [tilespmem:$0x980]  }
0x1d: {  	v23 =	vld [tilespmem:$0x990]  }
0x1e: {  	v7 =	vld [tilespmem:$0xA00]  }
0x1f: {  	v24 =	vld [tilespmem:$0xA10]  }
0x20: {  	v25 =	vld [tilespmem:$0xA80]  }
0x21: {  	v26 =	vld [tilespmem:$0xA90]  }
0x22: {  	v27 =	vld [tilespmem:$0xB00]  }
0x23: {  	v28 =	vld [tilespmem:$0xB10]  }
0x24: {  	v10 =	vld [tilespmem:$0x820]  }
0x25: {  	v12 =	vld [tilespmem:$0x920]  }
0x26: {  	v19 =	vld [tilespmem:$0x9A0]  }
0x27: {  	v34 =	vld [tilespmem:$0xAA0]  }
0x28: {  	v44 =	vld [tilespmem:$0xB20]  }
0x29: {  	v9 =	vld [tilespmem:$0x9B0]  }
0x2a: {  	v16 =	vld [tilespmem:$0xA30]  }
0x2b: {  	v20 =	vld [tilespmem:$0xAB0]  }
0x2c: {  	v32 =	vld [tilespmem:$0xB30]  }
0x2d: {  	v21 =	vld [tilespmem:$0x8C0]  }
0x2e: {  	v33 =	vld [tilespmem:$0x940]  }
0x2f: {  	v47 =	vld [tilespmem:$0x9C0]  }
0x30: {  	v63 =	vld [tilespmem:$0xA40]  }
0x31: {  	v29 =	vld [tilespmem:$0xAC0]  }
0x32: {  	v30 =	vld [tilespmem:$0xB40]  }
0x33: {  	v17 =	vld [tilespmem:$0x850]  }
0x34: {  	v13 =	vld [tilespmem:$0x8D0]  }
0x35: {  	v22 =	vld [tilespmem:$0x950]  }
0x36: {  	v36 =	vld [tilespmem:$0x9D0]  }
0x37: {  	v50 =	vld [tilespmem:$0xA50]  }
0x38: {  	v31 =	vld [tilespmem:$0xAD0]  }
0x39: {  	v35 =	vld [tilespmem:$0xB50]  }
0x3a: {  	v14 =	vld [tilespmem:$0x960]  }
0x3b: {  	v40 =	vld [tilespmem:$0xA60]  }
0x3c: {  	v54 =	vld [tilespmem:$0xAE0]  }
0x3d: {  	v37 =	vld [tilespmem:$0xB60]  }
0x3e: {  	v8 =	vld [tilespmem:$0x970]  }
0x3f: {  	v18 =	vld [tilespmem:$0x9F0]  }
0x40: {  	v41 =	vld [tilespmem:$0xAF0]  }
0x41: {  	v56 =	vld [tilespmem:$0xB70]  }
0x42: {  	v49 =	vld [tilespmem:$0xB80]  }
0x43: {  	v42 =	vld [tilespmem:$0xC00]  }
0x44: {  	v57 =	vld [tilespmem:$0xC80]  }
0x45: {  	v11 =	vld [tilespmem:$0xD00]  }
0x46: {  	v38 =	vld [tilespmem:$0xD80]  }
0x47: {  	v39 =	vld [tilespmem:$0xE00]  }
0x48: {  	v43 =	vld [tilespmem:$0xE80]  }
0x49: {  	v59 =	vld [tilespmem:$0xD10];
	v0 =	vadd.f32 v1, v0  }
0x4a: {  	v45 =	vld [tilespmem:$0xD90];
	v2 =	vadd.f32 v3, v2  }
0x4b: {  	v3 =	vld [tilespmem:$0x870];
	v0 =	vadd.f32 v4, v0  }
0x4c: {  	[tilespmem:$0x1EE60] =	vst v29;
	v29 =	vld [tilespmem:$0xA70];
	v2 =	vadd.f32 v5, v2  }
0x4d: {  	[tilespmem:$0x1EEA0] =	vst v37;
	v37 =	vld [tilespmem:$0xB90];
	v0 =	vadd.f32 v6, v0  }
0x4e: {  	[tilespmem:$0x1EE80] =	vst v30;
	v30 =	vld [tilespmem:$0xC10];
	v1 =	vadd.f32 v23, v2  }
0x4f: {  	[tilespmem:$0x1EF10] =	vst v43;
	v43 =	vld [tilespmem:$0xC90];
	v0 =	vadd.f32 v7, v0  }
0x50: {  	v4 =	vld [tilespmem:$0x930];
	v1 =	vadd.f32 v24, v1  }
0x51: {  	v5 =	vld [tilespmem:$0x8E0];
	v0 =	vadd.f32 v25, v0  }
0x52: {  	[tilespmem:$0x1EE70] =	vst v31;
	v6 =	vld [tilespmem:$0x8A0];
	v1 =	vadd.f32 v26, v1  }
0x53: {  	[tilespmem:$0x1EE90] =	vst v35;
	v2 =	vld [tilespmem:$0x830];
	v0 =	vadd.f32 v27, v0  }
0x54: {  	[tilespmem:$0x1EEB0] =	vst v11;
	v24 =	vld [tilespmem:$0x840];
	v1 =	vadd.f32 v28, v1  }
0x55: {  	[tilespmem:$0x1EEC0] =	vst v38;
	v7 =	vld [tilespmem:$0x860];
	v0 =	vmul.f32 $8.838834610e-02, v0  }
0x56: {  	[tilespmem:$0x1EEE0] =	vst v39;
	v28 =	vld [tilespmem:$0xA20];
	v1 =	vmul.f32 $8.838834610e-02, v1  }
0x57: {  	v27 =	vld [tilespmem:$0x9E0];
	[tilespmem:$0x2800] =	vst v0  }
0x58: {  	[tilespmem:$0x2810] =	vst v1;
	v0 =	vld [tilespmem:$0x8B0]  }
0x59: {  	v1 =	vld [tilespmem:$0x8F0];
	[tilespmem:$0x1EED0] =	vst v45  }
0x5a: {  	v62 =	vld [tilespmem:$0xD40];
	_ =	sdelay $0x4  }
0x5b: {  	[tilespmem:$0x1EFB0] =	vst v62;
	v62 =	vld [tilespmem:$0xED0];
	_ =	sdelay $0x4  }
0x5c: {  	[tilespmem:$0x1F070] =	vst v62;
	v62 =	vld [tilespmem:$0xDF0];
	_ =	sdelay $0x4  }
0x5d: {  	[tilespmem:$0x1F040] =	vst v62;
	v62 =	vld [tilespmem:$0xEF0];
	_ =	sdelay $0x4  }
0x5e: {  	[tilespmem:$0x1F0C0] =	vst v62;
	v62 =	vld [tilespmem:$0xF80];
	_ =	sdelay $0x4  }
0x5f: {  	[tilespmem:$0x1F0B0] =	vst v62;
	v62 =	vld [tilespmem:$0x1080];
	_ =	sdelay $0x4  }
0x60: {  	[tilespmem:$0x1F130] =	vst v62;
	v62 =	vld [tilespmem:$0x1180];
	_ =	sdelay $0x4  }
0x61: {  	[tilespmem:$0x1F1B0] =	vst v62;
	v62 =	vld [tilespmem:$0xF10];
	_ =	sdelay $0x4  }
0x62: {  	[tilespmem:$0x1F0D0] =	vst v62;
	v62 =	vld [tilespmem:$0x1010];
	_ =	sdelay $0x4  }
0x63: {  	[tilespmem:$0x1F120] =	vst v62;
	v62 =	vld [tilespmem:$0x1110];
	_ =	sdelay $0x4  }
0x64: {  	[tilespmem:$0x1F190] =	vst v62;
	v62 =	vld [tilespmem:$0x1210];
	_ =	sdelay $0x4  }
0x65: {  	[tilespmem:$0x1F210] =	vst v62;
	v62 =	vld [tilespmem:$0xFA0];
	_ =	sdelay $0x4  }
0x66: {  	[tilespmem:$0x1F110] =	vst v62;
	v62 =	vld [tilespmem:$0x10A0];
	_ =	sdelay $0x4  }
0x67: {  	[tilespmem:$0x1F180] =	vst v62;
	v62 =	vld [tilespmem:$0x11A0];
	_ =	sdelay $0x4  }
0x68: {  	[tilespmem:$0x1F200] =	vst v62;
	v62 =	vld [tilespmem:$0x1030];
	_ =	sdelay $0x4  }
0x69: {  	[tilespmem:$0x1F160] =	vst v62;
	v62 =	vld [tilespmem:$0x10B0];
	_ =	sdelay $0x4  }
0x6a: {  	[tilespmem:$0x1F1A0] =	vst v62;
	v62 =	vld [tilespmem:$0x1130];
	_ =	sdelay $0x4  }
0x6b: {  	[tilespmem:$0x1F1E0] =	vst v62;
	v62 =	vld [tilespmem:$0x11B0];
	_ =	sdelay $0x4  }
0x6c: {  	[tilespmem:$0x1F220] =	vst v62;
	v62 =	vld [tilespmem:$0x1230];
	_ =	sdelay $0x4  }
0x6d: {  	[tilespmem:$0x1F260] =	vst v62;
	v62 =	vld [tilespmem:$0xF40];
	_ =	sdelay $0x4  }
0x6e: {  	[tilespmem:$0x1F240] =	vst v62;
	v62 =	vld [tilespmem:$0xFC0];
	_ =	sdelay $0x4  }
0x6f: {  	[tilespmem:$0x1F250] =	vst v62;
	v62 =	vld [tilespmem:$0x1040];
	_ =	sdelay $0x4  }
0x70: {  	[tilespmem:$0x1F290] =	vst v62;
	v62 =	vld [tilespmem:$0x10C0];
	_ =	sdelay $0x4  }
0x71: {  	[tilespmem:$0x1F2F0] =	vst v62;
	v62 =	vld [tilespmem:$0x1140];
	_ =	sdelay $0x4  }
0x72: {  	[tilespmem:$0x1F330] =	vst v62;
	v62 =	vld [tilespmem:$0x11C0];
	_ =	sdelay $0x4  }
0x73: {  	[tilespmem:$0x1F370] =	vst v62;
	v62 =	vld [tilespmem:$0x1240];
	_ =	sdelay $0x4  }
0x74: {  	[tilespmem:$0x1F3B0] =	vst v62;
	v62 =	vld [tilespmem:$0xF50];
	_ =	sdelay $0x4  }
0x75: {  	[tilespmem:$0x1F270] =	vst v62;
	v62 =	vld [tilespmem:$0xFD0];
	_ =	sdelay $0x4  }
0x76: {  	[tilespmem:$0x1F280] =	vst v62;
	v62 =	vld [tilespmem:$0x1050];
	_ =	sdelay $0x4  }
0x77: {  	[tilespmem:$0x1F2C0] =	vst v62;
	v62 =	vld [tilespmem:$0x10D0];
	_ =	sdelay $0x4  }
0x78: {  	[tilespmem:$0x1F310] =	vst v62;
	v62 =	vld [tilespmem:$0x1150];
	_ =	sdelay $0x4  }
0x79: {  	[tilespmem:$0x1F350] =	vst v62;
	v62 =	vld [tilespmem:$0x11D0];
	_ =	sdelay $0x4  }
0x7a: {  	[tilespmem:$0x1F390] =	vst v62;
	v62 =	vld [tilespmem:$0x1250];
	_ =	sdelay $0x4  }
0x7b: {  	[tilespmem:$0x1F3D0] =	vst v62;
	v62 =	vld [tilespmem:$0xF60];
	_ =	sdelay $0x4  }
0x7c: {  	[tilespmem:$0x1F2A0] =	vst v62;
	v62 =	vld [tilespmem:$0xFE0];
	_ =	sdelay $0x4  }
0x7d: {  	[tilespmem:$0x1F2B0] =	vst v62;
	v62 =	vld [tilespmem:$0x1060];
	_ =	sdelay $0x4  }
0x7e: {  	[tilespmem:$0x1F300] =	vst v62;
	v62 =	vld [tilespmem:$0x10E0];
	_ =	sdelay $0x4  }
0x7f: {  	[tilespmem:$0x1F340] =	vst v62;
	v62 =	vld [tilespmem:$0x1160];
	_ =	sdelay $0x4  }
0x80: {  	[tilespmem:$0x1F380] =	vst v62;
	v62 =	vld [tilespmem:$0x11E0];
	_ =	sdelay $0x4  }
0x81: {  	[tilespmem:$0x1F3C0] =	vst v62;
	v62 =	vld [tilespmem:$0x1260];
	_ =	sdelay $0x4  }
0x82: {  	[tilespmem:$0x1F3F0] =	vst v62;
	v62 =	vld [tilespmem:$0xF70];
	_ =	sdelay $0x4  }
0x83: {  	[tilespmem:$0x1F2D0] =	vst v62;
	v62 =	vld [tilespmem:$0xFF0];
	_ =	sdelay $0x4  }
0x84: {  	[tilespmem:$0x1F2E0] =	vst v62;
	v62 =	vld [tilespmem:$0x1070];
	_ =	sdelay $0x4  }
0x85: {  	[tilespmem:$0x1F320] =	vst v62;
	v62 =	vld [tilespmem:$0x10F0];
	_ =	sdelay $0x4  }
0x86: {  	[tilespmem:$0x1F360] =	vst v62;
	v62 =	vld [tilespmem:$0x1170];
	_ =	sdelay $0x4  }
0x87: {  	[tilespmem:$0x1F3A0] =	vst v62;
	v62 =	vld [tilespmem:$0x11F0];
	_ =	sdelay $0x4  }
0x88: {  	[tilespmem:$0x1F3E0] =	vst v62;
	v62 =	vld [tilespmem:$0x1270];
	_ =	sdelay $0x4  }
0x89: {  	[tilespmem:$0x1F420] =	vst v62;
	v62 =	vld [tilespmem:$0x1280];
	_ =	sdelay $0x4  }
0x8a: {  	[tilespmem:$0x1F400] =	vst v62;
	v62 =	vld [tilespmem:$0x1300];
	_ =	sdelay $0x4  }
0x8b: {  	[tilespmem:$0x1F410] =	vst v62;
	v62 =	vld [tilespmem:$0x1380];
	_ =	sdelay $0x4  }
0x8c: {  	[tilespmem:$0x1F450] =	vst v62;
	v62 =	vld [tilespmem:$0x1400];
	_ =	sdelay $0x4  }
0x8d: {  	[tilespmem:$0x1F4B0] =	vst v62;
	v62 =	vld [tilespmem:$0x1480];
	_ =	sdelay $0x4  }
0x8e: {  	[tilespmem:$0x1F4F0] =	vst v62;
	v62 =	vld [tilespmem:$0x1500];
	_ =	sdelay $0x4  }
0x8f: {  	[tilespmem:$0x1F530] =	vst v62;
	v62 =	vld [tilespmem:$0x1580];
	_ =	sdelay $0x4  }
0x90: {  	[tilespmem:$0x1F570] =	vst v62;
	v62 =	vld [tilespmem:$0x1290];
	_ =	sdelay $0x4  }
0x91: {  	[tilespmem:$0x1F430] =	vst v62;
	v62 =	vld [tilespmem:$0x1310];
	_ =	sdelay $0x4  }
0x92: {  	[tilespmem:$0x1F440] =	vst v62;
	v62 =	vld [tilespmem:$0x1390];
	_ =	sdelay $0x4  }
0x93: {  	[tilespmem:$0x1F480] =	vst v62;
	v62 =	vld [tilespmem:$0x1410];
	_ =	sdelay $0x4  }
0x94: {  	[tilespmem:$0x1F4D0] =	vst v62;
	v62 =	vld [tilespmem:$0x1490];
	_ =	sdelay $0x4  }
0x95: {  	[tilespmem:$0x1F510] =	vst v62;
	v62 =	vld [tilespmem:$0x1510];
	_ =	sdelay $0x4  }
0x96: {  	[tilespmem:$0x1F550] =	vst v62;
	v62 =	vld [tilespmem:$0x1590];
	_ =	sdelay $0x4  }
0x97: {  	[tilespmem:$0x1F590] =	vst v62;
	v62 =	vld [tilespmem:$0x12A0];
	_ =	sdelay $0x4  }
0x98: {  	[tilespmem:$0x1F460] =	vst v62;
	v62 =	vld [tilespmem:$0x1320];
	_ =	sdelay $0x4  }
0x99: {  	[tilespmem:$0x1F470] =	vst v62;
	v62 =	vld [tilespmem:$0x13A0];
	_ =	sdelay $0x4  }
0x9a: {  	[tilespmem:$0x1F4C0] =	vst v62;
	v62 =	vld [tilespmem:$0x1420];
	_ =	sdelay $0x4  }
0x9b: {  	[tilespmem:$0x1F500] =	vst v62;
	v62 =	vld [tilespmem:$0x14A0];
	_ =	sdelay $0x4  }
0x9c: {  	[tilespmem:$0x1F540] =	vst v62;
	v62 =	vld [tilespmem:$0x1520];
	_ =	sdelay $0x4  }
0x9d: {  	[tilespmem:$0x1F580] =	vst v62;
	v62 =	vld [tilespmem:$0x15A0];
	_ =	sdelay $0x4  }
0x9e: {  	[tilespmem:$0x1F5B0] =	vst v62;
	v62 =	vld [tilespmem:$0x12B0];
	_ =	sdelay $0x4  }
0x9f: {  	[tilespmem:$0x1F490] =	vst v62;
	v62 =	vld [tilespmem:$0x1330];
	_ =	sdelay $0x4  }
0xa0: {  	[tilespmem:$0x1F4A0] =	vst v62;
	v62 =	vld [tilespmem:$0x13B0];
	_ =	sdelay $0x4  }
0xa1: {  	[tilespmem:$0x1F4E0] =	vst v62;
	v62 =	vld [tilespmem:$0x1430];
	_ =	sdelay $0x4  }
0xa2: {  	[tilespmem:$0x1F520] =	vst v62;
	v62 =	vld [tilespmem:$0x14B0];
	_ =	sdelay $0x4  }
0xa3: {  	[tilespmem:$0x1F560] =	vst v62;
	v62 =	vld [tilespmem:$0x1530];
	_ =	sdelay $0x4  }
0xa4: {  	[tilespmem:$0x1F5A0] =	vst v62;
	v62 =	vld [tilespmem:$0x15B0];
	_ =	sdelay $0x4  }
0xa5: {  	[tilespmem:$0x1F5E0] =	vst v62;
	v62 =	vld [tilespmem:$0x12C0];
	_ =	sdelay $0x4  }
0xa6: {  	[tilespmem:$0x1F5C0] =	vst v62;
	v62 =	vld [tilespmem:$0x1340];
	_ =	sdelay $0x4  }
0xa7: {  	[tilespmem:$0x1F5D0] =	vst v62;
	v62 =	vld [tilespmem:$0x13C0];
	_ =	sdelay $0x4  }
0xa8: {  	[tilespmem:$0x1F610] =	vst v62;
	v62 =	vld [tilespmem:$0x1440];
	_ =	sdelay $0x4  }
0xa9: {  	[tilespmem:$0x1F670] =	vst v62;
	v62 =	vld [tilespmem:$0x14C0];
	_ =	sdelay $0x4  }
0xaa: {  	[tilespmem:$0x1F6B0] =	vst v62;
	v62 =	vld [tilespmem:$0x1540];
	_ =	sdelay $0x4  }
0xab: {  	[tilespmem:$0x1F6F0] =	vst v62;
	v62 =	vld [tilespmem:$0x15C0];
	_ =	sdelay $0x4  }
0xac: {  	[tilespmem:$0x1F730] =	vst v62;
	v62 =	vld [tilespmem:$0x12D0];
	_ =	sdelay $0x4  }
0xad: {  	[tilespmem:$0x1F5F0] =	vst v62;
	v62 =	vld [tilespmem:$0x1350];
	_ =	sdelay $0x4  }
0xae: {  	[tilespmem:$0x1F600] =	vst v62;
	v62 =	vld [tilespmem:$0x13D0];
	_ =	sdelay $0x4  }
0xaf: {  	[tilespmem:$0x1F640] =	vst v62;
	v62 =	vld [tilespmem:$0x1450];
	_ =	sdelay $0x4  }
0xb0: {  	[tilespmem:$0x1F690] =	vst v62;
	v62 =	vld [tilespmem:$0x14D0];
	_ =	sdelay $0x4  }
0xb1: {  	[tilespmem:$0x1F6D0] =	vst v62;
	v62 =	vld [tilespmem:$0x1550];
	_ =	sdelay $0x4  }
0xb2: {  	[tilespmem:$0x1F710] =	vst v62;
	v62 =	vld [tilespmem:$0x15D0];
	_ =	sdelay $0x4  }
0xb3: {  	[tilespmem:$0x1F750] =	vst v62;
	v62 =	vld [tilespmem:$0x12E0];
	_ =	sdelay $0x4  }
0xb4: {  	[tilespmem:$0x1F620] =	vst v62;
	v62 =	vld [tilespmem:$0x1360];
	_ =	sdelay $0x4  }
0xb5: {  	[tilespmem:$0x1F630] =	vst v62;
	v62 =	vld [tilespmem:$0x13E0];
	_ =	sdelay $0x4  }
0xb6: {  	[tilespmem:$0x1F680] =	vst v62;
	v62 =	vld [tilespmem:$0x1460];
	_ =	sdelay $0x4  }
0xb7: {  	[tilespmem:$0x1F6C0] =	vst v62;
	v62 =	vld [tilespmem:$0x14E0];
	_ =	sdelay $0x4  }
0xb8: {  	[tilespmem:$0x1F700] =	vst v62;
	v62 =	vld [tilespmem:$0x1560];
	_ =	sdelay $0x4  }
0xb9: {  	[tilespmem:$0x1F740] =	vst v62;
	v62 =	vld [tilespmem:$0x15E0];
	_ =	sdelay $0x4  }
0xba: {  	[tilespmem:$0x1F770] =	vst v62;
	v62 =	vld [tilespmem:$0x12F0];
	_ =	sdelay $0x4  }
0xbb: {  	[tilespmem:$0x1F650] =	vst v62;
	v62 =	vld [tilespmem:$0x1370];
	_ =	sdelay $0x4  }
0xbc: {  	[tilespmem:$0x1F660] =	vst v62;
	v62 =	vld [tilespmem:$0x13F0];
	_ =	sdelay $0x4  }
0xbd: {  	[tilespmem:$0x1F6A0] =	vst v62;
	v62 =	vld [tilespmem:$0x1470];
	_ =	sdelay $0x4  }
0xbe: {  	[tilespmem:$0x1F6E0] =	vst v62;
	v62 =	vld [tilespmem:$0x14F0];
	_ =	sdelay $0x4  }
0xbf: {  	[tilespmem:$0x1F720] =	vst v62;
	v62 =	vld [tilespmem:$0x1570];
	_ =	sdelay $0x4  }
0xc0: {  	[tilespmem:$0x1F760] =	vst v62;
	v62 =	vld [tilespmem:$0x15F0];
	_ =	sdelay $0x4  }
0xc1: {  	[tilespmem:$0x1F7A0] =	vst v62;
	v62 =	vld [tilespmem:$0x1600];
	_ =	sdelay $0x4  }
0xc2: {  	[tilespmem:$0x1F780] =	vst v62;
	v62 =	vld [tilespmem:$0x1680];
	_ =	sdelay $0x4  }
0xc3: {  	[tilespmem:$0x1F790] =	vst v62;
	v62 =	vld [tilespmem:$0x1700];
	_ =	sdelay $0x4  }
0xc4: {  	[tilespmem:$0x1F7D0] =	vst v62;
	v62 =	vld [tilespmem:$0x1780];
	_ =	sdelay $0x4  }
0xc5: {  	[tilespmem:$0x1F830] =	vst v62;
	v62 =	vld [tilespmem:$0x1800];
	_ =	sdelay $0x4  }
0xc6: {  	[tilespmem:$0x1F870] =	vst v62;
	v62 =	vld [tilespmem:$0x1880];
	_ =	sdelay $0x4  }
0xc7: {  	[tilespmem:$0x1F8B0] =	vst v62;
	v62 =	vld [tilespmem:$0x1900];
	_ =	sdelay $0x4  }
0xc8: {  	[tilespmem:$0x1F8F0] =	vst v62;
	v62 =	vld [tilespmem:$0x1610];
	_ =	sdelay $0x4  }
0xc9: {  	[tilespmem:$0x1F7B0] =	vst v62;
	v62 =	vld [tilespmem:$0x1690];
	_ =	sdelay $0x4  }
0xca: {  	[tilespmem:$0x1F7C0] =	vst v62;
	v62 =	vld [tilespmem:$0x1710];
	_ =	sdelay $0x4  }
0xcb: {  	[tilespmem:$0x1F800] =	vst v62;
	v62 =	vld [tilespmem:$0x1790];
	_ =	sdelay $0x4  }
0xcc: {  	[tilespmem:$0x1F850] =	vst v62;
	v62 =	vld [tilespmem:$0x1810];
	_ =	sdelay $0x4  }
0xcd: {  	[tilespmem:$0x1F890] =	vst v62;
	v62 =	vld [tilespmem:$0x1890];
	_ =	sdelay $0x4  }
0xce: {  	[tilespmem:$0x1F8D0] =	vst v62;
	v62 =	vld [tilespmem:$0x1910];
	_ =	sdelay $0x4  }
0xcf: {  	[tilespmem:$0x1F910] =	vst v62;
	v62 =	vld [tilespmem:$0x1620];
	_ =	sdelay $0x4  }
0xd0: {  	[tilespmem:$0x1F7E0] =	vst v62;
	v62 =	vld [tilespmem:$0x16A0];
	_ =	sdelay $0x4  }
0xd1: {  	[tilespmem:$0x1F7F0] =	vst v62;
	v62 =	vld [tilespmem:$0x1720];
	_ =	sdelay $0x4  }
0xd2: {  	[tilespmem:$0x1F840] =	vst v62;
	v62 =	vld [tilespmem:$0x17A0];
	_ =	sdelay $0x4  }
0xd3: {  	[tilespmem:$0x1F880] =	vst v62;
	v62 =	vld [tilespmem:$0x1820];
	_ =	sdelay $0x4  }
0xd4: {  	[tilespmem:$0x1F8C0] =	vst v62;
	v62 =	vld [tilespmem:$0x18A0];
	_ =	sdelay $0x4  }
0xd5: {  	[tilespmem:$0x1F900] =	vst v62;
	v62 =	vld [tilespmem:$0x1920];
	_ =	sdelay $0x4  }
0xd6: {  	[tilespmem:$0x1F930] =	vst v62;
	v62 =	vld [tilespmem:$0x1630];
	_ =	sdelay $0x1  }
0xd7: {  	v11 =	vld [tilespmem:$0xE10]  }
0xd8: {  	v46 =	vld [tilespmem:$0xE90]  }
0xd9: {  	v25 =	vld [tilespmem:$0xBA0]  }
0xda: {  	[tilespmem:$0x1F810] =	vst v62;
	v62 =	vld [tilespmem:$0x16B0]  }
0xdb: {  	v23 =	vld [tilespmem:$0xC20]  }
0xdc: {  	v38 =	vld [tilespmem:$0xCA0]  }
0xdd: {  	v51 =	vld [tilespmem:$0xD20]  }
0xde: {  	v61 =	vld [tilespmem:$0xCC0]  }
0xdf: {  	[tilespmem:$0x1F820] =	vst v62;
	v62 =	vld [tilespmem:$0x1730]  }
0xe0: {  	v48 =	vld [tilespmem:$0xDA0]  }
0xe1: {  	v52 =	vld [tilespmem:$0xE20]  }
0xe2: {  	v53 =	vld [tilespmem:$0xEA0]  }
0xe3: {  	[tilespmem:$0x1EF90] =	vst v61;
	v61 =	vld [tilespmem:$0xE50]  }
0xe4: {  	[tilespmem:$0x1F860] =	vst v62;
	v62 =	vld [tilespmem:$0x17B0]  }
0xe5: {  	v15 =	vld [tilespmem:$0xBB0]  }
0xe6: {  	v26 =	vld [tilespmem:$0xCB0]  }
0xe7: {  	v39 =	vld [tilespmem:$0xD30]  }
0xe8: {  	[tilespmem:$0x1F030] =	vst v61;
	v61 =	vld [tilespmem:$0xEE0]  }
0xe9: {  	[tilespmem:$0x1F8A0] =	vst v62;
	v62 =	vld [tilespmem:$0x1830]  }
0xea: {  	v31 =	vld [tilespmem:$0xE30]  }
0xeb: {  	v55 =	vld [tilespmem:$0xEB0]  }
0xec: {  	v58 =	vld [tilespmem:$0xBC0]  }
0xed: {  	[tilespmem:$0x1F090] =	vst v61;
	v61 =	vld [tilespmem:$0xE70]  }
0xee: {  	[tilespmem:$0x1F8E0] =	vst v62;
	v62 =	vld [tilespmem:$0x18B0]  }
0xef: {  	v60 =	vld [tilespmem:$0xC40]  }
0xf0: {  	v35 =	vld [tilespmem:$0xDC0]  }
0xf1: {  	v45 =	vld [tilespmem:$0xE40]  }
0xf2: {  	[tilespmem:$0x1F080] =	vst v61;
	v61 =	vld [tilespmem:$0xF00]  }
0xf3: {  	[tilespmem:$0x1F920] =	vst v62;
	v62 =	vld [tilespmem:$0x1930]  }
0xf4: {  	v6 =	vadd.f32 v6, v10;
	v10 =	vld [tilespmem:$0x17D0]  }
0xf5: {  	[tilespmem:$0x1EF00] =	vst v11;
	v11 =	vld [tilespmem:$0xC30]  }
0xf6: {  	[tilespmem:$0x1EF20] =	vst v52;
	v52 =	vld [tilespmem:$0xDB0]  }
0xf7: {  	[tilespmem:$0x1F0A0] =	vst v61;
	v61 =	vld [tilespmem:$0x1000]  }
0xf8: {  	[tilespmem:$0x1F960] =	vst v62;
	v62 =	vld [tilespmem:$0x1640]  }
0xf9: {  	[tilespmem:$0x1EF30] =	vst v46;
	v46 =	vld [tilespmem:$0xEC0]  }
0xfa: {  	[tilespmem:$0x1EF70] =	vst v60;
	v60 =	vld [tilespmem:$0xBD0]  }
0xfb: {  	[tilespmem:$0x1EF50] =	vst v53;
	v53 =	vld [tilespmem:$0xC50]  }
0xfc: {  	[tilespmem:$0x1F0F0] =	vst v61;
	v61 =	vld [tilespmem:$0x1100]  }
0xfd: {  	[tilespmem:$0x1F940] =	vst v62;
	v62 =	vld [tilespmem:$0x16C0]  }
0xfe: {  	[tilespmem:$0x1EEF0] =	vst v48;
	v48 =	vld [tilespmem:$0xCD0]  }
0xff: {  	[tilespmem:$0x1EF80] =	vst v55;
	v55 =	vld [tilespmem:$0xD50]  }
0x100: {  	[tilespmem:$0x1EF60] =	vst v58;
	v58 =	vld [tilespmem:$0xDD0]  }
0x101: {  	[tilespmem:$0x1F170] =	vst v61;
	v61 =	vld [tilespmem:$0x1200]  }
0x102: {  	[tilespmem:$0x1F950] =	vst v62;
	v62 =	vld [tilespmem:$0x1740]  }
0x103: {  	[tilespmem:$0x1F010] =	vst v45;
	v45 =	vld [tilespmem:$0xC60]  }
0x104: {  	[tilespmem:$0x1EFD0] =	vst v35;
	v35 =	vld [tilespmem:$0xD60]  }
0x105: {  	v0 =	vadd.f32 v0, v2;
	[tilespmem:$0x1EF40] =	vst v31;
	v31 =	vld [tilespmem:$0xC70]  }
0x106: {  	v1 =	vadd.f32 v1, v3;
	[tilespmem:$0x1F1F0] =	vst v61;
	v61 =	vld [tilespmem:$0xF90]  }
0x107: {  	v0 =	vadd.f32 v4, v0;
	[tilespmem:$0x1F990] =	vst v62;
	v62 =	vld [tilespmem:$0x17C0]  }
0x108: {  	[tilespmem:$0x1FA10] =	vst v10;
	v10 =	vld [tilespmem:$0x1850];
	v1 =	vadd.f32 v8, v1  }
0x109: {  	v0 =	vadd.f32 v9, v0;
	v9 =	vld [tilespmem:$0x17E0]  }
0x10a: {  	v1 =	vadd.f32 v18, v1;
	v18 =	vld [tilespmem:$0x18F0]  }
0x10b: {  	[tilespmem:$0x1F0E0] =	vst v61;
	v61 =	vld [tilespmem:$0x1090]  }
0x10c: {  	[tilespmem:$0x1F9F0] =	vst v62;
	v62 =	vld [tilespmem:$0x1840]  }
0x10d: {  	[tilespmem:$0x1F050] =	vst v46;
	v46 =	vld [tilespmem:$0xBE0]  }
0x10e: {  	[tilespmem:$0x1EFF0] =	vst v58;
	v58 =	vld [tilespmem:$0xCE0]  }
0x10f: {  	[tilespmem:$0x1EFA0] =	vst v48;
	v48 =	vld [tilespmem:$0xDE0]  }
0x110: {  	[tilespmem:$0x1F150] =	vst v61;
	v61 =	vld [tilespmem:$0x1190]  }
0x111: {  	[tilespmem:$0x1FA30] =	vst v62;
	v62 =	vld [tilespmem:$0x18C0]  }
0x112: {  	[tilespmem:$0x1EFC0] =	vst v55;
	v55 =	vld [tilespmem:$0xE60]  }
0x113: {  	[tilespmem:$0x1EFE0] =	vst v35;
	v35 =	vld [tilespmem:$0xBF0]  }
0x114: {  	[tilespmem:$0x1FA50] =	vst v10;
	v10 =	vld [tilespmem:$0x1950]  }
0x115: {  	[tilespmem:$0x1F1D0] =	vst v61;
	v61 =	vld [tilespmem:$0xF20]  }
0x116: {  	[tilespmem:$0x1FA70] =	vst v62;
	v62 =	vld [tilespmem:$0x1940]  }
0x117: {  	v0 =	vadd.f32 v16, v0;
	v16 =	vadd.f32 v30, v37;
	v37 =	vld [tilespmem:$0x1B80]  }
0x118: {  	v1 =	vadd.f32 v29, v1;
	v29 =	vld [tilespmem:$0x1EEC0]  }
0x119: {  	v30 =	vld [tilespmem:$0x1A90]  }
0x11a: {  	[tilespmem:$0x1F100] =	vst v61;
	v61 =	vld [tilespmem:$0x1020]  }
0x11b: {  	[tilespmem:$0x1FA90] =	vst v62;
	v62 =	vld [tilespmem:$0x1650]  }
0x11c: {  	v0 =	vadd.f32 v20, v0;
	v20 =	vld [tilespmem:$0x1860]  }
0x11d: {  	v8 =	vadd.f32 v41, v1;
	v41 =	vld [tilespmem:$0x1EF10]  }
0x11e: {  	[tilespmem:$0x1FA40] =	vst v9;
	v9 =	vld [tilespmem:$0x1960]  }
0x11f: {  	[tilespmem:$0x1F140] =	vst v61;
	v61 =	vld [tilespmem:$0x1120]  }
0x120: {  	[tilespmem:$0x1F970] =	vst v62;
	v62 =	vld [tilespmem:$0x16D0]  }
0x121: {  	v0 =	vadd.f32 v32, v0;
	v32 =	vld [tilespmem:$0x16F0]  }
0x122: {  	[tilespmem:$0x1F020] =	vst v48;
	v48 =	vld [tilespmem:$0xCF0]  }
0x123: {  	[tilespmem:$0x1F060] =	vst v55;
	v55 =	vld [tilespmem:$0xD70]  }
0x124: {  	[tilespmem:$0x1F1C0] =	vst v61;
	v61 =	vld [tilespmem:$0x1220]  }
0x125: {  	[tilespmem:$0x1F980] =	vst v62;
	v62 =	vld [tilespmem:$0x1750]  }
0x126: {  	[tilespmem:$0x1FB00] =	vst v30;
	v30 =	vld [tilespmem:$0x1F030]  }
0x127: {  	[tilespmem:$0x1F9E0] =	vst v32;
	v32 =	vld [tilespmem:$0x1870]  }
0x128: {  	[tilespmem:$0x1F000] =	vst v55;
	v55 =	vld [tilespmem:$0xFB0]  }
0x129: {  	[tilespmem:$0x1F230] =	vst v61;
	v61 =	vld [tilespmem:$0xF30]  }
0x12a: {  	[tilespmem:$0x1F9C0] =	vst v62;
	v62 =	vadd.f32 v12, v6;
	v12 =	vld [tilespmem:$0x18D0]  }
0x12b: {  	v6 =	vld [tilespmem:$0x1A00]  }
0x12c: {  	v2 =	vadd.f32 v19, v62;
	v19 =	vld [tilespmem:$0x1660]  }
0x12d: {  	v62 =	vld [tilespmem:$0x1760]  }
0x12e: {  	v2 =	vadd.f32 v28, v2;
	v28 =	vld [tilespmem:$0x16E0]  }
0x12f: {  	[tilespmem:$0x1FA80] =	vst v12;
	v12 =	vadd.f32 v21, v24;
	v24 =	vadd.f32 v5, v7;
	v7 =	vld [tilespmem:$0x1EE90]  }
0x130: {  	v21 =	vadd.f32 v13, v17;
	v13 =	vld [tilespmem:$0x1EEA0]  }
0x131: {  	v17 =	vadd.f32 v23, v25;
	v25 =	vld [tilespmem:$0x1EEB0]  }
0x132: {  	v23 =	vld [tilespmem:$0x1990]  }
0x133: {  	v2 =	vadd.f32 v34, v2;
	v34 =	vld [tilespmem:$0x1770]  }
0x134: {  	[tilespmem:$0x1F9A0] =	vst v19;
	v19 =	vld [tilespmem:$0x18E0]  }
0x135: {  	[tilespmem:$0x1FA00] =	vst v62;
	v62 =	vld [tilespmem:$0x1EE80]  }
0x136: {  	[tilespmem:$0x1FBE0] =	vst v0;
	v0 =	vadd.f32 v22, v21;
	v21 =	vld [tilespmem:$0x1C80]  }
0x137: {  	v22 =	vld [tilespmem:$0x1EFD0]  }
0x138: {  	v2 =	vadd.f32 v44, v2;
	v44 =	vld [tilespmem:$0x1EE60]  }
0x139: {  	[tilespmem:$0x1F9B0] =	vst v28;
	v28 =	vld [tilespmem:$0x1670]  }
0x13a: {  	v0 =	vadd.f32 v36, v0;
	v36 =	vld [tilespmem:$0x17F0]  }
0x13b: {  	[tilespmem:$0x1FBC0] =	vst v2;
	v2 =	vadd.f32 v33, v12;
	v12 =	vld [tilespmem:$0x1A80]  }
0x13c: {  	v33 =	vadd.f32 v14, v24;
	v24 =	vadd.f32 v11, v15;
	v11 =	vld [tilespmem:$0x1B90]  }
0x13d: {  	v14 =	vadd.f32 v42, v49;
	v42 =	vld [tilespmem:$0x1EF20]  }
0x13e: {  	v49 =	vld [tilespmem:$0x19A0]  }
0x13f: {  	v15 =	vld [tilespmem:$0x1EFB0]  }
0x140: {  	v0 =	vadd.f32 v50, v0;
	v50 =	vld [tilespmem:$0x1980]  }
0x141: {  	[tilespmem:$0x1FA20] =	vst v34;
	v34 =	vld [tilespmem:$0x1B10]  }
0x142: {  	v3 =	vadd.f32 v27, v33;
	v27 =	vld [tilespmem:$0x1970]  }
0x143: {  	v2 =	vadd.f32 v47, v2;
	v47 =	vld [tilespmem:$0x1EE70]  }
0x144: {  	v33 =	vld [tilespmem:$0x1EED0]  }
0x145: {  	[tilespmem:$0x1F9D0] =	vst v28;
	v28 =	vld [tilespmem:$0x1A10]  }
0x146: {  	[tilespmem:$0x1FA60] =	vst v36;
	v36 =	vld [tilespmem:$0x1EEE0]  }
0x147: {  	v3 =	vadd.f32 v40, v3;
	v40 =	vld [tilespmem:$0x1C10]  }
0x148: {  	v2 =	vadd.f32 v63, v2;
	[tilespmem:$0x1FAD0] =	vst v12;
	v12 =	vld [tilespmem:$0x1EFA0]  }
0x149: {  	[tilespmem:$0x1FAE0] =	vst v49;
	v49 =	vld [tilespmem:$0x1F100]  }
0x14a: {  	v2 =	vadd.f32 v44, v2;
	v44 =	vld [tilespmem:$0x1EF30]  }
0x14b: {  	[tilespmem:$0x1FAA0] =	vst v50;
	v50 =	vld [tilespmem:$0x1EF50]  }
0x14c: {  	v63 =	vadd.f32 v54, v3;
	v54 =	vld [tilespmem:$0x1A20]  }
0x14d: {  	v3 =	vadd.f32 v26, v24;
	v24 =	vld [tilespmem:$0x1EFE0]  }
0x14e: {  	v26 =	vld [tilespmem:$0x1F000]  }
0x14f: {  	[tilespmem:$0x1FB20] =	vst v34;
	v34 =	vld [tilespmem:$0x1F050]  }
0x150: {  	v0 =	vadd.f32 v47, v0;
	v47 =	vld [tilespmem:$0x1EF40]  }
0x151: {  	v1 =	vadd.f32 v13, v63;
	v63 =	vld [tilespmem:$0x1B00]  }
0x152: {  	v3 =	vadd.f32 v39, v3;
	v39 =	vld [tilespmem:$0x1EF00]  }
0x153: {  	v2 =	vadd.f32 v62, v2;
	v62 =	vadd.f32 v45, v46;
	v46 =	vld [tilespmem:$0x1AB0]  }
0x154: {  	v13 =	vadd.f32 v31, v35;
	v31 =	vld [tilespmem:$0x1F040];
	[tilespmem:$0x1FAC0] =	vst v28  }
0x155: {  	v35 =	vld [tilespmem:$0x1F060];
	v0 =	vadd.f32 v7, v0;
	[tilespmem:$0x1FB40] =	vst v40  }
0x156: {  	v45 =	vld [tilespmem:$0x1F0E0];
	[tilespmem:$0x1FC50] =	vst v1  }
0x157: {  	v28 =	vld [tilespmem:$0x1F010];
	v1 =	vadd.f32 v57, v14;
	[tilespmem:$0x1FC20] =	vst v0;
	v0 =	vadd.f32 v56, v8  }
0x158: {  	v40 =	vld [tilespmem:$0x1F0A0];
	[tilespmem:$0x1FC00] =	vst v2;
	v2 =	vadd.f32 v38, v17  }
0x159: {  	v38 =	vld [tilespmem:$0x1EEF0];
	v1 =	vadd.f32 v25, v1;
	[tilespmem:$0x1FC70] =	vst v0;
	v0 =	vadd.f32 v43, v16  }
0x15a: {  	v14 =	vld [tilespmem:$0x1C00];
	v3 =	vadd.f32 v52, v3  }
0x15b: {  	v52 =	vld [tilespmem:$0x1EF70];
	v1 =	vadd.f32 v29, v1;
	v0 =	vadd.f32 v59, v0  }
0x15c: {  	v57 =	vadd.f32 v53, v60;
	v60 =	vld [tilespmem:$0x1EF90];
	v2 =	vadd.f32 v51, v2  }
0x15d: {  	v53 =	vld [tilespmem:$0x1BA0];
	v1 =	vadd.f32 v36, v1;
	v0 =	vadd.f32 v33, v0  }
0x15e: {  	v17 =	vld [tilespmem:$0x1EFC0];
	v2 =	vadd.f32 v38, v2  }
0x15f: {  	v56 =	vld [tilespmem:$0x1EF80];
	v1 =	vadd.f32 v41, v1;
	v0 =	vadd.f32 v39, v0  }
0x160: {  	v51 =	vld [tilespmem:$0x1EF60]  }
0x161: {  	v8 =	vld [tilespmem:$0x1B20];
	[tilespmem:$0x1FCA0] =	vst v1;
	v1 =	vadd.f32 v42, v2;
	v0 =	vadd.f32 v44, v0  }
0x162: {  	v25 =	vld [tilespmem:$0x1EFF0]  }
0x163: {  	v43 =	vld [tilespmem:$0x1C90];
	v1 =	vadd.f32 v50, v1;
	[tilespmem:$0x1FCC0] =	vst v0;
	v0 =	vadd.f32 v47, v3  }
0x164: {  	v16 =	vld [tilespmem:$0x1C20]  }
0x165: {  	v29 =	vld [tilespmem:$0x1F020];
	[tilespmem:$0x1FCF0] =	vst v1;
	v1 =	vadd.f32 v52, v51;
	v0 =	vadd.f32 v56, v0  }
0x166: {  	v59 =	vld [tilespmem:$0x1AA0]  }
0x167: {  	v38 =	vld [tilespmem:$0x1F080];
	v1 =	vadd.f32 v60, v1;
	[tilespmem:$0x1FD10] =	vst v0;
	v0 =	vadd.f32 v12, v57  }
0x168: {  	v36 =	vld [tilespmem:$0x1F070];
	v2 =	vadd.f32 v58, v62  }
0x169: {  	[tilespmem:$0x1FB30] =	vst v8;
	v8 =	vld [tilespmem:$0x1C30];
	v1 =	vadd.f32 v15, v1;
	v0 =	vadd.f32 v17, v0  }
0x16a: {  	v41 =	vld [tilespmem:$0x1F0B0];
	v2 =	vadd.f32 v24, v2;
	v3 =	vadd.f32 v48, v13  }
0x16b: {  	[tilespmem:$0x1FAB0] =	vst v6;
	v42 =	vld [tilespmem:$0x1CB0];
	v4 =	vadd.f32 v22, v1;
	v0 =	vadd.f32 v25, v0  }
0x16c: {  	[tilespmem:$0x1FAF0] =	vst v54;
	v39 =	vld [tilespmem:$0x1F090];
	v2 =	vadd.f32 v29, v2;
	v3 =	vadd.f32 v26, v3  }
0x16d: {  	[tilespmem:$0x1FB60] =	vst v43;
	v47 =	vld [tilespmem:$0x19C0];
	v4 =	vadd.f32 v28, v4;
	v5 =	vadd.f32 v30, v0  }
0x16e: {  	[tilespmem:$0x1FB50] =	vst v16;
	v43 =	vld [tilespmem:$0x1F0C0];
	v2 =	vadd.f32 v35, v2;
	v33 =	vadd.f32 v31, v3  }
0x16f: {  	[tilespmem:$0x1FB10] =	vst v59;
	v44 =	vld [tilespmem:$0x1F0D0];
	v3 =	vadd.f32 v34, v4;
	v4 =	vadd.f32 v36, v5  }
0x170: {  	v50 =	vld [tilespmem:$0x1A30];
	[tilespmem:$0x1FB90] =	vst v42  }
0x171: {  	v48 =	vld [tilespmem:$0x1F0F0];
	v2 =	vadd.f32 v39, v2;
	[tilespmem:$0x1FD60] =	vst v4;
	v4 =	vadd.f32 v38, v33  }
0x172: {  	v60 =	vld [tilespmem:$0x1CA0];
	[tilespmem:$0x1FB70] =	vst v47  }
0x173: {  	v1 =	vld [tilespmem:$0x19B0];
	[tilespmem:$0x1FD80] =	vst v2;
	v4 =	vadd.f32 v43, v4  }
0x174: {  	v0 =	vld [tilespmem:$0x1B30];
	[tilespmem:$0x1FD40] =	vst v3  }
0x175: {  	v3 =	vld [tilespmem:$0x1BB0];
	[tilespmem:$0x1FD90] =	vst v4  }
0x176: {  	v51 =	vld [tilespmem:$0x1F110]  }
0x177: {  	v52 =	vld [tilespmem:$0x1A40]  }
0x178: {  	v54 =	vld [tilespmem:$0x1F120]  }
0x179: {  	v57 =	vld [tilespmem:$0x1AC0]  }
0x17a: {  	v58 =	vld [tilespmem:$0x1F130]  }
0x17b: {  	v59 =	vld [tilespmem:$0x1F140]  }
0x17c: {  	v56 =	vadd.f32 v55, v61;
	v61 =	vld [tilespmem:$0x1B40]  }
0x17d: {  	v62 =	vld [tilespmem:$0x1F150]  }
0x17e: {  	v12 =	vld [tilespmem:$0x1F160]  }
0x17f: {  	v13 =	vld [tilespmem:$0x1BC0]  }
0x180: {  	v15 =	vld [tilespmem:$0x1F170]  }
0x181: {  	v16 =	vld [tilespmem:$0x1F180]  }
0x182: {  	v17 =	vld [tilespmem:$0x1C40]  }
0x183: {  	v22 =	vld [tilespmem:$0x1F190]  }
0x184: {  	v24 =	vld [tilespmem:$0x1F1A0]  }
0x185: {  	v25 =	vld [tilespmem:$0x1CC0]  }
0x186: {  	v26 =	vld [tilespmem:$0x1F1B0]  }
0x187: {  	v28 =	vld [tilespmem:$0x1F1C0]  }
0x188: {  	v29 =	vld [tilespmem:$0x19D0]  }
0x189: {  	v30 =	vld [tilespmem:$0x1F1D0]  }
0x18a: {  	v31 =	vld [tilespmem:$0x1F1E0]  }
0x18b: {  	v33 =	vld [tilespmem:$0x1F1F0]  }
0x18c: {  	v34 =	vld [tilespmem:$0x1F200]  }
0x18d: {  	v35 =	vld [tilespmem:$0x1AD0]  }
0x18e: {  	v36 =	vld [tilespmem:$0x1F210]  }
0x18f: {  	v38 =	vld [tilespmem:$0x1F220]  }
0x190: {  	v39 =	vld [tilespmem:$0x1B50]  }
0x191: {  	v2 =	vadd.f32 v41, v40;
	v40 =	vld [tilespmem:$0x1F230]  }
0x192: {  	v41 =	vld [tilespmem:$0x1F240]  }
0x193: {  	v42 =	vld [tilespmem:$0x1F250]  }
0x194: {  	v43 =	vld [tilespmem:$0x1BD0]  }
0x195: {  	v4 =	vadd.f32 v45, v44;
	v44 =	vld [tilespmem:$0x1F260]  }
0x196: {  	v45 =	vld [tilespmem:$0x1F270]  }
0x197: {  	v47 =	vld [tilespmem:$0x1F280]  }
0x198: {  	v2 =	vadd.f32 v48, v2;
	v48 =	vld [tilespmem:$0x1C50]  }
0x199: {  	v1 =	vadd.f32 v50, v1;
	v55 =	vld [tilespmem:$0x1F2C0]  }
0x19a: {  	v50 =	vld [tilespmem:$0x1FE0]  }
0x19b: {  	v1 =	vadd.f32 v46, v1;
	v46 =	vld [tilespmem:$0x2060]  }
0x19c: {  	v7 =	vld [tilespmem:$0x1DF0]  }
0x19d: {  	v5 =	vadd.f32 v51, v49;
	v49 =	vld [tilespmem:$0x1F290]  }
0x19e: {  	v51 =	vld [tilespmem:$0x1F2A0]  }
0x19f: {  	[tilespmem:$0x1FB80] =	vst v52;
	v52 =	vld [tilespmem:$0x1F2B0]  }
0x1a0: {  	v4 =	vadd.f32 v54, v4;
	v54 =	vld [tilespmem:$0x1CD0]  }
0x1a1: {  	v6 =	vadd.f32 v12, v56;
	v56 =	vld [tilespmem:$0x1F2D0]  }
0x1a2: {  	[tilespmem:$0x1FBB0] =	vst v57;
	v57 =	vld [tilespmem:$0x1F2E0]  }
0x1a3: {  	v2 =	vadd.f32 v58, v2;
	v58 =	vld [tilespmem:$0x1F2F0]  }
0x1a4: {  	[tilespmem:$0x1FBF0] =	vst v61;
	v61 =	vld [tilespmem:$0x1F310]  }
0x1a5: {  	v12 =	vld [tilespmem:$0x1F320]  }
0x1a6: {  	[tilespmem:$0x1FC30] =	vst v13;
	v13 =	vld [tilespmem:$0x1F330]  }
0x1a7: {  	[tilespmem:$0x1FC80] =	vst v17;
	v17 =	vld [tilespmem:$0x1F350]  }
0x1a8: {  	[tilespmem:$0x1FCD0] =	vst v25;
	v25 =	vld [tilespmem:$0x1F370]  }
0x1a9: {  	[tilespmem:$0x1FBA0] =	vst v29;
	v29 =	vld [tilespmem:$0x1C60]  }
0x1aa: {  	[tilespmem:$0x1FBD0] =	vst v35;
	v35 =	vld [tilespmem:$0x1F3B0]  }
0x1ab: {  	[tilespmem:$0x1FC10] =	vst v39;
	v39 =	vld [tilespmem:$0x1F3E0]  }
0x1ac: {  	[tilespmem:$0x1FC60] =	vst v43;
	v43 =	vld [tilespmem:$0x1F410]  }
0x1ad: {  	[tilespmem:$0x1FCB0] =	vst v48;
	v48 =	vld [tilespmem:$0x1F450]  }
0x1ae: {  	v4 =	vadd.f32 v62, v4;
	v62 =	vld [tilespmem:$0x1A50]  }
0x1af: {  	v5 =	vadd.f32 v59, v5;
	v59 =	vld [tilespmem:$0x1F300]  }
0x1b0: {  	v2 =	vadd.f32 v15, v2;
	v15 =	vld [tilespmem:$0x1F340]  }
0x1b1: {  	v6 =	vadd.f32 v24, v6;
	v24 =	vld [tilespmem:$0x1BE0]  }
0x1b2: {  	v5 =	vadd.f32 v16, v5;
	v16 =	vld [tilespmem:$0x1B60]  }
0x1b3: {  	v4 =	vadd.f32 v22, v4;
	v22 =	vld [tilespmem:$0x1F360]  }
0x1b4: {  	v2 =	vadd.f32 v26, v2;
	v26 =	vld [tilespmem:$0x1F380]  }
0x1b5: {  	v6 =	vadd.f32 v31, v6;
	v31 =	vld [tilespmem:$0x1F3A0]  }
0x1b6: {  	[tilespmem:$0x1FD00] =	vst v54;
	v54 =	vld [tilespmem:$0x1F490]  }
0x1b7: {  	[tilespmem:$0x1FCE0] =	vst v29;
	v29 =	vld [tilespmem:$0x1F540]  }
0x1b8: {  	v5 =	vadd.f32 v28, v5;
	v28 =	vld [tilespmem:$0x1A60]  }
0x1b9: {  	v4 =	vadd.f32 v30, v4;
	v30 =	vld [tilespmem:$0x1F390]  }
0x1ba: {  	v2 =	vadd.f32 v33, v2;
	v33 =	vld [tilespmem:$0x1CE0]  }
0x1bb: {  	[tilespmem:$0x1FC90] =	vst v24;
	v24 =	vld [tilespmem:$0x1A70]  }
0x1bc: {  	[tilespmem:$0x1FDB0] =	vst v2;
	v2 =	vadd.f32 v34, v5;
	v34 =	vld [tilespmem:$0x19E0]  }
0x1bd: {  	v4 =	vadd.f32 v36, v4;
	v36 =	vld [tilespmem:$0x1F3C0]  }
0x1be: {  	v5 =	vadd.f32 v52, v51;
	v51 =	vld [tilespmem:$0x1F470]  }
0x1bf: {  	v52 =	vld [tilespmem:$0x1F480]  }
0x1c0: {  	[tilespmem:$0x1FC40] =	vst v16;
	v16 =	vld [tilespmem:$0x1F500]  }
0x1c1: {  	[tilespmem:$0x1FDD0] =	vst v4;
	v4 =	vadd.f32 v38, v6;
	v38 =	vld [tilespmem:$0x1F3D0]  }
0x1c2: {  	v2 =	vadd.f32 v40, v2;
	v40 =	vld [tilespmem:$0x1F3F0]  }
0x1c3: {  	v6 =	vadd.f32 v57, v56;
	v56 =	vld [tilespmem:$0x1F4B0]  }
0x1c4: {  	v57 =	vld [tilespmem:$0x1F4C0]  }
0x1c5: {  	v5 =	vadd.f32 v59, v5;
	v59 =	vld [tilespmem:$0x1F4D0]  }
0x1c6: {  	[tilespmem:$0x1FD20] =	vst v33;
	v33 =	vld [tilespmem:$0x1F550]  }
0x1c7: {  	[tilespmem:$0x1FDF0] =	vst v2;
	v2 =	vadd.f32 v42, v41;
	v42 =	vld [tilespmem:$0x1AE0]  }
0x1c8: {  	v41 =	vld [tilespmem:$0x1F400]  }
0x1c9: {  	v4 =	vadd.f32 v44, v4;
	v44 =	vld [tilespmem:$0x1F420]  }
0x1ca: {  	v0 =	vadd.f32 v0, v1;
	v6 =	vadd.f32 v12, v6;
	v12 =	vld [tilespmem:$0x1F4E0]  }
0x1cb: {  	v5 =	vadd.f32 v15, v5;
	v15 =	vld [tilespmem:$0x1F4F0]  }
0x1cc: {  	v0 =	vadd.f32 v3, v0;
	v3 =	vadd.f32 v28, v34;
	v34 =	vld [tilespmem:$0x1FBD0]  }
0x1cd: {  	v28 =	vld [tilespmem:$0x2200]  }
0x1ce: {  	[tilespmem:$0x1FE10] =	vst v4;
	v4 =	vadd.f32 v47, v45;
	v45 =	vld [tilespmem:$0x1F430]  }
0x1cf: {  	v47 =	vld [tilespmem:$0x1F440]  }
0x1d0: {  	v2 =	vadd.f32 v49, v2;
	v49 =	vld [tilespmem:$0x1F460]  }
0x1d1: {  	v6 =	vadd.f32 v22, v6;
	v22 =	vld [tilespmem:$0x1F520]  }
0x1d2: {  	v5 =	vadd.f32 v26, v5;
	v26 =	vld [tilespmem:$0x1F530]  }
0x1d3: {  	v6 =	vadd.f32 v31, v6;
	v31 =	vld [tilespmem:$0x1AF0]  }
0x1d4: {  	v4 =	vadd.f32 v55, v4;
	v55 =	vld [tilespmem:$0x1F4A0]  }
0x1d5: {  	v2 =	vadd.f32 v58, v2;
	v58 =	vld [tilespmem:$0x1CF0]  }
0x1d6: {  	v3 =	vadd.f32 v42, v3;
	v42 =	vld [tilespmem:$0x1FC50]  }
0x1d7: {  	v4 =	vadd.f32 v61, v4;
	v61 =	vld [tilespmem:$0x1C70]  }
0x1d8: {  	v2 =	vadd.f32 v13, v2;
	v13 =	vld [tilespmem:$0x1D00]  }
0x1d9: {  	v4 =	vadd.f32 v17, v4;
	v17 =	vld [tilespmem:$0x1F510]  }
0x1da: {  	v2 =	vadd.f32 v25, v2;
	v25 =	vld [tilespmem:$0x1E00]  }
0x1db: {  	[tilespmem:$0x1FD50] =	vst v58;
	v58 =	vld [tilespmem:$0x1F610]  }
0x1dc: {  	v2 =	vadd.f32 v35, v2;
	v35 =	vld [tilespmem:$0x19F0]  }
0x1dd: {  	v4 =	vadd.f32 v30, v4;
	v30 =	vld [tilespmem:$0x1E80]  }
0x1de: {  	[tilespmem:$0x1FD30] =	vst v13;
	v13 =	vld [tilespmem:$0x1F640]  }
0x1df: {  	[tilespmem:$0x1FE30] =	vst v2;
	v2 =	vadd.f32 v36, v5;
	v36 =	vld [tilespmem:$0x1F560]  }
0x1e0: {  	v4 =	vadd.f32 v38, v4;
	v38 =	vld [tilespmem:$0x1F00]  }
0x1e1: {  	v5 =	vadd.f32 v51, v49;
	v49 =	vld [tilespmem:$0x1F5B0]  }
0x1e2: {  	v51 =	vld [tilespmem:$0x1F5C0]  }
0x1e3: {  	[tilespmem:$0x1FD70] =	vst v25;
	v25 =	vld [tilespmem:$0x1F680]  }
0x1e4: {  	v2 =	vadd.f32 v40, v2;
	v40 =	vld [tilespmem:$0x1B70]  }
0x1e5: {  	[tilespmem:$0x1FE50] =	vst v4;
	v4 =	vadd.f32 v39, v6;
	v39 =	vld [tilespmem:$0x1F570]  }
0x1e6: {  	v6 =	vadd.f32 v55, v54;
	v54 =	vld [tilespmem:$0x1F5E0]  }
0x1e7: {  	v55 =	vld [tilespmem:$0x1F5F0]  }
0x1e8: {  	v5 =	vadd.f32 v57, v5;
	v57 =	vld [tilespmem:$0x1F600]  }
0x1e9: {  	[tilespmem:$0x1FDA0] =	vst v30;
	v30 =	vld [tilespmem:$0x1F6A0]  }
0x1ea: {  	v24 =	vadd.f32 v24, v35;
	v35 =	vld [tilespmem:$0x1FBE0]  }
0x1eb: {  	[tilespmem:$0x1FE80] =	vst v2;
	v2 =	vadd.f32 v43, v41;
	v43 =	vld [tilespmem:$0x1BF0]  }
0x1ec: {  	v41 =	vld [tilespmem:$0x1F580]  }
0x1ed: {  	v4 =	vadd.f32 v44, v4;
	v44 =	vld [tilespmem:$0x1F80]  }
0x1ee: {  	v6 =	vadd.f32 v12, v6;
	v12 =	vld [tilespmem:$0x1F630]  }
0x1ef: {  	v5 =	vadd.f32 v16, v5;
	v16 =	vld [tilespmem:$0x1F660]  }
0x1f0: {  	[tilespmem:$0x1FDE0] =	vst v38;
	v38 =	vld [tilespmem:$0x1F6B0]  }
0x1f1: {  	[tilespmem:$0x1FEA0] =	vst v4;
	v4 =	vadd.f32 v47, v45;
	v45 =	vld [tilespmem:$0x1F590]  }
0x1f2: {  	v47 =	vld [tilespmem:$0x1F5A0]  }
0x1f3: {  	v2 =	vadd.f32 v48, v2;
	v48 =	vld [tilespmem:$0x2000]  }
0x1f4: {  	v6 =	vadd.f32 v22, v6;
	v22 =	vld [tilespmem:$0x1F670]  }
0x1f5: {  	v5 =	vadd.f32 v29, v5;
	v29 =	vld [tilespmem:$0x1F690]  }
0x1f6: {  	v2 =	vadd.f32 v56, v2;
	v56 =	vld [tilespmem:$0x1D80]  }
0x1f7: {  	v4 =	vadd.f32 v52, v4;
	v52 =	vld [tilespmem:$0x1F5D0]  }
0x1f8: {  	v6 =	vadd.f32 v36, v6;
	v36 =	vld [tilespmem:$0x1F90]  }
0x1f9: {  	[tilespmem:$0x1FE20] =	vst v44;
	v44 =	vld [tilespmem:$0x1F6D0]  }
0x1fa: {  	v4 =	vadd.f32 v59, v4;
	v59 =	vld [tilespmem:$0x1F620]  }
0x1fb: {  	v2 =	vadd.f32 v15, v2;
	v15 =	vld [tilespmem:$0x1F650]  }
0x1fc: {  	[tilespmem:$0x1FE60] =	vst v48;
	v48 =	vld [tilespmem:$0x1F700]  }
0x1fd: {  	v4 =	vadd.f32 v17, v4;
	v17 =	vld [tilespmem:$0x1E90]  }
0x1fe: {  	v2 =	vadd.f32 v26, v2;
	v26 =	vld [tilespmem:$0x1F10]  }
0x1ff: {  	[tilespmem:$0x1FE40] =	vst v36;
	v36 =	vld [tilespmem:$0x2020]  }
0x200: {  	v4 =	vadd.f32 v33, v4;
	v2 =	vadd.f32 v39, v2;
	v33 =	vld [tilespmem:$0x1D90]  }
0x201: {  	v39 =	vld [tilespmem:$0x1F6C0]  }
0x202: {  	[tilespmem:$0x1FEC0] =	vst v2;
	v2 =	vadd.f32 v41, v5;
	v41 =	vld [tilespmem:$0x2010]  }
0x203: {  	v4 =	vadd.f32 v45, v4;
	v45 =	vld [tilespmem:$0x1F6E0]  }
0x204: {  	v5 =	vadd.f32 v12, v59;
	v59 =	vld [tilespmem:$0x1F760]  }
0x205: {  	v12 =	vld [tilespmem:$0x1F770]  }
0x206: {  	[tilespmem:$0x1FDC0] =	vst v17;
	v17 =	vld [tilespmem:$0x1FA0]  }
0x207: {  	[tilespmem:$0x1FE00] =	vst v26;
	v26 =	vld [tilespmem:$0x1F7B0]  }
0x208: {  	v5 =	vadd.f32 v25, v5;
	v25 =	vld [tilespmem:$0x1D20]  }
0x209: {  	[tilespmem:$0x1FED0] =	vst v4;
	v4 =	vadd.f32 v47, v6;
	v47 =	vld [tilespmem:$0x1F6F0]  }
0x20a: {  	v6 =	vadd.f32 v16, v15;
	v16 =	vld [tilespmem:$0x1DA0]  }
0x20b: {  	v2 =	vadd.f32 v49, v2;
	v49 =	vld [tilespmem:$0x1F710]  }
0x20c: {  	v15 =	vld [tilespmem:$0x1F790]  }
0x20d: {  	[tilespmem:$0x1FEB0] =	vst v36;
	v36 =	vld [tilespmem:$0x1F8B0]  }
0x20e: {  	[tilespmem:$0x1FEE0] =	vst v2;
	v2 =	vadd.f32 v52, v51;
	v51 =	vld [tilespmem:$0x1D10]  }
0x20f: {  	v52 =	vld [tilespmem:$0x1F720]  }
0x210: {  	v6 =	vadd.f32 v30, v6;
	v30 =	vld [tilespmem:$0x1E20]  }
0x211: {  	v4 =	vadd.f32 v54, v4;
	v54 =	vld [tilespmem:$0x1F730]  }
0x212: {  	v5 =	vadd.f32 v39, v5;
	v39 =	vld [tilespmem:$0x1F7E0]  }
0x213: {  	[tilespmem:$0x1FE90] =	vst v41;
	v41 =	vld [tilespmem:$0x1F7F0]  }
0x214: {  	[tilespmem:$0x1FEF0] =	vst v4;
	v4 =	vadd.f32 v57, v55;
	v55 =	vld [tilespmem:$0x1F740]  }
0x215: {  	v2 =	vadd.f32 v58, v2;
	v58 =	vld [tilespmem:$0x1F750]  }
0x216: {  	v6 =	vadd.f32 v45, v6;
	v45 =	vld [tilespmem:$0x1F810]  }
0x217: {  	v5 =	vadd.f32 v48, v5;
	v48 =	vld [tilespmem:$0x1F820]  }
0x218: {  	v4 =	vadd.f32 v13, v4;
	v2 =	vadd.f32 v22, v2;
	v13 =	vld [tilespmem:$0x1F780]  }
0x219: {  	v22 =	vld [tilespmem:$0x1F7A0];
	v6 =	vadd.f32 v52, v6  }
0x21a: {  	v52 =	vld [tilespmem:$0x1F840];
	v4 =	vadd.f32 v29, v4;
	v2 =	vadd.f32 v38, v2  }
0x21b: {  	v29 =	vld [tilespmem:$0x1F7C0]  }
0x21c: {  	v38 =	vld [tilespmem:$0x1F7D0];
	v4 =	vadd.f32 v44, v4;
	v2 =	vadd.f32 v47, v2  }
0x21d: {  	v44 =	vld [tilespmem:$0x1F800]  }
0x21e: {  	v4 =	vadd.f32 v49, v4;
	v2 =	vadd.f32 v54, v2;
	v49 =	vld [tilespmem:$0x1F830]  }
0x21f: {  	v54 =	vld [tilespmem:$0x1F850]  }
0x220: {  	[tilespmem:$0x1FF00] =	vst v2;
	v2 =	vadd.f32 v55, v5;
	v4 =	vadd.f32 v58, v4;
	v55 =	vld [tilespmem:$0x1F860]  }
0x221: {  	v5 =	vadd.f32 v41, v39;
	v41 =	vld [tilespmem:$0x1F8D0]  }
0x222: {  	[tilespmem:$0x1FF10] =	vst v4;
	v4 =	vadd.f32 v59, v6;
	v2 =	vadd.f32 v12, v2;
	v59 =	vld [tilespmem:$0x1F870]  }
0x223: {  	v6 =	vadd.f32 v48, v45;
	v45 =	vld [tilespmem:$0x1F8F0]  }
0x224: {  	[tilespmem:$0x1FF30] =	vst v2;
	v2 =	vadd.f32 v15, v13;
	v4 =	vadd.f32 v22, v4;
	v15 =	vld [tilespmem:$0x1F880]  }
0x225: {  	v6 =	vadd.f32 v55, v6;
	v55 =	vld [tilespmem:$0x1F920]  }
0x226: {  	[tilespmem:$0x1FF40] =	vst v4;
	v4 =	vadd.f32 v29, v26;
	v26 =	vld [tilespmem:$0x1F890]  }
0x227: {  	v29 =	vld [tilespmem:$0x1F8A0]  }
0x228: {  	v2 =	vadd.f32 v38, v2;
	v38 =	vld [tilespmem:$0x1F8C0]  }
0x229: {  	v5 =	vadd.f32 v52, v5;
	v4 =	vadd.f32 v44, v4;
	v44 =	vld [tilespmem:$0x1F8E0]  }
0x22a: {  	v2 =	vadd.f32 v49, v2;
	v49 =	vld [tilespmem:$0x1F900]  }
0x22b: {  	v5 =	vadd.f32 v15, v5;
	v15 =	vld [tilespmem:$0x1F940]  }
0x22c: {  	v4 =	vadd.f32 v54, v4;
	v2 =	vadd.f32 v59, v2;
	v54 =	vld [tilespmem:$0x1F910]  }
0x22d: {  	v59 =	vld [tilespmem:$0x1F930];
	v6 =	vadd.f32 v29, v6  }
0x22e: {  	v29 =	vld [tilespmem:$0x1F960];
	v4 =	vadd.f32 v26, v4;
	v2 =	vadd.f32 v36, v2  }
0x22f: {  	v5 =	vadd.f32 v38, v5;
	v38 =	vld [tilespmem:$0x1F980]  }
0x230: {  	v4 =	vadd.f32 v41, v4;
	v2 =	vadd.f32 v45, v2;
	v45 =	vld [tilespmem:$0x1F40]  }
0x231: {  	v26 =	vld [tilespmem:$0x1F950];
	v6 =	vadd.f32 v44, v6  }
0x232: {  	v36 =	vld [tilespmem:$0x1F970];
	[tilespmem:$0x1FF60] =	vst v2;
	v2 =	vadd.f32 v49, v5;
	v4 =	vadd.f32 v54, v4  }
0x233: {  	v54 =	vld [tilespmem:$0x1F990]  }
0x234: {  	[tilespmem:$0x1FF70] =	vst v4;
	v4 =	vadd.f32 v55, v6;
	v2 =	vadd.f32 v59, v2;
	v55 =	vld [tilespmem:$0x1F9A0]  }
0x235: {  	[tilespmem:$0x1FF20] =	vst v45;
	v45 =	vld [tilespmem:$0x2040]  }
0x236: {  	[tilespmem:$0x1FF90] =	vst v2;
	v2 =	vadd.f32 v26, v15;
	v15 =	vld [tilespmem:$0x1F9B0]  }
0x237: {  	v4 =	vadd.f32 v29, v4;
	v26 =	vld [tilespmem:$0x1FC0]  }
0x238: {  	v29 =	vld [tilespmem:$0x1F9C0]  }
0x239: {  	[tilespmem:$0x1FFB0] =	vst v4;
	v4 =	vadd.f32 v38, v36;
	v36 =	vld [tilespmem:$0x1F9D0]  }
0x23a: {  	v38 =	vld [tilespmem:$0x1F9E0]  }
0x23b: {  	v2 =	vadd.f32 v54, v2;
	v54 =	vld [tilespmem:$0x1F9F0]  }
0x23c: {  	v5 =	vadd.f32 v15, v55;
	v55 =	vld [tilespmem:$0x1FA00]  }
0x23d: {  	v15 =	vld [tilespmem:$0x1FA10]  }
0x23e: {  	[tilespmem:$0x1FF50] =	vst v26;
	v26 =	vld [tilespmem:$0x1FA20]  }
0x23f: {  	v6 =	vadd.f32 v38, v36;
	v36 =	vld [tilespmem:$0x1FA30]  }
0x240: {  	v38 =	vld [tilespmem:$0x1FA40]  }
0x241: {  	v2 =	vadd.f32 v54, v2;
	v54 =	vld [tilespmem:$0x1FA60]  }
0x242: {  	[tilespmem:$0x1FF80] =	vst v45;
	v45 =	vld [tilespmem:$0x1FA50];
	v4 =	vadd.f32 v29, v4  }
0x243: {  	v5 =	vadd.f32 v55, v5;
	v55 =	vld [tilespmem:$0x1FA70]  }
0x244: {  	v4 =	vadd.f32 v15, v4;
	v6 =	vadd.f32 v26, v6;
	v15 =	vld [tilespmem:$0x1FA80]  }
0x245: {  	v57 =	vld [tilespmem:$0x1E10];
	v5 =	vadd.f32 v38, v5  }
0x246: {  	[tilespmem:$0x1FE70] =	vst v17;
	v17 =	vld [tilespmem:$0x1E30];
	v2 =	vadd.f32 v36, v2;
	v6 =	vadd.f32 v54, v6  }
0x247: {  	v4 =	vadd.f32 v45, v4;
	v5 =	vadd.f32 v20, v5;
	v20 =	vld [tilespmem:$0x1FA90]  }
0x248: {  	v47 =	vld [tilespmem:$0x1EA0];
	v6 =	vadd.f32 v32, v6  }
0x249: {  	v2 =	vadd.f32 v55, v2;
	v4 =	vadd.f32 v15, v4;
	v55 =	vld [tilespmem:$0x2050]  }
0x24a: {  	v15 =	vld [tilespmem:$0x1FAA0];
	v32 =	vadd.f32 v19, v5  }
0x24b: {  	v19 =	vld [tilespmem:$0x1FAB0];
	v4 =	vadd.f32 v10, v4;
	v10 =	vadd.f32 v18, v6  }
0x24c: {  	v58 =	vld [tilespmem:$0x1F20];
	v2 =	vadd.f32 v20, v2  }
0x24d: {  	[tilespmem:$0x1FFD0] =	vst v4;
	v4 =	vadd.f32 v27, v10;
	v27 =	vld [tilespmem:$0x1FAD0]  }
0x24e: {  	v12 =	vld [tilespmem:$0x1DB0];
	[tilespmem:$0x1FFC0] =	vst v2;
	v2 =	vadd.f32 v9, v32  }
0x24f: {  	v20 =	vld [tilespmem:$0x1FAC0];
	[tilespmem:$0x1FFA0] =	vst v55  }
0x250: {  	v55 =	vld [tilespmem:$0x1FAF0];
	[tilespmem:$0x1FFE0] =	vst v2;
	v2 =	vadd.f32 v19, v15  }
0x251: {  	v9 =	vld [tilespmem:$0x1FB00]  }
0x252: {  	v32 =	vld [tilespmem:$0x1FAE0];
	v2 =	vadd.f32 v27, v2  }
0x253: {  	v19 =	vld [tilespmem:$0x1FB20]  }
0x254: {  	v10 =	vld [tilespmem:$0x1FB10];
	[tilespmem:$0x1FFF0] =	vst v4;
	v4 =	vadd.f32 v20, v23;
	v2 =	vadd.f32 v63, v2  }
0x255: {  	v13 =	vld [tilespmem:$0x1D30]  }
0x256: {  	v4 =	vadd.f32 v9, v4;
	v27 =	vadd.f32 v37, v2;
	v37 =	vld [tilespmem:$0x1FB30]  }
0x257: {  	v39 =	vld [tilespmem:$0x1F30];
	v5 =	vadd.f32 v55, v32  }
0x258: {  	v6 =	vadd.f32 v19, v4;
	v4 =	vld [tilespmem:$0x1FB40]  }
0x259: {  	v48 =	vld [tilespmem:$0x1FB0];
	v5 =	vadd.f32 v10, v5  }
0x25a: {  	v52 =	vld [tilespmem:$0x2030];
	v12 =	vadd.f32 v12, v13  }
0x25b: {  	v22 =	vld [tilespmem:$0x1EB0];
	v6 =	vadd.f32 v11, v6;
	v5 =	vadd.f32 v37, v5  }
0x25c: {  	v12 =	vadd.f32 v17, v12;
	v17 =	vld [tilespmem:$0x1FDE0];
	v55 =	vadd.f32 v14, v27  }
0x25d: {  	v63 =	vadd.f32 v53, v5;
	v5 =	vadd.f32 v4, v6;
	v6 =	vld [tilespmem:$0x1FB50]  }
0x25e: {  	v44 =	vld [tilespmem:$0x1D40]  }
0x25f: {  	v53 =	vadd.f32 v21, v55;
	v21 =	vld [tilespmem:$0x1FB60]  }
0x260: {  	v27 =	vld [tilespmem:$0x1FB70]  }
0x261: {  	v4 =	vld [tilespmem:$0x1FBA0]  }
0x262: {  	v1 =	vadd.f32 v6, v63;
	v63 =	vld [tilespmem:$0x1FB90]  }
0x263: {  	v37 =	vld [tilespmem:$0x1FB80]  }
0x264: {  	v55 =	vadd.f32 v21, v5;
	v5 =	vld [tilespmem:$0x1FBB0]  }
0x265: {  	v0 =	vadd.f32 v8, v0;
	v6 =	vld [tilespmem:$0x1FBC0]  }
0x266: {  	v12 =	vadd.f32 v22, v12;
	v22 =	vld [tilespmem:$0x1FE10]  }
0x267: {  	v63 =	vadd.f32 v63, v0;
	v0 =	vadd.f32 v62, v4;
	v4 =	vld [tilespmem:$0x1FBF0]  }
0x268: {  	v41 =	vld [tilespmem:$0x1DC0];
	v60 =	vadd.f32 v60, v1;
	v1 =	vadd.f32 v37, v27  }
0x269: {  	v0 =	vadd.f32 v34, v0;
	v34 =	vadd.f32 v31, v24;
	v31 =	vld [tilespmem:$0x1FC30]  }
0x26a: {  	v49 =	vld [tilespmem:$0x1E40];
	v1 =	vadd.f32 v5, v1;
	v8 =	vmul.f32 $8.838834610e-02, v6  }
0x26b: {  	v5 =	vld [tilespmem:$0x1FC00]  }
0x26c: {  	[tilespmem:$0x2820] =	vst v8;
	v8 =	vld [tilespmem:$0x1FC10];
	v1 =	vadd.f32 v4, v1  }
0x26d: {  	v59 =	vld [tilespmem:$0x1EC0]  }
0x26e: {  	v37 =	vmul.f32 $8.838834610e-02, v35;
	v1 =	vadd.f32 v31, v1;
	v31 =	vld [tilespmem:$0x1FC60]  }
0x26f: {  	v29 =	vld [tilespmem:$0x1D50]  }
0x270: {  	[tilespmem:$0x2830] =	vst v37;
	v37 =	vld [tilespmem:$0x1FC40];
	v6 =	vmul.f32 $8.838834610e-02, v5  }
0x271: {  	v26 =	vld [tilespmem:$0x1DD0];
	v2 =	vadd.f32 v8, v0  }
0x272: {  	[tilespmem:$0x2840] =	vst v6;
	v6 =	vld [tilespmem:$0x1FC90]  }
0x273: {  	v4 =	vadd.f32 v31, v2;
	v2 =	vadd.f32 v40, v34;
	v40 =	vld [tilespmem:$0x1FC70]  }
0x274: {  	v36 =	vld [tilespmem:$0x1E50]  }
0x275: {  	v38 =	vld [tilespmem:$0x1ED0];
	v3 =	vadd.f32 v37, v3  }
0x276: {  	v45 =	vld [tilespmem:$0x1F50]  }
0x277: {  	v8 =	vmul.f32 $8.838834610e-02, v42;
	v42 =	vadd.f32 v6, v3;
	v6 =	vld [tilespmem:$0x1FCC0]  }
0x278: {  	v31 =	vmul.f32 $8.838834610e-02, v40;
	v40 =	vld [tilespmem:$0x1FCB0]  }
0x279: {  	v24 =	vld [tilespmem:$0x1FC20]  }
0x27a: {  	v54 =	vld [tilespmem:$0x1FD0]  }
0x27b: {  	[tilespmem:$0x2860] =	vst v8;
	v8 =	vld [tilespmem:$0x1FCA0]  }
0x27c: {  	v18 =	vld [tilespmem:$0x1D60]  }
0x27d: {  	v4 =	vadd.f32 v40, v4;
	v40 =	vmul.f32 $8.838834610e-02, v6;
	v6 =	vld [tilespmem:$0x1FCE0]  }
0x27e: {  	v15 =	vld [tilespmem:$0x1DE0];
	v0 =	vmul.f32 $8.838834610e-02, v24  }
0x27f: {  	v20 =	vld [tilespmem:$0x1E60]  }
0x280: {  	v23 =	vld [tilespmem:$0x1EE0];
	[tilespmem:$0x2850] =	vst v0;
	v0 =	vmul.f32 $8.838834610e-02, v8  }
0x281: {  	v10 =	vld [tilespmem:$0x1D70]  }
0x282: {  	[tilespmem:$0x2880] =	vst v0;
	v0 =	vadd.f32 v6, v42;
	v6 =	vld [tilespmem:$0x1FCF0]  }
0x283: {  	v11 =	vld [tilespmem:$0x1E70]  }
0x284: {  	v32 =	vld [tilespmem:$0x1F60]  }
0x285: {  	v14 =	vld [tilespmem:$0x1EF0]  }
0x286: {  	v9 =	vld [tilespmem:$0x1F70];
	v7 =	vadd.f32 v7, v10  }
0x287: {  	v19 =	vld [tilespmem:$0x2100];
	v42 =	vmul.f32 $8.838834610e-02, v6  }
0x288: {  	v7 =	vadd.f32 v11, v7;
	v11 =	vld [tilespmem:$0x20C0]  }
0x289: {  	[tilespmem:$0x28A0] =	vst v42;
	v42 =	vld [tilespmem:$0x1FD20]  }
0x28a: {  	v7 =	vadd.f32 v14, v7;
	v14 =	vld [tilespmem:$0x1FF40]  }
0x28b: {  	[tilespmem:$0x2890] =	vst v40;
	v40 =	vld [tilespmem:$0x1FD00]  }
0x28c: {  	v5 =	vld [tilespmem:$0x1FC80]  }
0x28d: {  	[tilespmem:$0x2870] =	vst v31;
	v31 =	vld [tilespmem:$0x1FCD0]  }
0x28e: {  	v43 =	vadd.f32 v43, v2;
	v42 =	vadd.f32 v42, v0;
	v0 =	vld [tilespmem:$0x1FD30]  }
0x28f: {  	v7 =	vadd.f32 v9, v7;
	v9 =	vld [tilespmem:$0x22C0]  }
0x290: {  	v40 =	vadd.f32 v40, v4;
	v4 =	vadd.f32 v61, v43;
	v61 =	vld [tilespmem:$0x1FD10]  }
0x291: {  	v21 =	vld [tilespmem:$0x1FF0];
	v1 =	vadd.f32 v5, v1  }
0x292: {  	v27 =	vld [tilespmem:$0x2070]  }
0x293: {  	v31 =	vadd.f32 v31, v1;
	v1 =	vadd.f32 v56, v0;
	v56 =	vld [tilespmem:$0x1FD40]  }
0x294: {  	v62 =	vld [tilespmem:$0x2080]  }
0x295: {  	v35 =	vld [tilespmem:$0x2180];
	v43 =	vmul.f32 $8.838834610e-02, v61  }
0x296: {  	v7 =	vadd.f32 v21, v7;
	v21 =	vld [tilespmem:$0x23C0]  }
0x297: {  	[tilespmem:$0x28B0] =	vst v43;
	v43 =	vld [tilespmem:$0x1FD50]  }
0x298: {  	v37 =	vld [tilespmem:$0x2300];
	v0 =	vmul.f32 $8.838834610e-02, v56  }
0x299: {  	v19 =	vadd.f32 v19, v62;
	v24 =	vld [tilespmem:$0x2280]  }
0x29a: {  	[tilespmem:$0x28C0] =	vst v0;
	v0 =	vld [tilespmem:$0x1FD70]  }
0x29b: {  	v62 =	vadd.f32 v35, v19;
	v35 =	vld [tilespmem:$0x1FFE0]  }
0x29c: {  	v43 =	vadd.f32 v43, v4;
	v4 =	vadd.f32 v33, v51;
	v51 =	vld [tilespmem:$0x1FD60]  }
0x29d: {  	v5 =	vld [tilespmem:$0x2110]  }
0x29e: {  	v8 =	vld [tilespmem:$0x2090]  }
0x29f: {  	v0 =	vadd.f32 v0, v1;
	v1 =	vadd.f32 v16, v25;
	v25 =	vld [tilespmem:$0x1FD80]  }
0x2a0: {  	v34 =	vld [tilespmem:$0x2380]  }
0x2a1: {  	v3 =	vld [tilespmem:$0x22A0];
	v51 =	vmul.f32 $8.838834610e-02, v51  }
0x2a2: {  	v2 =	vld [tilespmem:$0x21A0]  }
0x2a3: {  	[tilespmem:$0x28D0] =	vst v51;
	v51 =	vld [tilespmem:$0x1FD90]  }
0x2a4: {  	v5 =	vadd.f32 v5, v8;
	v8 =	vld [tilespmem:$0x2150];
	v25 =	vmul.f32 $8.838834610e-02, v25  }
0x2a5: {  	v6 =	vld [tilespmem:$0x2190]  }
0x2a6: {  	[tilespmem:$0x28E0] =	vst v25;
	v25 =	vld [tilespmem:$0x1FDB0]  }
0x2a7: {  	v61 =	vld [tilespmem:$0x2210]  }
0x2a8: {  	v33 =	vld [tilespmem:$0x2310];
	v13 =	vmul.f32 $8.838834610e-02, v51  }
0x2a9: {  	v56 =	vld [tilespmem:$0x2290]  }
0x2aa: {  	[tilespmem:$0x28F0] =	vst v13;
	v13 =	vld [tilespmem:$0x1FDD0]  }
0x2ab: {  	v5 =	vadd.f32 v6, v5;
	v4 =	vadd.f32 v57, v4;
	v57 =	vld [tilespmem:$0x1FDA0];
	v25 =	vmul.f32 $8.838834610e-02, v25  }
0x2ac: {  	v1 =	vadd.f32 v30, v1;
	v30 =	vld [tilespmem:$0x1FDC0]  }
0x2ad: {  	v5 =	vadd.f32 v61, v5;
	[tilespmem:$0x2900] =	vst v25;
	v25 =	vld [tilespmem:$0x1FDF0]  }
0x2ae: {  	v51 =	vld [tilespmem:$0x20A0]  }
0x2af: {  	v5 =	vadd.f32 v56, v5;
	v56 =	vld [tilespmem:$0x20E0];
	v13 =	vmul.f32 $8.838834610e-02, v13;
	v1 =	vadd.f32 v47, v1  }
0x2b0: {  	v16 =	vld [tilespmem:$0x2390]  }
0x2b1: {  	[tilespmem:$0x2910] =	vst v13;
	v13 =	vld [tilespmem:$0x1FE00];
	v1 =	vadd.f32 v58, v1  }
0x2b2: {  	v58 =	vld [tilespmem:$0x1FE30];
	v4 =	vadd.f32 v30, v4;
	v30 =	vmul.f32 $8.838834610e-02, v25;
	v25 =	vmul.f32 $8.838834610e-02, v22  }
0x2b3: {  	v22 =	vld [tilespmem:$0x1FE40]  }
0x2b4: {  	[tilespmem:$0x2930] =	vst v25;
	v25 =	vld [tilespmem:$0x1FE50]  }
0x2b5: {  	v0 =	vadd.f32 v57, v0;
	v57 =	vld [tilespmem:$0x2120]  }
0x2b6: {  	v4 =	vadd.f32 v13, v4;
	[tilespmem:$0x2920] =	vst v30;
	v30 =	vld [tilespmem:$0x1FE20]  }
0x2b7: {  	v0 =	vadd.f32 v17, v0;
	v17 =	vmul.f32 $8.838834610e-02, v58;
	v58 =	vld [tilespmem:$0x1FE70]  }
0x2b8: {  	v4 =	vadd.f32 v22, v4;
	v22 =	vadd.f32 v39, v12;
	v39 =	vld [tilespmem:$0x1FE60]  }
0x2b9: {  	v47 =	vld [tilespmem:$0x2220];
	v25 =	vmul.f32 $8.838834610e-02, v25  }
0x2ba: {  	[tilespmem:$0x2940] =	vst v17;
	v17 =	vld [tilespmem:$0x1FE80]  }
0x2bb: {  	v0 =	vadd.f32 v30, v0;
	[tilespmem:$0x2950] =	vst v25;
	v25 =	vld [tilespmem:$0x1FE90]  }
0x2bc: {  	v12 =	vld [tilespmem:$0x23A0]  }
0x2bd: {  	v13 =	vadd.f32 v39, v0;
	v0 =	vadd.f32 v58, v1;
	v58 =	vld [tilespmem:$0x1FEA0]  }
0x2be: {  	v30 =	vld [tilespmem:$0x2320]  }
0x2bf: {  	v39 =	vld [tilespmem:$0x20B0]  }
0x2c0: {  	v1 =	vmul.f32 $8.838834610e-02, v17;
	v17 =	vadd.f32 v25, v4;
	v4 =	vadd.f32 v48, v22;
	v48 =	vld [tilespmem:$0x2130]  }
0x2c1: {  	v22 =	vld [tilespmem:$0x1FEB0]  }
0x2c2: {  	v25 =	vmul.f32 $8.838834610e-02, v58;
	v58 =	vadd.f32 v41, v44;
	v41 =	vld [tilespmem:$0x1FEC0]  }
0x2c3: {  	v44 =	vadd.f32 v26, v29;
	v29 =	vld [tilespmem:$0x2230]  }
0x2c4: {  	[tilespmem:$0x2970] =	vst v25;
	v25 =	vadd.f32 v52, v4;
	v52 =	vld [tilespmem:$0x1FED0]  }
0x2c5: {  	v4 =	vadd.f32 v36, v44;
	v44 =	vld [tilespmem:$0x1FEF0]  }
0x2c6: {  	v36 =	vld [tilespmem:$0x1FF50];
	v22 =	vadd.f32 v22, v0  }
0x2c7: {  	v0 =	vadd.f32 v49, v58;
	v58 =	vadd.f32 v15, v18;
	v18 =	vld [tilespmem:$0x1FEE0]  }
0x2c8: {  	v49 =	vld [tilespmem:$0x1FF00]  }
0x2c9: {  	v4 =	vadd.f32 v38, v4;
	v38 =	vld [tilespmem:$0x1FF60]  }
0x2ca: {  	[tilespmem:$0x2960] =	vst v1;
	v1 =	vmul.f32 $8.838834610e-02, v41;
	v41 =	vld [tilespmem:$0x21B0]  }
0x2cb: {  	v0 =	vadd.f32 v59, v0;
	v59 =	vld [tilespmem:$0x1FF30]  }
0x2cc: {  	v4 =	vadd.f32 v45, v4;
	v45 =	vld [tilespmem:$0x1FF80]  }
0x2cd: {  	[tilespmem:$0x2980] =	vst v1;
	v1 =	vadd.f32 v20, v58;
	v20 =	vld [tilespmem:$0x23B0]  }
0x2ce: {  	v7 =	vadd.f32 v27, v7;
	v26 =	vmul.f32 $8.838834610e-02, v52;
	v52 =	vld [tilespmem:$0x1FF10]  }
0x2cf: {  	v58 =	vld [tilespmem:$0x1FF20]  }
0x2d0: {  	v7 =	vmul.f32 $8.838834610e-02, v7;
	v10 =	vmul.f32 $8.838834610e-02, v44;
	v44 =	vld [tilespmem:$0x1FF70]  }
0x2d1: {  	v4 =	vadd.f32 v54, v4;
	v54 =	vld [tilespmem:$0x1FFB0]  }
0x2d2: {  	[tilespmem:$0x2B70] =	vst v7;
	v19 =	vmul.f32 $8.838834610e-02, v35;
	v5 =	vadd.f32 v33, v5;
	v15 =	vmul.f32 $8.838834610e-02, v18;
	v18 =	vld [tilespmem:$0x22B0]  }
0x2d3: {  	v61 =	vmul.f32 $8.838834610e-02, v42;
	[tilespmem:$0x2990] =	vst v26;
	v26 =	vld [tilespmem:$0x2330];
	v1 =	vadd.f32 v23, v1  }
0x2d4: {  	[tilespmem:$0x2A60] =	vst v19;
	v5 =	vadd.f32 v16, v5;
	v23 =	vld [tilespmem:$0x2140]  }
0x2d5: {  	[tilespmem:$0x2AE0] =	vst v61;
	v1 =	vadd.f32 v32, v1;
	v32 =	vld [tilespmem:$0x2240]  }
0x2d6: {  	v5 =	vmul.f32 $8.838834610e-02, v5;
	[tilespmem:$0x29A0] =	vst v15;
	v15 =	vmul.f32 $8.838834610e-02, v49;
	v49 =	vld [tilespmem:$0x1FF90]  }
0x2d7: {  	[tilespmem:$0x29B0] =	vst v10;
	v10 =	vmul.f32 $8.838834610e-02, v52;
	v52 =	vld [tilespmem:$0x1FFA0]  }
0x2d8: {  	[tilespmem:$0x2B90] =	vst v5;
	v0 =	vadd.f32 v58, v0;
	v58 =	vld [tilespmem:$0x1FFC0]  }
0x2d9: {  	[tilespmem:$0x29C0] =	vst v15;
	v15 =	vmul.f32 $8.838834610e-02, v59;
	v59 =	vld [tilespmem:$0x1FFD0]  }
0x2da: {  	v1 =	vadd.f32 v50, v1;
	v50 =	vld [tilespmem:$0x2250];
	[tilespmem:$0x29D0] =	vst v10;
	v10 =	vmul.f32 $8.838834610e-02, v14  }
0x2db: {  	v33 =	vmul.f32 $8.838834610e-02, v13;
	v14 =	vld [tilespmem:$0x21C0];
	[tilespmem:$0x29E0] =	vst v15;
	v15 =	vmul.f32 $8.838834610e-02, v38  }
0x2dc: {  	v42 =	vmul.f32 $8.838834610e-02, v22;
	v0 =	vadd.f32 v36, v0;
	v36 =	vld [tilespmem:$0x2340];
	v11 =	vadd.f32 v23, v11;
	[tilespmem:$0x29F0] =	vst v10  }
0x2dd: {  	v1 =	vadd.f32 v46, v1;
	v38 =	vld [tilespmem:$0x20D0];
	v10 =	vmul.f32 $8.838834610e-02, v44;
	[tilespmem:$0x2A00] =	vst v15;
	v15 =	vmul.f32 $8.838834610e-02, v49  }
0x2de: {  	[tilespmem:$0x2B00] =	vst v33;
	v46 =	vld [tilespmem:$0x1FFF0];
	v44 =	vadd.f32 v57, v51;
	v51 =	vmul.f32 $8.838834610e-02, v53;
	v53 =	vmul.f32 $8.838834610e-02, v55  }
0x2df: {  	v0 =	vadd.f32 v45, v0;
	v45 =	vld [tilespmem:$0x21D0];
	v55 =	vmul.f32 $8.838834610e-02, v63;
	[tilespmem:$0x2A20] =	vst v15;
	v15 =	vmul.f32 $8.838834610e-02, v58  }
0x2e0: {  	v57 =	vmul.f32 $8.838834610e-02, v31;
	v63 =	vmul.f32 $8.838834610e-02, v43;
	v31 =	vld [tilespmem:$0x21E0];
	v4 =	vadd.f32 v52, v4;
	[tilespmem:$0x2A10] =	vst v10  }
0x2e1: {  	v43 =	vld [tilespmem:$0x2270];
	v10 =	vmul.f32 $8.838834610e-02, v54;
	v2 =	vadd.f32 v2, v44;
	[tilespmem:$0x2A40] =	vst v15;
	v15 =	vadd.f32 v28, v62  }
0x2e2: {  	[tilespmem:$0x2B20] =	vst v42;
	v49 =	vadd.f32 v48, v39;
	v52 =	vld [tilespmem:$0x22D0];
	v54 =	vmul.f32 $8.838834610e-02, v60;
	v11 =	vadd.f32 v14, v11  }
0x2e3: {  	v60 =	vld [tilespmem:$0x20F0];
	[tilespmem:$0x2A30] =	vst v10;
	v10 =	vmul.f32 $8.838834610e-02, v59;
	v2 =	vadd.f32 v47, v2;
	v15 =	vadd.f32 v24, v15  }
0x2e4: {  	[tilespmem:$0x2A80] =	vst v51;
	v58 =	vld [tilespmem:$0x2160];
	v8 =	vadd.f32 v8, v38;
	v11 =	vadd.f32 v32, v11  }
0x2e5: {  	v62 =	vld [tilespmem:$0x2170];
	[tilespmem:$0x2A50] =	vst v10;
	v10 =	vadd.f32 v41, v49;
	v15 =	vadd.f32 v37, v15  }
0x2e6: {  	v48 =	vld [tilespmem:$0x2360];
	[tilespmem:$0x2A90] =	vst v53;
	v2 =	vadd.f32 v3, v2;
	v8 =	vadd.f32 v45, v8  }
0x2e7: {  	v1 =	vmul.f32 $8.838834610e-02, v1;
	[tilespmem:$0x2AB0] =	vst v55;
	v49 =	vadd.f32 v9, v11;
	v15 =	vadd.f32 v34, v15;
	v34 =	vld [tilespmem:$0x21F0]  }
0x2e8: {  	[tilespmem:$0x2AC0] =	vst v57;
	v0 =	vmul.f32 $8.838834610e-02, v0;
	v41 =	vld [tilespmem:$0x2260];
	v10 =	vadd.f32 v29, v10;
	v2 =	vadd.f32 v30, v2  }
0x2e9: {  	[tilespmem:$0x2AF0] =	vst v63;
	v6 =	vmul.f32 $8.838834610e-02, v46;
	v46 =	vld [tilespmem:$0x22F0];
	v3 =	vadd.f32 v58, v56;
	v8 =	vadd.f32 v50, v8  }
0x2ea: {  	[tilespmem:$0x2B60] =	vst v1;
	v45 =	vld [tilespmem:$0x22E0];
	v10 =	vadd.f32 v18, v10;
	v18 =	vadd.f32 v62, v60  }
0x2eb: {  	v44 =	vmul.f32 $8.838834610e-02, v25;
	[tilespmem:$0x2B40] =	vst v0;
	v28 =	vld [tilespmem:$0x2350];
	v0 =	vadd.f32 v36, v49;
	v3 =	vadd.f32 v31, v3  }
0x2ec: {  	v4 =	vmul.f32 $8.838834610e-02, v4;
	[tilespmem:$0x2AA0] =	vst v54;
	v24 =	vld [tilespmem:$0x23D0];
	v2 =	vadd.f32 v12, v2;
	v47 =	vadd.f32 v34, v18  }
0x2ed: {  	[tilespmem:$0x2B30] =	vst v44;
	v50 =	vld [tilespmem:$0x2370];
	v51 =	vadd.f32 v52, v8;
	v3 =	vadd.f32 v41, v3  }
0x2ee: {  	v53 =	vld [tilespmem:$0x23E0];
	v59 =	vmul.f32 $8.838834610e-02, v40;
	[tilespmem:$0x2B50] =	vst v4;
	v0 =	vadd.f32 v21, v0;
	v52 =	vadd.f32 v43, v47  }
0x2ef: {  	v55 =	vld [tilespmem:$0x23F0];
	v40 =	vmul.f32 $8.838834610e-02, v17;
	[tilespmem:$0x2A70] =	vst v6;
	v10 =	vadd.f32 v26, v10;
	v3 =	vadd.f32 v45, v3  }
0x2f0: {  	[tilespmem:$0x2AD0] =	vst v59;
	v4 =	vadd.f32 v28, v51;
	v2 =	vmul.f32 $8.838834610e-02, v2;
	v56 =	vadd.f32 v46, v52  }
0x2f1: {  	[tilespmem:$0x2B10] =	vst v40;
	v54 =	vmul.f32 $8.838834610e-02, v15;
	v37 =	vadd.f32 v20, v10;
	v57 =	vadd.f32 v48, v3  }
0x2f2: {  	v0 =	vmul.f32 $8.838834610e-02, v0;
	v58 =	vadd.f32 v24, v4;
	[tilespmem:$0x2BA0] =	vst v2;
	v59 =	vadd.f32 v50, v56  }
0x2f3: {  	[tilespmem:$0x2B80] =	vst v54;
	v60 =	vmul.f32 $8.838834610e-02, v37;
	v1 =	vadd.f32 v53, v57  }
0x2f4: {  	[tilespmem:$0x2BC0] =	vst v0;
	v3 =	vmul.f32 $8.838834610e-02, v58;
	v61 =	vadd.f32 v55, v59  }
0x2f5: {  	[tilespmem:$0x2BB0] =	vst v60;
	v62 =	vmul.f32 $8.838834610e-02, v1  }
0x2f6: {  	[tilespmem:$0x2BD0] =	vst v3;
	v63 =	vmul.f32 $8.838834610e-02, v61  }
0x2f7: {  	p0 =	sne.s32 s7, $0x1;
	[tilespmem:$0x2BE0] =	vst v62  }
.Ltmp1:
0x2f8: {  	[tilespmem:$0x2BF0] =	vst v63;
	(pc) =	sbr.rel @p0 .LBB2_2-.Ltmp1, $4  }
0x2f9: {  	[hbm4b:s6+s3] =	stream.linear.scatter [tilespmem:s12], [sflag:$0x2], $0x400, $0x38;
	[tilespmem:$0x2C00] =	vst v63  }
0x2fa: {  	_ =	swait.ge [sflag:s8], $0x400  }
0x2fb: {  	[sflag:s8] =	ssyncset.done $0x0  }
0x2fc: {  	s7 =	sadd.s32 $0xFFFFFFFF, s7;
	[sflag:s8] =	ssyncadd.s32 $0xFFFFFC00  }
.LBB2_3:
0x2fd: {  	_ =	sfence.sel $0x180000  }
0x2fe: {  	[bflag:$0x0] =	sbarrier.arrive $0xFFFF  }
0x2ff: {  	p0 =	sne.s32 s2, $0x0;
	_ =	strace $0x90000047  }
0x300: {  	s0 =	sadd.s32 @!p0 $0x100000, s0;
	[bflag:$0x2] =	sbarrier.arrive $0xFFFF  }
0x301: {  	[sflag:s0] =	ssyncadd.tile.s32 @!p0 $0x1;
	_ =	shalt  }
.Lfunc_end2:
_tile_overlayer_lowered:
.L_overlay_start_2:
0x302: {  	(tag) =	ssettag $0x2  }
0x303: {  	s0 =	rddreg [dreg:$0x0];
	s2 =	stileid.u32  }
0x304: {  	s1 =	rddreg [dreg:$0x1];
	p0 =	sne.s32 s2, $0x0  }
0x305: {  	s3 =	rddreg [dreg:$0x2];
	[bflag:$0x3] =	sbarrier.arrive $0xFFFF;
	s2 =	simm.s32 @!p0 $0x1C02  }
0x306: {  	[timem:s3], [sflag:s2] =	dma.local @!p0 [hbm:s0], s1  }
0x307: {  	s0 =	simm.s32 @!p0 $0x2  }
0x308: {  	_ =	swait.ge @!p0 [sflag:s0], s1  }
0x309: {  	s1 =	ssub.s32 @!p0 $0x0, s1;
	[sflag:s0] =	ssyncset.done @!p0 $0x0  }
0x30a: {  	[sflag:s0] =	ssyncadd.s32 @!p0 s1  }
0x30b: {  	[bflag:$0x3] =	sbarrier.arrive $0xFFFF  }
0x30c: {  	_ =	shalt  }

</sc_bundles>
